<compile_context>
chip_gen: v7x
topology: tpu7x:2x2x1
jax: 0.10.2.dev20260603
libtpu: 0.0.44.dev20260713+nightly
codegen_flags: <defaults>
</compile_context>

<pallas_src>
import dataclasses
import functools

import jax
import jax.numpy as jnp
from jax import lax
from jax.experimental import pallas as pl
from jax.experimental.pallas import tpu as pltpu
from jax.experimental.pallas import tpu_sc as plsc

N = 10000
E = 320000
D = 128
NC = 2
NS = 16
NW = NC * NS
EPW = E // NW
K = 80
PAD = 240
EPWP = EPW + PAD
B = EPWP // K
BC = 32
FB = EPW // K
NP = 10240
RPT = NP // NS

def _deg_body(src_hbm, dst_hbm, outa_hbm, outb_hbm,
              src_v, dst_v, ha_v, hb_v, sem):
    c = lax.axis_index("core")
    s = lax.axis_index("subcore")
    w = c * NS + s

    zv = jnp.zeros((16,), jnp.float32)
    ones = jnp.full((16,), 1.0, jnp.float32)

    @pl.loop(0, N // 16)
    def _(i):
        ha_v[pl.ds(i * 16, 16)] = zv
        hb_v[pl.ds(i * 16, 16)] = zv

    pltpu.async_copy(src_hbm.at[w], src_v, sem).wait()
    pltpu.async_copy(dst_hbm.at[w], dst_v, sem).wait()

    @pl.loop(0, FB)
    def _(b):
        @pl.loop(0, K // 16)
        def _(q):
            iva = src_v[b, pl.ds(q * 16, 16)]
            plsc.addupdate_scatter(ha_v, [iva], ones)
            ivb = dst_v[b, pl.ds(q * 16, 16)]
            plsc.addupdate_scatter(hb_v, [ivb], ones)

    pltpu.async_copy(ha_v, outa_hbm.at[w], sem).wait()
    pltpu.async_copy(hb_v, outb_hbm.at[w], sem).wait()


def _agg_body(h_hbm, src_hbm, dst_hbm, out_hbm,
              src_v, dst_v, msg0_v, msg1_v, acc_sh, sem, sem0, sem1):
    c = lax.axis_index("core")
    s = lax.axis_index("subcore")
    w = c * NS + s

    zv = jnp.zeros((16,), jnp.float32)

    @pl.loop(0, K)
    def _(r):
        @pl.loop(0, D // 16)
        def _(q):
            msg0_v[r, pl.ds(q * 16, 16)] = zv

    @pl.loop(0, RPT // K)
    def _(j):
        pltpu.sync_copy(msg0_v, acc_sh.at[pl.ds(s * RPT + j * K, K)])

    plsc.subcore_barrier()

    @pl.loop(0, B // BC)
    def _(ci):
        pltpu.async_copy(src_hbm.at[w, pl.ds(ci * BC, BC)], src_v, sem).wait()
        pltpu.async_copy(dst_hbm.at[w, pl.ds(ci * BC, BC)], dst_v, sem).wait()
        pltpu.async_copy(h_hbm.at[src_v.at[0]], msg0_v, sem0)

        @pl.loop(0, BC // 2 - 1)
        def _(i):
            b0 = i * 2
            pltpu.async_copy(h_hbm.at[src_v.at[b0 + 1]], msg1_v, sem1)
            pltpu.make_async_copy(h_hbm.at[src_v.at[b0]], msg0_v, sem0).wait()
            pltpu.sync_copy(msg0_v, acc_sh.at[dst_v.at[b0]], add=True)
            pltpu.async_copy(h_hbm.at[src_v.at[b0 + 2]], msg0_v, sem0)
            pltpu.make_async_copy(h_hbm.at[src_v.at[b0 + 1]], msg1_v,
                                  sem1).wait()
            pltpu.sync_copy(msg1_v, acc_sh.at[dst_v.at[b0 + 1]], add=True)

        pltpu.async_copy(h_hbm.at[src_v.at[BC - 1]], msg1_v, sem1)
        pltpu.make_async_copy(h_hbm.at[src_v.at[BC - 2]], msg0_v, sem0).wait()
        pltpu.sync_copy(msg0_v, acc_sh.at[dst_v.at[BC - 2]], add=True)
        pltpu.make_async_copy(h_hbm.at[src_v.at[BC - 1]], msg1_v, sem1).wait()
        pltpu.sync_copy(msg1_v, acc_sh.at[dst_v.at[BC - 1]], add=True)

    plsc.subcore_barrier()

    @pl.loop(0, RPT // K)
    def _(j):
        pltpu.sync_copy(acc_sh.at[pl.ds(s * RPT + j * K, K)], msg0_v)
        pltpu.sync_copy(msg0_v, out_hbm.at[c, pl.ds(s * RPT + j * K, K)])


_sc_kernels = {}


def _get_sc_kernels():
    if not _sc_kernels:
        mesh = plsc.VectorSubcoreMesh(core_axis_name="core",
                                      subcore_axis_name="subcore",
                                      num_cores=NC, num_subcores=NS)
        cp = pltpu.CompilerParams()
        if "needs_layout_passes" in pltpu.CompilerParams.__dataclass_fields__:
            cp = dataclasses.replace(cp, needs_layout_passes=False)
        _sc_kernels["deg"] = pl.kernel(
            _deg_body,
            out_type=(jax.ShapeDtypeStruct((NW, N), jnp.float32),
                      jax.ShapeDtypeStruct((NW, N), jnp.float32)),
            mesh=mesh,
            compiler_params=cp,
            scratch_types=[
                pltpu.VMEM((B, K), jnp.int32),
                pltpu.VMEM((B, K), jnp.int32),
                pltpu.VMEM((N,), jnp.float32),
                pltpu.VMEM((N,), jnp.float32),
                pltpu.SemaphoreType.DMA,
            ],
        )
        _sc_kernels["agg"] = pl.kernel(
            _agg_body,
            out_type=jax.ShapeDtypeStruct((NC, NP, D), jnp.float32),
            mesh=mesh,
            scratch_types=[
                pltpu.VMEM((BC, K), jnp.int32),
                pltpu.VMEM((BC, K), jnp.int32),
                pltpu.VMEM((K, D), jnp.float32),
                pltpu.VMEM((K, D), jnp.float32),
                pltpu.VMEM_SHARED((NP, D), jnp.float32),
                pltpu.SemaphoreType.DMA,
                pltpu.SemaphoreType.DMA,
                pltpu.SemaphoreType.DMA,
            ],
        )
    return _sc_kernels


_RB = 1000


def _norms(dega_blk, degb_blk):
    do = jnp.sum(dega_blk, axis=1)[:, None]
    di = jnp.sum(degb_blk, axis=1)[:, None]
    ns = lax.rsqrt(jnp.maximum(do, 1.0))
    nd = lax.rsqrt(jnp.maximum(di, 1.0))
    return ns, nd


def _t_first_body(dega_ref, degb_ref, x_ref, w_ref, out_ref):
    ns, _ = _norms(dega_ref[...], degb_ref[...])
    out_ref[...] = jnp.dot(x_ref[...] * ns, w_ref[...],
                           preferred_element_type=jnp.float32)


def _t_first(dega, degb, x, w):
    return pl.pallas_call(
        _t_first_body,
        grid=(N // _RB,),
        in_specs=[
            pl.BlockSpec((_RB, NW), lambda i: (i, 0)),
            pl.BlockSpec((_RB, NW), lambda i: (i, 0)),
            pl.BlockSpec((_RB, D), lambda i: (i, 0)),
            pl.BlockSpec((D, D), lambda i: (0, 0)),
        ],
        out_specs=pl.BlockSpec((_RB, D), lambda i: (i, 0)),
        out_shape=jax.ShapeDtypeStruct((N, D), jnp.float32),
    )(dega, degb, x, w)


def _t_mid_body(dega_ref, degb_ref, p_ref, b_ref, w_ref, out_ref):
    ns, nd = _norms(dega_ref[...], degb_ref[...])
    agg = p_ref[0] + p_ref[1]
    x = jnp.maximum(agg * nd + b_ref[...], 0.0)
    out_ref[...] = jnp.dot(x * ns, w_ref[...],
                           preferred_element_type=jnp.float32)


def _t_mid(dega, degb, p, bias, w):
    return pl.pallas_call(
        _t_mid_body,
        grid=(N // _RB,),
        in_specs=[
            pl.BlockSpec((_RB, NW), lambda i: (i, 0)),
            pl.BlockSpec((_RB, NW), lambda i: (i, 0)),
            pl.BlockSpec((NC, _RB, D), lambda i: (0, i, 0)),
            pl.BlockSpec((1, D), lambda i: (0, 0)),
            pl.BlockSpec((D, D), lambda i: (0, 0)),
        ],
        out_specs=pl.BlockSpec((_RB, D), lambda i: (i, 0)),
        out_shape=jax.ShapeDtypeStruct((N, D), jnp.float32),
    )(dega, degb, p, bias, w)


def _t_final_body(dega_ref, degb_ref, p_ref, b_ref, wp1_ref, bp1_ref,
                  wp2_ref, bp2_ref, out_ref):
    _, nd = _norms(dega_ref[...], degb_ref[...])
    agg = p_ref[0] + p_ref[1]
    x = jnp.maximum(agg * nd + b_ref[...], 0.0)
    m = jnp.mean(x, axis=0, keepdims=True)
    hid = jnp.maximum(jnp.dot(m, wp1_ref[...],
                              preferred_element_type=jnp.float32)
                      + bp1_ref[...], 0.0)
    out_ref[...] = jnp.dot(hid, wp2_ref[...],
                           preferred_element_type=jnp.float32) + bp2_ref[...]


def _t_final(dega, degb, p, bias, wp1, bp1, wp2, bp2):
    n_class = wp2.shape[1]
    mid = wp1.shape[1]
    return pl.pallas_call(
        _t_final_body,
        grid=(1,),
        in_specs=[
            pl.BlockSpec((N, NW), lambda i: (0, 0)),
            pl.BlockSpec((N, NW), lambda i: (0, 0)),
            pl.BlockSpec((NC, N, D), lambda i: (0, 0, 0)),
            pl.BlockSpec((1, D), lambda i: (0, 0)),
            pl.BlockSpec((D, mid), lambda i: (0, 0)),
            pl.BlockSpec((1, mid), lambda i: (0, 0)),
            pl.BlockSpec((mid, n_class), lambda i: (0, 0)),
            pl.BlockSpec((1, n_class), lambda i: (0, 0)),
        ],
        out_specs=pl.BlockSpec((1, n_class), lambda i: (0, 0)),
        out_shape=jax.ShapeDtypeStruct((1, n_class), jnp.float32),
    )(dega, degb, p, bias, wp1, bp1, wp2, bp2)


def kernel(feat, edge_index, W1, b1, W2, b2, W3, b3, W4, b4, W5, b5, W6, b6,
           Wp1, bp1, Wp2, bp2):
    src_pad = jnp.broadcast_to(jnp.arange(PAD, dtype=jnp.int32), (NW, PAD))
    dst_pad = jnp.broadcast_to(N + jnp.arange(PAD, dtype=jnp.int32), (NW, PAD))
    src = jnp.concatenate([edge_index[0].reshape(NW, EPW), src_pad],
                          axis=1).reshape(NW, B, K)
    dst = jnp.concatenate([edge_index[1].reshape(NW, EPW), dst_pad],
                          axis=1).reshape(NW, B, K)
    sck = _get_sc_kernels()
    dega, degb = sck["deg"](src, dst)
    dega = dega.T
    degb = degb.T

    h = _t_first(dega, degb, feat, W1)
    mids = [(b1, W2), (b2, W3), (b3, W4), (b4, W5), (b5, W6)]
    for bias, w in mids:
        p = sck["agg"](h, src, dst)
        h = _t_mid(dega, degb, p, bias.reshape(1, D), w)
    p = sck["agg"](h, src, dst)

    return _t_final(dega, degb, p, b6.reshape(1, D), Wp1, bp1.reshape(1, -1),
                    Wp2, bp2.reshape(1, -1))

# --- scband reference (transcript-rebuilt; emitter-appended) ---
"""Pipeline reference for scband-pre-embedding-81535659148048 (READ-ONLY COPY).

The authoritative reference and input builder live on the scoring server;
editing this copy changes nothing except your own understanding.
"""

import jax, jax.numpy as jnp
import numpy as np

N = 10000
E = 320000
IN_DIM = 128
OUT_DIM = 128
N_CLASS = 40


def _lin_init(key, fan_in, shape):
    s = 1.0 / np.sqrt(fan_in)
    return jax.random.uniform(key, shape, dtype=jnp.float32, minval=-s, maxval=s)


def setup_inputs(seed: int = 0) -> dict:
    key = jax.random.key(seed)
    ks = jax.random.split(key, 24)
    feat = jax.random.normal(ks[0], (N, IN_DIM), dtype=jnp.float32)
    edge_index = jax.random.randint(ks[1], (2, E), 0, N, dtype=jnp.int32)
    inp = {"feat": feat, "edge_index": edge_index}
    # 6 GraphConv layers (graph_conv branch): W[in,out], b[out]
    dims = [(IN_DIM, OUT_DIM)] + [(OUT_DIM, OUT_DIM)] * 5
    for i, (di, do) in enumerate(dims, start=1):
        inp[f"W{i}"] = _lin_init(ks[2 * i], di, (di, do))
        inp[f"b{i}"] = jnp.zeros((do,), dtype=jnp.float32)
    # pred_lin: Linear(out_dim, out_dim//2) -> ReLU -> Linear(out_dim//2, n_class)
    mid = OUT_DIM // 2
    inp["Wp1"] = _lin_init(ks[20], OUT_DIM, (OUT_DIM, mid))
    inp["bp1"] = _lin_init(ks[21], OUT_DIM, (mid,))
    inp["Wp2"] = _lin_init(ks[22], mid, (mid, N_CLASS))
    inp["bp2"] = _lin_init(ks[23], mid, (N_CLASS,))
    return inp


def graph_conv(x, src, dst, W, b):
    # DGL GraphConv with norm='both', allow_zero_in_degree=True
    ones = jnp.ones((src.shape[0],), dtype=x.dtype)
    deg_out = jax.ops.segment_sum(ones, src, num_segments=N)
    deg_in = jax.ops.segment_sum(ones, dst, num_segments=N)
    norm_src = jnp.power(jnp.clip(deg_out, 1.0), -0.5)
    norm_dst = jnp.power(jnp.clip(deg_in, 1.0), -0.5)
    h = x * norm_src[:, None]
    h = h @ W  # weight applied before aggregation (math-equivalent)
    msg = jnp.take(h, src, axis=0)
    agg = jax.ops.segment_sum(msg, dst, num_segments=N)
    return agg * norm_dst[:, None] + b


def reference(feat, edge_index, W1, b1, W2, b2, W3, b3, W4, b4, W5, b5, W6, b6, Wp1, bp1, Wp2, bp2):
    src = edge_index[0]
    dst = edge_index[1]
    # dropout in eval mode == identity
    h = jax.nn.relu(graph_conv(feat, src, dst, W1, b1))
    h = jax.nn.relu(graph_conv(h, src, dst, W2, b2))
    h = jax.nn.relu(graph_conv(h, src, dst, W3, b3))
    h = jax.nn.relu(graph_conv(h, src, dst, W4, b4))
    h = jax.nn.relu(graph_conv(h, src, dst, W5, b5))
    h = jax.nn.relu(graph_conv(h, src, dst, W6, b6))
    # dgl.mean_nodes over a single graph -> [1, out_dim]
    outs = jnp.mean(h, axis=0, keepdims=True)
    hid = jax.nn.relu(outs @ Wp1 + bp1)
    scores = hid @ Wp2 + bp2
    # the trailing update_all(copy_u,sum) only mutates graph state; not part of the return
    return scores

if __name__ == "__main__":
    import jax
    _d = setup_inputs()
    print(jax.jit(kernel)(*tuple(_d.values())))

</pallas_src>

<mosaic_0001>
#map = affine_map<(d0, d1) -> (0, 0)>
#map1 = affine_map<(d0, d1) -> (0, 0, 0)>
module attributes {stable_mosaic.version = 14 : i64} {
  func.func @_agg_body(%arg0: i32, %arg1: i32, %arg2: memref<10000x128xf32, #tpu.memory_space<hbm>>, %arg3: memref<32x128x80xi32, #tpu.memory_space<hbm>>, %arg4: memref<32x128x80xi32, #tpu.memory_space<hbm>>, %arg5: memref<2x10240x128xf32, #tpu.memory_space<hbm>>, %arg6: memref<32x80xi32, #tpu.memory_space<vmem>>, %arg7: memref<32x80xi32, #tpu.memory_space<vmem>>, %arg8: memref<80x128xf32, #tpu.memory_space<vmem>>, %arg9: memref<80x128xf32, #tpu.memory_space<vmem>>, %arg10: memref<10240x128xf32, #tpu.memory_space<vmem_shared>>, %arg11: memref<!tpu.dma_semaphore, #tpu.memory_space<semaphore_mem>>, %arg12: memref<!tpu.dma_semaphore, #tpu.memory_space<semaphore_mem>>, %arg13: memref<!tpu.dma_semaphore, #tpu.memory_space<semaphore_mem>>) attributes {dimension_semantics = [#tpu.dimension_semantics<core_parallel>, #tpu.dimension_semantics<subcore_parallel>], iteration_bounds = array<i64: 2, 16>, scalar_prefetch = 0 : i64, scratch_operands = 8 : i64, tpu.core_type = #tpu.core_type<sc_vector_subcore>, window_params = [{transform_indices = #map}, {transform_indices = #map1}, {transform_indices = #map1}, {transform_indices = #map1}]} {
    %mul3A = arith.constant 16 : i32
    %mul3A_0 = arith.muli %arg0, %mul3A : i32
    %add3A = arith.addi %mul3A_0, %arg1 : i32
    %broadcast_in_dim3A = arith.constant 0.000000e+00 : f32
    %broadcast_in_dim3A_1 = vector.broadcast %broadcast_in_dim3A : f32 to vector<16xf32>
    %scan3A = arith.constant 0 : i32
    %scan3A_2 = arith.constant 80 : i32
    %scan3A_3 = arith.addi %scan3A, %scan3A_2 : i32
    %scan3A_4 = arith.constant 1 : i32
    scf.for %scan3A_22 = %scan3A to %scan3A_3 step %scan3A_4  : i32 {
      %mul3A_23 = arith.constant 1 : i32
      %mul3A_24 = arith.muli %scan3A_22, %mul3A_23 : i32
      %add3A_25 = arith.constant 0 : i32
      %add3A_26 = arith.addi %add3A_25, %mul3A_24 : i32
      %scan3A_27 = arith.constant 0 : i32
      %scan3A_28 = arith.constant 8 : i32
      %scan3A_29 = arith.addi %scan3A_27, %scan3A_28 : i32
      %scan3A_30 = arith.constant 1 : i32
      scf.for %scan3A_32 = %scan3A_27 to %scan3A_29 step %scan3A_30  : i32 {
        %mul3A_33 = arith.constant 1 : i32
        %mul3A_34 = arith.muli %scan3A_32, %mul3A_33 : i32
        %add3A_35 = arith.constant 0 : i32
        %add3A_36 = arith.addi %add3A_35, %mul3A_34 : i32
        %mul3A_37 = arith.constant 16 : i32
        %mul3A_38 = arith.muli %add3A_36, %mul3A_37 : i32
        %swap3A = arith.index_cast %add3A_26 : i32 to index
        %swap3A_39 = arith.index_cast %mul3A_38 : i32 to index
        %swap3A_40 = tpu.vector_load %arg8[%swap3A, %swap3A_39] {strides = array<i32>} : memref<80x128xf32, #tpu.memory_space<vmem>>, vector<1x16xf32>,
        %swap3A_41 = vector.shape_cast %swap3A_40 : vector<1x16xf32> to vector<16xf32>
        %swap3A_42 = vector.shape_cast %broadcast_in_dim3A_1 : vector<16xf32> to vector<1x16xf32>
        tpu.vector_store %arg8[%swap3A, %swap3A_39], %swap3A_42 {strides = array<i32>} : memref<80x128xf32, #tpu.memory_space<vmem>>, vector<1x16xf32>,
      }
      %scan3A_31 = arith.constant 8 : i32
    }
    %scan3A_5 = arith.constant 80 : i32
    %scan3A_6 = arith.constant 0 : i32
    %scan3A_7 = arith.constant 8 : i32
    %scan3A_8 = arith.addi %scan3A_6, %scan3A_7 : i32
    %scan3A_9 = arith.constant 1 : i32
    scf.for %scan3A_22 = %scan3A_6 to %scan3A_8 step %scan3A_9  : i32 {
      %mul3A_23 = arith.constant 1 : i32
      %mul3A_24 = arith.muli %scan3A_22, %mul3A_23 : i32
      %add3A_25 = arith.constant 0 : i32
      %add3A_26 = arith.addi %add3A_25, %mul3A_24 : i32
      %mul3A_27 = arith.constant 640 : i32
      %mul3A_28 = arith.muli %arg1, %mul3A_27 : i32
      %mul3A_29 = arith.constant 80 : i32
      %mul3A_30 = arith.muli %add3A_26, %mul3A_29 : i32
      %add3A_31 = arith.addi %mul3A_28, %mul3A_30 : i32
      "tpu.region"() ({
        %run_scoped3A = tpu.sem_alloc : memref<!tpu.dma_semaphore, #tpu.memory_space<semaphore_mem>>
        %dma_start3A = arith.constant 0 : i32
        %dma_start3A_32 = tpu.memref_slice %arg10[%add3A_31, %dma_start3A] : memref<10240x128xf32, #tpu.memory_space<vmem_shared>> -> memref<80x128xf32, #tpu.memory_space<vmem_shared>>
        %dma_start3A_33 = arith.constant 0 : i32
        %dma_start3A_34 = tpu.memref_slice %arg10[%add3A_31, %dma_start3A_33] : memref<10240x128xf32, #tpu.memory_space<vmem_shared>> -> memref<80x128xf32, #tpu.memory_space<vmem_shared>>
        tpu.enqueue_dma source(%arg8 : memref<80x128xf32, #tpu.memory_space<vmem>>) target(%dma_start3A_34 : memref<80x128xf32, #tpu.memory_space<vmem_shared>>) target_semaphore(%run_scoped3A : memref<!tpu.dma_semaphore, #tpu.memory_space<semaphore_mem>>)
        %dma_wait3A = arith.constant 0 : i32
        %dma_wait3A_35 = tpu.memref_slice %arg10[%add3A_31, %dma_wait3A] : memref<10240x128xf32, #tpu.memory_space<vmem_shared>> -> memref<80x128xf32, #tpu.memory_space<vmem_shared>>
        %dma_wait3A_36 = arith.constant 0 : i32
        %dma_wait3A_37 = tpu.memref_slice %arg10[%add3A_31, %dma_wait3A_36] : memref<10240x128xf32, #tpu.memory_space<vmem_shared>> -> memref<80x128xf32, #tpu.memory_space<vmem_shared>>
        tpu.wait_dma2 semaphore(%run_scoped3A : memref<!tpu.dma_semaphore, #tpu.memory_space<semaphore_mem>>) src(%arg8 : memref<80x128xf32, #tpu.memory_space<vmem>>) dst(%dma_wait3A_37 : memref<80x128xf32, #tpu.memory_space<vmem_shared>>)
        tpu.yield
      }) : () -> ()
    }
    %scan3A_10 = arith.constant 8 : i32
    %barrier3A = arith.constant 0 : index
    tpu.barrier barrier_id(%barrier3A)
    %scan3A_11 = arith.constant 0 : i32
    %scan3A_12 = arith.constant 4 : i32
    %scan3A_13 = arith.addi %scan3A_11, %scan3A_12 : i32
    %scan3A_14 = arith.constant 1 : i32
    scf.for %scan3A_22 = %scan3A_11 to %scan3A_13 step %scan3A_14  : i32 {
      %mul3A_23 = arith.constant 1 : i32
      %mul3A_24 = arith.muli %scan3A_22, %mul3A_23 : i32
      %add3A_25 = arith.constant 0 : i32
      %add3A_26 = arith.addi %add3A_25, %mul3A_24 : i32
      %mul3A_27 = arith.constant 32 : i32
      %mul3A_28 = arith.muli %add3A_26, %mul3A_27 : i32
      %dma_start3A = arith.constant 0 : i32
      %dma_start3A_29 = tpu.memref_slice %arg3[%add3A, %mul3A_28, %dma_start3A] : memref<32x128x80xi32, #tpu.memory_space<hbm>> -> memref<1x32x80xi32, #tpu.memory_space<hbm>>
      %dma_start3A_30 = tpu.memref_squeeze %dma_start3A_29 : memref<1x32x80xi32, #tpu.memory_space<hbm>> -> memref<32x80xi32, #tpu.memory_space<hbm>>
      %dma_start3A_31 = arith.constant 0 : i32
      %dma_start3A_32 = tpu.memref_slice %arg3[%add3A, %mul3A_28, %dma_start3A_31] : memref<32x128x80xi32, #tpu.memory_space<hbm>> -> memref<1x32x80xi32, #tpu.memory_space<hbm>>
      %dma_start3A_33 = tpu.memref_squeeze %dma_start3A_32 : memref<1x32x80xi32, #tpu.memory_space<hbm>> -> memref<32x80xi32, #tpu.memory_space<hbm>>
      tpu.enqueue_dma source(%dma_start3A_33 : memref<32x80xi32, #tpu.memory_space<hbm>>) target(%arg6 : memref<32x80xi32, #tpu.memory_space<vmem>>) target_semaphore(%arg11 : memref<!tpu.dma_semaphore, #tpu.memory_space<semaphore_mem>>)
      %dma_wait3A = arith.constant 0 : i32
      %dma_wait3A_34 = tpu.memref_slice %arg3[%add3A, %mul3A_28, %dma_wait3A] : memref<32x128x80xi32, #tpu.memory_space<hbm>> -> memref<1x32x80xi32, #tpu.memory_space<hbm>>
      %dma_wait3A_35 = tpu.memref_squeeze %dma_wait3A_34 : memref<1x32x80xi32, #tpu.memory_space<hbm>> -> memref<32x80xi32, #tpu.memory_space<hbm>>
      %dma_wait3A_36 = arith.constant 0 : i32
      %dma_wait3A_37 = tpu.memref_slice %arg3[%add3A, %mul3A_28, %dma_wait3A_36] : memref<32x128x80xi32, #tpu.memory_space<hbm>> -> memref<1x32x80xi32, #tpu.memory_space<hbm>>
      %dma_wait3A_38 = tpu.memref_squeeze %dma_wait3A_37 : memref<1x32x80xi32, #tpu.memory_space<hbm>> -> memref<32x80xi32, #tpu.memory_space<hbm>>
      tpu.wait_dma2 semaphore(%arg11 : memref<!tpu.dma_semaphore, #tpu.memory_space<semaphore_mem>>) src(%dma_wait3A_38 : memref<32x80xi32, #tpu.memory_space<hbm>>) dst(%arg6 : memref<32x80xi32, #tpu.memory_space<vmem>>)
      %mul3A_39 = arith.constant 32 : i32
      %mul3A_40 = arith.muli %add3A_26, %mul3A_39 : i32
      %dma_start3A_41 = arith.constant 0 : i32
      %dma_start3A_42 = tpu.memref_slice %arg4[%add3A, %mul3A_40, %dma_start3A_41] : memref<32x128x80xi32, #tpu.memory_space<hbm>> -> memref<1x32x80xi32, #tpu.memory_space<hbm>>
      %dma_start3A_43 = tpu.memref_squeeze %dma_start3A_42 : memref<1x32x80xi32, #tpu.memory_space<hbm>> -> memref<32x80xi32, #tpu.memory_space<hbm>>
      %dma_start3A_44 = arith.constant 0 : i32
      %dma_start3A_45 = tpu.memref_slice %arg4[%add3A, %mul3A_40, %dma_start3A_44] : memref<32x128x80xi32, #tpu.memory_space<hbm>> -> memref<1x32x80xi32, #tpu.memory_space<hbm>>
      %dma_start3A_46 = tpu.memref_squeeze %dma_start3A_45 : memref<1x32x80xi32, #tpu.memory_space<hbm>> -> memref<32x80xi32, #tpu.memory_space<hbm>>
      tpu.enqueue_dma source(%dma_start3A_46 : memref<32x80xi32, #tpu.memory_space<hbm>>) target(%arg7 : memref<32x80xi32, #tpu.memory_space<vmem>>) target_semaphore(%arg11 : memref<!tpu.dma_semaphore, #tpu.memory_space<semaphore_mem>>)
      %dma_wait3A_47 = arith.constant 0 : i32
      %dma_wait3A_48 = tpu.memref_slice %arg4[%add3A, %mul3A_40, %dma_wait3A_47] : memref<32x128x80xi32, #tpu.memory_space<hbm>> -> memref<1x32x80xi32, #tpu.memory_space<hbm>>
      %dma_wait3A_49 = tpu.memref_squeeze %dma_wait3A_48 : memref<1x32x80xi32, #tpu.memory_space<hbm>> -> memref<32x80xi32, #tpu.memory_space<hbm>>
      %dma_wait3A_50 = arith.constant 0 : i32
      %dma_wait3A_51 = tpu.memref_slice %arg4[%add3A, %mul3A_40, %dma_wait3A_50] : memref<32x128x80xi32, #tpu.memory_space<hbm>> -> memref<1x32x80xi32, #tpu.memory_space<hbm>>
      %dma_wait3A_52 = tpu.memref_squeeze %dma_wait3A_51 : memref<1x32x80xi32, #tpu.memory_space<hbm>> -> memref<32x80xi32, #tpu.memory_space<hbm>>
      tpu.wait_dma2 semaphore(%arg11 : memref<!tpu.dma_semaphore, #tpu.memory_space<semaphore_mem>>) src(%dma_wait3A_52 : memref<32x80xi32, #tpu.memory_space<hbm>>) dst(%arg7 : memref<32x80xi32, #tpu.memory_space<vmem>>)
      %dma_start3A_53 = arith.constant 0 : i32
      %dma_start3A_54 = arith.constant 0 : i32
      %dma_start3A_55 = tpu.memref_slice %arg6[%dma_start3A_53, %dma_start3A_54] : memref<32x80xi32, #tpu.memory_space<vmem>> -> memref<1x80xi32, #tpu.memory_space<vmem>>
      %dma_start3A_56 = tpu.memref_squeeze %dma_start3A_55 : memref<1x80xi32, #tpu.memory_space<vmem>> -> memref<80xi32, #tpu.memory_space<vmem>>
      %dma_start3A_57 = arith.constant 0 : i32
      %dma_start3A_58 = arith.constant 0 : i32
      %dma_start3A_59 = tpu.memref_slice %arg2[%dma_start3A_57, %dma_start3A_58] : memref<10000x128xf32, #tpu.memory_space<hbm>> -> memref<10000x128xf32, #tpu.memory_space<hbm>>
      tpu.enqueue_indirect_dma source(%dma_start3A_59 : memref<10000x128xf32, #tpu.memory_space<hbm>>) target(%arg8 : memref<80x128xf32, #tpu.memory_space<vmem>>) offsets(%dma_start3A_56 : memref<80xi32, #tpu.memory_space<vmem>>) semaphore(%arg12 : memref<!tpu.dma_semaphore, #tpu.memory_space<semaphore_mem>>)
      %scan3A_60 = arith.constant 0 : i32
      %scan3A_61 = arith.constant 15 : i32
      %scan3A_62 = arith.addi %scan3A_60, %scan3A_61 : i32
      %scan3A_63 = arith.constant 1 : i32
      scf.for %scan3A_87 = %scan3A_60 to %scan3A_62 step %scan3A_63  : i32 {
        %mul3A_88 = arith.constant 1 : i32
        %mul3A_89 = arith.muli %scan3A_87, %mul3A_88 : i32
        %add3A_90 = arith.constant 0 : i32
        %add3A_91 = arith.addi %add3A_90, %mul3A_89 : i32
        %mul3A_92 = arith.constant 2 : i32
        %mul3A_93 = arith.muli %add3A_91, %mul3A_92 : i32
        %add3A_94 = arith.constant 1 : i32
        %add3A_95 = arith.addi %mul3A_93, %add3A_94 : i32
        %dma_start3A_96 = arith.constant 0 : i32
        %dma_start3A_97 = tpu.memref_slice %arg6[%add3A_95, %dma_start3A_96] : memref<32x80xi32, #tpu.memory_space<vmem>> -> memref<1x80xi32, #tpu.memory_space<vmem>>
        %dma_start3A_98 = tpu.memref_squeeze %dma_start3A_97 : memref<1x80xi32, #tpu.memory_space<vmem>> -> memref<80xi32, #tpu.memory_space<vmem>>
        %dma_start3A_99 = arith.constant 0 : i32
        %dma_start3A_100 = arith.constant 0 : i32
        %dma_start3A_101 = tpu.memref_slice %arg2[%dma_start3A_99, %dma_start3A_100] : memref<10000x128xf32, #tpu.memory_space<hbm>> -> memref<10000x128xf32, #tpu.memory_space<hbm>>
        tpu.enqueue_indirect_dma source(%dma_start3A_101 : memref<10000x128xf32, #tpu.memory_space<hbm>>) target(%arg9 : memref<80x128xf32, #tpu.memory_space<vmem>>) offsets(%dma_start3A_98 : memref<80xi32, #tpu.memory_space<vmem>>) semaphore(%arg13 : memref<!tpu.dma_semaphore, #tpu.memory_space<semaphore_mem>>)
        %dma_wait3A_102 = arith.constant 0 : i32
        %dma_wait3A_103 = tpu.memref_slice %arg6[%mul3A_93, %dma_wait3A_102] : memref<32x80xi32, #tpu.memory_space<vmem>> -> memref<1x80xi32, #tpu.memory_space<vmem>>
        %dma_wait3A_104 = tpu.memref_squeeze %dma_wait3A_103 : memref<1x80xi32, #tpu.memory_space<vmem>> -> memref<80xi32, #tpu.memory_space<vmem>>
        %dma_wait3A_105 = arith.constant 0 : i32
        %dma_wait3A_106 = arith.constant 0 : i32
        %dma_wait3A_107 = tpu.memref_slice %arg2[%dma_wait3A_105, %dma_wait3A_106] : memref<10000x128xf32, #tpu.memory_space<hbm>> -> memref<10000x128xf32, #tpu.memory_space<hbm>>
        tpu.wait_indirect_dma semaphore(%arg12 : memref<!tpu.dma_semaphore, #tpu.memory_space<semaphore_mem>>) src(%dma_wait3A_107 : memref<10000x128xf32, #tpu.memory_space<hbm>>) dst(%arg8 : memref<80x128xf32, #tpu.memory_space<vmem>>)
        "tpu.region"() ({
          %run_scoped3A_126 = tpu.sem_alloc : memref<!tpu.dma_semaphore, #tpu.memory_space<semaphore_mem>>
          %dma_start3A_127 = arith.constant 0 : i32
          %dma_start3A_128 = tpu.memref_slice %arg7[%mul3A_93, %dma_start3A_127] : memref<32x80xi32, #tpu.memory_space<vmem>> -> memref<1x80xi32, #tpu.memory_space<vmem>>
          %dma_start3A_129 = tpu.memref_squeeze %dma_start3A_128 : memref<1x80xi32, #tpu.memory_space<vmem>> -> memref<80xi32, #tpu.memory_space<vmem>>
          %dma_start3A_130 = arith.constant 0 : i32
          %dma_start3A_131 = arith.constant 0 : i32
          %dma_start3A_132 = tpu.memref_slice %arg10[%dma_start3A_130, %dma_start3A_131] : memref<10240x128xf32, #tpu.memory_space<vmem_shared>> -> memref<10240x128xf32, #tpu.memory_space<vmem_shared>>
          tpu.enqueue_indirect_dma source(%arg8 : memref<80x128xf32, #tpu.memory_space<vmem>>) target(%dma_start3A_132 : memref<10240x128xf32, #tpu.memory_space<vmem_shared>>) offsets(%dma_start3A_129 : memref<80xi32, #tpu.memory_space<vmem>>) semaphore(%run_scoped3A_126 : memref<!tpu.dma_semaphore, #tpu.memory_space<semaphore_mem>>) {add = true}
          %dma_wait3A_133 = arith.constant 0 : i32
          %dma_wait3A_134 = tpu.memref_slice %arg7[%mul3A_93, %dma_wait3A_133] : memref<32x80xi32, #tpu.memory_space<vmem>> -> memref<1x80xi32, #tpu.memory_space<vmem>>
          %dma_wait3A_135 = tpu.memref_squeeze %dma_wait3A_134 : memref<1x80xi32, #tpu.memory_space<vmem>> -> memref<80xi32, #tpu.memory_space<vmem>>
          %dma_wait3A_136 = arith.constant 0 : i32
          %dma_wait3A_137 = arith.constant 0 : i32
          %dma_wait3A_138 = tpu.memref_slice %arg10[%dma_wait3A_136, %dma_wait3A_137] : memref<10240x128xf32, #tpu.memory_space<vmem_shared>> -> memref<10240x128xf32, #tpu.memory_space<vmem_shared>>
          tpu.wait_indirect_dma semaphore(%run_scoped3A_126 : memref<!tpu.dma_semaphore, #tpu.memory_space<semaphore_mem>>) src(%arg8 : memref<80x128xf32, #tpu.memory_space<vmem>>) dst(%dma_wait3A_138 : memref<10240x128xf32, #tpu.memory_space<vmem_shared>>)
          tpu.yield
        }) : () -> ()
        %add3A_108 = arith.constant 2 : i32
        %add3A_109 = arith.addi %mul3A_93, %add3A_108 : i32
        %dma_start3A_110 = arith.constant 0 : i32
        %dma_start3A_111 = tpu.memref_slice %arg6[%add3A_109, %dma_start3A_110] : memref<32x80xi32, #tpu.memory_space<vmem>> -> memref<1x80xi32, #tpu.memory_space<vmem>>
        %dma_start3A_112 = tpu.memref_squeeze %dma_start3A_111 : memref<1x80xi32, #tpu.memory_space<vmem>> -> memref<80xi32, #tpu.memory_space<vmem>>
        %dma_start3A_113 = arith.constant 0 : i32
        %dma_start3A_114 = arith.constant 0 : i32
        %dma_start3A_115 = tpu.memref_slice %arg2[%dma_start3A_113, %dma_start3A_114] : memref<10000x128xf32, #tpu.memory_space<hbm>> -> memref<10000x128xf32, #tpu.memory_space<hbm>>
        tpu.enqueue_indirect_dma source(%dma_start3A_115 : memref<10000x128xf32, #tpu.memory_space<hbm>>) target(%arg8 : memref<80x128xf32, #tpu.memory_space<vmem>>) offsets(%dma_start3A_112 : memref<80xi32, #tpu.memory_space<vmem>>) semaphore(%arg12 : memref<!tpu.dma_semaphore, #tpu.memory_space<semaphore_mem>>)
        %add3A_116 = arith.constant 1 : i32
        %add3A_117 = arith.addi %mul3A_93, %add3A_116 : i32
        %dma_wait3A_118 = arith.constant 0 : i32
        %dma_wait3A_119 = tpu.memref_slice %arg6[%add3A_117, %dma_wait3A_118] : memref<32x80xi32, #tpu.memory_space<vmem>> -> memref<1x80xi32, #tpu.memory_space<vmem>>
        %dma_wait3A_120 = tpu.memref_squeeze %dma_wait3A_119 : memref<1x80xi32, #tpu.memory_space<vmem>> -> memref<80xi32, #tpu.memory_space<vmem>>
        %dma_wait3A_121 = arith.constant 0 : i32
        %dma_wait3A_122 = arith.constant 0 : i32
        %dma_wait3A_123 = tpu.memref_slice %arg2[%dma_wait3A_121, %dma_wait3A_122] : memref<10000x128xf32, #tpu.memory_space<hbm>> -> memref<10000x128xf32, #tpu.memory_space<hbm>>
        tpu.wait_indirect_dma semaphore(%arg13 : memref<!tpu.dma_semaphore, #tpu.memory_space<semaphore_mem>>) src(%dma_wait3A_123 : memref<10000x128xf32, #tpu.memory_space<hbm>>) dst(%arg9 : memref<80x128xf32, #tpu.memory_space<vmem>>)
        %add3A_124 = arith.constant 1 : i32
        %add3A_125 = arith.addi %mul3A_93, %add3A_124 : i32
        "tpu.region"() ({
          %run_scoped3A_126 = tpu.sem_alloc : memref<!tpu.dma_semaphore, #tpu.memory_space<semaphore_mem>>
          %dma_start3A_127 = arith.constant 0 : i32
          %dma_start3A_128 = tpu.memref_slice %arg7[%add3A_125, %dma_start3A_127] : memref<32x80xi32, #tpu.memory_space<vmem>> -> memref<1x80xi32, #tpu.memory_space<vmem>>
          %dma_start3A_129 = tpu.memref_squeeze %dma_start3A_128 : memref<1x80xi32, #tpu.memory_space<vmem>> -> memref<80xi32, #tpu.memory_space<vmem>>
          %dma_start3A_130 = arith.constant 0 : i32
          %dma_start3A_131 = arith.constant 0 : i32
          %dma_start3A_132 = tpu.memref_slice %arg10[%dma_start3A_130, %dma_start3A_131] : memref<10240x128xf32, #tpu.memory_space<vmem_shared>> -> memref<10240x128xf32, #tpu.memory_space<vmem_shared>>
          tpu.enqueue_indirect_dma source(%arg9 : memref<80x128xf32, #tpu.memory_space<vmem>>) target(%dma_start3A_132 : memref<10240x128xf32, #tpu.memory_space<vmem_shared>>) offsets(%dma_start3A_129 : memref<80xi32, #tpu.memory_space<vmem>>) semaphore(%run_scoped3A_126 : memref<!tpu.dma_semaphore, #tpu.memory_space<semaphore_mem>>) {add = true}
          %dma_wait3A_133 = arith.constant 0 : i32
          %dma_wait3A_134 = tpu.memref_slice %arg7[%add3A_125, %dma_wait3A_133] : memref<32x80xi32, #tpu.memory_space<vmem>> -> memref<1x80xi32, #tpu.memory_space<vmem>>
          %dma_wait3A_135 = tpu.memref_squeeze %dma_wait3A_134 : memref<1x80xi32, #tpu.memory_space<vmem>> -> memref<80xi32, #tpu.memory_space<vmem>>
          %dma_wait3A_136 = arith.constant 0 : i32
          %dma_wait3A_137 = arith.constant 0 : i32
          %dma_wait3A_138 = tpu.memref_slice %arg10[%dma_wait3A_136, %dma_wait3A_137] : memref<10240x128xf32, #tpu.memory_space<vmem_shared>> -> memref<10240x128xf32, #tpu.memory_space<vmem_shared>>
          tpu.wait_indirect_dma semaphore(%run_scoped3A_126 : memref<!tpu.dma_semaphore, #tpu.memory_space<semaphore_mem>>) src(%arg9 : memref<80x128xf32, #tpu.memory_space<vmem>>) dst(%dma_wait3A_138 : memref<10240x128xf32, #tpu.memory_space<vmem_shared>>)
          tpu.yield
        }) : () -> ()
      }
      %scan3A_64 = arith.constant 15 : i32
      %dma_start3A_65 = arith.constant 31 : i32
      %dma_start3A_66 = arith.constant 0 : i32
      %dma_start3A_67 = tpu.memref_slice %arg6[%dma_start3A_65, %dma_start3A_66] : memref<32x80xi32, #tpu.memory_space<vmem>> -> memref<1x80xi32, #tpu.memory_space<vmem>>
      %dma_start3A_68 = tpu.memref_squeeze %dma_start3A_67 : memref<1x80xi32, #tpu.memory_space<vmem>> -> memref<80xi32, #tpu.memory_space<vmem>>
      %dma_start3A_69 = arith.constant 0 : i32
      %dma_start3A_70 = arith.constant 0 : i32
      %dma_start3A_71 = tpu.memref_slice %arg2[%dma_start3A_69, %dma_start3A_70] : memref<10000x128xf32, #tpu.memory_space<hbm>> -> memref<10000x128xf32, #tpu.memory_space<hbm>>
      tpu.enqueue_indirect_dma source(%dma_start3A_71 : memref<10000x128xf32, #tpu.memory_space<hbm>>) target(%arg9 : memref<80x128xf32, #tpu.memory_space<vmem>>) offsets(%dma_start3A_68 : memref<80xi32, #tpu.memory_space<vmem>>) semaphore(%arg13 : memref<!tpu.dma_semaphore, #tpu.memory_space<semaphore_mem>>)
      %dma_wait3A_72 = arith.constant 30 : i32
      %dma_wait3A_73 = arith.constant 0 : i32
      %dma_wait3A_74 = tpu.memref_slice %arg6[%dma_wait3A_72, %dma_wait3A_73] : memref<32x80xi32, #tpu.memory_space<vmem>> -> memref<1x80xi32, #tpu.memory_space<vmem>>
      %dma_wait3A_75 = tpu.memref_squeeze %dma_wait3A_74 : memref<1x80xi32, #tpu.memory_space<vmem>> -> memref<80xi32, #tpu.memory_space<vmem>>
      %dma_wait3A_76 = arith.constant 0 : i32
      %dma_wait3A_77 = arith.constant 0 : i32
      %dma_wait3A_78 = tpu.memref_slice %arg2[%dma_wait3A_76, %dma_wait3A_77] : memref<10000x128xf32, #tpu.memory_space<hbm>> -> memref<10000x128xf32, #tpu.memory_space<hbm>>
      tpu.wait_indirect_dma semaphore(%arg12 : memref<!tpu.dma_semaphore, #tpu.memory_space<semaphore_mem>>) src(%dma_wait3A_78 : memref<10000x128xf32, #tpu.memory_space<hbm>>) dst(%arg8 : memref<80x128xf32, #tpu.memory_space<vmem>>)
      %run_scoped3A = arith.constant 30 : i32
      "tpu.region"() ({
        %run_scoped3A_87 = tpu.sem_alloc : memref<!tpu.dma_semaphore, #tpu.memory_space<semaphore_mem>>
        %dma_start3A_88 = arith.constant 0 : i32
        %dma_start3A_89 = tpu.memref_slice %arg7[%run_scoped3A, %dma_start3A_88] : memref<32x80xi32, #tpu.memory_space<vmem>> -> memref<1x80xi32, #tpu.memory_space<vmem>>
        %dma_start3A_90 = tpu.memref_squeeze %dma_start3A_89 : memref<1x80xi32, #tpu.memory_space<vmem>> -> memref<80xi32, #tpu.memory_space<vmem>>
        %dma_start3A_91 = arith.constant 0 : i32
        %dma_start3A_92 = arith.constant 0 : i32
        %dma_start3A_93 = tpu.memref_slice %arg10[%dma_start3A_91, %dma_start3A_92] : memref<10240x128xf32, #tpu.memory_space<vmem_shared>> -> memref<10240x128xf32, #tpu.memory_space<vmem_shared>>
        tpu.enqueue_indirect_dma source(%arg8 : memref<80x128xf32, #tpu.memory_space<vmem>>) target(%dma_start3A_93 : memref<10240x128xf32, #tpu.memory_space<vmem_shared>>) offsets(%dma_start3A_90 : memref<80xi32, #tpu.memory_space<vmem>>) semaphore(%run_scoped3A_87 : memref<!tpu.dma_semaphore, #tpu.memory_space<semaphore_mem>>) {add = true}
        %dma_wait3A_94 = arith.constant 0 : i32
        %dma_wait3A_95 = tpu.memref_slice %arg7[%run_scoped3A, %dma_wait3A_94] : memref<32x80xi32, #tpu.memory_space<vmem>> -> memref<1x80xi32, #tpu.memory_space<vmem>>
        %dma_wait3A_96 = tpu.memref_squeeze %dma_wait3A_95 : memref<1x80xi32, #tpu.memory_space<vmem>> -> memref<80xi32, #tpu.memory_space<vmem>>
        %dma_wait3A_97 = arith.constant 0 : i32
        %dma_wait3A_98 = arith.constant 0 : i32
        %dma_wait3A_99 = tpu.memref_slice %arg10[%dma_wait3A_97, %dma_wait3A_98] : memref<10240x128xf32, #tpu.memory_space<vmem_shared>> -> memref<10240x128xf32, #tpu.memory_space<vmem_shared>>
        tpu.wait_indirect_dma semaphore(%run_scoped3A_87 : memref<!tpu.dma_semaphore, #tpu.memory_space<semaphore_mem>>) src(%arg8 : memref<80x128xf32, #tpu.memory_space<vmem>>) dst(%dma_wait3A_99 : memref<10240x128xf32, #tpu.memory_space<vmem_shared>>)
        tpu.yield
      }) : () -> ()
      %dma_wait3A_79 = arith.constant 31 : i32
      %dma_wait3A_80 = arith.constant 0 : i32
      %dma_wait3A_81 = tpu.memref_slice %arg6[%dma_wait3A_79, %dma_wait3A_80] : memref<32x80xi32, #tpu.memory_space<vmem>> -> memref<1x80xi32, #tpu.memory_space<vmem>>
      %dma_wait3A_82 = tpu.memref_squeeze %dma_wait3A_81 : memref<1x80xi32, #tpu.memory_space<vmem>> -> memref<80xi32, #tpu.memory_space<vmem>>
      %dma_wait3A_83 = arith.constant 0 : i32
      %dma_wait3A_84 = arith.constant 0 : i32
      %dma_wait3A_85 = tpu.memref_slice %arg2[%dma_wait3A_83, %dma_wait3A_84] : memref<10000x128xf32, #tpu.memory_space<hbm>> -> memref<10000x128xf32, #tpu.memory_space<hbm>>
      tpu.wait_indirect_dma semaphore(%arg13 : memref<!tpu.dma_semaphore, #tpu.memory_space<semaphore_mem>>) src(%dma_wait3A_85 : memref<10000x128xf32, #tpu.memory_space<hbm>>) dst(%arg9 : memref<80x128xf32, #tpu.memory_space<vmem>>)
      %run_scoped3A_86 = arith.constant 31 : i32
      "tpu.region"() ({
        %run_scoped3A_87 = tpu.sem_alloc : memref<!tpu.dma_semaphore, #tpu.memory_space<semaphore_mem>>
        %dma_start3A_88 = arith.constant 0 : i32
        %dma_start3A_89 = tpu.memref_slice %arg7[%run_scoped3A_86, %dma_start3A_88] : memref<32x80xi32, #tpu.memory_space<vmem>> -> memref<1x80xi32, #tpu.memory_space<vmem>>
        %dma_start3A_90 = tpu.memref_squeeze %dma_start3A_89 : memref<1x80xi32, #tpu.memory_space<vmem>> -> memref<80xi32, #tpu.memory_space<vmem>>
        %dma_start3A_91 = arith.constant 0 : i32
        %dma_start3A_92 = arith.constant 0 : i32
        %dma_start3A_93 = tpu.memref_slice %arg10[%dma_start3A_91, %dma_start3A_92] : memref<10240x128xf32, #tpu.memory_space<vmem_shared>> -> memref<10240x128xf32, #tpu.memory_space<vmem_shared>>
        tpu.enqueue_indirect_dma source(%arg9 : memref<80x128xf32, #tpu.memory_space<vmem>>) target(%dma_start3A_93 : memref<10240x128xf32, #tpu.memory_space<vmem_shared>>) offsets(%dma_start3A_90 : memref<80xi32, #tpu.memory_space<vmem>>) semaphore(%run_scoped3A_87 : memref<!tpu.dma_semaphore, #tpu.memory_space<semaphore_mem>>) {add = true}
        %dma_wait3A_94 = arith.constant 0 : i32
        %dma_wait3A_95 = tpu.memref_slice %arg7[%run_scoped3A_86, %dma_wait3A_94] : memref<32x80xi32, #tpu.memory_space<vmem>> -> memref<1x80xi32, #tpu.memory_space<vmem>>
        %dma_wait3A_96 = tpu.memref_squeeze %dma_wait3A_95 : memref<1x80xi32, #tpu.memory_space<vmem>> -> memref<80xi32, #tpu.memory_space<vmem>>
        %dma_wait3A_97 = arith.constant 0 : i32
        %dma_wait3A_98 = arith.constant 0 : i32
        %dma_wait3A_99 = tpu.memref_slice %arg10[%dma_wait3A_97, %dma_wait3A_98] : memref<10240x128xf32, #tpu.memory_space<vmem_shared>> -> memref<10240x128xf32, #tpu.memory_space<vmem_shared>>
        tpu.wait_indirect_dma semaphore(%run_scoped3A_87 : memref<!tpu.dma_semaphore, #tpu.memory_space<semaphore_mem>>) src(%arg9 : memref<80x128xf32, #tpu.memory_space<vmem>>) dst(%dma_wait3A_99 : memref<10240x128xf32, #tpu.memory_space<vmem_shared>>)
        tpu.yield
      }) : () -> ()
    }
    %scan3A_15 = arith.constant 4 : i32
    %barrier3A_16 = arith.constant 0 : index
    tpu.barrier barrier_id(%barrier3A_16)
    %scan3A_17 = arith.constant 0 : i32
    %scan3A_18 = arith.constant 8 : i32
    %scan3A_19 = arith.addi %scan3A_17, %scan3A_18 : i32
    %scan3A_20 = arith.constant 1 : i32
    scf.for %scan3A_22 = %scan3A_17 to %scan3A_19 step %scan3A_20  : i32 {
      %mul3A_23 = arith.constant 1 : i32
      %mul3A_24 = arith.muli %scan3A_22, %mul3A_23 : i32
      %add3A_25 = arith.constant 0 : i32
      %add3A_26 = arith.addi %add3A_25, %mul3A_24 : i32
      %mul3A_27 = arith.constant 640 : i32
      %mul3A_28 = arith.muli %arg1, %mul3A_27 : i32
      %mul3A_29 = arith.constant 80 : i32
      %mul3A_30 = arith.muli %add3A_26, %mul3A_29 : i32
      %add3A_31 = arith.addi %mul3A_28, %mul3A_30 : i32
      "tpu.region"() ({
        %run_scoped3A = tpu.sem_alloc : memref<!tpu.dma_semaphore, #tpu.memory_space<semaphore_mem>>
        %dma_start3A = arith.constant 0 : i32
        %dma_start3A_37 = tpu.memref_slice %arg10[%add3A_31, %dma_start3A] : memref<10240x128xf32, #tpu.memory_space<vmem_shared>> -> memref<80x128xf32, #tpu.memory_space<vmem_shared>>
        %dma_start3A_38 = arith.constant 0 : i32
        %dma_start3A_39 = tpu.memref_slice %arg10[%add3A_31, %dma_start3A_38] : memref<10240x128xf32, #tpu.memory_space<vmem_shared>> -> memref<80x128xf32, #tpu.memory_space<vmem_shared>>
        tpu.enqueue_dma source(%dma_start3A_39 : memref<80x128xf32, #tpu.memory_space<vmem_shared>>) target(%arg8 : memref<80x128xf32, #tpu.memory_space<vmem>>) target_semaphore(%run_scoped3A : memref<!tpu.dma_semaphore, #tpu.memory_space<semaphore_mem>>)
        %dma_wait3A = arith.constant 0 : i32
        %dma_wait3A_40 = tpu.memref_slice %arg10[%add3A_31, %dma_wait3A] : memref<10240x128xf32, #tpu.memory_space<vmem_shared>> -> memref<80x128xf32, #tpu.memory_space<vmem_shared>>
        %dma_wait3A_41 = arith.constant 0 : i32
        %dma_wait3A_42 = tpu.memref_slice %arg10[%add3A_31, %dma_wait3A_41] : memref<10240x128xf32, #tpu.memory_space<vmem_shared>> -> memref<80x128xf32, #tpu.memory_space<vmem_shared>>
        tpu.wait_dma2 semaphore(%run_scoped3A : memref<!tpu.dma_semaphore, #tpu.memory_space<semaphore_mem>>) src(%dma_wait3A_42 : memref<80x128xf32, #tpu.memory_space<vmem_shared>>) dst(%arg8 : memref<80x128xf32, #tpu.memory_space<vmem>>)
        tpu.yield
      }) : () -> ()
      %mul3A_32 = arith.constant 640 : i32
      %mul3A_33 = arith.muli %arg1, %mul3A_32 : i32
      %mul3A_34 = arith.constant 80 : i32
      %mul3A_35 = arith.muli %add3A_26, %mul3A_34 : i32
      %add3A_36 = arith.addi %mul3A_33, %mul3A_35 : i32
      "tpu.region"() ({
        %run_scoped3A = tpu.sem_alloc : memref<!tpu.dma_semaphore, #tpu.memory_space<semaphore_mem>>
        %dma_start3A = arith.constant 0 : i32
        %dma_start3A_37 = tpu.memref_slice %arg5[%arg0, %add3A_36, %dma_start3A] : memref<2x10240x128xf32, #tpu.memory_space<hbm>> -> memref<1x80x128xf32, #tpu.memory_space<hbm>>
        %dma_start3A_38 = tpu.memref_squeeze %dma_start3A_37 : memref<1x80x128xf32, #tpu.memory_space<hbm>> -> memref<80x128xf32, #tpu.memory_space<hbm>>
        %dma_start3A_39 = arith.constant 0 : i32
        %dma_start3A_40 = tpu.memref_slice %arg5[%arg0, %add3A_36, %dma_start3A_39] : memref<2x10240x128xf32, #tpu.memory_space<hbm>> -> memref<1x80x128xf32, #tpu.memory_space<hbm>>
        %dma_start3A_41 = tpu.memref_squeeze %dma_start3A_40 : memref<1x80x128xf32, #tpu.memory_space<hbm>> -> memref<80x128xf32, #tpu.memory_space<hbm>>
        tpu.enqueue_dma source(%arg8 : memref<80x128xf32, #tpu.memory_space<vmem>>) target(%dma_start3A_41 : memref<80x128xf32, #tpu.memory_space<hbm>>) target_semaphore(%run_scoped3A : memref<!tpu.dma_semaphore, #tpu.memory_space<semaphore_mem>>)
        %dma_wait3A = arith.constant 0 : i32
        %dma_wait3A_42 = tpu.memref_slice %arg5[%arg0, %add3A_36, %dma_wait3A] : memref<2x10240x128xf32, #tpu.memory_space<hbm>> -> memref<1x80x128xf32, #tpu.memory_space<hbm>>
        %dma_wait3A_43 = tpu.memref_squeeze %dma_wait3A_42 : memref<1x80x128xf32, #tpu.memory_space<hbm>> -> memref<80x128xf32, #tpu.memory_space<hbm>>
        %dma_wait3A_44 = arith.constant 0 : i32
        %dma_wait3A_45 = tpu.memref_slice %arg5[%arg0, %add3A_36, %dma_wait3A_44] : memref<2x10240x128xf32, #tpu.memory_space<hbm>> -> memref<1x80x128xf32, #tpu.memory_space<hbm>>
        %dma_wait3A_46 = tpu.memref_squeeze %dma_wait3A_45 : memref<1x80x128xf32, #tpu.memory_space<hbm>> -> memref<80x128xf32, #tpu.memory_space<hbm>>
        tpu.wait_dma2 semaphore(%run_scoped3A : memref<!tpu.dma_semaphore, #tpu.memory_space<semaphore_mem>>) src(%arg8 : memref<80x128xf32, #tpu.memory_space<vmem>>) dst(%dma_wait3A_46 : memref<80x128xf32, #tpu.memory_space<hbm>>)
        tpu.yield
      }) : () -> ()
    }
    %scan3A_21 = arith.constant 8 : i32
    return
  }
}

#map = affine_map<(d0, d1) -> (0, 0)>
#map1 = affine_map<(d0, d1) -> (0, 0, 0)>
module attributes {stable_mosaic.version = 14 : i64} {
  func.func @_agg_body(%arg0: i32, %arg1: i32, %arg2: memref<10000x128xf32, #tpu.memory_space<hbm>>, %arg3: memref<32x128x80xi32, #tpu.memory_space<hbm>>, %arg4: memref<32x128x80xi32, #tpu.memory_space<hbm>>, %arg5: memref<2x10240x128xf32, #tpu.memory_space<hbm>>, %arg6: memref<32x80xi32, #tpu.memory_space<vmem>>, %arg7: memref<32x80xi32, #tpu.memory_space<vmem>>, %arg8: memref<80x128xf32, #tpu.memory_space<vmem>>, %arg9: memref<80x128xf32, #tpu.memory_space<vmem>>, %arg10: memref<10240x128xf32, #tpu.memory_space<vmem_shared>>, %arg11: memref<!tpu.dma_semaphore, #tpu.memory_space<semaphore_mem>>, %arg12: memref<!tpu.dma_semaphore, #tpu.memory_space<semaphore_mem>>, %arg13: memref<!tpu.dma_semaphore, #tpu.memory_space<semaphore_mem>>) attributes {dimension_semantics = [#tpu.dimension_semantics<core_parallel>, #tpu.dimension_semantics<subcore_parallel>], iteration_bounds = array<i64: 2, 16>, scalar_prefetch = 0 : i64, scratch_operands = 8 : i64, tpu.core_type = #tpu.core_type<sc_vector_subcore>, window_params = [{transform_indices = #map}, {transform_indices = #map1}, {transform_indices = #map1}, {transform_indices = #map1}]} {
    %mul3A = arith.constant 16 : i32
    %mul3A_0 = arith.muli %arg0, %mul3A : i32
    %add3A = arith.addi %mul3A_0, %arg1 : i32
    %broadcast_in_dim3A = arith.constant 0.000000e+00 : f32
    %broadcast_in_dim3A_1 = vector.broadcast %broadcast_in_dim3A : f32 to vector<16xf32>
    %scan3A = arith.constant 0 : i32
    %scan3A_2 = arith.constant 80 : i32
    %scan3A_3 = arith.addi %scan3A, %scan3A_2 : i32
    %scan3A_4 = arith.constant 1 : i32
    scf.for %scan3A_22 = %scan3A to %scan3A_3 step %scan3A_4  : i32 {
      %mul3A_23 = arith.constant 1 : i32
      %mul3A_24 = arith.muli %scan3A_22, %mul3A_23 : i32
      %add3A_25 = arith.constant 0 : i32
      %add3A_26 = arith.addi %add3A_25, %mul3A_24 : i32
      %scan3A_27 = arith.constant 0 : i32
      %scan3A_28 = arith.constant 8 : i32
      %scan3A_29 = arith.addi %scan3A_27, %scan3A_28 : i32
      %scan3A_30 = arith.constant 1 : i32
      scf.for %scan3A_32 = %scan3A_27 to %scan3A_29 step %scan3A_30  : i32 {
        %mul3A_33 = arith.constant 1 : i32
        %mul3A_34 = arith.muli %scan3A_32, %mul3A_33 : i32
        %add3A_35 = arith.constant 0 : i32
        %add3A_36 = arith.addi %add3A_35, %mul3A_34 : i32
        %mul3A_37 = arith.constant 16 : i32
        %mul3A_38 = arith.muli %add3A_36, %mul3A_37 : i32
        %swap3A = arith.index_cast %add3A_26 : i32 to index
        %swap3A_39 = arith.index_cast %mul3A_38 : i32 to index
        %swap3A_40 = tpu.vector_load %arg8[%swap3A, %swap3A_39] {strides = array<i32>} : memref<80x128xf32, #tpu.memory_space<vmem>>, vector<1x16xf32>,
        %swap3A_41 = vector.shape_cast %swap3A_40 : vector<1x16xf32> to vector<16xf32>
        %swap3A_42 = vector.shape_cast %broadcast_in_dim3A_1 : vector<16xf32> to vector<1x16xf32>
        tpu.vector_store %arg8[%swap3A, %swap3A_39], %swap3A_42 {strides = array<i32>} : memref<80x128xf32, #tpu.memory_space<vmem>>, vector<1x16xf32>,
      }
      %scan3A_31 = arith.constant 8 : i32
    }
    %scan3A_5 = arith.constant 80 : i32
    %scan3A_6 = arith.constant 0 : i32
    %scan3A_7 = arith.constant 8 : i32
    %scan3A_8 = arith.addi %scan3A_6, %scan3A_7 : i32
    %scan3A_9 = arith.constant 1 : i32
    scf.for %scan3A_22 = %scan3A_6 to %scan3A_8 step %scan3A_9  : i32 {
      %mul3A_23 = arith.constant 1 : i32
      %mul3A_24 = arith.muli %scan3A_22, %mul3A_23 : i32
      %add3A_25 = arith.constant 0 : i32
      %add3A_26 = arith.addi %add3A_25, %mul3A_24 : i32
      %mul3A_27 = arith.constant 640 : i32
      %mul3A_28 = arith.muli %arg1, %mul3A_27 : i32
      %mul3A_29 = arith.constant 80 : i32
      %mul3A_30 = arith.muli %add3A_26, %mul3A_29 : i32
      %add3A_31 = arith.addi %mul3A_28, %mul3A_30 : i32
      "tpu.region"() ({
        %run_scoped3A = tpu.sem_alloc : memref<!tpu.dma_semaphore, #tpu.memory_space<semaphore_mem>>
        %dma_start3A = arith.constant 0 : i32
        %dma_start3A_32 = tpu.memref_slice %arg10[%add3A_31, %dma_start3A] : memref<10240x128xf32, #tpu.memory_space<vmem_shared>> -> memref<80x128xf32, #tpu.memory_space<vmem_shared>>
        %dma_start3A_33 = arith.constant 0 : i32
        %dma_start3A_34 = tpu.memref_slice %arg10[%add3A_31, %dma_start3A_33] : memref<10240x128xf32, #tpu.memory_space<vmem_shared>> -> memref<80x128xf32, #tpu.memory_space<vmem_shared>>
        tpu.enqueue_dma source(%arg8 : memref<80x128xf32, #tpu.memory_space<vmem>>) target(%dma_start3A_34 : memref<80x128xf32, #tpu.memory_space<vmem_shared>>) target_semaphore(%run_scoped3A : memref<!tpu.dma_semaphore, #tpu.memory_space<semaphore_mem>>)
        %dma_wait3A = arith.constant 0 : i32
        %dma_wait3A_35 = tpu.memref_slice %arg10[%add3A_31, %dma_wait3A] : memref<10240x128xf32, #tpu.memory_space<vmem_shared>> -> memref<80x128xf32, #tpu.memory_space<vmem_shared>>
        %dma_wait3A_36 = arith.constant 0 : i32
        %dma_wait3A_37 = tpu.memref_slice %arg10[%add3A_31, %dma_wait3A_36] : memref<10240x128xf32, #tpu.memory_space<vmem_shared>> -> memref<80x128xf32, #tpu.memory_space<vmem_shared>>
        tpu.wait_dma2 semaphore(%run_scoped3A : memref<!tpu.dma_semaphore, #tpu.memory_space<semaphore_mem>>) src(%arg8 : memref<80x128xf32, #tpu.memory_space<vmem>>) dst(%dma_wait3A_37 : memref<80x128xf32, #tpu.memory_space<vmem_shared>>)
        tpu.yield
      }) : () -> ()
    }
    %scan3A_10 = arith.constant 8 : i32
    %barrier3A = arith.constant 0 : index
    tpu.barrier barrier_id(%barrier3A)
    %scan3A_11 = arith.constant 0 : i32
    %scan3A_12 = arith.constant 4 : i32
    %scan3A_13 = arith.addi %scan3A_11, %scan3A_12 : i32
    %scan3A_14 = arith.constant 1 : i32
    scf.for %scan3A_22 = %scan3A_11 to %scan3A_13 step %scan3A_14  : i32 {
      %mul3A_23 = arith.constant 1 : i32
      %mul3A_24 = arith.muli %scan3A_22, %mul3A_23 : i32
      %add3A_25 = arith.constant 0 : i32
      %add3A_26 = arith.addi %add3A_25, %mul3A_24 : i32
      %mul3A_27 = arith.constant 32 : i32
      %mul3A_28 = arith.muli %add3A_26, %mul3A_27 : i32
      %dma_start3A = arith.constant 0 : i32
      %dma_start3A_29 = tpu.memref_slice %arg3[%add3A, %mul3A_28, %dma_start3A] : memref<32x128x80xi32, #tpu.memory_space<hbm>> -> memref<1x32x80xi32, #tpu.memory_space<hbm>>
      %dma_start3A_30 = tpu.memref_squeeze %dma_start3A_29 : memref<1x32x80xi32, #tpu.memory_space<hbm>> -> memref<32x80xi32, #tpu.memory_space<hbm>>
      %dma_start3A_31 = arith.constant 0 : i32
      %dma_start3A_32 = tpu.memref_slice %arg3[%add3A, %mul3A_28, %dma_start3A_31] : memref<32x128x80xi32, #tpu.memory_space<hbm>> -> memref<1x32x80xi32, #tpu.memory_space<hbm>>
      %dma_start3A_33 = tpu.memref_squeeze %dma_start3A_32 : memref<1x32x80xi32, #tpu.memory_space<hbm>> -> memref<32x80xi32, #tpu.memory_space<hbm>>
      tpu.enqueue_dma source(%dma_start3A_33 : memref<32x80xi32, #tpu.memory_space<hbm>>) target(%arg6 : memref<32x80xi32, #tpu.memory_space<vmem>>) target_semaphore(%arg11 : memref<!tpu.dma_semaphore, #tpu.memory_space<semaphore_mem>>)
      %dma_wait3A = arith.constant 0 : i32
      %dma_wait3A_34 = tpu.memref_slice %arg3[%add3A, %mul3A_28, %dma_wait3A] : memref<32x128x80xi32, #tpu.memory_space<hbm>> -> memref<1x32x80xi32, #tpu.memory_space<hbm>>
      %dma_wait3A_35 = tpu.memref_squeeze %dma_wait3A_34 : memref<1x32x80xi32, #tpu.memory_space<hbm>> -> memref<32x80xi32, #tpu.memory_space<hbm>>
      %dma_wait3A_36 = arith.constant 0 : i32
      %dma_wait3A_37 = tpu.memref_slice %arg3[%add3A, %mul3A_28, %dma_wait3A_36] : memref<32x128x80xi32, #tpu.memory_space<hbm>> -> memref<1x32x80xi32, #tpu.memory_space<hbm>>
      %dma_wait3A_38 = tpu.memref_squeeze %dma_wait3A_37 : memref<1x32x80xi32, #tpu.memory_space<hbm>> -> memref<32x80xi32, #tpu.memory_space<hbm>>
      tpu.wait_dma2 semaphore(%arg11 : memref<!tpu.dma_semaphore, #tpu.memory_space<semaphore_mem>>) src(%dma_wait3A_38 : memref<32x80xi32, #tpu.memory_space<hbm>>) dst(%arg6 : memref<32x80xi32, #tpu.memory_space<vmem>>)
      %mul3A_39 = arith.constant 32 : i32
      %mul3A_40 = arith.muli %add3A_26, %mul3A_39 : i32
      %dma_start3A_41 = arith.constant 0 : i32
      %dma_start3A_42 = tpu.memref_slice %arg4[%add3A, %mul3A_40, %dma_start3A_41] : memref<32x128x80xi32, #tpu.memory_space<hbm>> -> memref<1x32x80xi32, #tpu.memory_space<hbm>>
      %dma_start3A_43 = tpu.memref_squeeze %dma_start3A_42 : memref<1x32x80xi32, #tpu.memory_space<hbm>> -> memref<32x80xi32, #tpu.memory_space<hbm>>
      %dma_start3A_44 = arith.constant 0 : i32
      %dma_start3A_45 = tpu.memref_slice %arg4[%add3A, %mul3A_40, %dma_start3A_44] : memref<32x128x80xi32, #tpu.memory_space<hbm>> -> memref<1x32x80xi32, #tpu.memory_space<hbm>>
      %dma_start3A_46 = tpu.memref_squeeze %dma_start3A_45 : memref<1x32x80xi32, #tpu.memory_space<hbm>> -> memref<32x80xi32, #tpu.memory_space<hbm>>
      tpu.enqueue_dma source(%dma_start3A_46 : memref<32x80xi32, #tpu.memory_space<hbm>>) target(%arg7 : memref<32x80xi32, #tpu.memory_space<vmem>>) target_semaphore(%arg11 : memref<!tpu.dma_semaphore, #tpu.memory_space<semaphore_mem>>)
      %dma_wait3A_47 = arith.constant 0 : i32
      %dma_wait3A_48 = tpu.memref_slice %arg4[%add3A, %mul3A_40, %dma_wait3A_47] : memref<32x128x80xi32, #tpu.memory_space<hbm>> -> memref<1x32x80xi32, #tpu.memory_space<hbm>>
      %dma_wait3A_49 = tpu.memref_squeeze %dma_wait3A_48 : memref<1x32x80xi32, #tpu.memory_space<hbm>> -> memref<32x80xi32, #tpu.memory_space<hbm>>
      %dma_wait3A_50 = arith.constant 0 : i32
      %dma_wait3A_51 = tpu.memref_slice %arg4[%add3A, %mul3A_40, %dma_wait3A_50] : memref<32x128x80xi32, #tpu.memory_space<hbm>> -> memref<1x32x80xi32, #tpu.memory_space<hbm>>
      %dma_wait3A_52 = tpu.memref_squeeze %dma_wait3A_51 : memref<1x32x80xi32, #tpu.memory_space<hbm>> -> memref<32x80xi32, #tpu.memory_space<hbm>>
      tpu.wait_dma2 semaphore(%arg11 : memref<!tpu.dma_semaphore, #tpu.memory_space<semaphore_mem>>) src(%dma_wait3A_52 : memref<32x80xi32, #tpu.memory_space<hbm>>) dst(%arg7 : memref<32x80xi32, #tpu.memory_space<vmem>>)
      %dma_start3A_53 = arith.constant 0 : i32
      %dma_start3A_54 = arith.constant 0 : i32
      %dma_start3A_55 = tpu.memref_slice %arg6[%dma_start3A_53, %dma_start3A_54] : memref<32x80xi32, #tpu.memory_space<vmem>> -> memref<1x80xi32, #tpu.memory_space<vmem>>
      %dma_start3A_56 = tpu.memref_squeeze %dma_start3A_55 : memref<1x80xi32, #tpu.memory_space<vmem>> -> memref<80xi32, #tpu.memory_space<vmem>>
      %dma_start3A_57 = arith.constant 0 : i32
      %dma_start3A_58 = arith.constant 0 : i32
      %dma_start3A_59 = tpu.memref_slice %arg2[%dma_start3A_57, %dma_start3A_58] : memref<10000x128xf32, #tpu.memory_space<hbm>> -> memref<10000x128xf32, #tpu.memory_space<hbm>>
      tpu.enqueue_indirect_dma source(%dma_start3A_59 : memref<10000x128xf32, #tpu.memory_space<hbm>>) target(%arg8 : memref<80x128xf32, #tpu.memory_space<vmem>>) offsets(%dma_start3A_56 : memref<80xi32, #tpu.memory_space<vmem>>) semaphore(%arg12 : memref<!tpu.dma_semaphore, #tpu.memory_space<semaphore_mem>>)
      %scan3A_60 = arith.constant 0 : i32
      %scan3A_61 = arith.constant 15 : i32
      %scan3A_62 = arith.addi %scan3A_60, %scan3A_61 : i32
      %scan3A_63 = arith.constant 1 : i32
      scf.for %scan3A_87 = %scan3A_60 to %scan3A_62 step %scan3A_63  : i32 {
        %mul3A_88 = arith.constant 1 : i32
        %mul3A_89 = arith.muli %scan3A_87, %mul3A_88 : i32
        %add3A_90 = arith.constant 0 : i32
        %add3A_91 = arith.addi %add3A_90, %mul3A_89 : i32
        %mul3A_92 = arith.constant 2 : i32
        %mul3A_93 = arith.muli %add3A_91, %mul3A_92 : i32
        %add3A_94 = arith.constant 1 : i32
        %add3A_95 = arith.addi %mul3A_93, %add3A_94 : i32
        %dma_start3A_96 = arith.constant 0 : i32
        %dma_start3A_97 = tpu.memref_slice %arg6[%add3A_95, %dma_start3A_96] : memref<32x80xi32, #tpu.memory_space<vmem>> -> memref<1x80xi32, #tpu.memory_space<vmem>>
        %dma_start3A_98 = tpu.memref_squeeze %dma_start3A_97 : memref<1x80xi32, #tpu.memory_space<vmem>> -> memref<80xi32, #tpu.memory_space<vmem>>
        %dma_start3A_99 = arith.constant 0 : i32
        %dma_start3A_100 = arith.constant 0 : i32
        %dma_start3A_101 = tpu.memref_slice %arg2[%dma_start3A_99, %dma_start3A_100] : memref<10000x128xf32, #tpu.memory_space<hbm>> -> memref<10000x128xf32, #tpu.memory_space<hbm>>
        tpu.enqueue_indirect_dma source(%dma_start3A_101 : memref<10000x128xf32, #tpu.memory_space<hbm>>) target(%arg9 : memref<80x128xf32, #tpu.memory_space<vmem>>) offsets(%dma_start3A_98 : memref<80xi32, #tpu.memory_space<vmem>>) semaphore(%arg13 : memref<!tpu.dma_semaphore, #tpu.memory_space<semaphore_mem>>)
        %dma_wait3A_102 = arith.constant 0 : i32
        %dma_wait3A_103 = tpu.memref_slice %arg6[%mul3A_93, %dma_wait3A_102] : memref<32x80xi32, #tpu.memory_space<vmem>> -> memref<1x80xi32, #tpu.memory_space<vmem>>
        %dma_wait3A_104 = tpu.memref_squeeze %dma_wait3A_103 : memref<1x80xi32, #tpu.memory_space<vmem>> -> memref<80xi32, #tpu.memory_space<vmem>>
        %dma_wait3A_105 = arith.constant 0 : i32
        %dma_wait3A_106 = arith.constant 0 : i32
        %dma_wait3A_107 = tpu.memref_slice %arg2[%dma_wait3A_105, %dma_wait3A_106] : memref<10000x128xf32, #tpu.memory_space<hbm>> -> memref<10000x128xf32, #tpu.memory_space<hbm>>
        tpu.wait_indirect_dma semaphore(%arg12 : memref<!tpu.dma_semaphore, #tpu.memory_space<semaphore_mem>>) src(%dma_wait3A_107 : memref<10000x128xf32, #tpu.memory_space<hbm>>) dst(%arg8 : memref<80x128xf32, #tpu.memory_space<vmem>>)
        "tpu.region"() ({
          %run_scoped3A_126 = tpu.sem_alloc : memref<!tpu.dma_semaphore, #tpu.memory_space<semaphore_mem>>
          %dma_start3A_127 = arith.constant 0 : i32
          %dma_start3A_128 = tpu.memref_slice %arg7[%mul3A_93, %dma_start3A_127] : memref<32x80xi32, #tpu.memory_space<vmem>> -> memref<1x80xi32, #tpu.memory_space<vmem>>
          %dma_start3A_129 = tpu.memref_squeeze %dma_start3A_128 : memref<1x80xi32, #tpu.memory_space<vmem>> -> memref<80xi32, #tpu.memory_space<vmem>>
          %dma_start3A_130 = arith.constant 0 : i32
          %dma_start3A_131 = arith.constant 0 : i32
          %dma_start3A_132 = tpu.memref_slice %arg10[%dma_start3A_130, %dma_start3A_131] : memref<10240x128xf32, #tpu.memory_space<vmem_shared>> -> memref<10240x128xf32, #tpu.memory_space<vmem_shared>>
          tpu.enqueue_indirect_dma source(%arg8 : memref<80x128xf32, #tpu.memory_space<vmem>>) target(%dma_start3A_132 : memref<10240x128xf32, #tpu.memory_space<vmem_shared>>) offsets(%dma_start3A_129 : memref<80xi32, #tpu.memory_space<vmem>>) semaphore(%run_scoped3A_126 : memref<!tpu.dma_semaphore, #tpu.memory_space<semaphore_mem>>) {add = true}
          %dma_wait3A_133 = arith.constant 0 : i32
          %dma_wait3A_134 = tpu.memref_slice %arg7[%mul3A_93, %dma_wait3A_133] : memref<32x80xi32, #tpu.memory_space<vmem>> -> memref<1x80xi32, #tpu.memory_space<vmem>>
          %dma_wait3A_135 = tpu.memref_squeeze %dma_wait3A_134 : memref<1x80xi32, #tpu.memory_space<vmem>> -> memref<80xi32, #tpu.memory_space<vmem>>
          %dma_wait3A_136 = arith.constant 0 : i32
          %dma_wait3A_137 = arith.constant 0 : i32
          %dma_wait3A_138 = tpu.memref_slice %arg10[%dma_wait3A_136, %dma_wait3A_137] : memref<10240x128xf32, #tpu.memory_space<vmem_shared>> -> memref<10240x128xf32, #tpu.memory_space<vmem_shared>>
          tpu.wait_indirect_dma semaphore(%run_scoped3A_126 : memref<!tpu.dma_semaphore, #tpu.memory_space<semaphore_mem>>) src(%arg8 : memref<80x128xf32, #tpu.memory_space<vmem>>) dst(%dma_wait3A_138 : memref<10240x128xf32, #tpu.memory_space<vmem_shared>>)
          tpu.yield
        }) : () -> ()
        %add3A_108 = arith.constant 2 : i32
        %add3A_109 = arith.addi %mul3A_93, %add3A_108 : i32
        %dma_start3A_110 = arith.constant 0 : i32
        %dma_start3A_111 = tpu.memref_slice %arg6[%add3A_109, %dma_start3A_110] : memref<32x80xi32, #tpu.memory_space<vmem>> -> memref<1x80xi32, #tpu.memory_space<vmem>>
        %dma_start3A_112 = tpu.memref_squeeze %dma_start3A_111 : memref<1x80xi32, #tpu.memory_space<vmem>> -> memref<80xi32, #tpu.memory_space<vmem>>
        %dma_start3A_113 = arith.constant 0 : i32
        %dma_start3A_114 = arith.constant 0 : i32
        %dma_start3A_115 = tpu.memref_slice %arg2[%dma_start3A_113, %dma_start3A_114] : memref<10000x128xf32, #tpu.memory_space<hbm>> -> memref<10000x128xf32, #tpu.memory_space<hbm>>
        tpu.enqueue_indirect_dma source(%dma_start3A_115 : memref<10000x128xf32, #tpu.memory_space<hbm>>) target(%arg8 : memref<80x128xf32, #tpu.memory_space<vmem>>) offsets(%dma_start3A_112 : memref<80xi32, #tpu.memory_space<vmem>>) semaphore(%arg12 : memref<!tpu.dma_semaphore, #tpu.memory_space<semaphore_mem>>)
        %add3A_116 = arith.constant 1 : i32
        %add3A_117 = arith.addi %mul3A_93, %add3A_116 : i32
        %dma_wait3A_118 = arith.constant 0 : i32
        %dma_wait3A_119 = tpu.memref_slice %arg6[%add3A_117, %dma_wait3A_118] : memref<32x80xi32, #tpu.memory_space<vmem>> -> memref<1x80xi32, #tpu.memory_space<vmem>>
        %dma_wait3A_120 = tpu.memref_squeeze %dma_wait3A_119 : memref<1x80xi32, #tpu.memory_space<vmem>> -> memref<80xi32, #tpu.memory_space<vmem>>
        %dma_wait3A_121 = arith.constant 0 : i32
        %dma_wait3A_122 = arith.constant 0 : i32
        %dma_wait3A_123 = tpu.memref_slice %arg2[%dma_wait3A_121, %dma_wait3A_122] : memref<10000x128xf32, #tpu.memory_space<hbm>> -> memref<10000x128xf32, #tpu.memory_space<hbm>>
        tpu.wait_indirect_dma semaphore(%arg13 : memref<!tpu.dma_semaphore, #tpu.memory_space<semaphore_mem>>) src(%dma_wait3A_123 : memref<10000x128xf32, #tpu.memory_space<hbm>>) dst(%arg9 : memref<80x128xf32, #tpu.memory_space<vmem>>)
        %add3A_124 = arith.constant 1 : i32
        %add3A_125 = arith.addi %mul3A_93, %add3A_124 : i32
        "tpu.region"() ({
          %run_scoped3A_126 = tpu.sem_alloc : memref<!tpu.dma_semaphore, #tpu.memory_space<semaphore_mem>>
          %dma_start3A_127 = arith.constant 0 : i32
          %dma_start3A_128 = tpu.memref_slice %arg7[%add3A_125, %dma_start3A_127] : memref<32x80xi32, #tpu.memory_space<vmem>> -> memref<1x80xi32, #tpu.memory_space<vmem>>
          %dma_start3A_129 = tpu.memref_squeeze %dma_start3A_128 : memref<1x80xi32, #tpu.memory_space<vmem>> -> memref<80xi32, #tpu.memory_space<vmem>>
          %dma_start3A_130 = arith.constant 0 : i32
          %dma_start3A_131 = arith.constant 0 : i32
          %dma_start3A_132 = tpu.memref_slice %arg10[%dma_start3A_130, %dma_start3A_131] : memref<10240x128xf32, #tpu.memory_space<vmem_shared>> -> memref<10240x128xf32, #tpu.memory_space<vmem_shared>>
          tpu.enqueue_indirect_dma source(%arg9 : memref<80x128xf32, #tpu.memory_space<vmem>>) target(%dma_start3A_132 : memref<10240x128xf32, #tpu.memory_space<vmem_shared>>) offsets(%dma_start3A_129 : memref<80xi32, #tpu.memory_space<vmem>>) semaphore(%run_scoped3A_126 : memref<!tpu.dma_semaphore, #tpu.memory_space<semaphore_mem>>) {add = true}
          %dma_wait3A_133 = arith.constant 0 : i32
          %dma_wait3A_134 = tpu.memref_slice %arg7[%add3A_125, %dma_wait3A_133] : memref<32x80xi32, #tpu.memory_space<vmem>> -> memref<1x80xi32, #tpu.memory_space<vmem>>
          %dma_wait3A_135 = tpu.memref_squeeze %dma_wait3A_134 : memref<1x80xi32, #tpu.memory_space<vmem>> -> memref<80xi32, #tpu.memory_space<vmem>>
          %dma_wait3A_136 = arith.constant 0 : i32
          %dma_wait3A_137 = arith.constant 0 : i32
          %dma_wait3A_138 = tpu.memref_slice %arg10[%dma_wait3A_136, %dma_wait3A_137] : memref<10240x128xf32, #tpu.memory_space<vmem_shared>> -> memref<10240x128xf32, #tpu.memory_space<vmem_shared>>
          tpu.wait_indirect_dma semaphore(%run_scoped3A_126 : memref<!tpu.dma_semaphore, #tpu.memory_space<semaphore_mem>>) src(%arg9 : memref<80x128xf32, #tpu.memory_space<vmem>>) dst(%dma_wait3A_138 : memref<10240x128xf32, #tpu.memory_space<vmem_shared>>)
          tpu.yield
        }) : () -> ()
      }
      %scan3A_64 = arith.constant 15 : i32
      %dma_start3A_65 = arith.constant 31 : i32
      %dma_start3A_66 = arith.constant 0 : i32
      %dma_start3A_67 = tpu.memref_slice %arg6[%dma_start3A_65, %dma_start3A_66] : memref<32x80xi32, #tpu.memory_space<vmem>> -> memref<1x80xi32, #tpu.memory_space<vmem>>
      %dma_start3A_68 = tpu.memref_squeeze %dma_start3A_67 : memref<1x80xi32, #tpu.memory_space<vmem>> -> memref<80xi32, #tpu.memory_space<vmem>>
      %dma_start3A_69 = arith.constant 0 : i32
      %dma_start3A_70 = arith.constant 0 : i32
      %dma_start3A_71 = tpu.memref_slice %arg2[%dma_start3A_69, %dma_start3A_70] : memref<10000x128xf32, #tpu.memory_space<hbm>> -> memref<10000x128xf32, #tpu.memory_space<hbm>>
      tpu.enqueue_indirect_dma source(%dma_start3A_71 : memref<10000x128xf32, #tpu.memory_space<hbm>>) target(%arg9 : memref<80x128xf32, #tpu.memory_space<vmem>>) offsets(%dma_start3A_68 : memref<80xi32, #tpu.memory_space<vmem>>) semaphore(%arg13 : memref<!tpu.dma_semaphore, #tpu.memory_space<semaphore_mem>>)
      %dma_wait3A_72 = arith.constant 30 : i32
      %dma_wait3A_73 = arith.constant 0 : i32
      %dma_wait3A_74 = tpu.memref_slice %arg6[%dma_wait3A_72, %dma_wait3A_73] : memref<32x80xi32, #tpu.memory_space<vmem>> -> memref<1x80xi32, #tpu.memory_space<vmem>>
      %dma_wait3A_75 = tpu.memref_squeeze %dma_wait3A_74 : memref<1x80xi32, #tpu.memory_space<vmem>> -> memref<80xi32, #tpu.memory_space<vmem>>
      %dma_wait3A_76 = arith.constant 0 : i32
      %dma_wait3A_77 = arith.constant 0 : i32
      %dma_wait3A_78 = tpu.memref_slice %arg2[%dma_wait3A_76, %dma_wait3A_77] : memref<10000x128xf32, #tpu.memory_space<hbm>> -> memref<10000x128xf32, #tpu.memory_space<hbm>>
      tpu.wait_indirect_dma semaphore(%arg12 : memref<!tpu.dma_semaphore, #tpu.memory_space<semaphore_mem>>) src(%dma_wait3A_78 : memref<10000x128xf32, #tpu.memory_space<hbm>>) dst(%arg8 : memref<80x128xf32, #tpu.memory_space<vmem>>)
      %run_scoped3A = arith.constant 30 : i32
      "tpu.region"() ({
        %run_scoped3A_87 = tpu.sem_alloc : memref<!tpu.dma_semaphore, #tpu.memory_space<semaphore_mem>>
        %dma_start3A_88 = arith.constant 0 : i32
        %dma_start3A_89 = tpu.memref_slice %arg7[%run_scoped3A, %dma_start3A_88] : memref<32x80xi32, #tpu.memory_space<vmem>> -> memref<1x80xi32, #tpu.memory_space<vmem>>
        %dma_start3A_90 = tpu.memref_squeeze %dma_start3A_89 : memref<1x80xi32, #tpu.memory_space<vmem>> -> memref<80xi32, #tpu.memory_space<vmem>>
        %dma_start3A_91 = arith.constant 0 : i32
        %dma_start3A_92 = arith.constant 0 : i32
        %dma_start3A_93 = tpu.memref_slice %arg10[%dma_start3A_91, %dma_start3A_92] : memref<10240x128xf32, #tpu.memory_space<vmem_shared>> -> memref<10240x128xf32, #tpu.memory_space<vmem_shared>>
        tpu.enqueue_indirect_dma source(%arg8 : memref<80x128xf32, #tpu.memory_space<vmem>>) target(%dma_start3A_93 : memref<10240x128xf32, #tpu.memory_space<vmem_shared>>) offsets(%dma_start3A_90 : memref<80xi32, #tpu.memory_space<vmem>>) semaphore(%run_scoped3A_87 : memref<!tpu.dma_semaphore, #tpu.memory_space<semaphore_mem>>) {add = true}
        %dma_wait3A_94 = arith.constant 0 : i32
        %dma_wait3A_95 = tpu.memref_slice %arg7[%run_scoped3A, %dma_wait3A_94] : memref<32x80xi32, #tpu.memory_space<vmem>> -> memref<1x80xi32, #tpu.memory_space<vmem>>
        %dma_wait3A_96 = tpu.memref_squeeze %dma_wait3A_95 : memref<1x80xi32, #tpu.memory_space<vmem>> -> memref<80xi32, #tpu.memory_space<vmem>>
        %dma_wait3A_97 = arith.constant 0 : i32
        %dma_wait3A_98 = arith.constant 0 : i32
        %dma_wait3A_99 = tpu.memref_slice %arg10[%dma_wait3A_97, %dma_wait3A_98] : memref<10240x128xf32, #tpu.memory_space<vmem_shared>> -> memref<10240x128xf32, #tpu.memory_space<vmem_shared>>
        tpu.wait_indirect_dma semaphore(%run_scoped3A_87 : memref<!tpu.dma_semaphore, #tpu.memory_space<semaphore_mem>>) src(%arg8 : memref<80x128xf32, #tpu.memory_space<vmem>>) dst(%dma_wait3A_99 : memref<10240x128xf32, #tpu.memory_space<vmem_shared>>)
        tpu.yield
      }) : () -> ()
      %dma_wait3A_79 = arith.constant 31 : i32
      %dma_wait3A_80 = arith.constant 0 : i32
      %dma_wait3A_81 = tpu.memref_slice %arg6[%dma_wait3A_79, %dma_wait3A_80] : memref<32x80xi32, #tpu.memory_space<vmem>> -> memref<1x80xi32, #tpu.memory_space<vmem>>
      %dma_wait3A_82 = tpu.memref_squeeze %dma_wait3A_81 : memref<1x80xi32, #tpu.memory_space<vmem>> -> memref<80xi32, #tpu.memory_space<vmem>>
      %dma_wait3A_83 = arith.constant 0 : i32
      %dma_wait3A_84 = arith.constant 0 : i32
      %dma_wait3A_85 = tpu.memref_slice %arg2[%dma_wait3A_83, %dma_wait3A_84] : memref<10000x128xf32, #tpu.memory_space<hbm>> -> memref<10000x128xf32, #tpu.memory_space<hbm>>
      tpu.wait_indirect_dma semaphore(%arg13 : memref<!tpu.dma_semaphore, #tpu.memory_space<semaphore_mem>>) src(%dma_wait3A_85 : memref<10000x128xf32, #tpu.memory_space<hbm>>) dst(%arg9 : memref<80x128xf32, #tpu.memory_space<vmem>>)
      %run_scoped3A_86 = arith.constant 31 : i32
      "tpu.region"() ({
        %run_scoped3A_87 = tpu.sem_alloc : memref<!tpu.dma_semaphore, #tpu.memory_space<semaphore_mem>>
        %dma_start3A_88 = arith.constant 0 : i32
        %dma_start3A_89 = tpu.memref_slice %arg7[%run_scoped3A_86, %dma_start3A_88] : memref<32x80xi32, #tpu.memory_space<vmem>> -> memref<1x80xi32, #tpu.memory_space<vmem>>
        %dma_start3A_90 = tpu.memref_squeeze %dma_start3A_89 : memref<1x80xi32, #tpu.memory_space<vmem>> -> memref<80xi32, #tpu.memory_space<vmem>>
        %dma_start3A_91 = arith.constant 0 : i32
        %dma_start3A_92 = arith.constant 0 : i32
        %dma_start3A_93 = tpu.memref_slice %arg10[%dma_start3A_91, %dma_start3A_92] : memref<10240x128xf32, #tpu.memory_space<vmem_shared>> -> memref<10240x128xf32, #tpu.memory_space<vmem_shared>>
        tpu.enqueue_indirect_dma source(%arg9 : memref<80x128xf32, #tpu.memory_space<vmem>>) target(%dma_start3A_93 : memref<10240x128xf32, #tpu.memory_space<vmem_shared>>) offsets(%dma_start3A_90 : memref<80xi32, #tpu.memory_space<vmem>>) semaphore(%run_scoped3A_87 : memref<!tpu.dma_semaphore, #tpu.memory_space<semaphore_mem>>) {add = true}
        %dma_wait3A_94 = arith.constant 0 : i32
        %dma_wait3A_95 = tpu.memref_slice %arg7[%run_scoped3A_86, %dma_wait3A_94] : memref<32x80xi32, #tpu.memory_space<vmem>> -> memref<1x80xi32, #tpu.memory_space<vmem>>
        %dma_wait3A_96 = tpu.memref_squeeze %dma_wait3A_95 : memref<1x80xi32, #tpu.memory_space<vmem>> -> memref<80xi32, #tpu.memory_space<vmem>>
        %dma_wait3A_97 = arith.constant 0 : i32
        %dma_wait3A_98 = arith.constant 0 : i32
        %dma_wait3A_99 = tpu.memref_slice %arg10[%dma_wait3A_97, %dma_wait3A_98] : memref<10240x128xf32, #tpu.memory_space<vmem_shared>> -> memref<10240x128xf32, #tpu.memory_space<vmem_shared>>
        tpu.wait_indirect_dma semaphore(%run_scoped3A_87 : memref<!tpu.dma_semaphore, #tpu.memory_space<semaphore_mem>>) src(%arg9 : memref<80x128xf32, #tpu.memory_space<vmem>>) dst(%dma_wait3A_99 : memref<10240x128xf32, #tpu.memory_space<vmem_shared>>)
        tpu.yield
      }) : () -> ()
    }
    %scan3A_15 = arith.constant 4 : i32
    %barrier3A_16 = arith.constant 0 : index
    tpu.barrier barrier_id(%barrier3A_16)
    %scan3A_17 = arith.constant 0 : i32
    %scan3A_18 = arith.constant 8 : i32
    %scan3A_19 = arith.addi %scan3A_17, %scan3A_18 : i32
    %scan3A_20 = arith.constant 1 : i32
    scf.for %scan3A_22 = %scan3A_17 to %scan3A_19 step %scan3A_20  : i32 {
      %mul3A_23 = arith.constant 1 : i32
      %mul3A_24 = arith.muli %scan3A_22, %mul3A_23 : i32
      %add3A_25 = arith.constant 0 : i32
      %add3A_26 = arith.addi %add3A_25, %mul3A_24 : i32
      %mul3A_27 = arith.constant 640 : i32
      %mul3A_28 = arith.muli %arg1, %mul3A_27 : i32
      %mul3A_29 = arith.constant 80 : i32
      %mul3A_30 = arith.muli %add3A_26, %mul3A_29 : i32
      %add3A_31 = arith.addi %mul3A_28, %mul3A_30 : i32
      "tpu.region"() ({
        %run_scoped3A = tpu.sem_alloc : memref<!tpu.dma_semaphore, #tpu.memory_space<semaphore_mem>>
        %dma_start3A = arith.constant 0 : i32
        %dma_start3A_37 = tpu.memref_slice %arg10[%add3A_31, %dma_start3A] : memref<10240x128xf32, #tpu.memory_space<vmem_shared>> -> memref<80x128xf32, #tpu.memory_space<vmem_shared>>
        %dma_start3A_38 = arith.constant 0 : i32
        %dma_start3A_39 = tpu.memref_slice %arg10[%add3A_31, %dma_start3A_38] : memref<10240x128xf32, #tpu.memory_space<vmem_shared>> -> memref<80x128xf32, #tpu.memory_space<vmem_shared>>
        tpu.enqueue_dma source(%dma_start3A_39 : memref<80x128xf32, #tpu.memory_space<vmem_shared>>) target(%arg8 : memref<80x128xf32, #tpu.memory_space<vmem>>) target_semaphore(%run_scoped3A : memref<!tpu.dma_semaphore, #tpu.memory_space<semaphore_mem>>)
        %dma_wait3A = arith.constant 0 : i32
        %dma_wait3A_40 = tpu.memref_slice %arg10[%add3A_31, %dma_wait3A] : memref<10240x128xf32, #tpu.memory_space<vmem_shared>> -> memref<80x128xf32, #tpu.memory_space<vmem_shared>>
        %dma_wait3A_41 = arith.constant 0 : i32
        %dma_wait3A_42 = tpu.memref_slice %arg10[%add3A_31, %dma_wait3A_41] : memref<10240x128xf32, #tpu.memory_space<vmem_shared>> -> memref<80x128xf32, #tpu.memory_space<vmem_shared>>
        tpu.wait_dma2 semaphore(%run_scoped3A : memref<!tpu.dma_semaphore, #tpu.memory_space<semaphore_mem>>) src(%dma_wait3A_42 : memref<80x128xf32, #tpu.memory_space<vmem_shared>>) dst(%arg8 : memref<80x128xf32, #tpu.memory_space<vmem>>)
        tpu.yield
      }) : () -> ()
      %mul3A_32 = arith.constant 640 : i32
      %mul3A_33 = arith.muli %arg1, %mul3A_32 : i32
      %mul3A_34 = arith.constant 80 : i32
      %mul3A_35 = arith.muli %add3A_26, %mul3A_34 : i32
      %add3A_36 = arith.addi %mul3A_33, %mul3A_35 : i32
      "tpu.region"() ({
        %run_scoped3A = tpu.sem_alloc : memref<!tpu.dma_semaphore, #tpu.memory_space<semaphore_mem>>
        %dma_start3A = arith.constant 0 : i32
        %dma_start3A_37 = tpu.memref_slice %arg5[%arg0, %add3A_36, %dma_start3A] : memref<2x10240x128xf32, #tpu.memory_space<hbm>> -> memref<1x80x128xf32, #tpu.memory_space<hbm>>
        %dma_start3A_38 = tpu.memref_squeeze %dma_start3A_37 : memref<1x80x128xf32, #tpu.memory_space<hbm>> -> memref<80x128xf32, #tpu.memory_space<hbm>>
        %dma_start3A_39 = arith.constant 0 : i32
        %dma_start3A_40 = tpu.memref_slice %arg5[%arg0, %add3A_36, %dma_start3A_39] : memref<2x10240x128xf32, #tpu.memory_space<hbm>> -> memref<1x80x128xf32, #tpu.memory_space<hbm>>
        %dma_start3A_41 = tpu.memref_squeeze %dma_start3A_40 : memref<1x80x128xf32, #tpu.memory_space<hbm>> -> memref<80x128xf32, #tpu.memory_space<hbm>>
        tpu.enqueue_dma source(%arg8 : memref<80x128xf32, #tpu.memory_space<vmem>>) target(%dma_start3A_41 : memref<80x128xf32, #tpu.memory_space<hbm>>) target_semaphore(%run_scoped3A : memref<!tpu.dma_semaphore, #tpu.memory_space<semaphore_mem>>)
        %dma_wait3A = arith.constant 0 : i32
        %dma_wait3A_42 = tpu.memref_slice %arg5[%arg0, %add3A_36, %dma_wait3A] : memref<2x10240x128xf32, #tpu.memory_space<hbm>> -> memref<1x80x128xf32, #tpu.memory_space<hbm>>
        %dma_wait3A_43 = tpu.memref_squeeze %dma_wait3A_42 : memref<1x80x128xf32, #tpu.memory_space<hbm>> -> memref<80x128xf32, #tpu.memory_space<hbm>>
        %dma_wait3A_44 = arith.constant 0 : i32
        %dma_wait3A_45 = tpu.memref_slice %arg5[%arg0, %add3A_36, %dma_wait3A_44] : memref<2x10240x128xf32, #tpu.memory_space<hbm>> -> memref<1x80x128xf32, #tpu.memory_space<hbm>>
        %dma_wait3A_46 = tpu.memref_squeeze %dma_wait3A_45 : memref<1x80x128xf32, #tpu.memory_space<hbm>> -> memref<80x128xf32, #tpu.memory_space<hbm>>
        tpu.wait_dma2 semaphore(%run_scoped3A : memref<!tpu.dma_semaphore, #tpu.memory_space<semaphore_mem>>) src(%arg8 : memref<80x128xf32, #tpu.memory_space<vmem>>) dst(%dma_wait3A_46 : memref<80x128xf32, #tpu.memory_space<hbm>>)
        tpu.yield
      }) : () -> ()
    }
    %scan3A_21 = arith.constant 8 : i32
    return
  }
}

#map = affine_map<(d0, d1) -> (0, 0, 0)>
#map1 = affine_map<(d0, d1) -> (0, 0)>
module attributes {stable_mosaic.version = 14 : i64} {
  func.func @_deg_body(%arg0: i32, %arg1: i32, %arg2: memref<32x128x80xi32, #tpu.memory_space<hbm>>, %arg3: memref<32x128x80xi32, #tpu.memory_space<hbm>>, %arg4: memref<32x10000xf32, #tpu.memory_space<hbm>>, %arg5: memref<32x10000xf32, #tpu.memory_space<hbm>>, %arg6: memref<128x80xi32, #tpu.memory_space<vmem>>, %arg7: memref<128x80xi32, #tpu.memory_space<vmem>>, %arg8: memref<10000xf32, #tpu.memory_space<vmem>>, %arg9: memref<10000xf32, #tpu.memory_space<vmem>>, %arg10: memref<!tpu.dma_semaphore, #tpu.memory_space<semaphore_mem>>) attributes {dimension_semantics = [#tpu.dimension_semantics<core_parallel>, #tpu.dimension_semantics<subcore_parallel>], iteration_bounds = array<i64: 2, 16>, scalar_prefetch = 0 : i64, scratch_operands = 5 : i64, tpu.core_type = #tpu.core_type<sc_vector_subcore>, window_params = [{transform_indices = #map}, {transform_indices = #map}, {transform_indices = #map1}, {transform_indices = #map1}]} {
    %mul3A = arith.constant 16 : i32
    %mul3A_0 = arith.muli %arg0, %mul3A : i32
    %add3A = arith.addi %mul3A_0, %arg1 : i32
    %broadcast_in_dim3A = arith.constant 0.000000e+00 : f32
    %broadcast_in_dim3A_1 = vector.broadcast %broadcast_in_dim3A : f32 to vector<16xf32>
    %broadcast_in_dim3A_2 = arith.constant 1.000000e+00 : f32
    %broadcast_in_dim3A_3 = vector.broadcast %broadcast_in_dim3A_2 : f32 to vector<16xf32>
    %scan3A = arith.constant 0 : i32
    %scan3A_4 = arith.constant 625 : i32
    %scan3A_5 = arith.addi %scan3A, %scan3A_4 : i32
    %scan3A_6 = arith.constant 1 : i32
    scf.for %scan3A_67 = %scan3A to %scan3A_5 step %scan3A_6  : i32 {
      %mul3A_68 = arith.constant 1 : i32
      %mul3A_69 = arith.muli %scan3A_67, %mul3A_68 : i32
      %add3A_70 = arith.constant 0 : i32
      %add3A_71 = arith.addi %add3A_70, %mul3A_69 : i32
      %mul3A_72 = arith.constant 16 : i32
      %mul3A_73 = arith.muli %add3A_71, %mul3A_72 : i32
      %swap3A = arith.index_cast %mul3A_73 : i32 to index
      %swap3A_74 = tpu.vector_load %arg8[%swap3A] {strides = array<i32>} : memref<10000xf32, #tpu.memory_space<vmem>>, vector<16xf32>,
      tpu.vector_store %arg8[%swap3A], %broadcast_in_dim3A_1 {strides = array<i32>} : memref<10000xf32, #tpu.memory_space<vmem>>, vector<16xf32>,
      %mul3A_75 = arith.constant 16 : i32
      %mul3A_76 = arith.muli %add3A_71, %mul3A_75 : i32
      %swap3A_77 = arith.index_cast %mul3A_76 : i32 to index
      %swap3A_78 = tpu.vector_load %arg9[%swap3A_77] {strides = array<i32>} : memref<10000xf32, #tpu.memory_space<vmem>>, vector<16xf32>,
      tpu.vector_store %arg9[%swap3A_77], %broadcast_in_dim3A_1 {strides = array<i32>} : memref<10000xf32, #tpu.memory_space<vmem>>, vector<16xf32>,
    }
    %scan3A_7 = arith.constant 625 : i32
    %dma_start3A = arith.constant 0 : i32
    %dma_start3A_8 = arith.constant 0 : i32
    %dma_start3A_9 = tpu.memref_slice %arg2[%add3A, %dma_start3A, %dma_start3A_8] : memref<32x128x80xi32, #tpu.memory_space<hbm>> -> memref<1x128x80xi32, #tpu.memory_space<hbm>>
    %dma_start3A_10 = tpu.memref_squeeze %dma_start3A_9 : memref<1x128x80xi32, #tpu.memory_space<hbm>> -> memref<128x80xi32, #tpu.memory_space<hbm>>
    %dma_start3A_11 = arith.constant 0 : i32
    %dma_start3A_12 = arith.constant 0 : i32
    %dma_start3A_13 = tpu.memref_slice %arg2[%add3A, %dma_start3A_11, %dma_start3A_12] : memref<32x128x80xi32, #tpu.memory_space<hbm>> -> memref<1x128x80xi32, #tpu.memory_space<hbm>>
    %dma_start3A_14 = tpu.memref_squeeze %dma_start3A_13 : memref<1x128x80xi32, #tpu.memory_space<hbm>> -> memref<128x80xi32, #tpu.memory_space<hbm>>
    tpu.enqueue_dma source(%dma_start3A_14 : memref<128x80xi32, #tpu.memory_space<hbm>>) target(%arg6 : memref<128x80xi32, #tpu.memory_space<vmem>>) target_semaphore(%arg10 : memref<!tpu.dma_semaphore, #tpu.memory_space<semaphore_mem>>)
    %dma_wait3A = arith.constant 0 : i32
    %dma_wait3A_15 = arith.constant 0 : i32
    %dma_wait3A_16 = tpu.memref_slice %arg2[%add3A, %dma_wait3A, %dma_wait3A_15] : memref<32x128x80xi32, #tpu.memory_space<hbm>> -> memref<1x128x80xi32, #tpu.memory_space<hbm>>
    %dma_wait3A_17 = tpu.memref_squeeze %dma_wait3A_16 : memref<1x128x80xi32, #tpu.memory_space<hbm>> -> memref<128x80xi32, #tpu.memory_space<hbm>>
    %dma_wait3A_18 = arith.constant 0 : i32
    %dma_wait3A_19 = arith.constant 0 : i32
    %dma_wait3A_20 = tpu.memref_slice %arg2[%add3A, %dma_wait3A_18, %dma_wait3A_19] : memref<32x128x80xi32, #tpu.memory_space<hbm>> -> memref<1x128x80xi32, #tpu.memory_space<hbm>>
    %dma_wait3A_21 = tpu.memref_squeeze %dma_wait3A_20 : memref<1x128x80xi32, #tpu.memory_space<hbm>> -> memref<128x80xi32, #tpu.memory_space<hbm>>
    tpu.wait_dma2 semaphore(%arg10 : memref<!tpu.dma_semaphore, #tpu.memory_space<semaphore_mem>>) src(%dma_wait3A_21 : memref<128x80xi32, #tpu.memory_space<hbm>>) dst(%arg6 : memref<128x80xi32, #tpu.memory_space<vmem>>)
    %dma_start3A_22 = arith.constant 0 : i32
    %dma_start3A_23 = arith.constant 0 : i32
    %dma_start3A_24 = tpu.memref_slice %arg3[%add3A, %dma_start3A_22, %dma_start3A_23] : memref<32x128x80xi32, #tpu.memory_space<hbm>> -> memref<1x128x80xi32, #tpu.memory_space<hbm>>
    %dma_start3A_25 = tpu.memref_squeeze %dma_start3A_24 : memref<1x128x80xi32, #tpu.memory_space<hbm>> -> memref<128x80xi32, #tpu.memory_space<hbm>>
    %dma_start3A_26 = arith.constant 0 : i32
    %dma_start3A_27 = arith.constant 0 : i32
    %dma_start3A_28 = tpu.memref_slice %arg3[%add3A, %dma_start3A_26, %dma_start3A_27] : memref<32x128x80xi32, #tpu.memory_space<hbm>> -> memref<1x128x80xi32, #tpu.memory_space<hbm>>
    %dma_start3A_29 = tpu.memref_squeeze %dma_start3A_28 : memref<1x128x80xi32, #tpu.memory_space<hbm>> -> memref<128x80xi32, #tpu.memory_space<hbm>>
    tpu.enqueue_dma source(%dma_start3A_29 : memref<128x80xi32, #tpu.memory_space<hbm>>) target(%arg7 : memref<128x80xi32, #tpu.memory_space<vmem>>) target_semaphore(%arg10 : memref<!tpu.dma_semaphore, #tpu.memory_space<semaphore_mem>>)
    %dma_wait3A_30 = arith.constant 0 : i32
    %dma_wait3A_31 = arith.constant 0 : i32
    %dma_wait3A_32 = tpu.memref_slice %arg3[%add3A, %dma_wait3A_30, %dma_wait3A_31] : memref<32x128x80xi32, #tpu.memory_space<hbm>> -> memref<1x128x80xi32, #tpu.memory_space<hbm>>
    %dma_wait3A_33 = tpu.memref_squeeze %dma_wait3A_32 : memref<1x128x80xi32, #tpu.memory_space<hbm>> -> memref<128x80xi32, #tpu.memory_space<hbm>>
    %dma_wait3A_34 = arith.constant 0 : i32
    %dma_wait3A_35 = arith.constant 0 : i32
    %dma_wait3A_36 = tpu.memref_slice %arg3[%add3A, %dma_wait3A_34, %dma_wait3A_35] : memref<32x128x80xi32, #tpu.memory_space<hbm>> -> memref<1x128x80xi32, #tpu.memory_space<hbm>>
    %dma_wait3A_37 = tpu.memref_squeeze %dma_wait3A_36 : memref<1x128x80xi32, #tpu.memory_space<hbm>> -> memref<128x80xi32, #tpu.memory_space<hbm>>
    tpu.wait_dma2 semaphore(%arg10 : memref<!tpu.dma_semaphore, #tpu.memory_space<semaphore_mem>>) src(%dma_wait3A_37 : memref<128x80xi32, #tpu.memory_space<hbm>>) dst(%arg7 : memref<128x80xi32, #tpu.memory_space<vmem>>)
    %scan3A_38 = arith.constant 0 : i32
    %scan3A_39 = arith.constant 125 : i32
    %scan3A_40 = arith.addi %scan3A_38, %scan3A_39 : i32
    %scan3A_41 = arith.constant 1 : i32
    scf.for %scan3A_67 = %scan3A_38 to %scan3A_40 step %scan3A_41  : i32 {
      %mul3A_68 = arith.constant 1 : i32
      %mul3A_69 = arith.muli %scan3A_67, %mul3A_68 : i32
      %add3A_70 = arith.constant 0 : i32
      %add3A_71 = arith.addi %add3A_70, %mul3A_69 : i32
      %scan3A_72 = arith.constant 0 : i32
      %scan3A_73 = arith.constant 5 : i32
      %scan3A_74 = arith.addi %scan3A_72, %scan3A_73 : i32
      %scan3A_75 = arith.constant 1 : i32
      scf.for %scan3A_77 = %scan3A_72 to %scan3A_74 step %scan3A_75  : i32 {
        %mul3A_78 = arith.constant 1 : i32
        %mul3A_79 = arith.muli %scan3A_77, %mul3A_78 : i32
        %add3A_80 = arith.constant 0 : i32
        %add3A_81 = arith.addi %add3A_80, %mul3A_79 : i32
        %mul3A_82 = arith.constant 16 : i32
        %mul3A_83 = arith.muli %add3A_81, %mul3A_82 : i32
        %get3A = arith.index_cast %add3A_71 : i32 to index
        %get3A_84 = arith.index_cast %mul3A_83 : i32 to index
        %get3A_85 = tpu.vector_load %arg6[%get3A, %get3A_84] {strides = array<i32>} : memref<128x80xi32, #tpu.memory_space<vmem>>, vector<16xi32>,
        tpu.vector_store_idx %arg8[%get3A_85], %broadcast_in_dim3A_3 {add = true} : memref<10000xf32, #tpu.memory_space<vmem>>[vector<16xi32>], vector<16xf32>,
        %mul3A_86 = arith.constant 16 : i32
        %mul3A_87 = arith.muli %add3A_81, %mul3A_86 : i32
        %get3A_88 = arith.index_cast %add3A_71 : i32 to index
        %get3A_89 = arith.index_cast %mul3A_87 : i32 to index
        %get3A_90 = tpu.vector_load %arg7[%get3A_88, %get3A_89] {strides = array<i32>} : memref<128x80xi32, #tpu.memory_space<vmem>>, vector<16xi32>,
        tpu.vector_store_idx %arg9[%get3A_90], %broadcast_in_dim3A_3 {add = true} : memref<10000xf32, #tpu.memory_space<vmem>>[vector<16xi32>], vector<16xf32>,
      }
      %scan3A_76 = arith.constant 5 : i32
    }
    %scan3A_42 = arith.constant 125 : i32
    %dma_start3A_43 = arith.constant 0 : i32
    %dma_start3A_44 = tpu.memref_slice %arg4[%add3A, %dma_start3A_43] : memref<32x10000xf32, #tpu.memory_space<hbm>> -> memref<1x10000xf32, #tpu.memory_space<hbm>>
    %dma_start3A_45 = tpu.memref_squeeze %dma_start3A_44 : memref<1x10000xf32, #tpu.memory_space<hbm>> -> memref<10000xf32, #tpu.memory_space<hbm>>
    %dma_start3A_46 = arith.constant 0 : i32
    %dma_start3A_47 = tpu.memref_slice %arg4[%add3A, %dma_start3A_46] : memref<32x10000xf32, #tpu.memory_space<hbm>> -> memref<1x10000xf32, #tpu.memory_space<hbm>>
    %dma_start3A_48 = tpu.memref_squeeze %dma_start3A_47 : memref<1x10000xf32, #tpu.memory_space<hbm>> -> memref<10000xf32, #tpu.memory_space<hbm>>
    tpu.enqueue_dma source(%arg8 : memref<10000xf32, #tpu.memory_space<vmem>>) target(%dma_start3A_48 : memref<10000xf32, #tpu.memory_space<hbm>>) target_semaphore(%arg10 : memref<!tpu.dma_semaphore, #tpu.memory_space<semaphore_mem>>)
    %dma_wait3A_49 = arith.constant 0 : i32
    %dma_wait3A_50 = tpu.memref_slice %arg4[%add3A, %dma_wait3A_49] : memref<32x10000xf32, #tpu.memory_space<hbm>> -> memref<1x10000xf32, #tpu.memory_space<hbm>>
    %dma_wait3A_51 = tpu.memref_squeeze %dma_wait3A_50 : memref<1x10000xf32, #tpu.memory_space<hbm>> -> memref<10000xf32, #tpu.memory_space<hbm>>
    %dma_wait3A_52 = arith.constant 0 : i32
    %dma_wait3A_53 = tpu.memref_slice %arg4[%add3A, %dma_wait3A_52] : memref<32x10000xf32, #tpu.memory_space<hbm>> -> memref<1x10000xf32, #tpu.memory_space<hbm>>
    %dma_wait3A_54 = tpu.memref_squeeze %dma_wait3A_53 : memref<1x10000xf32, #tpu.memory_space<hbm>> -> memref<10000xf32, #tpu.memory_space<hbm>>
    tpu.wait_dma2 semaphore(%arg10 : memref<!tpu.dma_semaphore, #tpu.memory_space<semaphore_mem>>) src(%arg8 : memref<10000xf32, #tpu.memory_space<vmem>>) dst(%dma_wait3A_54 : memref<10000xf32, #tpu.memory_space<hbm>>)
    %dma_start3A_55 = arith.constant 0 : i32
    %dma_start3A_56 = tpu.memref_slice %arg5[%add3A, %dma_start3A_55] : memref<32x10000xf32, #tpu.memory_space<hbm>> -> memref<1x10000xf32, #tpu.memory_space<hbm>>
    %dma_start3A_57 = tpu.memref_squeeze %dma_start3A_56 : memref<1x10000xf32, #tpu.memory_space<hbm>> -> memref<10000xf32, #tpu.memory_space<hbm>>
    %dma_start3A_58 = arith.constant 0 : i32
    %dma_start3A_59 = tpu.memref_slice %arg5[%add3A, %dma_start3A_58] : memref<32x10000xf32, #tpu.memory_space<hbm>> -> memref<1x10000xf32, #tpu.memory_space<hbm>>
    %dma_start3A_60 = tpu.memref_squeeze %dma_start3A_59 : memref<1x10000xf32, #tpu.memory_space<hbm>> -> memref<10000xf32, #tpu.memory_space<hbm>>
    tpu.enqueue_dma source(%arg9 : memref<10000xf32, #tpu.memory_space<vmem>>) target(%dma_start3A_60 : memref<10000xf32, #tpu.memory_space<hbm>>) target_semaphore(%arg10 : memref<!tpu.dma_semaphore, #tpu.memory_space<semaphore_mem>>)
    %dma_wait3A_61 = arith.constant 0 : i32
    %dma_wait3A_62 = tpu.memref_slice %arg5[%add3A, %dma_wait3A_61] : memref<32x10000xf32, #tpu.memory_space<hbm>> -> memref<1x10000xf32, #tpu.memory_space<hbm>>
    %dma_wait3A_63 = tpu.memref_squeeze %dma_wait3A_62 : memref<1x10000xf32, #tpu.memory_space<hbm>> -> memref<10000xf32, #tpu.memory_space<hbm>>
    %dma_wait3A_64 = arith.constant 0 : i32
    %dma_wait3A_65 = tpu.memref_slice %arg5[%add3A, %dma_wait3A_64] : memref<32x10000xf32, #tpu.memory_space<hbm>> -> memref<1x10000xf32, #tpu.memory_space<hbm>>
    %dma_wait3A_66 = tpu.memref_squeeze %dma_wait3A_65 : memref<1x10000xf32, #tpu.memory_space<hbm>> -> memref<10000xf32, #tpu.memory_space<hbm>>
    tpu.wait_dma2 semaphore(%arg10 : memref<!tpu.dma_semaphore, #tpu.memory_space<semaphore_mem>>) src(%arg9 : memref<10000xf32, #tpu.memory_space<vmem>>) dst(%dma_wait3A_66 : memref<10000xf32, #tpu.memory_space<hbm>>)
    return
  }
}

#map = affine_map<(d0, d1) -> (0, 0)>
#map1 = affine_map<(d0, d1) -> (0, 0, 0)>
module attributes {stable_mosaic.version = 14 : i64} {
  func.func @_agg_body(%arg0: i32, %arg1: i32, %arg2: memref<10000x128xf32, #tpu.memory_space<hbm>>, %arg3: memref<32x128x80xi32, #tpu.memory_space<hbm>>, %arg4: memref<32x128x80xi32, #tpu.memory_space<hbm>>, %arg5: memref<2x10240x128xf32, #tpu.memory_space<hbm>>, %arg6: memref<32x80xi32, #tpu.memory_space<vmem>>, %arg7: memref<32x80xi32, #tpu.memory_space<vmem>>, %arg8: memref<80x128xf32, #tpu.memory_space<vmem>>, %arg9: memref<80x128xf32, #tpu.memory_space<vmem>>, %arg10: memref<10240x128xf32, #tpu.memory_space<vmem_shared>>, %arg11: memref<!tpu.dma_semaphore, #tpu.memory_space<semaphore_mem>>, %arg12: memref<!tpu.dma_semaphore, #tpu.memory_space<semaphore_mem>>, %arg13: memref<!tpu.dma_semaphore, #tpu.memory_space<semaphore_mem>>) attributes {dimension_semantics = [#tpu.dimension_semantics<core_parallel>, #tpu.dimension_semantics<subcore_parallel>], iteration_bounds = array<i64: 2, 16>, scalar_prefetch = 0 : i64, scratch_operands = 8 : i64, tpu.core_type = #tpu.core_type<sc_vector_subcore>, window_params = [{transform_indices = #map}, {transform_indices = #map1}, {transform_indices = #map1}, {transform_indices = #map1}]} {
    %mul3A = arith.constant 16 : i32
    %mul3A_0 = arith.muli %arg0, %mul3A : i32
    %add3A = arith.addi %mul3A_0, %arg1 : i32
    %broadcast_in_dim3A = arith.constant 0.000000e+00 : f32
    %broadcast_in_dim3A_1 = vector.broadcast %broadcast_in_dim3A : f32 to vector<16xf32>
    %scan3A = arith.constant 0 : i32
    %scan3A_2 = arith.constant 80 : i32
    %scan3A_3 = arith.addi %scan3A, %scan3A_2 : i32
    %scan3A_4 = arith.constant 1 : i32
    scf.for %scan3A_22 = %scan3A to %scan3A_3 step %scan3A_4  : i32 {
      %mul3A_23 = arith.constant 1 : i32
      %mul3A_24 = arith.muli %scan3A_22, %mul3A_23 : i32
      %add3A_25 = arith.constant 0 : i32
      %add3A_26 = arith.addi %add3A_25, %mul3A_24 : i32
      %scan3A_27 = arith.constant 0 : i32
      %scan3A_28 = arith.constant 8 : i32
      %scan3A_29 = arith.addi %scan3A_27, %scan3A_28 : i32
      %scan3A_30 = arith.constant 1 : i32
      scf.for %scan3A_32 = %scan3A_27 to %scan3A_29 step %scan3A_30  : i32 {
        %mul3A_33 = arith.constant 1 : i32
        %mul3A_34 = arith.muli %scan3A_32, %mul3A_33 : i32
        %add3A_35 = arith.constant 0 : i32
        %add3A_36 = arith.addi %add3A_35, %mul3A_34 : i32
        %mul3A_37 = arith.constant 16 : i32
        %mul3A_38 = arith.muli %add3A_36, %mul3A_37 : i32
        %swap3A = arith.index_cast %add3A_26 : i32 to index
        %swap3A_39 = arith.index_cast %mul3A_38 : i32 to index
        %swap3A_40 = tpu.vector_load %arg8[%swap3A, %swap3A_39] {strides = array<i32>} : memref<80x128xf32, #tpu.memory_space<vmem>>, vector<1x16xf32>,
        %swap3A_41 = vector.shape_cast %swap3A_40 : vector<1x16xf32> to vector<16xf32>
        %swap3A_42 = vector.shape_cast %broadcast_in_dim3A_1 : vector<16xf32> to vector<1x16xf32>
        tpu.vector_store %arg8[%swap3A, %swap3A_39], %swap3A_42 {strides = array<i32>} : memref<80x128xf32, #tpu.memory_space<vmem>>, vector<1x16xf32>,
      }
      %scan3A_31 = arith.constant 8 : i32
    }
    %scan3A_5 = arith.constant 80 : i32
    %scan3A_6 = arith.constant 0 : i32
    %scan3A_7 = arith.constant 8 : i32
    %scan3A_8 = arith.addi %scan3A_6, %scan3A_7 : i32
    %scan3A_9 = arith.constant 1 : i32
    scf.for %scan3A_22 = %scan3A_6 to %scan3A_8 step %scan3A_9  : i32 {
      %mul3A_23 = arith.constant 1 : i32
      %mul3A_24 = arith.muli %scan3A_22, %mul3A_23 : i32
      %add3A_25 = arith.constant 0 : i32
      %add3A_26 = arith.addi %add3A_25, %mul3A_24 : i32
      %mul3A_27 = arith.constant 640 : i32
      %mul3A_28 = arith.muli %arg1, %mul3A_27 : i32
      %mul3A_29 = arith.constant 80 : i32
      %mul3A_30 = arith.muli %add3A_26, %mul3A_29 : i32
      %add3A_31 = arith.addi %mul3A_28, %mul3A_30 : i32
      "tpu.region"() ({
        %run_scoped3A = tpu.sem_alloc : memref<!tpu.dma_semaphore, #tpu.memory_space<semaphore_mem>>
        %dma_start3A = arith.constant 0 : i32
        %dma_start3A_32 = tpu.memref_slice %arg10[%add3A_31, %dma_start3A] : memref<10240x128xf32, #tpu.memory_space<vmem_shared>> -> memref<80x128xf32, #tpu.memory_space<vmem_shared>>
        %dma_start3A_33 = arith.constant 0 : i32
        %dma_start3A_34 = tpu.memref_slice %arg10[%add3A_31, %dma_start3A_33] : memref<10240x128xf32, #tpu.memory_space<vmem_shared>> -> memref<80x128xf32, #tpu.memory_space<vmem_shared>>
        tpu.enqueue_dma source(%arg8 : memref<80x128xf32, #tpu.memory_space<vmem>>) target(%dma_start3A_34 : memref<80x128xf32, #tpu.memory_space<vmem_shared>>) target_semaphore(%run_scoped3A : memref<!tpu.dma_semaphore, #tpu.memory_space<semaphore_mem>>)
        %dma_wait3A = arith.constant 0 : i32
        %dma_wait3A_35 = tpu.memref_slice %arg10[%add3A_31, %dma_wait3A] : memref<10240x128xf32, #tpu.memory_space<vmem_shared>> -> memref<80x128xf32, #tpu.memory_space<vmem_shared>>
        %dma_wait3A_36 = arith.constant 0 : i32
        %dma_wait3A_37 = tpu.memref_slice %arg10[%add3A_31, %dma_wait3A_36] : memref<10240x128xf32, #tpu.memory_space<vmem_shared>> -> memref<80x128xf32, #tpu.memory_space<vmem_shared>>
        tpu.wait_dma2 semaphore(%run_scoped3A : memref<!tpu.dma_semaphore, #tpu.memory_space<semaphore_mem>>) src(%arg8 : memref<80x128xf32, #tpu.memory_space<vmem>>) dst(%dma_wait3A_37 : memref<80x128xf32, #tpu.memory_space<vmem_shared>>)
        tpu.yield
      }) : () -> ()
    }
    %scan3A_10 = arith.constant 8 : i32
    %barrier3A = arith.constant 0 : index
    tpu.barrier barrier_id(%barrier3A)
    %scan3A_11 = arith.constant 0 : i32
    %scan3A_12 = arith.constant 4 : i32
    %scan3A_13 = arith.addi %scan3A_11, %scan3A_12 : i32
    %scan3A_14 = arith.constant 1 : i32
    scf.for %scan3A_22 = %scan3A_11 to %scan3A_13 step %scan3A_14  : i32 {
      %mul3A_23 = arith.constant 1 : i32
      %mul3A_24 = arith.muli %scan3A_22, %mul3A_23 : i32
      %add3A_25 = arith.constant 0 : i32
      %add3A_26 = arith.addi %add3A_25, %mul3A_24 : i32
      %mul3A_27 = arith.constant 32 : i32
      %mul3A_28 = arith.muli %add3A_26, %mul3A_27 : i32
      %dma_start3A = arith.constant 0 : i32
      %dma_start3A_29 = tpu.memref_slice %arg3[%add3A, %mul3A_28, %dma_start3A] : memref<32x128x80xi32, #tpu.memory_space<hbm>> -> memref<1x32x80xi32, #tpu.memory_space<hbm>>
      %dma_start3A_30 = tpu.memref_squeeze %dma_start3A_29 : memref<1x32x80xi32, #tpu.memory_space<hbm>> -> memref<32x80xi32, #tpu.memory_space<hbm>>
      %dma_start3A_31 = arith.constant 0 : i32
      %dma_start3A_32 = tpu.memref_slice %arg3[%add3A, %mul3A_28, %dma_start3A_31] : memref<32x128x80xi32, #tpu.memory_space<hbm>> -> memref<1x32x80xi32, #tpu.memory_space<hbm>>
      %dma_start3A_33 = tpu.memref_squeeze %dma_start3A_32 : memref<1x32x80xi32, #tpu.memory_space<hbm>> -> memref<32x80xi32, #tpu.memory_space<hbm>>
      tpu.enqueue_dma source(%dma_start3A_33 : memref<32x80xi32, #tpu.memory_space<hbm>>) target(%arg6 : memref<32x80xi32, #tpu.memory_space<vmem>>) target_semaphore(%arg11 : memref<!tpu.dma_semaphore, #tpu.memory_space<semaphore_mem>>)
      %dma_wait3A = arith.constant 0 : i32
      %dma_wait3A_34 = tpu.memref_slice %arg3[%add3A, %mul3A_28, %dma_wait3A] : memref<32x128x80xi32, #tpu.memory_space<hbm>> -> memref<1x32x80xi32, #tpu.memory_space<hbm>>
      %dma_wait3A_35 = tpu.memref_squeeze %dma_wait3A_34 : memref<1x32x80xi32, #tpu.memory_space<hbm>> -> memref<32x80xi32, #tpu.memory_space<hbm>>
      %dma_wait3A_36 = arith.constant 0 : i32
      %dma_wait3A_37 = tpu.memref_slice %arg3[%add3A, %mul3A_28, %dma_wait3A_36] : memref<32x128x80xi32, #tpu.memory_space<hbm>> -> memref<1x32x80xi32, #tpu.memory_space<hbm>>
      %dma_wait3A_38 = tpu.memref_squeeze %dma_wait3A_37 : memref<1x32x80xi32, #tpu.memory_space<hbm>> -> memref<32x80xi32, #tpu.memory_space<hbm>>
      tpu.wait_dma2 semaphore(%arg11 : memref<!tpu.dma_semaphore, #tpu.memory_space<semaphore_mem>>) src(%dma_wait3A_38 : memref<32x80xi32, #tpu.memory_space<hbm>>) dst(%arg6 : memref<32x80xi32, #tpu.memory_space<vmem>>)
      %mul3A_39 = arith.constant 32 : i32
      %mul3A_40 = arith.muli %add3A_26, %mul3A_39 : i32
      %dma_start3A_41 = arith.constant 0 : i32
      %dma_start3A_42 = tpu.memref_slice %arg4[%add3A, %mul3A_40, %dma_start3A_41] : memref<32x128x80xi32, #tpu.memory_space<hbm>> -> memref<1x32x80xi32, #tpu.memory_space<hbm>>
      %dma_start3A_43 = tpu.memref_squeeze %dma_start3A_42 : memref<1x32x80xi32, #tpu.memory_space<hbm>> -> memref<32x80xi32, #tpu.memory_space<hbm>>
      %dma_start3A_44 = arith.constant 0 : i32
      %dma_start3A_45 = tpu.memref_slice %arg4[%add3A, %mul3A_40, %dma_start3A_44] : memref<32x128x80xi32, #tpu.memory_space<hbm>> -> memref<1x32x80xi32, #tpu.memory_space<hbm>>
      %dma_start3A_46 = tpu.memref_squeeze %dma_start3A_45 : memref<1x32x80xi32, #tpu.memory_space<hbm>> -> memref<32x80xi32, #tpu.memory_space<hbm>>
      tpu.enqueue_dma source(%dma_start3A_46 : memref<32x80xi32, #tpu.memory_space<hbm>>) target(%arg7 : memref<32x80xi32, #tpu.memory_space<vmem>>) target_semaphore(%arg11 : memref<!tpu.dma_semaphore, #tpu.memory_space<semaphore_mem>>)
      %dma_wait3A_47 = arith.constant 0 : i32
      %dma_wait3A_48 = tpu.memref_slice %arg4[%add3A, %mul3A_40, %dma_wait3A_47] : memref<32x128x80xi32, #tpu.memory_space<hbm>> -> memref<1x32x80xi32, #tpu.memory_space<hbm>>
      %dma_wait3A_49 = tpu.memref_squeeze %dma_wait3A_48 : memref<1x32x80xi32, #tpu.memory_space<hbm>> -> memref<32x80xi32, #tpu.memory_space<hbm>>
      %dma_wait3A_50 = arith.constant 0 : i32
      %dma_wait3A_51 = tpu.memref_slice %arg4[%add3A, %mul3A_40, %dma_wait3A_50] : memref<32x128x80xi32, #tpu.memory_space<hbm>> -> memref<1x32x80xi32, #tpu.memory_space<hbm>>
      %dma_wait3A_52 = tpu.memref_squeeze %dma_wait3A_51 : memref<1x32x80xi32, #tpu.memory_space<hbm>> -> memref<32x80xi32, #tpu.memory_space<hbm>>
      tpu.wait_dma2 semaphore(%arg11 : memref<!tpu.dma_semaphore, #tpu.memory_space<semaphore_mem>>) src(%dma_wait3A_52 : memref<32x80xi32, #tpu.memory_space<hbm>>) dst(%arg7 : memref<32x80xi32, #tpu.memory_space<vmem>>)
      %dma_start3A_53 = arith.constant 0 : i32
      %dma_start3A_54 = arith.constant 0 : i32
      %dma_start3A_55 = tpu.memref_slice %arg6[%dma_start3A_53, %dma_start3A_54] : memref<32x80xi32, #tpu.memory_space<vmem>> -> memref<1x80xi32, #tpu.memory_space<vmem>>
      %dma_start3A_56 = tpu.memref_squeeze %dma_start3A_55 : memref<1x80xi32, #tpu.memory_space<vmem>> -> memref<80xi32, #tpu.memory_space<vmem>>
      %dma_start3A_57 = arith.constant 0 : i32
      %dma_start3A_58 = arith.constant 0 : i32
      %dma_start3A_59 = tpu.memref_slice %arg2[%dma_start3A_57, %dma_start3A_58] : memref<10000x128xf32, #tpu.memory_space<hbm>> -> memref<10000x128xf32, #tpu.memory_space<hbm>>
      tpu.enqueue_indirect_dma source(%dma_start3A_59 : memref<10000x128xf32, #tpu.memory_space<hbm>>) target(%arg8 : memref<80x128xf32, #tpu.memory_space<vmem>>) offsets(%dma_start3A_56 : memref<80xi32, #tpu.memory_space<vmem>>) semaphore(%arg12 : memref<!tpu.dma_semaphore, #tpu.memory_space<semaphore_mem>>)
      %scan3A_60 = arith.constant 0 : i32
      %scan3A_61 = arith.constant 15 : i32
      %scan3A_62 = arith.addi %scan3A_60, %scan3A_61 : i32
      %scan3A_63 = arith.constant 1 : i32
      scf.for %scan3A_87 = %scan3A_60 to %scan3A_62 step %scan3A_63  : i32 {
        %mul3A_88 = arith.constant 1 : i32
        %mul3A_89 = arith.muli %scan3A_87, %mul3A_88 : i32
        %add3A_90 = arith.constant 0 : i32
        %add3A_91 = arith.addi %add3A_90, %mul3A_89 : i32
        %mul3A_92 = arith.constant 2 : i32
        %mul3A_93 = arith.muli %add3A_91, %mul3A_92 : i32
        %add3A_94 = arith.constant 1 : i32
        %add3A_95 = arith.addi %mul3A_93, %add3A_94 : i32
        %dma_start3A_96 = arith.constant 0 : i32
        %dma_start3A_97 = tpu.memref_slice %arg6[%add3A_95, %dma_start3A_96] : memref<32x80xi32, #tpu.memory_space<vmem>> -> memref<1x80xi32, #tpu.memory_space<vmem>>
        %dma_start3A_98 = tpu.memref_squeeze %dma_start3A_97 : memref<1x80xi32, #tpu.memory_space<vmem>> -> memref<80xi32, #tpu.memory_space<vmem>>
        %dma_start3A_99 = arith.constant 0 : i32
        %dma_start3A_100 = arith.constant 0 : i32
        %dma_start3A_101 = tpu.memref_slice %arg2[%dma_start3A_99, %dma_start3A_100] : memref<10000x128xf32, #tpu.memory_space<hbm>> -> memref<10000x128xf32, #tpu.memory_space<hbm>>
        tpu.enqueue_indirect_dma source(%dma_start3A_101 : memref<10000x128xf32, #tpu.memory_space<hbm>>) target(%arg9 : memref<80x128xf32, #tpu.memory_space<vmem>>) offsets(%dma_start3A_98 : memref<80xi32, #tpu.memory_space<vmem>>) semaphore(%arg13 : memref<!tpu.dma_semaphore, #tpu.memory_space<semaphore_mem>>)
        %dma_wait3A_102 = arith.constant 0 : i32
        %dma_wait3A_103 = tpu.memref_slice %arg6[%mul3A_93, %dma_wait3A_102] : memref<32x80xi32, #tpu.memory_space<vmem>> -> memref<1x80xi32, #tpu.memory_space<vmem>>
        %dma_wait3A_104 = tpu.memref_squeeze %dma_wait3A_103 : memref<1x80xi32, #tpu.memory_space<vmem>> -> memref<80xi32, #tpu.memory_space<vmem>>
        %dma_wait3A_105 = arith.constant 0 : i32
        %dma_wait3A_106 = arith.constant 0 : i32
        %dma_wait3A_107 = tpu.memref_slice %arg2[%dma_wait3A_105, %dma_wait3A_106] : memref<10000x128xf32, #tpu.memory_space<hbm>> -> memref<10000x128xf32, #tpu.memory_space<hbm>>
        tpu.wait_indirect_dma semaphore(%arg12 : memref<!tpu.dma_semaphore, #tpu.memory_space<semaphore_mem>>) src(%dma_wait3A_107 : memref<10000x128xf32, #tpu.memory_space<hbm>>) dst(%arg8 : memref<80x128xf32, #tpu.memory_space<vmem>>)
        "tpu.region"() ({
          %run_scoped3A_126 = tpu.sem_alloc : memref<!tpu.dma_semaphore, #tpu.memory_space<semaphore_mem>>
          %dma_start3A_127 = arith.constant 0 : i32
          %dma_start3A_128 = tpu.memref_slice %arg7[%mul3A_93, %dma_start3A_127] : memref<32x80xi32, #tpu.memory_space<vmem>> -> memref<1x80xi32, #tpu.memory_space<vmem>>
          %dma_start3A_129 = tpu.memref_squeeze %dma_start3A_128 : memref<1x80xi32, #tpu.memory_space<vmem>> -> memref<80xi32, #tpu.memory_space<vmem>>
          %dma_start3A_130 = arith.constant 0 : i32
          %dma_start3A_131 = arith.constant 0 : i32
          %dma_start3A_132 = tpu.memref_slice %arg10[%dma_start3A_130, %dma_start3A_131] : memref<10240x128xf32, #tpu.memory_space<vmem_shared>> -> memref<10240x128xf32, #tpu.memory_space<vmem_shared>>
          tpu.enqueue_indirect_dma source(%arg8 : memref<80x128xf32, #tpu.memory_space<vmem>>) target(%dma_start3A_132 : memref<10240x128xf32, #tpu.memory_space<vmem_shared>>) offsets(%dma_start3A_129 : memref<80xi32, #tpu.memory_space<vmem>>) semaphore(%run_scoped3A_126 : memref<!tpu.dma_semaphore, #tpu.memory_space<semaphore_mem>>) {add = true}
          %dma_wait3A_133 = arith.constant 0 : i32
          %dma_wait3A_134 = tpu.memref_slice %arg7[%mul3A_93, %dma_wait3A_133] : memref<32x80xi32, #tpu.memory_space<vmem>> -> memref<1x80xi32, #tpu.memory_space<vmem>>
          %dma_wait3A_135 = tpu.memref_squeeze %dma_wait3A_134 : memref<1x80xi32, #tpu.memory_space<vmem>> -> memref<80xi32, #tpu.memory_space<vmem>>
          %dma_wait3A_136 = arith.constant 0 : i32
          %dma_wait3A_137 = arith.constant 0 : i32
          %dma_wait3A_138 = tpu.memref_slice %arg10[%dma_wait3A_136, %dma_wait3A_137] : memref<10240x128xf32, #tpu.memory_space<vmem_shared>> -> memref<10240x128xf32, #tpu.memory_space<vmem_shared>>
          tpu.wait_indirect_dma semaphore(%run_scoped3A_126 : memref<!tpu.dma_semaphore, #tpu.memory_space<semaphore_mem>>) src(%arg8 : memref<80x128xf32, #tpu.memory_space<vmem>>) dst(%dma_wait3A_138 : memref<10240x128xf32, #tpu.memory_space<vmem_shared>>)
          tpu.yield
        }) : () -> ()
        %add3A_108 = arith.constant 2 : i32
        %add3A_109 = arith.addi %mul3A_93, %add3A_108 : i32
        %dma_start3A_110 = arith.constant 0 : i32
        %dma_start3A_111 = tpu.memref_slice %arg6[%add3A_109, %dma_start3A_110] : memref<32x80xi32, #tpu.memory_space<vmem>> -> memref<1x80xi32, #tpu.memory_space<vmem>>
        %dma_start3A_112 = tpu.memref_squeeze %dma_start3A_111 : memref<1x80xi32, #tpu.memory_space<vmem>> -> memref<80xi32, #tpu.memory_space<vmem>>
        %dma_start3A_113 = arith.constant 0 : i32
        %dma_start3A_114 = arith.constant 0 : i32
        %dma_start3A_115 = tpu.memref_slice %arg2[%dma_start3A_113, %dma_start3A_114] : memref<10000x128xf32, #tpu.memory_space<hbm>> -> memref<10000x128xf32, #tpu.memory_space<hbm>>
        tpu.enqueue_indirect_dma source(%dma_start3A_115 : memref<10000x128xf32, #tpu.memory_space<hbm>>) target(%arg8 : memref<80x128xf32, #tpu.memory_space<vmem>>) offsets(%dma_start3A_112 : memref<80xi32, #tpu.memory_space<vmem>>) semaphore(%arg12 : memref<!tpu.dma_semaphore, #tpu.memory_space<semaphore_mem>>)
        %add3A_116 = arith.constant 1 : i32
        %add3A_117 = arith.addi %mul3A_93, %add3A_116 : i32
        %dma_wait3A_118 = arith.constant 0 : i32
        %dma_wait3A_119 = tpu.memref_slice %arg6[%add3A_117, %dma_wait3A_118] : memref<32x80xi32, #tpu.memory_space<vmem>> -> memref<1x80xi32, #tpu.memory_space<vmem>>
        %dma_wait3A_120 = tpu.memref_squeeze %dma_wait3A_119 : memref<1x80xi32, #tpu.memory_space<vmem>> -> memref<80xi32, #tpu.memory_space<vmem>>
        %dma_wait3A_121 = arith.constant 0 : i32
        %dma_wait3A_122 = arith.constant 0 : i32
        %dma_wait3A_123 = tpu.memref_slice %arg2[%dma_wait3A_121, %dma_wait3A_122] : memref<10000x128xf32, #tpu.memory_space<hbm>> -> memref<10000x128xf32, #tpu.memory_space<hbm>>
        tpu.wait_indirect_dma semaphore(%arg13 : memref<!tpu.dma_semaphore, #tpu.memory_space<semaphore_mem>>) src(%dma_wait3A_123 : memref<10000x128xf32, #tpu.memory_space<hbm>>) dst(%arg9 : memref<80x128xf32, #tpu.memory_space<vmem>>)
        %add3A_124 = arith.constant 1 : i32
        %add3A_125 = arith.addi %mul3A_93, %add3A_124 : i32
        "tpu.region"() ({
          %run_scoped3A_126 = tpu.sem_alloc : memref<!tpu.dma_semaphore, #tpu.memory_space<semaphore_mem>>
          %dma_start3A_127 = arith.constant 0 : i32
          %dma_start3A_128 = tpu.memref_slice %arg7[%add3A_125, %dma_start3A_127] : memref<32x80xi32, #tpu.memory_space<vmem>> -> memref<1x80xi32, #tpu.memory_space<vmem>>
          %dma_start3A_129 = tpu.memref_squeeze %dma_start3A_128 : memref<1x80xi32, #tpu.memory_space<vmem>> -> memref<80xi32, #tpu.memory_space<vmem>>
          %dma_start3A_130 = arith.constant 0 : i32
          %dma_start3A_131 = arith.constant 0 : i32
          %dma_start3A_132 = tpu.memref_slice %arg10[%dma_start3A_130, %dma_start3A_131] : memref<10240x128xf32, #tpu.memory_space<vmem_shared>> -> memref<10240x128xf32, #tpu.memory_space<vmem_shared>>
          tpu.enqueue_indirect_dma source(%arg9 : memref<80x128xf32, #tpu.memory_space<vmem>>) target(%dma_start3A_132 : memref<10240x128xf32, #tpu.memory_space<vmem_shared>>) offsets(%dma_start3A_129 : memref<80xi32, #tpu.memory_space<vmem>>) semaphore(%run_scoped3A_126 : memref<!tpu.dma_semaphore, #tpu.memory_space<semaphore_mem>>) {add = true}
          %dma_wait3A_133 = arith.constant 0 : i32
          %dma_wait3A_134 = tpu.memref_slice %arg7[%add3A_125, %dma_wait3A_133] : memref<32x80xi32, #tpu.memory_space<vmem>> -> memref<1x80xi32, #tpu.memory_space<vmem>>
          %dma_wait3A_135 = tpu.memref_squeeze %dma_wait3A_134 : memref<1x80xi32, #tpu.memory_space<vmem>> -> memref<80xi32, #tpu.memory_space<vmem>>
          %dma_wait3A_136 = arith.constant 0 : i32
          %dma_wait3A_137 = arith.constant 0 : i32
          %dma_wait3A_138 = tpu.memref_slice %arg10[%dma_wait3A_136, %dma_wait3A_137] : memref<10240x128xf32, #tpu.memory_space<vmem_shared>> -> memref<10240x128xf32, #tpu.memory_space<vmem_shared>>
          tpu.wait_indirect_dma semaphore(%run_scoped3A_126 : memref<!tpu.dma_semaphore, #tpu.memory_space<semaphore_mem>>) src(%arg9 : memref<80x128xf32, #tpu.memory_space<vmem>>) dst(%dma_wait3A_138 : memref<10240x128xf32, #tpu.memory_space<vmem_shared>>)
          tpu.yield
        }) : () -> ()
      }
      %scan3A_64 = arith.constant 15 : i32
      %dma_start3A_65 = arith.constant 31 : i32
      %dma_start3A_66 = arith.constant 0 : i32
      %dma_start3A_67 = tpu.memref_slice %arg6[%dma_start3A_65, %dma_start3A_66] : memref<32x80xi32, #tpu.memory_space<vmem>> -> memref<1x80xi32, #tpu.memory_space<vmem>>
      %dma_start3A_68 = tpu.memref_squeeze %dma_start3A_67 : memref<1x80xi32, #tpu.memory_space<vmem>> -> memref<80xi32, #tpu.memory_space<vmem>>
      %dma_start3A_69 = arith.constant 0 : i32
      %dma_start3A_70 = arith.constant 0 : i32
      %dma_start3A_71 = tpu.memref_slice %arg2[%dma_start3A_69, %dma_start3A_70] : memref<10000x128xf32, #tpu.memory_space<hbm>> -> memref<10000x128xf32, #tpu.memory_space<hbm>>
      tpu.enqueue_indirect_dma source(%dma_start3A_71 : memref<10000x128xf32, #tpu.memory_space<hbm>>) target(%arg9 : memref<80x128xf32, #tpu.memory_space<vmem>>) offsets(%dma_start3A_68 : memref<80xi32, #tpu.memory_space<vmem>>) semaphore(%arg13 : memref<!tpu.dma_semaphore, #tpu.memory_space<semaphore_mem>>)
      %dma_wait3A_72 = arith.constant 30 : i32
      %dma_wait3A_73 = arith.constant 0 : i32
      %dma_wait3A_74 = tpu.memref_slice %arg6[%dma_wait3A_72, %dma_wait3A_73] : memref<32x80xi32, #tpu.memory_space<vmem>> -> memref<1x80xi32, #tpu.memory_space<vmem>>
      %dma_wait3A_75 = tpu.memref_squeeze %dma_wait3A_74 : memref<1x80xi32, #tpu.memory_space<vmem>> -> memref<80xi32, #tpu.memory_space<vmem>>
      %dma_wait3A_76 = arith.constant 0 : i32
      %dma_wait3A_77 = arith.constant 0 : i32
      %dma_wait3A_78 = tpu.memref_slice %arg2[%dma_wait3A_76, %dma_wait3A_77] : memref<10000x128xf32, #tpu.memory_space<hbm>> -> memref<10000x128xf32, #tpu.memory_space<hbm>>
      tpu.wait_indirect_dma semaphore(%arg12 : memref<!tpu.dma_semaphore, #tpu.memory_space<semaphore_mem>>) src(%dma_wait3A_78 : memref<10000x128xf32, #tpu.memory_space<hbm>>) dst(%arg8 : memref<80x128xf32, #tpu.memory_space<vmem>>)
      %run_scoped3A = arith.constant 30 : i32
      "tpu.region"() ({
        %run_scoped3A_87 = tpu.sem_alloc : memref<!tpu.dma_semaphore, #tpu.memory_space<semaphore_mem>>
        %dma_start3A_88 = arith.constant 0 : i32
        %dma_start3A_89 = tpu.memref_slice %arg7[%run_scoped3A, %dma_start3A_88] : memref<32x80xi32, #tpu.memory_space<vmem>> -> memref<1x80xi32, #tpu.memory_space<vmem>>
        %dma_start3A_90 = tpu.memref_squeeze %dma_start3A_89 : memref<1x80xi32, #tpu.memory_space<vmem>> -> memref<80xi32, #tpu.memory_space<vmem>>
        %dma_start3A_91 = arith.constant 0 : i32
        %dma_start3A_92 = arith.constant 0 : i32
        %dma_start3A_93 = tpu.memref_slice %arg10[%dma_start3A_91, %dma_start3A_92] : memref<10240x128xf32, #tpu.memory_space<vmem_shared>> -> memref<10240x128xf32, #tpu.memory_space<vmem_shared>>
        tpu.enqueue_indirect_dma source(%arg8 : memref<80x128xf32, #tpu.memory_space<vmem>>) target(%dma_start3A_93 : memref<10240x128xf32, #tpu.memory_space<vmem_shared>>) offsets(%dma_start3A_90 : memref<80xi32, #tpu.memory_space<vmem>>) semaphore(%run_scoped3A_87 : memref<!tpu.dma_semaphore, #tpu.memory_space<semaphore_mem>>) {add = true}
        %dma_wait3A_94 = arith.constant 0 : i32
        %dma_wait3A_95 = tpu.memref_slice %arg7[%run_scoped3A, %dma_wait3A_94] : memref<32x80xi32, #tpu.memory_space<vmem>> -> memref<1x80xi32, #tpu.memory_space<vmem>>
        %dma_wait3A_96 = tpu.memref_squeeze %dma_wait3A_95 : memref<1x80xi32, #tpu.memory_space<vmem>> -> memref<80xi32, #tpu.memory_space<vmem>>
        %dma_wait3A_97 = arith.constant 0 : i32
        %dma_wait3A_98 = arith.constant 0 : i32
        %dma_wait3A_99 = tpu.memref_slice %arg10[%dma_wait3A_97, %dma_wait3A_98] : memref<10240x128xf32, #tpu.memory_space<vmem_shared>> -> memref<10240x128xf32, #tpu.memory_space<vmem_shared>>
        tpu.wait_indirect_dma semaphore(%run_scoped3A_87 : memref<!tpu.dma_semaphore, #tpu.memory_space<semaphore_mem>>) src(%arg8 : memref<80x128xf32, #tpu.memory_space<vmem>>) dst(%dma_wait3A_99 : memref<10240x128xf32, #tpu.memory_space<vmem_shared>>)
        tpu.yield
      }) : () -> ()
      %dma_wait3A_79 = arith.constant 31 : i32
      %dma_wait3A_80 = arith.constant 0 : i32
      %dma_wait3A_81 = tpu.memref_slice %arg6[%dma_wait3A_79, %dma_wait3A_80] : memref<32x80xi32, #tpu.memory_space<vmem>> -> memref<1x80xi32, #tpu.memory_space<vmem>>
      %dma_wait3A_82 = tpu.memref_squeeze %dma_wait3A_81 : memref<1x80xi32, #tpu.memory_space<vmem>> -> memref<80xi32, #tpu.memory_space<vmem>>
      %dma_wait3A_83 = arith.constant 0 : i32
      %dma_wait3A_84 = arith.constant 0 : i32
      %dma_wait3A_85 = tpu.memref_slice %arg2[%dma_wait3A_83, %dma_wait3A_84] : memref<10000x128xf32, #tpu.memory_space<hbm>> -> memref<10000x128xf32, #tpu.memory_space<hbm>>
      tpu.wait_indirect_dma semaphore(%arg13 : memref<!tpu.dma_semaphore, #tpu.memory_space<semaphore_mem>>) src(%dma_wait3A_85 : memref<10000x128xf32, #tpu.memory_space<hbm>>) dst(%arg9 : memref<80x128xf32, #tpu.memory_space<vmem>>)
      %run_scoped3A_86 = arith.constant 31 : i32
      "tpu.region"() ({
        %run_scoped3A_87 = tpu.sem_alloc : memref<!tpu.dma_semaphore, #tpu.memory_space<semaphore_mem>>
        %dma_start3A_88 = arith.constant 0 : i32
        %dma_start3A_89 = tpu.memref_slice %arg7[%run_scoped3A_86, %dma_start3A_88] : memref<32x80xi32, #tpu.memory_space<vmem>> -> memref<1x80xi32, #tpu.memory_space<vmem>>
        %dma_start3A_90 = tpu.memref_squeeze %dma_start3A_89 : memref<1x80xi32, #tpu.memory_space<vmem>> -> memref<80xi32, #tpu.memory_space<vmem>>
        %dma_start3A_91 = arith.constant 0 : i32
        %dma_start3A_92 = arith.constant 0 : i32
        %dma_start3A_93 = tpu.memref_slice %arg10[%dma_start3A_91, %dma_start3A_92] : memref<10240x128xf32, #tpu.memory_space<vmem_shared>> -> memref<10240x128xf32, #tpu.memory_space<vmem_shared>>
        tpu.enqueue_indirect_dma source(%arg9 : memref<80x128xf32, #tpu.memory_space<vmem>>) target(%dma_start3A_93 : memref<10240x128xf32, #tpu.memory_space<vmem_shared>>) offsets(%dma_start3A_90 : memref<80xi32, #tpu.memory_space<vmem>>) semaphore(%run_scoped3A_87 : memref<!tpu.dma_semaphore, #tpu.memory_space<semaphore_mem>>) {add = true}
        %dma_wait3A_94 = arith.constant 0 : i32
        %dma_wait3A_95 = tpu.memref_slice %arg7[%run_scoped3A_86, %dma_wait3A_94] : memref<32x80xi32, #tpu.memory_space<vmem>> -> memref<1x80xi32, #tpu.memory_space<vmem>>
        %dma_wait3A_96 = tpu.memref_squeeze %dma_wait3A_95 : memref<1x80xi32, #tpu.memory_space<vmem>> -> memref<80xi32, #tpu.memory_space<vmem>>
        %dma_wait3A_97 = arith.constant 0 : i32
        %dma_wait3A_98 = arith.constant 0 : i32
        %dma_wait3A_99 = tpu.memref_slice %arg10[%dma_wait3A_97, %dma_wait3A_98] : memref<10240x128xf32, #tpu.memory_space<vmem_shared>> -> memref<10240x128xf32, #tpu.memory_space<vmem_shared>>
        tpu.wait_indirect_dma semaphore(%run_scoped3A_87 : memref<!tpu.dma_semaphore, #tpu.memory_space<semaphore_mem>>) src(%arg9 : memref<80x128xf32, #tpu.memory_space<vmem>>) dst(%dma_wait3A_99 : memref<10240x128xf32, #tpu.memory_space<vmem_shared>>)
        tpu.yield
      }) : () -> ()
    }
    %scan3A_15 = arith.constant 4 : i32
    %barrier3A_16 = arith.constant 0 : index
    tpu.barrier barrier_id(%barrier3A_16)
    %scan3A_17 = arith.constant 0 : i32
    %scan3A_18 = arith.constant 8 : i32
    %scan3A_19 = arith.addi %scan3A_17, %scan3A_18 : i32
    %scan3A_20 = arith.constant 1 : i32
    scf.for %scan3A_22 = %scan3A_17 to %scan3A_19 step %scan3A_20  : i32 {
      %mul3A_23 = arith.constant 1 : i32
      %mul3A_24 = arith.muli %scan3A_22, %mul3A_23 : i32
      %add3A_25 = arith.constant 0 : i32
      %add3A_26 = arith.addi %add3A_25, %mul3A_24 : i32
      %mul3A_27 = arith.constant 640 : i32
      %mul3A_28 = arith.muli %arg1, %mul3A_27 : i32
      %mul3A_29 = arith.constant 80 : i32
      %mul3A_30 = arith.muli %add3A_26, %mul3A_29 : i32
      %add3A_31 = arith.addi %mul3A_28, %mul3A_30 : i32
      "tpu.region"() ({
        %run_scoped3A = tpu.sem_alloc : memref<!tpu.dma_semaphore, #tpu.memory_space<semaphore_mem>>
        %dma_start3A = arith.constant 0 : i32
        %dma_start3A_37 = tpu.memref_slice %arg10[%add3A_31, %dma_start3A] : memref<10240x128xf32, #tpu.memory_space<vmem_shared>> -> memref<80x128xf32, #tpu.memory_space<vmem_shared>>
        %dma_start3A_38 = arith.constant 0 : i32
        %dma_start3A_39 = tpu.memref_slice %arg10[%add3A_31, %dma_start3A_38] : memref<10240x128xf32, #tpu.memory_space<vmem_shared>> -> memref<80x128xf32, #tpu.memory_space<vmem_shared>>
        tpu.enqueue_dma source(%dma_start3A_39 : memref<80x128xf32, #tpu.memory_space<vmem_shared>>) target(%arg8 : memref<80x128xf32, #tpu.memory_space<vmem>>) target_semaphore(%run_scoped3A : memref<!tpu.dma_semaphore, #tpu.memory_space<semaphore_mem>>)
        %dma_wait3A = arith.constant 0 : i32
        %dma_wait3A_40 = tpu.memref_slice %arg10[%add3A_31, %dma_wait3A] : memref<10240x128xf32, #tpu.memory_space<vmem_shared>> -> memref<80x128xf32, #tpu.memory_space<vmem_shared>>
        %dma_wait3A_41 = arith.constant 0 : i32
        %dma_wait3A_42 = tpu.memref_slice %arg10[%add3A_31, %dma_wait3A_41] : memref<10240x128xf32, #tpu.memory_space<vmem_shared>> -> memref<80x128xf32, #tpu.memory_space<vmem_shared>>
        tpu.wait_dma2 semaphore(%run_scoped3A : memref<!tpu.dma_semaphore, #tpu.memory_space<semaphore_mem>>) src(%dma_wait3A_42 : memref<80x128xf32, #tpu.memory_space<vmem_shared>>) dst(%arg8 : memref<80x128xf32, #tpu.memory_space<vmem>>)
        tpu.yield
      }) : () -> ()
      %mul3A_32 = arith.constant 640 : i32
      %mul3A_33 = arith.muli %arg1, %mul3A_32 : i32
      %mul3A_34 = arith.constant 80 : i32
      %mul3A_35 = arith.muli %add3A_26, %mul3A_34 : i32
      %add3A_36 = arith.addi %mul3A_33, %mul3A_35 : i32
      "tpu.region"() ({
        %run_scoped3A = tpu.sem_alloc : memref<!tpu.dma_semaphore, #tpu.memory_space<semaphore_mem>>
        %dma_start3A = arith.constant 0 : i32
        %dma_start3A_37 = tpu.memref_slice %arg5[%arg0, %add3A_36, %dma_start3A] : memref<2x10240x128xf32, #tpu.memory_space<hbm>> -> memref<1x80x128xf32, #tpu.memory_space<hbm>>
        %dma_start3A_38 = tpu.memref_squeeze %dma_start3A_37 : memref<1x80x128xf32, #tpu.memory_space<hbm>> -> memref<80x128xf32, #tpu.memory_space<hbm>>
        %dma_start3A_39 = arith.constant 0 : i32
        %dma_start3A_40 = tpu.memref_slice %arg5[%arg0, %add3A_36, %dma_start3A_39] : memref<2x10240x128xf32, #tpu.memory_space<hbm>> -> memref<1x80x128xf32, #tpu.memory_space<hbm>>
        %dma_start3A_41 = tpu.memref_squeeze %dma_start3A_40 : memref<1x80x128xf32, #tpu.memory_space<hbm>> -> memref<80x128xf32, #tpu.memory_space<hbm>>
        tpu.enqueue_dma source(%arg8 : memref<80x128xf32, #tpu.memory_space<vmem>>) target(%dma_start3A_41 : memref<80x128xf32, #tpu.memory_space<hbm>>) target_semaphore(%run_scoped3A : memref<!tpu.dma_semaphore, #tpu.memory_space<semaphore_mem>>)
        %dma_wait3A = arith.constant 0 : i32
        %dma_wait3A_42 = tpu.memref_slice %arg5[%arg0, %add3A_36, %dma_wait3A] : memref<2x10240x128xf32, #tpu.memory_space<hbm>> -> memref<1x80x128xf32, #tpu.memory_space<hbm>>
        %dma_wait3A_43 = tpu.memref_squeeze %dma_wait3A_42 : memref<1x80x128xf32, #tpu.memory_space<hbm>> -> memref<80x128xf32, #tpu.memory_space<hbm>>
        %dma_wait3A_44 = arith.constant 0 : i32
        %dma_wait3A_45 = tpu.memref_slice %arg5[%arg0, %add3A_36, %dma_wait3A_44] : memref<2x10240x128xf32, #tpu.memory_space<hbm>> -> memref<1x80x128xf32, #tpu.memory_space<hbm>>
        %dma_wait3A_46 = tpu.memref_squeeze %dma_wait3A_45 : memref<1x80x128xf32, #tpu.memory_space<hbm>> -> memref<80x128xf32, #tpu.memory_space<hbm>>
        tpu.wait_dma2 semaphore(%run_scoped3A : memref<!tpu.dma_semaphore, #tpu.memory_space<semaphore_mem>>) src(%arg8 : memref<80x128xf32, #tpu.memory_space<vmem>>) dst(%dma_wait3A_46 : memref<80x128xf32, #tpu.memory_space<hbm>>)
        tpu.yield
      }) : () -> ()
    }
    %scan3A_21 = arith.constant 8 : i32
    return
  }
}

#map = affine_map<(d0, d1) -> (0, 0)>
#map1 = affine_map<(d0, d1) -> (0, 0, 0)>
module attributes {stable_mosaic.version = 14 : i64} {
  func.func @_agg_body(%arg0: i32, %arg1: i32, %arg2: memref<10000x128xf32, #tpu.memory_space<hbm>>, %arg3: memref<32x128x80xi32, #tpu.memory_space<hbm>>, %arg4: memref<32x128x80xi32, #tpu.memory_space<hbm>>, %arg5: memref<2x10240x128xf32, #tpu.memory_space<hbm>>, %arg6: memref<32x80xi32, #tpu.memory_space<vmem>>, %arg7: memref<32x80xi32, #tpu.memory_space<vmem>>, %arg8: memref<80x128xf32, #tpu.memory_space<vmem>>, %arg9: memref<80x128xf32, #tpu.memory_space<vmem>>, %arg10: memref<10240x128xf32, #tpu.memory_space<vmem_shared>>, %arg11: memref<!tpu.dma_semaphore, #tpu.memory_space<semaphore_mem>>, %arg12: memref<!tpu.dma_semaphore, #tpu.memory_space<semaphore_mem>>, %arg13: memref<!tpu.dma_semaphore, #tpu.memory_space<semaphore_mem>>) attributes {dimension_semantics = [#tpu.dimension_semantics<core_parallel>, #tpu.dimension_semantics<subcore_parallel>], iteration_bounds = array<i64: 2, 16>, scalar_prefetch = 0 : i64, scratch_operands = 8 : i64, tpu.core_type = #tpu.core_type<sc_vector_subcore>, window_params = [{transform_indices = #map}, {transform_indices = #map1}, {transform_indices = #map1}, {transform_indices = #map1}]} {
    %mul3A = arith.constant 16 : i32
    %mul3A_0 = arith.muli %arg0, %mul3A : i32
    %add3A = arith.addi %mul3A_0, %arg1 : i32
    %broadcast_in_dim3A = arith.constant 0.000000e+00 : f32
    %broadcast_in_dim3A_1 = vector.broadcast %broadcast_in_dim3A : f32 to vector<16xf32>
    %scan3A = arith.constant 0 : i32
    %scan3A_2 = arith.constant 80 : i32
    %scan3A_3 = arith.addi %scan3A, %scan3A_2 : i32
    %scan3A_4 = arith.constant 1 : i32
    scf.for %scan3A_22 = %scan3A to %scan3A_3 step %scan3A_4  : i32 {
      %mul3A_23 = arith.constant 1 : i32
      %mul3A_24 = arith.muli %scan3A_22, %mul3A_23 : i32
      %add3A_25 = arith.constant 0 : i32
      %add3A_26 = arith.addi %add3A_25, %mul3A_24 : i32
      %scan3A_27 = arith.constant 0 : i32
      %scan3A_28 = arith.constant 8 : i32
      %scan3A_29 = arith.addi %scan3A_27, %scan3A_28 : i32
      %scan3A_30 = arith.constant 1 : i32
      scf.for %scan3A_32 = %scan3A_27 to %scan3A_29 step %scan3A_30  : i32 {
        %mul3A_33 = arith.constant 1 : i32
        %mul3A_34 = arith.muli %scan3A_32, %mul3A_33 : i32
        %add3A_35 = arith.constant 0 : i32
        %add3A_36 = arith.addi %add3A_35, %mul3A_34 : i32
        %mul3A_37 = arith.constant 16 : i32
        %mul3A_38 = arith.muli %add3A_36, %mul3A_37 : i32
        %swap3A = arith.index_cast %add3A_26 : i32 to index
        %swap3A_39 = arith.index_cast %mul3A_38 : i32 to index
        %swap3A_40 = tpu.vector_load %arg8[%swap3A, %swap3A_39] {strides = array<i32>} : memref<80x128xf32, #tpu.memory_space<vmem>>, vector<1x16xf32>,
        %swap3A_41 = vector.shape_cast %swap3A_40 : vector<1x16xf32> to vector<16xf32>
        %swap3A_42 = vector.shape_cast %broadcast_in_dim3A_1 : vector<16xf32> to vector<1x16xf32>
        tpu.vector_store %arg8[%swap3A, %swap3A_39], %swap3A_42 {strides = array<i32>} : memref<80x128xf32, #tpu.memory_space<vmem>>, vector<1x16xf32>,
      }
      %scan3A_31 = arith.constant 8 : i32
    }
    %scan3A_5 = arith.constant 80 : i32
    %scan3A_6 = arith.constant 0 : i32
    %scan3A_7 = arith.constant 8 : i32
    %scan3A_8 = arith.addi %scan3A_6, %scan3A_7 : i32
    %scan3A_9 = arith.constant 1 : i32
    scf.for %scan3A_22 = %scan3A_6 to %scan3A_8 step %scan3A_9  : i32 {
      %mul3A_23 = arith.constant 1 : i32
      %mul3A_24 = arith.muli %scan3A_22, %mul3A_23 : i32
      %add3A_25 = arith.constant 0 : i32
      %add3A_26 = arith.addi %add3A_25, %mul3A_24 : i32
      %mul3A_27 = arith.constant 640 : i32
      %mul3A_28 = arith.muli %arg1, %mul3A_27 : i32
      %mul3A_29 = arith.constant 80 : i32
      %mul3A_30 = arith.muli %add3A_26, %mul3A_29 : i32
      %add3A_31 = arith.addi %mul3A_28, %mul3A_30 : i32
      "tpu.region"() ({
        %run_scoped3A = tpu.sem_alloc : memref<!tpu.dma_semaphore, #tpu.memory_space<semaphore_mem>>
        %dma_start3A = arith.constant 0 : i32
        %dma_start3A_32 = tpu.memref_slice %arg10[%add3A_31, %dma_start3A] : memref<10240x128xf32, #tpu.memory_space<vmem_shared>> -> memref<80x128xf32, #tpu.memory_space<vmem_shared>>
        %dma_start3A_33 = arith.constant 0 : i32
        %dma_start3A_34 = tpu.memref_slice %arg10[%add3A_31, %dma_start3A_33] : memref<10240x128xf32, #tpu.memory_space<vmem_shared>> -> memref<80x128xf32, #tpu.memory_space<vmem_shared>>
        tpu.enqueue_dma source(%arg8 : memref<80x128xf32, #tpu.memory_space<vmem>>) target(%dma_start3A_34 : memref<80x128xf32, #tpu.memory_space<vmem_shared>>) target_semaphore(%run_scoped3A : memref<!tpu.dma_semaphore, #tpu.memory_space<semaphore_mem>>)
        %dma_wait3A = arith.constant 0 : i32
        %dma_wait3A_35 = tpu.memref_slice %arg10[%add3A_31, %dma_wait3A] : memref<10240x128xf32, #tpu.memory_space<vmem_shared>> -> memref<80x128xf32, #tpu.memory_space<vmem_shared>>
        %dma_wait3A_36 = arith.constant 0 : i32
        %dma_wait3A_37 = tpu.memref_slice %arg10[%add3A_31, %dma_wait3A_36] : memref<10240x128xf32, #tpu.memory_space<vmem_shared>> -> memref<80x128xf32, #tpu.memory_space<vmem_shared>>
        tpu.wait_dma2 semaphore(%run_scoped3A : memref<!tpu.dma_semaphore, #tpu.memory_space<semaphore_mem>>) src(%arg8 : memref<80x128xf32, #tpu.memory_space<vmem>>) dst(%dma_wait3A_37 : memref<80x128xf32, #tpu.memory_space<vmem_shared>>)
        tpu.yield
      }) : () -> ()
    }
    %scan3A_10 = arith.constant 8 : i32
    %barrier3A = arith.constant 0 : index
    tpu.barrier barrier_id(%barrier3A)
    %scan3A_11 = arith.constant 0 : i32
    %scan3A_12 = arith.constant 4 : i32
    %scan3A_13 = arith.addi %scan3A_11, %scan3A_12 : i32
    %scan3A_14 = arith.constant 1 : i32
    scf.for %scan3A_22 = %scan3A_11 to %scan3A_13 step %scan3A_14  : i32 {
      %mul3A_23 = arith.constant 1 : i32
      %mul3A_24 = arith.muli %scan3A_22, %mul3A_23 : i32
      %add3A_25 = arith.constant 0 : i32
      %add3A_26 = arith.addi %add3A_25, %mul3A_24 : i32
      %mul3A_27 = arith.constant 32 : i32
      %mul3A_28 = arith.muli %add3A_26, %mul3A_27 : i32
      %dma_start3A = arith.constant 0 : i32
      %dma_start3A_29 = tpu.memref_slice %arg3[%add3A, %mul3A_28, %dma_start3A] : memref<32x128x80xi32, #tpu.memory_space<hbm>> -> memref<1x32x80xi32, #tpu.memory_space<hbm>>
      %dma_start3A_30 = tpu.memref_squeeze %dma_start3A_29 : memref<1x32x80xi32, #tpu.memory_space<hbm>> -> memref<32x80xi32, #tpu.memory_space<hbm>>
      %dma_start3A_31 = arith.constant 0 : i32
      %dma_start3A_32 = tpu.memref_slice %arg3[%add3A, %mul3A_28, %dma_start3A_31] : memref<32x128x80xi32, #tpu.memory_space<hbm>> -> memref<1x32x80xi32, #tpu.memory_space<hbm>>
      %dma_start3A_33 = tpu.memref_squeeze %dma_start3A_32 : memref<1x32x80xi32, #tpu.memory_space<hbm>> -> memref<32x80xi32, #tpu.memory_space<hbm>>
      tpu.enqueue_dma source(%dma_start3A_33 : memref<32x80xi32, #tpu.memory_space<hbm>>) target(%arg6 : memref<32x80xi32, #tpu.memory_space<vmem>>) target_semaphore(%arg11 : memref<!tpu.dma_semaphore, #tpu.memory_space<semaphore_mem>>)
      %dma_wait3A = arith.constant 0 : i32
      %dma_wait3A_34 = tpu.memref_slice %arg3[%add3A, %mul3A_28, %dma_wait3A] : memref<32x128x80xi32, #tpu.memory_space<hbm>> -> memref<1x32x80xi32, #tpu.memory_space<hbm>>
      %dma_wait3A_35 = tpu.memref_squeeze %dma_wait3A_34 : memref<1x32x80xi32, #tpu.memory_space<hbm>> -> memref<32x80xi32, #tpu.memory_space<hbm>>
      %dma_wait3A_36 = arith.constant 0 : i32
      %dma_wait3A_37 = tpu.memref_slice %arg3[%add3A, %mul3A_28, %dma_wait3A_36] : memref<32x128x80xi32, #tpu.memory_space<hbm>> -> memref<1x32x80xi32, #tpu.memory_space<hbm>>
      %dma_wait3A_38 = tpu.memref_squeeze %dma_wait3A_37 : memref<1x32x80xi32, #tpu.memory_space<hbm>> -> memref<32x80xi32, #tpu.memory_space<hbm>>
      tpu.wait_dma2 semaphore(%arg11 : memref<!tpu.dma_semaphore, #tpu.memory_space<semaphore_mem>>) src(%dma_wait3A_38 : memref<32x80xi32, #tpu.memory_space<hbm>>) dst(%arg6 : memref<32x80xi32, #tpu.memory_space<vmem>>)
      %mul3A_39 = arith.constant 32 : i32
      %mul3A_40 = arith.muli %add3A_26, %mul3A_39 : i32
      %dma_start3A_41 = arith.constant 0 : i32
      %dma_start3A_42 = tpu.memref_slice %arg4[%add3A, %mul3A_40, %dma_start3A_41] : memref<32x128x80xi32, #tpu.memory_space<hbm>> -> memref<1x32x80xi32, #tpu.memory_space<hbm>>
      %dma_start3A_43 = tpu.memref_squeeze %dma_start3A_42 : memref<1x32x80xi32, #tpu.memory_space<hbm>> -> memref<32x80xi32, #tpu.memory_space<hbm>>
      %dma_start3A_44 = arith.constant 0 : i32
      %dma_start3A_45 = tpu.memref_slice %arg4[%add3A, %mul3A_40, %dma_start3A_44] : memref<32x128x80xi32, #tpu.memory_space<hbm>> -> memref<1x32x80xi32, #tpu.memory_space<hbm>>
      %dma_start3A_46 = tpu.memref_squeeze %dma_start3A_45 : memref<1x32x80xi32, #tpu.memory_space<hbm>> -> memref<32x80xi32, #tpu.memory_space<hbm>>
      tpu.enqueue_dma source(%dma_start3A_46 : memref<32x80xi32, #tpu.memory_space<hbm>>) target(%arg7 : memref<32x80xi32, #tpu.memory_space<vmem>>) target_semaphore(%arg11 : memref<!tpu.dma_semaphore, #tpu.memory_space<semaphore_mem>>)
      %dma_wait3A_47 = arith.constant 0 : i32
      %dma_wait3A_48 = tpu.memref_slice %arg4[%add3A, %mul3A_40, %dma_wait3A_47] : memref<32x128x80xi32, #tpu.memory_space<hbm>> -> memref<1x32x80xi32, #tpu.memory_space<hbm>>
      %dma_wait3A_49 = tpu.memref_squeeze %dma_wait3A_48 : memref<1x32x80xi32, #tpu.memory_space<hbm>> -> memref<32x80xi32, #tpu.memory_space<hbm>>
      %dma_wait3A_50 = arith.constant 0 : i32
      %dma_wait3A_51 = tpu.memref_slice %arg4[%add3A, %mul3A_40, %dma_wait3A_50] : memref<32x128x80xi32, #tpu.memory_space<hbm>> -> memref<1x32x80xi32, #tpu.memory_space<hbm>>
      %dma_wait3A_52 = tpu.memref_squeeze %dma_wait3A_51 : memref<1x32x80xi32, #tpu.memory_space<hbm>> -> memref<32x80xi32, #tpu.memory_space<hbm>>
      tpu.wait_dma2 semaphore(%arg11 : memref<!tpu.dma_semaphore, #tpu.memory_space<semaphore_mem>>) src(%dma_wait3A_52 : memref<32x80xi32, #tpu.memory_space<hbm>>) dst(%arg7 : memref<32x80xi32, #tpu.memory_space<vmem>>)
      %dma_start3A_53 = arith.constant 0 : i32
      %dma_start3A_54 = arith.constant 0 : i32
      %dma_start3A_55 = tpu.memref_slice %arg6[%dma_start3A_53, %dma_start3A_54] : memref<32x80xi32, #tpu.memory_space<vmem>> -> memref<1x80xi32, #tpu.memory_space<vmem>>
      %dma_start3A_56 = tpu.memref_squeeze %dma_start3A_55 : memref<1x80xi32, #tpu.memory_space<vmem>> -> memref<80xi32, #tpu.memory_space<vmem>>
      %dma_start3A_57 = arith.constant 0 : i32
      %dma_start3A_58 = arith.constant 0 : i32
      %dma_start3A_59 = tpu.memref_slice %arg2[%dma_start3A_57, %dma_start3A_58] : memref<10000x128xf32, #tpu.memory_space<hbm>> -> memref<10000x128xf32, #tpu.memory_space<hbm>>
      tpu.enqueue_indirect_dma source(%dma_start3A_59 : memref<10000x128xf32, #tpu.memory_space<hbm>>) target(%arg8 : memref<80x128xf32, #tpu.memory_space<vmem>>) offsets(%dma_start3A_56 : memref<80xi32, #tpu.memory_space<vmem>>) semaphore(%arg12 : memref<!tpu.dma_semaphore, #tpu.memory_space<semaphore_mem>>)
      %scan3A_60 = arith.constant 0 : i32
      %scan3A_61 = arith.constant 15 : i32
      %scan3A_62 = arith.addi %scan3A_60, %scan3A_61 : i32
      %scan3A_63 = arith.constant 1 : i32
      scf.for %scan3A_87 = %scan3A_60 to %scan3A_62 step %scan3A_63  : i32 {
        %mul3A_88 = arith.constant 1 : i32
        %mul3A_89 = arith.muli %scan3A_87, %mul3A_88 : i32
        %add3A_90 = arith.constant 0 : i32
        %add3A_91 = arith.addi %add3A_90, %mul3A_89 : i32
        %mul3A_92 = arith.constant 2 : i32
        %mul3A_93 = arith.muli %add3A_91, %mul3A_92 : i32
        %add3A_94 = arith.constant 1 : i32
        %add3A_95 = arith.addi %mul3A_93, %add3A_94 : i32
        %dma_start3A_96 = arith.constant 0 : i32
        %dma_start3A_97 = tpu.memref_slice %arg6[%add3A_95, %dma_start3A_96] : memref<32x80xi32, #tpu.memory_space<vmem>> -> memref<1x80xi32, #tpu.memory_space<vmem>>
        %dma_start3A_98 = tpu.memref_squeeze %dma_start3A_97 : memref<1x80xi32, #tpu.memory_space<vmem>> -> memref<80xi32, #tpu.memory_space<vmem>>
        %dma_start3A_99 = arith.constant 0 : i32
        %dma_start3A_100 = arith.constant 0 : i32
        %dma_start3A_101 = tpu.memref_slice %arg2[%dma_start3A_99, %dma_start3A_100] : memref<10000x128xf32, #tpu.memory_space<hbm>> -> memref<10000x128xf32, #tpu.memory_space<hbm>>
        tpu.enqueue_indirect_dma source(%dma_start3A_101 : memref<10000x128xf32, #tpu.memory_space<hbm>>) target(%arg9 : memref<80x128xf32, #tpu.memory_space<vmem>>) offsets(%dma_start3A_98 : memref<80xi32, #tpu.memory_space<vmem>>) semaphore(%arg13 : memref<!tpu.dma_semaphore, #tpu.memory_space<semaphore_mem>>)
        %dma_wait3A_102 = arith.constant 0 : i32
        %dma_wait3A_103 = tpu.memref_slice %arg6[%mul3A_93, %dma_wait3A_102] : memref<32x80xi32, #tpu.memory_space<vmem>> -> memref<1x80xi32, #tpu.memory_space<vmem>>
        %dma_wait3A_104 = tpu.memref_squeeze %dma_wait3A_103 : memref<1x80xi32, #tpu.memory_space<vmem>> -> memref<80xi32, #tpu.memory_space<vmem>>
        %dma_wait3A_105 = arith.constant 0 : i32
        %dma_wait3A_106 = arith.constant 0 : i32
        %dma_wait3A_107 = tpu.memref_slice %arg2[%dma_wait3A_105, %dma_wait3A_106] : memref<10000x128xf32, #tpu.memory_space<hbm>> -> memref<10000x128xf32, #tpu.memory_space<hbm>>
        tpu.wait_indirect_dma semaphore(%arg12 : memref<!tpu.dma_semaphore, #tpu.memory_space<semaphore_mem>>) src(%dma_wait3A_107 : memref<10000x128xf32, #tpu.memory_space<hbm>>) dst(%arg8 : memref<80x128xf32, #tpu.memory_space<vmem>>)
        "tpu.region"() ({
          %run_scoped3A_126 = tpu.sem_alloc : memref<!tpu.dma_semaphore, #tpu.memory_space<semaphore_mem>>
          %dma_start3A_127 = arith.constant 0 : i32
          %dma_start3A_128 = tpu.memref_slice %arg7[%mul3A_93, %dma_start3A_127] : memref<32x80xi32, #tpu.memory_space<vmem>> -> memref<1x80xi32, #tpu.memory_space<vmem>>
          %dma_start3A_129 = tpu.memref_squeeze %dma_start3A_128 : memref<1x80xi32, #tpu.memory_space<vmem>> -> memref<80xi32, #tpu.memory_space<vmem>>
          %dma_start3A_130 = arith.constant 0 : i32
          %dma_start3A_131 = arith.constant 0 : i32
          %dma_start3A_132 = tpu.memref_slice %arg10[%dma_start3A_130, %dma_start3A_131] : memref<10240x128xf32, #tpu.memory_space<vmem_shared>> -> memref<10240x128xf32, #tpu.memory_space<vmem_shared>>
          tpu.enqueue_indirect_dma source(%arg8 : memref<80x128xf32, #tpu.memory_space<vmem>>) target(%dma_start3A_132 : memref<10240x128xf32, #tpu.memory_space<vmem_shared>>) offsets(%dma_start3A_129 : memref<80xi32, #tpu.memory_space<vmem>>) semaphore(%run_scoped3A_126 : memref<!tpu.dma_semaphore, #tpu.memory_space<semaphore_mem>>) {add = true}
          %dma_wait3A_133 = arith.constant 0 : i32
          %dma_wait3A_134 = tpu.memref_slice %arg7[%mul3A_93, %dma_wait3A_133] : memref<32x80xi32, #tpu.memory_space<vmem>> -> memref<1x80xi32, #tpu.memory_space<vmem>>
          %dma_wait3A_135 = tpu.memref_squeeze %dma_wait3A_134 : memref<1x80xi32, #tpu.memory_space<vmem>> -> memref<80xi32, #tpu.memory_space<vmem>>
          %dma_wait3A_136 = arith.constant 0 : i32
          %dma_wait3A_137 = arith.constant 0 : i32
          %dma_wait3A_138 = tpu.memref_slice %arg10[%dma_wait3A_136, %dma_wait3A_137] : memref<10240x128xf32, #tpu.memory_space<vmem_shared>> -> memref<10240x128xf32, #tpu.memory_space<vmem_shared>>
          tpu.wait_indirect_dma semaphore(%run_scoped3A_126 : memref<!tpu.dma_semaphore, #tpu.memory_space<semaphore_mem>>) src(%arg8 : memref<80x128xf32, #tpu.memory_space<vmem>>) dst(%dma_wait3A_138 : memref<10240x128xf32, #tpu.memory_space<vmem_shared>>)
          tpu.yield
        }) : () -> ()
        %add3A_108 = arith.constant 2 : i32
        %add3A_109 = arith.addi %mul3A_93, %add3A_108 : i32
        %dma_start3A_110 = arith.constant 0 : i32
        %dma_start3A_111 = tpu.memref_slice %arg6[%add3A_109, %dma_start3A_110] : memref<32x80xi32, #tpu.memory_space<vmem>> -> memref<1x80xi32, #tpu.memory_space<vmem>>
        %dma_start3A_112 = tpu.memref_squeeze %dma_start3A_111 : memref<1x80xi32, #tpu.memory_space<vmem>> -> memref<80xi32, #tpu.memory_space<vmem>>
        %dma_start3A_113 = arith.constant 0 : i32
        %dma_start3A_114 = arith.constant 0 : i32
        %dma_start3A_115 = tpu.memref_slice %arg2[%dma_start3A_113, %dma_start3A_114] : memref<10000x128xf32, #tpu.memory_space<hbm>> -> memref<10000x128xf32, #tpu.memory_space<hbm>>
        tpu.enqueue_indirect_dma source(%dma_start3A_115 : memref<10000x128xf32, #tpu.memory_space<hbm>>) target(%arg8 : memref<80x128xf32, #tpu.memory_space<vmem>>) offsets(%dma_start3A_112 : memref<80xi32, #tpu.memory_space<vmem>>) semaphore(%arg12 : memref<!tpu.dma_semaphore, #tpu.memory_space<semaphore_mem>>)
        %add3A_116 = arith.constant 1 : i32
        %add3A_117 = arith.addi %mul3A_93, %add3A_116 : i32
        %dma_wait3A_118 = arith.constant 0 : i32
        %dma_wait3A_119 = tpu.memref_slice %arg6[%add3A_117, %dma_wait3A_118] : memref<32x80xi32, #tpu.memory_space<vmem>> -> memref<1x80xi32, #tpu.memory_space<vmem>>
        %dma_wait3A_120 = tpu.memref_squeeze %dma_wait3A_119 : memref<1x80xi32, #tpu.memory_space<vmem>> -> memref<80xi32, #tpu.memory_space<vmem>>
        %dma_wait3A_121 = arith.constant 0 : i32
        %dma_wait3A_122 = arith.constant 0 : i32
        %dma_wait3A_123 = tpu.memref_slice %arg2[%dma_wait3A_121, %dma_wait3A_122] : memref<10000x128xf32, #tpu.memory_space<hbm>> -> memref<10000x128xf32, #tpu.memory_space<hbm>>
        tpu.wait_indirect_dma semaphore(%arg13 : memref<!tpu.dma_semaphore, #tpu.memory_space<semaphore_mem>>) src(%dma_wait3A_123 : memref<10000x128xf32, #tpu.memory_space<hbm>>) dst(%arg9 : memref<80x128xf32, #tpu.memory_space<vmem>>)
        %add3A_124 = arith.constant 1 : i32
        %add3A_125 = arith.addi %mul3A_93, %add3A_124 : i32
        "tpu.region"() ({
          %run_scoped3A_126 = tpu.sem_alloc : memref<!tpu.dma_semaphore, #tpu.memory_space<semaphore_mem>>
          %dma_start3A_127 = arith.constant 0 : i32
          %dma_start3A_128 = tpu.memref_slice %arg7[%add3A_125, %dma_start3A_127] : memref<32x80xi32, #tpu.memory_space<vmem>> -> memref<1x80xi32, #tpu.memory_space<vmem>>
          %dma_start3A_129 = tpu.memref_squeeze %dma_start3A_128 : memref<1x80xi32, #tpu.memory_space<vmem>> -> memref<80xi32, #tpu.memory_space<vmem>>
          %dma_start3A_130 = arith.constant 0 : i32
          %dma_start3A_131 = arith.constant 0 : i32
          %dma_start3A_132 = tpu.memref_slice %arg10[%dma_start3A_130, %dma_start3A_131] : memref<10240x128xf32, #tpu.memory_space<vmem_shared>> -> memref<10240x128xf32, #tpu.memory_space<vmem_shared>>
          tpu.enqueue_indirect_dma source(%arg9 : memref<80x128xf32, #tpu.memory_space<vmem>>) target(%dma_start3A_132 : memref<10240x128xf32, #tpu.memory_space<vmem_shared>>) offsets(%dma_start3A_129 : memref<80xi32, #tpu.memory_space<vmem>>) semaphore(%run_scoped3A_126 : memref<!tpu.dma_semaphore, #tpu.memory_space<semaphore_mem>>) {add = true}
          %dma_wait3A_133 = arith.constant 0 : i32
          %dma_wait3A_134 = tpu.memref_slice %arg7[%add3A_125, %dma_wait3A_133] : memref<32x80xi32, #tpu.memory_space<vmem>> -> memref<1x80xi32, #tpu.memory_space<vmem>>
          %dma_wait3A_135 = tpu.memref_squeeze %dma_wait3A_134 : memref<1x80xi32, #tpu.memory_space<vmem>> -> memref<80xi32, #tpu.memory_space<vmem>>
          %dma_wait3A_136 = arith.constant 0 : i32
          %dma_wait3A_137 = arith.constant 0 : i32
          %dma_wait3A_138 = tpu.memref_slice %arg10[%dma_wait3A_136, %dma_wait3A_137] : memref<10240x128xf32, #tpu.memory_space<vmem_shared>> -> memref<10240x128xf32, #tpu.memory_space<vmem_shared>>
          tpu.wait_indirect_dma semaphore(%run_scoped3A_126 : memref<!tpu.dma_semaphore, #tpu.memory_space<semaphore_mem>>) src(%arg9 : memref<80x128xf32, #tpu.memory_space<vmem>>) dst(%dma_wait3A_138 : memref<10240x128xf32, #tpu.memory_space<vmem_shared>>)
          tpu.yield
        }) : () -> ()
      }
      %scan3A_64 = arith.constant 15 : i32
      %dma_start3A_65 = arith.constant 31 : i32
      %dma_start3A_66 = arith.constant 0 : i32
      %dma_start3A_67 = tpu.memref_slice %arg6[%dma_start3A_65, %dma_start3A_66] : memref<32x80xi32, #tpu.memory_space<vmem>> -> memref<1x80xi32, #tpu.memory_space<vmem>>
      %dma_start3A_68 = tpu.memref_squeeze %dma_start3A_67 : memref<1x80xi32, #tpu.memory_space<vmem>> -> memref<80xi32, #tpu.memory_space<vmem>>
      %dma_start3A_69 = arith.constant 0 : i32
      %dma_start3A_70 = arith.constant 0 : i32
      %dma_start3A_71 = tpu.memref_slice %arg2[%dma_start3A_69, %dma_start3A_70] : memref<10000x128xf32, #tpu.memory_space<hbm>> -> memref<10000x128xf32, #tpu.memory_space<hbm>>
      tpu.enqueue_indirect_dma source(%dma_start3A_71 : memref<10000x128xf32, #tpu.memory_space<hbm>>) target(%arg9 : memref<80x128xf32, #tpu.memory_space<vmem>>) offsets(%dma_start3A_68 : memref<80xi32, #tpu.memory_space<vmem>>) semaphore(%arg13 : memref<!tpu.dma_semaphore, #tpu.memory_space<semaphore_mem>>)
      %dma_wait3A_72 = arith.constant 30 : i32
      %dma_wait3A_73 = arith.constant 0 : i32
      %dma_wait3A_74 = tpu.memref_slice %arg6[%dma_wait3A_72, %dma_wait3A_73] : memref<32x80xi32, #tpu.memory_space<vmem>> -> memref<1x80xi32, #tpu.memory_space<vmem>>
      %dma_wait3A_75 = tpu.memref_squeeze %dma_wait3A_74 : memref<1x80xi32, #tpu.memory_space<vmem>> -> memref<80xi32, #tpu.memory_space<vmem>>
      %dma_wait3A_76 = arith.constant 0 : i32
      %dma_wait3A_77 = arith.constant 0 : i32
      %dma_wait3A_78 = tpu.memref_slice %arg2[%dma_wait3A_76, %dma_wait3A_77] : memref<10000x128xf32, #tpu.memory_space<hbm>> -> memref<10000x128xf32, #tpu.memory_space<hbm>>
      tpu.wait_indirect_dma semaphore(%arg12 : memref<!tpu.dma_semaphore, #tpu.memory_space<semaphore_mem>>) src(%dma_wait3A_78 : memref<10000x128xf32, #tpu.memory_space<hbm>>) dst(%arg8 : memref<80x128xf32, #tpu.memory_space<vmem>>)
      %run_scoped3A = arith.constant 30 : i32
      "tpu.region"() ({
        %run_scoped3A_87 = tpu.sem_alloc : memref<!tpu.dma_semaphore, #tpu.memory_space<semaphore_mem>>
        %dma_start3A_88 = arith.constant 0 : i32
        %dma_start3A_89 = tpu.memref_slice %arg7[%run_scoped3A, %dma_start3A_88] : memref<32x80xi32, #tpu.memory_space<vmem>> -> memref<1x80xi32, #tpu.memory_space<vmem>>
        %dma_start3A_90 = tpu.memref_squeeze %dma_start3A_89 : memref<1x80xi32, #tpu.memory_space<vmem>> -> memref<80xi32, #tpu.memory_space<vmem>>
        %dma_start3A_91 = arith.constant 0 : i32
        %dma_start3A_92 = arith.constant 0 : i32
        %dma_start3A_93 = tpu.memref_slice %arg10[%dma_start3A_91, %dma_start3A_92] : memref<10240x128xf32, #tpu.memory_space<vmem_shared>> -> memref<10240x128xf32, #tpu.memory_space<vmem_shared>>
        tpu.enqueue_indirect_dma source(%arg8 : memref<80x128xf32, #tpu.memory_space<vmem>>) target(%dma_start3A_93 : memref<10240x128xf32, #tpu.memory_space<vmem_shared>>) offsets(%dma_start3A_90 : memref<80xi32, #tpu.memory_space<vmem>>) semaphore(%run_scoped3A_87 : memref<!tpu.dma_semaphore, #tpu.memory_space<semaphore_mem>>) {add = true}
        %dma_wait3A_94 = arith.constant 0 : i32
        %dma_wait3A_95 = tpu.memref_slice %arg7[%run_scoped3A, %dma_wait3A_94] : memref<32x80xi32, #tpu.memory_space<vmem>> -> memref<1x80xi32, #tpu.memory_space<vmem>>
        %dma_wait3A_96 = tpu.memref_squeeze %dma_wait3A_95 : memref<1x80xi32, #tpu.memory_space<vmem>> -> memref<80xi32, #tpu.memory_space<vmem>>
        %dma_wait3A_97 = arith.constant 0 : i32
        %dma_wait3A_98 = arith.constant 0 : i32
        %dma_wait3A_99 = tpu.memref_slice %arg10[%dma_wait3A_97, %dma_wait3A_98] : memref<10240x128xf32, #tpu.memory_space<vmem_shared>> -> memref<10240x128xf32, #tpu.memory_space<vmem_shared>>
        tpu.wait_indirect_dma semaphore(%run_scoped3A_87 : memref<!tpu.dma_semaphore, #tpu.memory_space<semaphore_mem>>) src(%arg8 : memref<80x128xf32, #tpu.memory_space<vmem>>) dst(%dma_wait3A_99 : memref<10240x128xf32, #tpu.memory_space<vmem_shared>>)
        tpu.yield
      }) : () -> ()
      %dma_wait3A_79 = arith.constant 31 : i32
      %dma_wait3A_80 = arith.constant 0 : i32
      %dma_wait3A_81 = tpu.memref_slice %arg6[%dma_wait3A_79, %dma_wait3A_80] : memref<32x80xi32, #tpu.memory_space<vmem>> -> memref<1x80xi32, #tpu.memory_space<vmem>>
      %dma_wait3A_82 = tpu.memref_squeeze %dma_wait3A_81 : memref<1x80xi32, #tpu.memory_space<vmem>> -> memref<80xi32, #tpu.memory_space<vmem>>
      %dma_wait3A_83 = arith.constant 0 : i32
      %dma_wait3A_84 = arith.constant 0 : i32
      %dma_wait3A_85 = tpu.memref_slice %arg2[%dma_wait3A_83, %dma_wait3A_84] : memref<10000x128xf32, #tpu.memory_space<hbm>> -> memref<10000x128xf32, #tpu.memory_space<hbm>>
      tpu.wait_indirect_dma semaphore(%arg13 : memref<!tpu.dma_semaphore, #tpu.memory_space<semaphore_mem>>) src(%dma_wait3A_85 : memref<10000x128xf32, #tpu.memory_space<hbm>>) dst(%arg9 : memref<80x128xf32, #tpu.memory_space<vmem>>)
      %run_scoped3A_86 = arith.constant 31 : i32
      "tpu.region"() ({
        %run_scoped3A_87 = tpu.sem_alloc : memref<!tpu.dma_semaphore, #tpu.memory_space<semaphore_mem>>
        %dma_start3A_88 = arith.constant 0 : i32
        %dma_start3A_89 = tpu.memref_slice %arg7[%run_scoped3A_86, %dma_start3A_88] : memref<32x80xi32, #tpu.memory_space<vmem>> -> memref<1x80xi32, #tpu.memory_space<vmem>>
        %dma_start3A_90 = tpu.memref_squeeze %dma_start3A_89 : memref<1x80xi32, #tpu.memory_space<vmem>> -> memref<80xi32, #tpu.memory_space<vmem>>
        %dma_start3A_91 = arith.constant 0 : i32
        %dma_start3A_92 = arith.constant 0 : i32
        %dma_start3A_93 = tpu.memref_slice %arg10[%dma_start3A_91, %dma_start3A_92] : memref<10240x128xf32, #tpu.memory_space<vmem_shared>> -> memref<10240x128xf32, #tpu.memory_space<vmem_shared>>
        tpu.enqueue_indirect_dma source(%arg9 : memref<80x128xf32, #tpu.memory_space<vmem>>) target(%dma_start3A_93 : memref<10240x128xf32, #tpu.memory_space<vmem_shared>>) offsets(%dma_start3A_90 : memref<80xi32, #tpu.memory_space<vmem>>) semaphore(%run_scoped3A_87 : memref<!tpu.dma_semaphore, #tpu.memory_space<semaphore_mem>>) {add = true}
        %dma_wait3A_94 = arith.constant 0 : i32
        %dma_wait3A_95 = tpu.memref_slice %arg7[%run_scoped3A_86, %dma_wait3A_94] : memref<32x80xi32, #tpu.memory_space<vmem>> -> memref<1x80xi32, #tpu.memory_space<vmem>>
        %dma_wait3A_96 = tpu.memref_squeeze %dma_wait3A_95 : memref<1x80xi32, #tpu.memory_space<vmem>> -> memref<80xi32, #tpu.memory_space<vmem>>
        %dma_wait3A_97 = arith.constant 0 : i32
        %dma_wait3A_98 = arith.constant 0 : i32
        %dma_wait3A_99 = tpu.memref_slice %arg10[%dma_wait3A_97, %dma_wait3A_98] : memref<10240x128xf32, #tpu.memory_space<vmem_shared>> -> memref<10240x128xf32, #tpu.memory_space<vmem_shared>>
        tpu.wait_indirect_dma semaphore(%run_scoped3A_87 : memref<!tpu.dma_semaphore, #tpu.memory_space<semaphore_mem>>) src(%arg9 : memref<80x128xf32, #tpu.memory_space<vmem>>) dst(%dma_wait3A_99 : memref<10240x128xf32, #tpu.memory_space<vmem_shared>>)
        tpu.yield
      }) : () -> ()
    }
    %scan3A_15 = arith.constant 4 : i32
    %barrier3A_16 = arith.constant 0 : index
    tpu.barrier barrier_id(%barrier3A_16)
    %scan3A_17 = arith.constant 0 : i32
    %scan3A_18 = arith.constant 8 : i32
    %scan3A_19 = arith.addi %scan3A_17, %scan3A_18 : i32
    %scan3A_20 = arith.constant 1 : i32
    scf.for %scan3A_22 = %scan3A_17 to %scan3A_19 step %scan3A_20  : i32 {
      %mul3A_23 = arith.constant 1 : i32
      %mul3A_24 = arith.muli %scan3A_22, %mul3A_23 : i32
      %add3A_25 = arith.constant 0 : i32
      %add3A_26 = arith.addi %add3A_25, %mul3A_24 : i32
      %mul3A_27 = arith.constant 640 : i32
      %mul3A_28 = arith.muli %arg1, %mul3A_27 : i32
      %mul3A_29 = arith.constant 80 : i32
      %mul3A_30 = arith.muli %add3A_26, %mul3A_29 : i32
      %add3A_31 = arith.addi %mul3A_28, %mul3A_30 : i32
      "tpu.region"() ({
        %run_scoped3A = tpu.sem_alloc : memref<!tpu.dma_semaphore, #tpu.memory_space<semaphore_mem>>
        %dma_start3A = arith.constant 0 : i32
        %dma_start3A_37 = tpu.memref_slice %arg10[%add3A_31, %dma_start3A] : memref<10240x128xf32, #tpu.memory_space<vmem_shared>> -> memref<80x128xf32, #tpu.memory_space<vmem_shared>>
        %dma_start3A_38 = arith.constant 0 : i32
        %dma_start3A_39 = tpu.memref_slice %arg10[%add3A_31, %dma_start3A_38] : memref<10240x128xf32, #tpu.memory_space<vmem_shared>> -> memref<80x128xf32, #tpu.memory_space<vmem_shared>>
        tpu.enqueue_dma source(%dma_start3A_39 : memref<80x128xf32, #tpu.memory_space<vmem_shared>>) target(%arg8 : memref<80x128xf32, #tpu.memory_space<vmem>>) target_semaphore(%run_scoped3A : memref<!tpu.dma_semaphore, #tpu.memory_space<semaphore_mem>>)
        %dma_wait3A = arith.constant 0 : i32
        %dma_wait3A_40 = tpu.memref_slice %arg10[%add3A_31, %dma_wait3A] : memref<10240x128xf32, #tpu.memory_space<vmem_shared>> -> memref<80x128xf32, #tpu.memory_space<vmem_shared>>
        %dma_wait3A_41 = arith.constant 0 : i32
        %dma_wait3A_42 = tpu.memref_slice %arg10[%add3A_31, %dma_wait3A_41] : memref<10240x128xf32, #tpu.memory_space<vmem_shared>> -> memref<80x128xf32, #tpu.memory_space<vmem_shared>>
        tpu.wait_dma2 semaphore(%run_scoped3A : memref<!tpu.dma_semaphore, #tpu.memory_space<semaphore_mem>>) src(%dma_wait3A_42 : memref<80x128xf32, #tpu.memory_space<vmem_shared>>) dst(%arg8 : memref<80x128xf32, #tpu.memory_space<vmem>>)
        tpu.yield
      }) : () -> ()
      %mul3A_32 = arith.constant 640 : i32
      %mul3A_33 = arith.muli %arg1, %mul3A_32 : i32
      %mul3A_34 = arith.constant 80 : i32
      %mul3A_35 = arith.muli %add3A_26, %mul3A_34 : i32
      %add3A_36 = arith.addi %mul3A_33, %mul3A_35 : i32
      "tpu.region"() ({
        %run_scoped3A = tpu.sem_alloc : memref<!tpu.dma_semaphore, #tpu.memory_space<semaphore_mem>>
        %dma_start3A = arith.constant 0 : i32
        %dma_start3A_37 = tpu.memref_slice %arg5[%arg0, %add3A_36, %dma_start3A] : memref<2x10240x128xf32, #tpu.memory_space<hbm>> -> memref<1x80x128xf32, #tpu.memory_space<hbm>>
        %dma_start3A_38 = tpu.memref_squeeze %dma_start3A_37 : memref<1x80x128xf32, #tpu.memory_space<hbm>> -> memref<80x128xf32, #tpu.memory_space<hbm>>
        %dma_start3A_39 = arith.constant 0 : i32
        %dma_start3A_40 = tpu.memref_slice %arg5[%arg0, %add3A_36, %dma_start3A_39] : memref<2x10240x128xf32, #tpu.memory_space<hbm>> -> memref<1x80x128xf32, #tpu.memory_space<hbm>>
        %dma_start3A_41 = tpu.memref_squeeze %dma_start3A_40 : memref<1x80x128xf32, #tpu.memory_space<hbm>> -> memref<80x128xf32, #tpu.memory_space<hbm>>
        tpu.enqueue_dma source(%arg8 : memref<80x128xf32, #tpu.memory_space<vmem>>) target(%dma_start3A_41 : memref<80x128xf32, #tpu.memory_space<hbm>>) target_semaphore(%run_scoped3A : memref<!tpu.dma_semaphore, #tpu.memory_space<semaphore_mem>>)
        %dma_wait3A = arith.constant 0 : i32
        %dma_wait3A_42 = tpu.memref_slice %arg5[%arg0, %add3A_36, %dma_wait3A] : memref<2x10240x128xf32, #tpu.memory_space<hbm>> -> memref<1x80x128xf32, #tpu.memory_space<hbm>>
        %dma_wait3A_43 = tpu.memref_squeeze %dma_wait3A_42 : memref<1x80x128xf32, #tpu.memory_space<hbm>> -> memref<80x128xf32, #tpu.memory_space<hbm>>
        %dma_wait3A_44 = arith.constant 0 : i32
        %dma_wait3A_45 = tpu.memref_slice %arg5[%arg0, %add3A_36, %dma_wait3A_44] : memref<2x10240x128xf32, #tpu.memory_space<hbm>> -> memref<1x80x128xf32, #tpu.memory_space<hbm>>
        %dma_wait3A_46 = tpu.memref_squeeze %dma_wait3A_45 : memref<1x80x128xf32, #tpu.memory_space<hbm>> -> memref<80x128xf32, #tpu.memory_space<hbm>>
        tpu.wait_dma2 semaphore(%run_scoped3A : memref<!tpu.dma_semaphore, #tpu.memory_space<semaphore_mem>>) src(%arg8 : memref<80x128xf32, #tpu.memory_space<vmem>>) dst(%dma_wait3A_46 : memref<80x128xf32, #tpu.memory_space<hbm>>)
        tpu.yield
      }) : () -> ()
    }
    %scan3A_21 = arith.constant 8 : i32
    return
  }
}

#map = affine_map<(d0, d1) -> (0, 0)>
#map1 = affine_map<(d0, d1) -> (0, 0, 0)>
module attributes {stable_mosaic.version = 14 : i64} {
  func.func @_agg_body(%arg0: i32, %arg1: i32, %arg2: memref<10000x128xf32, #tpu.memory_space<hbm>>, %arg3: memref<32x128x80xi32, #tpu.memory_space<hbm>>, %arg4: memref<32x128x80xi32, #tpu.memory_space<hbm>>, %arg5: memref<2x10240x128xf32, #tpu.memory_space<hbm>>, %arg6: memref<32x80xi32, #tpu.memory_space<vmem>>, %arg7: memref<32x80xi32, #tpu.memory_space<vmem>>, %arg8: memref<80x128xf32, #tpu.memory_space<vmem>>, %arg9: memref<80x128xf32, #tpu.memory_space<vmem>>, %arg10: memref<10240x128xf32, #tpu.memory_space<vmem_shared>>, %arg11: memref<!tpu.dma_semaphore, #tpu.memory_space<semaphore_mem>>, %arg12: memref<!tpu.dma_semaphore, #tpu.memory_space<semaphore_mem>>, %arg13: memref<!tpu.dma_semaphore, #tpu.memory_space<semaphore_mem>>) attributes {dimension_semantics = [#tpu.dimension_semantics<core_parallel>, #tpu.dimension_semantics<subcore_parallel>], iteration_bounds = array<i64: 2, 16>, scalar_prefetch = 0 : i64, scratch_operands = 8 : i64, tpu.core_type = #tpu.core_type<sc_vector_subcore>, window_params = [{transform_indices = #map}, {transform_indices = #map1}, {transform_indices = #map1}, {transform_indices = #map1}]} {
    %mul3A = arith.constant 16 : i32
    %mul3A_0 = arith.muli %arg0, %mul3A : i32
    %add3A = arith.addi %mul3A_0, %arg1 : i32
    %broadcast_in_dim3A = arith.constant 0.000000e+00 : f32
    %broadcast_in_dim3A_1 = vector.broadcast %broadcast_in_dim3A : f32 to vector<16xf32>
    %scan3A = arith.constant 0 : i32
    %scan3A_2 = arith.constant 80 : i32
    %scan3A_3 = arith.addi %scan3A, %scan3A_2 : i32
    %scan3A_4 = arith.constant 1 : i32
    scf.for %scan3A_22 = %scan3A to %scan3A_3 step %scan3A_4  : i32 {
      %mul3A_23 = arith.constant 1 : i32
      %mul3A_24 = arith.muli %scan3A_22, %mul3A_23 : i32
      %add3A_25 = arith.constant 0 : i32
      %add3A_26 = arith.addi %add3A_25, %mul3A_24 : i32
      %scan3A_27 = arith.constant 0 : i32
      %scan3A_28 = arith.constant 8 : i32
      %scan3A_29 = arith.addi %scan3A_27, %scan3A_28 : i32
      %scan3A_30 = arith.constant 1 : i32
      scf.for %scan3A_32 = %scan3A_27 to %scan3A_29 step %scan3A_30  : i32 {
        %mul3A_33 = arith.constant 1 : i32
        %mul3A_34 = arith.muli %scan3A_32, %mul3A_33 : i32
        %add3A_35 = arith.constant 0 : i32
        %add3A_36 = arith.addi %add3A_35, %mul3A_34 : i32
        %mul3A_37 = arith.constant 16 : i32
        %mul3A_38 = arith.muli %add3A_36, %mul3A_37 : i32
        %swap3A = arith.index_cast %add3A_26 : i32 to index
        %swap3A_39 = arith.index_cast %mul3A_38 : i32 to index
        %swap3A_40 = tpu.vector_load %arg8[%swap3A, %swap3A_39] {strides = array<i32>} : memref<80x128xf32, #tpu.memory_space<vmem>>, vector<1x16xf32>,
        %swap3A_41 = vector.shape_cast %swap3A_40 : vector<1x16xf32> to vector<16xf32>
        %swap3A_42 = vector.shape_cast %broadcast_in_dim3A_1 : vector<16xf32> to vector<1x16xf32>
        tpu.vector_store %arg8[%swap3A, %swap3A_39], %swap3A_42 {strides = array<i32>} : memref<80x128xf32, #tpu.memory_space<vmem>>, vector<1x16xf32>,
      }
      %scan3A_31 = arith.constant 8 : i32
    }
    %scan3A_5 = arith.constant 80 : i32
    %scan3A_6 = arith.constant 0 : i32
    %scan3A_7 = arith.constant 8 : i32
    %scan3A_8 = arith.addi %scan3A_6, %scan3A_7 : i32
    %scan3A_9 = arith.constant 1 : i32
    scf.for %scan3A_22 = %scan3A_6 to %scan3A_8 step %scan3A_9  : i32 {
      %mul3A_23 = arith.constant 1 : i32
      %mul3A_24 = arith.muli %scan3A_22, %mul3A_23 : i32
      %add3A_25 = arith.constant 0 : i32
      %add3A_26 = arith.addi %add3A_25, %mul3A_24 : i32
      %mul3A_27 = arith.constant 640 : i32
      %mul3A_28 = arith.muli %arg1, %mul3A_27 : i32
      %mul3A_29 = arith.constant 80 : i32
      %mul3A_30 = arith.muli %add3A_26, %mul3A_29 : i32
      %add3A_31 = arith.addi %mul3A_28, %mul3A_30 : i32
      "tpu.region"() ({
        %run_scoped3A = tpu.sem_alloc : memref<!tpu.dma_semaphore, #tpu.memory_space<semaphore_mem>>
        %dma_start3A = arith.constant 0 : i32
        %dma_start3A_32 = tpu.memref_slice %arg10[%add3A_31, %dma_start3A] : memref<10240x128xf32, #tpu.memory_space<vmem_shared>> -> memref<80x128xf32, #tpu.memory_space<vmem_shared>>
        %dma_start3A_33 = arith.constant 0 : i32
        %dma_start3A_34 = tpu.memref_slice %arg10[%add3A_31, %dma_start3A_33] : memref<10240x128xf32, #tpu.memory_space<vmem_shared>> -> memref<80x128xf32, #tpu.memory_space<vmem_shared>>
        tpu.enqueue_dma source(%arg8 : memref<80x128xf32, #tpu.memory_space<vmem>>) target(%dma_start3A_34 : memref<80x128xf32, #tpu.memory_space<vmem_shared>>) target_semaphore(%run_scoped3A : memref<!tpu.dma_semaphore, #tpu.memory_space<semaphore_mem>>)
        %dma_wait3A = arith.constant 0 : i32
        %dma_wait3A_35 = tpu.memref_slice %arg10[%add3A_31, %dma_wait3A] : memref<10240x128xf32, #tpu.memory_space<vmem_shared>> -> memref<80x128xf32, #tpu.memory_space<vmem_shared>>
        %dma_wait3A_36 = arith.constant 0 : i32
        %dma_wait3A_37 = tpu.memref_slice %arg10[%add3A_31, %dma_wait3A_36] : memref<10240x128xf32, #tpu.memory_space<vmem_shared>> -> memref<80x128xf32, #tpu.memory_space<vmem_shared>>
        tpu.wait_dma2 semaphore(%run_scoped3A : memref<!tpu.dma_semaphore, #tpu.memory_space<semaphore_mem>>) src(%arg8 : memref<80x128xf32, #tpu.memory_space<vmem>>) dst(%dma_wait3A_37 : memref<80x128xf32, #tpu.memory_space<vmem_shared>>)
        tpu.yield
      }) : () -> ()
    }
    %scan3A_10 = arith.constant 8 : i32
    %barrier3A = arith.constant 0 : index
    tpu.barrier barrier_id(%barrier3A)
    %scan3A_11 = arith.constant 0 : i32
    %scan3A_12 = arith.constant 4 : i32
    %scan3A_13 = arith.addi %scan3A_11, %scan3A_12 : i32
    %scan3A_14 = arith.constant 1 : i32
    scf.for %scan3A_22 = %scan3A_11 to %scan3A_13 step %scan3A_14  : i32 {
      %mul3A_23 = arith.constant 1 : i32
      %mul3A_24 = arith.muli %scan3A_22, %mul3A_23 : i32
      %add3A_25 = arith.constant 0 : i32
      %add3A_26 = arith.addi %add3A_25, %mul3A_24 : i32
      %mul3A_27 = arith.constant 32 : i32
      %mul3A_28 = arith.muli %add3A_26, %mul3A_27 : i32
      %dma_start3A = arith.constant 0 : i32
      %dma_start3A_29 = tpu.memref_slice %arg3[%add3A, %mul3A_28, %dma_start3A] : memref<32x128x80xi32, #tpu.memory_space<hbm>> -> memref<1x32x80xi32, #tpu.memory_space<hbm>>
      %dma_start3A_30 = tpu.memref_squeeze %dma_start3A_29 : memref<1x32x80xi32, #tpu.memory_space<hbm>> -> memref<32x80xi32, #tpu.memory_space<hbm>>
      %dma_start3A_31 = arith.constant 0 : i32
      %dma_start3A_32 = tpu.memref_slice %arg3[%add3A, %mul3A_28, %dma_start3A_31] : memref<32x128x80xi32, #tpu.memory_space<hbm>> -> memref<1x32x80xi32, #tpu.memory_space<hbm>>
      %dma_start3A_33 = tpu.memref_squeeze %dma_start3A_32 : memref<1x32x80xi32, #tpu.memory_space<hbm>> -> memref<32x80xi32, #tpu.memory_space<hbm>>
      tpu.enqueue_dma source(%dma_start3A_33 : memref<32x80xi32, #tpu.memory_space<hbm>>) target(%arg6 : memref<32x80xi32, #tpu.memory_space<vmem>>) target_semaphore(%arg11 : memref<!tpu.dma_semaphore, #tpu.memory_space<semaphore_mem>>)
      %dma_wait3A = arith.constant 0 : i32
      %dma_wait3A_34 = tpu.memref_slice %arg3[%add3A, %mul3A_28, %dma_wait3A] : memref<32x128x80xi32, #tpu.memory_space<hbm>> -> memref<1x32x80xi32, #tpu.memory_space<hbm>>
      %dma_wait3A_35 = tpu.memref_squeeze %dma_wait3A_34 : memref<1x32x80xi32, #tpu.memory_space<hbm>> -> memref<32x80xi32, #tpu.memory_space<hbm>>
      %dma_wait3A_36 = arith.constant 0 : i32
      %dma_wait3A_37 = tpu.memref_slice %arg3[%add3A, %mul3A_28, %dma_wait3A_36] : memref<32x128x80xi32, #tpu.memory_space<hbm>> -> memref<1x32x80xi32, #tpu.memory_space<hbm>>
      %dma_wait3A_38 = tpu.memref_squeeze %dma_wait3A_37 : memref<1x32x80xi32, #tpu.memory_space<hbm>> -> memref<32x80xi32, #tpu.memory_space<hbm>>
      tpu.wait_dma2 semaphore(%arg11 : memref<!tpu.dma_semaphore, #tpu.memory_space<semaphore_mem>>) src(%dma_wait3A_38 : memref<32x80xi32, #tpu.memory_space<hbm>>) dst(%arg6 : memref<32x80xi32, #tpu.memory_space<vmem>>)
      %mul3A_39 = arith.constant 32 : i32
      %mul3A_40 = arith.muli %add3A_26, %mul3A_39 : i32
      %dma_start3A_41 = arith.constant 0 : i32
      %dma_start3A_42 = tpu.memref_slice %arg4[%add3A, %mul3A_40, %dma_start3A_41] : memref<32x128x80xi32, #tpu.memory_space<hbm>> -> memref<1x32x80xi32, #tpu.memory_space<hbm>>
      %dma_start3A_43 = tpu.memref_squeeze %dma_start3A_42 : memref<1x32x80xi32, #tpu.memory_space<hbm>> -> memref<32x80xi32, #tpu.memory_space<hbm>>
      %dma_start3A_44 = arith.constant 0 : i32
      %dma_start3A_45 = tpu.memref_slice %arg4[%add3A, %mul3A_40, %dma_start3A_44] : memref<32x128x80xi32, #tpu.memory_space<hbm>> -> memref<1x32x80xi32, #tpu.memory_space<hbm>>
      %dma_start3A_46 = tpu.memref_squeeze %dma_start3A_45 : memref<1x32x80xi32, #tpu.memory_space<hbm>> -> memref<32x80xi32, #tpu.memory_space<hbm>>
      tpu.enqueue_dma source(%dma_start3A_46 : memref<32x80xi32, #tpu.memory_space<hbm>>) target(%arg7 : memref<32x80xi32, #tpu.memory_space<vmem>>) target_semaphore(%arg11 : memref<!tpu.dma_semaphore, #tpu.memory_space<semaphore_mem>>)
      %dma_wait3A_47 = arith.constant 0 : i32
      %dma_wait3A_48 = tpu.memref_slice %arg4[%add3A, %mul3A_40, %dma_wait3A_47] : memref<32x128x80xi32, #tpu.memory_space<hbm>> -> memref<1x32x80xi32, #tpu.memory_space<hbm>>
      %dma_wait3A_49 = tpu.memref_squeeze %dma_wait3A_48 : memref<1x32x80xi32, #tpu.memory_space<hbm>> -> memref<32x80xi32, #tpu.memory_space<hbm>>
      %dma_wait3A_50 = arith.constant 0 : i32
      %dma_wait3A_51 = tpu.memref_slice %arg4[%add3A, %mul3A_40, %dma_wait3A_50] : memref<32x128x80xi32, #tpu.memory_space<hbm>> -> memref<1x32x80xi32, #tpu.memory_space<hbm>>
      %dma_wait3A_52 = tpu.memref_squeeze %dma_wait3A_51 : memref<1x32x80xi32, #tpu.memory_space<hbm>> -> memref<32x80xi32, #tpu.memory_space<hbm>>
      tpu.wait_dma2 semaphore(%arg11 : memref<!tpu.dma_semaphore, #tpu.memory_space<semaphore_mem>>) src(%dma_wait3A_52 : memref<32x80xi32, #tpu.memory_space<hbm>>) dst(%arg7 : memref<32x80xi32, #tpu.memory_space<vmem>>)
      %dma_start3A_53 = arith.constant 0 : i32
      %dma_start3A_54 = arith.constant 0 : i32
      %dma_start3A_55 = tpu.memref_slice %arg6[%dma_start3A_53, %dma_start3A_54] : memref<32x80xi32, #tpu.memory_space<vmem>> -> memref<1x80xi32, #tpu.memory_space<vmem>>
      %dma_start3A_56 = tpu.memref_squeeze %dma_start3A_55 : memref<1x80xi32, #tpu.memory_space<vmem>> -> memref<80xi32, #tpu.memory_space<vmem>>
      %dma_start3A_57 = arith.constant 0 : i32
      %dma_start3A_58 = arith.constant 0 : i32
      %dma_start3A_59 = tpu.memref_slice %arg2[%dma_start3A_57, %dma_start3A_58] : memref<10000x128xf32, #tpu.memory_space<hbm>> -> memref<10000x128xf32, #tpu.memory_space<hbm>>
      tpu.enqueue_indirect_dma source(%dma_start3A_59 : memref<10000x128xf32, #tpu.memory_space<hbm>>) target(%arg8 : memref<80x128xf32, #tpu.memory_space<vmem>>) offsets(%dma_start3A_56 : memref<80xi32, #tpu.memory_space<vmem>>) semaphore(%arg12 : memref<!tpu.dma_semaphore, #tpu.memory_space<semaphore_mem>>)
      %scan3A_60 = arith.constant 0 : i32
      %scan3A_61 = arith.constant 15 : i32
      %scan3A_62 = arith.addi %scan3A_60, %scan3A_61 : i32
      %scan3A_63 = arith.constant 1 : i32
      scf.for %scan3A_87 = %scan3A_60 to %scan3A_62 step %scan3A_63  : i32 {
        %mul3A_88 = arith.constant 1 : i32
        %mul3A_89 = arith.muli %scan3A_87, %mul3A_88 : i32
        %add3A_90 = arith.constant 0 : i32
        %add3A_91 = arith.addi %add3A_90, %mul3A_89 : i32
        %mul3A_92 = arith.constant 2 : i32
        %mul3A_93 = arith.muli %add3A_91, %mul3A_92 : i32
        %add3A_94 = arith.constant 1 : i32
        %add3A_95 = arith.addi %mul3A_93, %add3A_94 : i32
        %dma_start3A_96 = arith.constant 0 : i32
        %dma_start3A_97 = tpu.memref_slice %arg6[%add3A_95, %dma_start3A_96] : memref<32x80xi32, #tpu.memory_space<vmem>> -> memref<1x80xi32, #tpu.memory_space<vmem>>
        %dma_start3A_98 = tpu.memref_squeeze %dma_start3A_97 : memref<1x80xi32, #tpu.memory_space<vmem>> -> memref<80xi32, #tpu.memory_space<vmem>>
        %dma_start3A_99 = arith.constant 0 : i32
        %dma_start3A_100 = arith.constant 0 : i32
        %dma_start3A_101 = tpu.memref_slice %arg2[%dma_start3A_99, %dma_start3A_100] : memref<10000x128xf32, #tpu.memory_space<hbm>> -> memref<10000x128xf32, #tpu.memory_space<hbm>>
        tpu.enqueue_indirect_dma source(%dma_start3A_101 : memref<10000x128xf32, #tpu.memory_space<hbm>>) target(%arg9 : memref<80x128xf32, #tpu.memory_space<vmem>>) offsets(%dma_start3A_98 : memref<80xi32, #tpu.memory_space<vmem>>) semaphore(%arg13 : memref<!tpu.dma_semaphore, #tpu.memory_space<semaphore_mem>>)
        %dma_wait3A_102 = arith.constant 0 : i32
        %dma_wait3A_103 = tpu.memref_slice %arg6[%mul3A_93, %dma_wait3A_102] : memref<32x80xi32, #tpu.memory_space<vmem>> -> memref<1x80xi32, #tpu.memory_space<vmem>>
        %dma_wait3A_104 = tpu.memref_squeeze %dma_wait3A_103 : memref<1x80xi32, #tpu.memory_space<vmem>> -> memref<80xi32, #tpu.memory_space<vmem>>
        %dma_wait3A_105 = arith.constant 0 : i32
        %dma_wait3A_106 = arith.constant 0 : i32
        %dma_wait3A_107 = tpu.memref_slice %arg2[%dma_wait3A_105, %dma_wait3A_106] : memref<10000x128xf32, #tpu.memory_space<hbm>> -> memref<10000x128xf32, #tpu.memory_space<hbm>>
        tpu.wait_indirect_dma semaphore(%arg12 : memref<!tpu.dma_semaphore, #tpu.memory_space<semaphore_mem>>) src(%dma_wait3A_107 : memref<10000x128xf32, #tpu.memory_space<hbm>>) dst(%arg8 : memref<80x128xf32, #tpu.memory_space<vmem>>)
        "tpu.region"() ({
          %run_scoped3A_126 = tpu.sem_alloc : memref<!tpu.dma_semaphore, #tpu.memory_space<semaphore_mem>>
          %dma_start3A_127 = arith.constant 0 : i32
          %dma_start3A_128 = tpu.memref_slice %arg7[%mul3A_93, %dma_start3A_127] : memref<32x80xi32, #tpu.memory_space<vmem>> -> memref<1x80xi32, #tpu.memory_space<vmem>>
          %dma_start3A_129 = tpu.memref_squeeze %dma_start3A_128 : memref<1x80xi32, #tpu.memory_space<vmem>> -> memref<80xi32, #tpu.memory_space<vmem>>
          %dma_start3A_130 = arith.constant 0 : i32
          %dma_start3A_131 = arith.constant 0 : i32
          %dma_start3A_132 = tpu.memref_slice %arg10[%dma_start3A_130, %dma_start3A_131] : memref<10240x128xf32, #tpu.memory_space<vmem_shared>> -> memref<10240x128xf32, #tpu.memory_space<vmem_shared>>
          tpu.enqueue_indirect_dma source(%arg8 : memref<80x128xf32, #tpu.memory_space<vmem>>) target(%dma_start3A_132 : memref<10240x128xf32, #tpu.memory_space<vmem_shared>>) offsets(%dma_start3A_129 : memref<80xi32, #tpu.memory_space<vmem>>) semaphore(%run_scoped3A_126 : memref<!tpu.dma_semaphore, #tpu.memory_space<semaphore_mem>>) {add = true}
          %dma_wait3A_133 = arith.constant 0 : i32
          %dma_wait3A_134 = tpu.memref_slice %arg7[%mul3A_93, %dma_wait3A_133] : memref<32x80xi32, #tpu.memory_space<vmem>> -> memref<1x80xi32, #tpu.memory_space<vmem>>
          %dma_wait3A_135 = tpu.memref_squeeze %dma_wait3A_134 : memref<1x80xi32, #tpu.memory_space<vmem>> -> memref<80xi32, #tpu.memory_space<vmem>>
          %dma_wait3A_136 = arith.constant 0 : i32
          %dma_wait3A_137 = arith.constant 0 : i32
          %dma_wait3A_138 = tpu.memref_slice %arg10[%dma_wait3A_136, %dma_wait3A_137] : memref<10240x128xf32, #tpu.memory_space<vmem_shared>> -> memref<10240x128xf32, #tpu.memory_space<vmem_shared>>
          tpu.wait_indirect_dma semaphore(%run_scoped3A_126 : memref<!tpu.dma_semaphore, #tpu.memory_space<semaphore_mem>>) src(%arg8 : memref<80x128xf32, #tpu.memory_space<vmem>>) dst(%dma_wait3A_138 : memref<10240x128xf32, #tpu.memory_space<vmem_shared>>)
          tpu.yield
        }) : () -> ()
        %add3A_108 = arith.constant 2 : i32
        %add3A_109 = arith.addi %mul3A_93, %add3A_108 : i32
        %dma_start3A_110 = arith.constant 0 : i32
        %dma_start3A_111 = tpu.memref_slice %arg6[%add3A_109, %dma_start3A_110] : memref<32x80xi32, #tpu.memory_space<vmem>> -> memref<1x80xi32, #tpu.memory_space<vmem>>
        %dma_start3A_112 = tpu.memref_squeeze %dma_start3A_111 : memref<1x80xi32, #tpu.memory_space<vmem>> -> memref<80xi32, #tpu.memory_space<vmem>>
        %dma_start3A_113 = arith.constant 0 : i32
        %dma_start3A_114 = arith.constant 0 : i32
        %dma_start3A_115 = tpu.memref_slice %arg2[%dma_start3A_113, %dma_start3A_114] : memref<10000x128xf32, #tpu.memory_space<hbm>> -> memref<10000x128xf32, #tpu.memory_space<hbm>>
        tpu.enqueue_indirect_dma source(%dma_start3A_115 : memref<10000x128xf32, #tpu.memory_space<hbm>>) target(%arg8 : memref<80x128xf32, #tpu.memory_space<vmem>>) offsets(%dma_start3A_112 : memref<80xi32, #tpu.memory_space<vmem>>) semaphore(%arg12 : memref<!tpu.dma_semaphore, #tpu.memory_space<semaphore_mem>>)
        %add3A_116 = arith.constant 1 : i32
        %add3A_117 = arith.addi %mul3A_93, %add3A_116 : i32
        %dma_wait3A_118 = arith.constant 0 : i32
        %dma_wait3A_119 = tpu.memref_slice %arg6[%add3A_117, %dma_wait3A_118] : memref<32x80xi32, #tpu.memory_space<vmem>> -> memref<1x80xi32, #tpu.memory_space<vmem>>
        %dma_wait3A_120 = tpu.memref_squeeze %dma_wait3A_119 : memref<1x80xi32, #tpu.memory_space<vmem>> -> memref<80xi32, #tpu.memory_space<vmem>>
        %dma_wait3A_121 = arith.constant 0 : i32
        %dma_wait3A_122 = arith.constant 0 : i32
        %dma_wait3A_123 = tpu.memref_slice %arg2[%dma_wait3A_121, %dma_wait3A_122] : memref<10000x128xf32, #tpu.memory_space<hbm>> -> memref<10000x128xf32, #tpu.memory_space<hbm>>
        tpu.wait_indirect_dma semaphore(%arg13 : memref<!tpu.dma_semaphore, #tpu.memory_space<semaphore_mem>>) src(%dma_wait3A_123 : memref<10000x128xf32, #tpu.memory_space<hbm>>) dst(%arg9 : memref<80x128xf32, #tpu.memory_space<vmem>>)
        %add3A_124 = arith.constant 1 : i32
        %add3A_125 = arith.addi %mul3A_93, %add3A_124 : i32
        "tpu.region"() ({
          %run_scoped3A_126 = tpu.sem_alloc : memref<!tpu.dma_semaphore, #tpu.memory_space<semaphore_mem>>
          %dma_start3A_127 = arith.constant 0 : i32
          %dma_start3A_128 = tpu.memref_slice %arg7[%add3A_125, %dma_start3A_127] : memref<32x80xi32, #tpu.memory_space<vmem>> -> memref<1x80xi32, #tpu.memory_space<vmem>>
          %dma_start3A_129 = tpu.memref_squeeze %dma_start3A_128 : memref<1x80xi32, #tpu.memory_space<vmem>> -> memref<80xi32, #tpu.memory_space<vmem>>
          %dma_start3A_130 = arith.constant 0 : i32
          %dma_start3A_131 = arith.constant 0 : i32
          %dma_start3A_132 = tpu.memref_slice %arg10[%dma_start3A_130, %dma_start3A_131] : memref<10240x128xf32, #tpu.memory_space<vmem_shared>> -> memref<10240x128xf32, #tpu.memory_space<vmem_shared>>
          tpu.enqueue_indirect_dma source(%arg9 : memref<80x128xf32, #tpu.memory_space<vmem>>) target(%dma_start3A_132 : memref<10240x128xf32, #tpu.memory_space<vmem_shared>>) offsets(%dma_start3A_129 : memref<80xi32, #tpu.memory_space<vmem>>) semaphore(%run_scoped3A_126 : memref<!tpu.dma_semaphore, #tpu.memory_space<semaphore_mem>>) {add = true}
          %dma_wait3A_133 = arith.constant 0 : i32
          %dma_wait3A_134 = tpu.memref_slice %arg7[%add3A_125, %dma_wait3A_133] : memref<32x80xi32, #tpu.memory_space<vmem>> -> memref<1x80xi32, #tpu.memory_space<vmem>>
          %dma_wait3A_135 = tpu.memref_squeeze %dma_wait3A_134 : memref<1x80xi32, #tpu.memory_space<vmem>> -> memref<80xi32, #tpu.memory_space<vmem>>
          %dma_wait3A_136 = arith.constant 0 : i32
          %dma_wait3A_137 = arith.constant 0 : i32
          %dma_wait3A_138 = tpu.memref_slice %arg10[%dma_wait3A_136, %dma_wait3A_137] : memref<10240x128xf32, #tpu.memory_space<vmem_shared>> -> memref<10240x128xf32, #tpu.memory_space<vmem_shared>>
          tpu.wait_indirect_dma semaphore(%run_scoped3A_126 : memref<!tpu.dma_semaphore, #tpu.memory_space<semaphore_mem>>) src(%arg9 : memref<80x128xf32, #tpu.memory_space<vmem>>) dst(%dma_wait3A_138 : memref<10240x128xf32, #tpu.memory_space<vmem_shared>>)
          tpu.yield
        }) : () -> ()
      }
      %scan3A_64 = arith.constant 15 : i32
      %dma_start3A_65 = arith.constant 31 : i32
      %dma_start3A_66 = arith.constant 0 : i32
      %dma_start3A_67 = tpu.memref_slice %arg6[%dma_start3A_65, %dma_start3A_66] : memref<32x80xi32, #tpu.memory_space<vmem>> -> memref<1x80xi32, #tpu.memory_space<vmem>>
      %dma_start3A_68 = tpu.memref_squeeze %dma_start3A_67 : memref<1x80xi32, #tpu.memory_space<vmem>> -> memref<80xi32, #tpu.memory_space<vmem>>
      %dma_start3A_69 = arith.constant 0 : i32
      %dma_start3A_70 = arith.constant 0 : i32
      %dma_start3A_71 = tpu.memref_slice %arg2[%dma_start3A_69, %dma_start3A_70] : memref<10000x128xf32, #tpu.memory_space<hbm>> -> memref<10000x128xf32, #tpu.memory_space<hbm>>
      tpu.enqueue_indirect_dma source(%dma_start3A_71 : memref<10000x128xf32, #tpu.memory_space<hbm>>) target(%arg9 : memref<80x128xf32, #tpu.memory_space<vmem>>) offsets(%dma_start3A_68 : memref<80xi32, #tpu.memory_space<vmem>>) semaphore(%arg13 : memref<!tpu.dma_semaphore, #tpu.memory_space<semaphore_mem>>)
      %dma_wait3A_72 = arith.constant 30 : i32
      %dma_wait3A_73 = arith.constant 0 : i32
      %dma_wait3A_74 = tpu.memref_slice %arg6[%dma_wait3A_72, %dma_wait3A_73] : memref<32x80xi32, #tpu.memory_space<vmem>> -> memref<1x80xi32, #tpu.memory_space<vmem>>
      %dma_wait3A_75 = tpu.memref_squeeze %dma_wait3A_74 : memref<1x80xi32, #tpu.memory_space<vmem>> -> memref<80xi32, #tpu.memory_space<vmem>>
      %dma_wait3A_76 = arith.constant 0 : i32
      %dma_wait3A_77 = arith.constant 0 : i32
      %dma_wait3A_78 = tpu.memref_slice %arg2[%dma_wait3A_76, %dma_wait3A_77] : memref<10000x128xf32, #tpu.memory_space<hbm>> -> memref<10000x128xf32, #tpu.memory_space<hbm>>
      tpu.wait_indirect_dma semaphore(%arg12 : memref<!tpu.dma_semaphore, #tpu.memory_space<semaphore_mem>>) src(%dma_wait3A_78 : memref<10000x128xf32, #tpu.memory_space<hbm>>) dst(%arg8 : memref<80x128xf32, #tpu.memory_space<vmem>>)
      %run_scoped3A = arith.constant 30 : i32
      "tpu.region"() ({
        %run_scoped3A_87 = tpu.sem_alloc : memref<!tpu.dma_semaphore, #tpu.memory_space<semaphore_mem>>
        %dma_start3A_88 = arith.constant 0 : i32
        %dma_start3A_89 = tpu.memref_slice %arg7[%run_scoped3A, %dma_start3A_88] : memref<32x80xi32, #tpu.memory_space<vmem>> -> memref<1x80xi32, #tpu.memory_space<vmem>>
        %dma_start3A_90 = tpu.memref_squeeze %dma_start3A_89 : memref<1x80xi32, #tpu.memory_space<vmem>> -> memref<80xi32, #tpu.memory_space<vmem>>
        %dma_start3A_91 = arith.constant 0 : i32
        %dma_start3A_92 = arith.constant 0 : i32
        %dma_start3A_93 = tpu.memref_slice %arg10[%dma_start3A_91, %dma_start3A_92] : memref<10240x128xf32, #tpu.memory_space<vmem_shared>> -> memref<10240x128xf32, #tpu.memory_space<vmem_shared>>
        tpu.enqueue_indirect_dma source(%arg8 : memref<80x128xf32, #tpu.memory_space<vmem>>) target(%dma_start3A_93 : memref<10240x128xf32, #tpu.memory_space<vmem_shared>>) offsets(%dma_start3A_90 : memref<80xi32, #tpu.memory_space<vmem>>) semaphore(%run_scoped3A_87 : memref<!tpu.dma_semaphore, #tpu.memory_space<semaphore_mem>>) {add = true}
        %dma_wait3A_94 = arith.constant 0 : i32
        %dma_wait3A_95 = tpu.memref_slice %arg7[%run_scoped3A, %dma_wait3A_94] : memref<32x80xi32, #tpu.memory_space<vmem>> -> memref<1x80xi32, #tpu.memory_space<vmem>>
        %dma_wait3A_96 = tpu.memref_squeeze %dma_wait3A_95 : memref<1x80xi32, #tpu.memory_space<vmem>> -> memref<80xi32, #tpu.memory_space<vmem>>
        %dma_wait3A_97 = arith.constant 0 : i32
        %dma_wait3A_98 = arith.constant 0 : i32
        %dma_wait3A_99 = tpu.memref_slice %arg10[%dma_wait3A_97, %dma_wait3A_98] : memref<10240x128xf32, #tpu.memory_space<vmem_shared>> -> memref<10240x128xf32, #tpu.memory_space<vmem_shared>>
        tpu.wait_indirect_dma semaphore(%run_scoped3A_87 : memref<!tpu.dma_semaphore, #tpu.memory_space<semaphore_mem>>) src(%arg8 : memref<80x128xf32, #tpu.memory_space<vmem>>) dst(%dma_wait3A_99 : memref<10240x128xf32, #tpu.memory_space<vmem_shared>>)
        tpu.yield
      }) : () -> ()
      %dma_wait3A_79 = arith.constant 31 : i32
      %dma_wait3A_80 = arith.constant 0 : i32
      %dma_wait3A_81 = tpu.memref_slice %arg6[%dma_wait3A_79, %dma_wait3A_80] : memref<32x80xi32, #tpu.memory_space<vmem>> -> memref<1x80xi32, #tpu.memory_space<vmem>>
      %dma_wait3A_82 = tpu.memref_squeeze %dma_wait3A_81 : memref<1x80xi32, #tpu.memory_space<vmem>> -> memref<80xi32, #tpu.memory_space<vmem>>
      %dma_wait3A_83 = arith.constant 0 : i32
      %dma_wait3A_84 = arith.constant 0 : i32
      %dma_wait3A_85 = tpu.memref_slice %arg2[%dma_wait3A_83, %dma_wait3A_84] : memref<10000x128xf32, #tpu.memory_space<hbm>> -> memref<10000x128xf32, #tpu.memory_space<hbm>>
      tpu.wait_indirect_dma semaphore(%arg13 : memref<!tpu.dma_semaphore, #tpu.memory_space<semaphore_mem>>) src(%dma_wait3A_85 : memref<10000x128xf32, #tpu.memory_space<hbm>>) dst(%arg9 : memref<80x128xf32, #tpu.memory_space<vmem>>)
      %run_scoped3A_86 = arith.constant 31 : i32
      "tpu.region"() ({
        %run_scoped3A_87 = tpu.sem_alloc : memref<!tpu.dma_semaphore, #tpu.memory_space<semaphore_mem>>
        %dma_start3A_88 = arith.constant 0 : i32
        %dma_start3A_89 = tpu.memref_slice %arg7[%run_scoped3A_86, %dma_start3A_88] : memref<32x80xi32, #tpu.memory_space<vmem>> -> memref<1x80xi32, #tpu.memory_space<vmem>>
        %dma_start3A_90 = tpu.memref_squeeze %dma_start3A_89 : memref<1x80xi32, #tpu.memory_space<vmem>> -> memref<80xi32, #tpu.memory_space<vmem>>
        %dma_start3A_91 = arith.constant 0 : i32
        %dma_start3A_92 = arith.constant 0 : i32
        %dma_start3A_93 = tpu.memref_slice %arg10[%dma_start3A_91, %dma_start3A_92] : memref<10240x128xf32, #tpu.memory_space<vmem_shared>> -> memref<10240x128xf32, #tpu.memory_space<vmem_shared>>
        tpu.enqueue_indirect_dma source(%arg9 : memref<80x128xf32, #tpu.memory_space<vmem>>) target(%dma_start3A_93 : memref<10240x128xf32, #tpu.memory_space<vmem_shared>>) offsets(%dma_start3A_90 : memref<80xi32, #tpu.memory_space<vmem>>) semaphore(%run_scoped3A_87 : memref<!tpu.dma_semaphore, #tpu.memory_space<semaphore_mem>>) {add = true}
        %dma_wait3A_94 = arith.constant 0 : i32
        %dma_wait3A_95 = tpu.memref_slice %arg7[%run_scoped3A_86, %dma_wait3A_94] : memref<32x80xi32, #tpu.memory_space<vmem>> -> memref<1x80xi32, #tpu.memory_space<vmem>>
        %dma_wait3A_96 = tpu.memref_squeeze %dma_wait3A_95 : memref<1x80xi32, #tpu.memory_space<vmem>> -> memref<80xi32, #tpu.memory_space<vmem>>
        %dma_wait3A_97 = arith.constant 0 : i32
        %dma_wait3A_98 = arith.constant 0 : i32
        %dma_wait3A_99 = tpu.memref_slice %arg10[%dma_wait3A_97, %dma_wait3A_98] : memref<10240x128xf32, #tpu.memory_space<vmem_shared>> -> memref<10240x128xf32, #tpu.memory_space<vmem_shared>>
        tpu.wait_indirect_dma semaphore(%run_scoped3A_87 : memref<!tpu.dma_semaphore, #tpu.memory_space<semaphore_mem>>) src(%arg9 : memref<80x128xf32, #tpu.memory_space<vmem>>) dst(%dma_wait3A_99 : memref<10240x128xf32, #tpu.memory_space<vmem_shared>>)
        tpu.yield
      }) : () -> ()
    }
    %scan3A_15 = arith.constant 4 : i32
    %barrier3A_16 = arith.constant 0 : index
    tpu.barrier barrier_id(%barrier3A_16)
    %scan3A_17 = arith.constant 0 : i32
    %scan3A_18 = arith.constant 8 : i32
    %scan3A_19 = arith.addi %scan3A_17, %scan3A_18 : i32
    %scan3A_20 = arith.constant 1 : i32
    scf.for %scan3A_22 = %scan3A_17 to %scan3A_19 step %scan3A_20  : i32 {
      %mul3A_23 = arith.constant 1 : i32
      %mul3A_24 = arith.muli %scan3A_22, %mul3A_23 : i32
      %add3A_25 = arith.constant 0 : i32
      %add3A_26 = arith.addi %add3A_25, %mul3A_24 : i32
      %mul3A_27 = arith.constant 640 : i32
      %mul3A_28 = arith.muli %arg1, %mul3A_27 : i32
      %mul3A_29 = arith.constant 80 : i32
      %mul3A_30 = arith.muli %add3A_26, %mul3A_29 : i32
      %add3A_31 = arith.addi %mul3A_28, %mul3A_30 : i32
      "tpu.region"() ({
        %run_scoped3A = tpu.sem_alloc : memref<!tpu.dma_semaphore, #tpu.memory_space<semaphore_mem>>
        %dma_start3A = arith.constant 0 : i32
        %dma_start3A_37 = tpu.memref_slice %arg10[%add3A_31, %dma_start3A] : memref<10240x128xf32, #tpu.memory_space<vmem_shared>> -> memref<80x128xf32, #tpu.memory_space<vmem_shared>>
        %dma_start3A_38 = arith.constant 0 : i32
        %dma_start3A_39 = tpu.memref_slice %arg10[%add3A_31, %dma_start3A_38] : memref<10240x128xf32, #tpu.memory_space<vmem_shared>> -> memref<80x128xf32, #tpu.memory_space<vmem_shared>>
        tpu.enqueue_dma source(%dma_start3A_39 : memref<80x128xf32, #tpu.memory_space<vmem_shared>>) target(%arg8 : memref<80x128xf32, #tpu.memory_space<vmem>>) target_semaphore(%run_scoped3A : memref<!tpu.dma_semaphore, #tpu.memory_space<semaphore_mem>>)
        %dma_wait3A = arith.constant 0 : i32
        %dma_wait3A_40 = tpu.memref_slice %arg10[%add3A_31, %dma_wait3A] : memref<10240x128xf32, #tpu.memory_space<vmem_shared>> -> memref<80x128xf32, #tpu.memory_space<vmem_shared>>
        %dma_wait3A_41 = arith.constant 0 : i32
        %dma_wait3A_42 = tpu.memref_slice %arg10[%add3A_31, %dma_wait3A_41] : memref<10240x128xf32, #tpu.memory_space<vmem_shared>> -> memref<80x128xf32, #tpu.memory_space<vmem_shared>>
        tpu.wait_dma2 semaphore(%run_scoped3A : memref<!tpu.dma_semaphore, #tpu.memory_space<semaphore_mem>>) src(%dma_wait3A_42 : memref<80x128xf32, #tpu.memory_space<vmem_shared>>) dst(%arg8 : memref<80x128xf32, #tpu.memory_space<vmem>>)
        tpu.yield
      }) : () -> ()
      %mul3A_32 = arith.constant 640 : i32
      %mul3A_33 = arith.muli %arg1, %mul3A_32 : i32
      %mul3A_34 = arith.constant 80 : i32
      %mul3A_35 = arith.muli %add3A_26, %mul3A_34 : i32
      %add3A_36 = arith.addi %mul3A_33, %mul3A_35 : i32
      "tpu.region"() ({
        %run_scoped3A = tpu.sem_alloc : memref<!tpu.dma_semaphore, #tpu.memory_space<semaphore_mem>>
        %dma_start3A = arith.constant 0 : i32
        %dma_start3A_37 = tpu.memref_slice %arg5[%arg0, %add3A_36, %dma_start3A] : memref<2x10240x128xf32, #tpu.memory_space<hbm>> -> memref<1x80x128xf32, #tpu.memory_space<hbm>>
        %dma_start3A_38 = tpu.memref_squeeze %dma_start3A_37 : memref<1x80x128xf32, #tpu.memory_space<hbm>> -> memref<80x128xf32, #tpu.memory_space<hbm>>
        %dma_start3A_39 = arith.constant 0 : i32
        %dma_start3A_40 = tpu.memref_slice %arg5[%arg0, %add3A_36, %dma_start3A_39] : memref<2x10240x128xf32, #tpu.memory_space<hbm>> -> memref<1x80x128xf32, #tpu.memory_space<hbm>>
        %dma_start3A_41 = tpu.memref_squeeze %dma_start3A_40 : memref<1x80x128xf32, #tpu.memory_space<hbm>> -> memref<80x128xf32, #tpu.memory_space<hbm>>
        tpu.enqueue_dma source(%arg8 : memref<80x128xf32, #tpu.memory_space<vmem>>) target(%dma_start3A_41 : memref<80x128xf32, #tpu.memory_space<hbm>>) target_semaphore(%run_scoped3A : memref<!tpu.dma_semaphore, #tpu.memory_space<semaphore_mem>>)
        %dma_wait3A = arith.constant 0 : i32
        %dma_wait3A_42 = tpu.memref_slice %arg5[%arg0, %add3A_36, %dma_wait3A] : memref<2x10240x128xf32, #tpu.memory_space<hbm>> -> memref<1x80x128xf32, #tpu.memory_space<hbm>>
        %dma_wait3A_43 = tpu.memref_squeeze %dma_wait3A_42 : memref<1x80x128xf32, #tpu.memory_space<hbm>> -> memref<80x128xf32, #tpu.memory_space<hbm>>
        %dma_wait3A_44 = arith.constant 0 : i32
        %dma_wait3A_45 = tpu.memref_slice %arg5[%arg0, %add3A_36, %dma_wait3A_44] : memref<2x10240x128xf32, #tpu.memory_space<hbm>> -> memref<1x80x128xf32, #tpu.memory_space<hbm>>
        %dma_wait3A_46 = tpu.memref_squeeze %dma_wait3A_45 : memref<1x80x128xf32, #tpu.memory_space<hbm>> -> memref<80x128xf32, #tpu.memory_space<hbm>>
        tpu.wait_dma2 semaphore(%run_scoped3A : memref<!tpu.dma_semaphore, #tpu.memory_space<semaphore_mem>>) src(%arg8 : memref<80x128xf32, #tpu.memory_space<vmem>>) dst(%dma_wait3A_46 : memref<80x128xf32, #tpu.memory_space<hbm>>)
        tpu.yield
      }) : () -> ()
    }
    %scan3A_21 = arith.constant 8 : i32
    return
  }
}

#map = affine_map<(d0, d1) -> (0, 0)>
#map1 = affine_map<(d0, d1) -> (0, 0, 0)>
module attributes {stable_mosaic.version = 14 : i64} {
  func.func @_agg_body(%arg0: i32, %arg1: i32, %arg2: memref<10000x128xf32, #tpu.memory_space<hbm>>, %arg3: memref<32x128x80xi32, #tpu.memory_space<hbm>>, %arg4: memref<32x128x80xi32, #tpu.memory_space<hbm>>, %arg5: memref<2x10240x128xf32, #tpu.memory_space<hbm>>, %arg6: memref<32x80xi32, #tpu.memory_space<vmem>>, %arg7: memref<32x80xi32, #tpu.memory_space<vmem>>, %arg8: memref<80x128xf32, #tpu.memory_space<vmem>>, %arg9: memref<80x128xf32, #tpu.memory_space<vmem>>, %arg10: memref<10240x128xf32, #tpu.memory_space<vmem_shared>>, %arg11: memref<!tpu.dma_semaphore, #tpu.memory_space<semaphore_mem>>, %arg12: memref<!tpu.dma_semaphore, #tpu.memory_space<semaphore_mem>>, %arg13: memref<!tpu.dma_semaphore, #tpu.memory_space<semaphore_mem>>) attributes {dimension_semantics = [#tpu.dimension_semantics<core_parallel>, #tpu.dimension_semantics<subcore_parallel>], iteration_bounds = array<i64: 2, 16>, scalar_prefetch = 0 : i64, scratch_operands = 8 : i64, tpu.core_type = #tpu.core_type<sc_vector_subcore>, window_params = [{transform_indices = #map}, {transform_indices = #map1}, {transform_indices = #map1}, {transform_indices = #map1}]} {
    %mul3A = arith.constant 16 : i32
    %mul3A_0 = arith.muli %arg0, %mul3A : i32
    %add3A = arith.addi %mul3A_0, %arg1 : i32
    %broadcast_in_dim3A = arith.constant 0.000000e+00 : f32
    %broadcast_in_dim3A_1 = vector.broadcast %broadcast_in_dim3A : f32 to vector<16xf32>
    %scan3A = arith.constant 0 : i32
    %scan3A_2 = arith.constant 80 : i32
    %scan3A_3 = arith.addi %scan3A, %scan3A_2 : i32
    %scan3A_4 = arith.constant 1 : i32
    scf.for %scan3A_22 = %scan3A to %scan3A_3 step %scan3A_4  : i32 {
      %mul3A_23 = arith.constant 1 : i32
      %mul3A_24 = arith.muli %scan3A_22, %mul3A_23 : i32
      %add3A_25 = arith.constant 0 : i32
      %add3A_26 = arith.addi %add3A_25, %mul3A_24 : i32
      %scan3A_27 = arith.constant 0 : i32
      %scan3A_28 = arith.constant 8 : i32
      %scan3A_29 = arith.addi %scan3A_27, %scan3A_28 : i32
      %scan3A_30 = arith.constant 1 : i32
      scf.for %scan3A_32 = %scan3A_27 to %scan3A_29 step %scan3A_30  : i32 {
        %mul3A_33 = arith.constant 1 : i32
        %mul3A_34 = arith.muli %scan3A_32, %mul3A_33 : i32
        %add3A_35 = arith.constant 0 : i32
        %add3A_36 = arith.addi %add3A_35, %mul3A_34 : i32
        %mul3A_37 = arith.constant 16 : i32
        %mul3A_38 = arith.muli %add3A_36, %mul3A_37 : i32
        %swap3A = arith.index_cast %add3A_26 : i32 to index
        %swap3A_39 = arith.index_cast %mul3A_38 : i32 to index
        %swap3A_40 = tpu.vector_load %arg8[%swap3A, %swap3A_39] {strides = array<i32>} : memref<80x128xf32, #tpu.memory_space<vmem>>, vector<1x16xf32>,
        %swap3A_41 = vector.shape_cast %swap3A_40 : vector<1x16xf32> to vector<16xf32>
        %swap3A_42 = vector.shape_cast %broadcast_in_dim3A_1 : vector<16xf32> to vector<1x16xf32>
        tpu.vector_store %arg8[%swap3A, %swap3A_39], %swap3A_42 {strides = array<i32>} : memref<80x128xf32, #tpu.memory_space<vmem>>, vector<1x16xf32>,
      }
      %scan3A_31 = arith.constant 8 : i32
    }
    %scan3A_5 = arith.constant 80 : i32
    %scan3A_6 = arith.constant 0 : i32
    %scan3A_7 = arith.constant 8 : i32
    %scan3A_8 = arith.addi %scan3A_6, %scan3A_7 : i32
    %scan3A_9 = arith.constant 1 : i32
    scf.for %scan3A_22 = %scan3A_6 to %scan3A_8 step %scan3A_9  : i32 {
      %mul3A_23 = arith.constant 1 : i32
      %mul3A_24 = arith.muli %scan3A_22, %mul3A_23 : i32
      %add3A_25 = arith.constant 0 : i32
      %add3A_26 = arith.addi %add3A_25, %mul3A_24 : i32
      %mul3A_27 = arith.constant 640 : i32
      %mul3A_28 = arith.muli %arg1, %mul3A_27 : i32
      %mul3A_29 = arith.constant 80 : i32
      %mul3A_30 = arith.muli %add3A_26, %mul3A_29 : i32
      %add3A_31 = arith.addi %mul3A_28, %mul3A_30 : i32
      "tpu.region"() ({
        %run_scoped3A = tpu.sem_alloc : memref<!tpu.dma_semaphore, #tpu.memory_space<semaphore_mem>>
        %dma_start3A = arith.constant 0 : i32
        %dma_start3A_32 = tpu.memref_slice %arg10[%add3A_31, %dma_start3A] : memref<10240x128xf32, #tpu.memory_space<vmem_shared>> -> memref<80x128xf32, #tpu.memory_space<vmem_shared>>
        %dma_start3A_33 = arith.constant 0 : i32
        %dma_start3A_34 = tpu.memref_slice %arg10[%add3A_31, %dma_start3A_33] : memref<10240x128xf32, #tpu.memory_space<vmem_shared>> -> memref<80x128xf32, #tpu.memory_space<vmem_shared>>
        tpu.enqueue_dma source(%arg8 : memref<80x128xf32, #tpu.memory_space<vmem>>) target(%dma_start3A_34 : memref<80x128xf32, #tpu.memory_space<vmem_shared>>) target_semaphore(%run_scoped3A : memref<!tpu.dma_semaphore, #tpu.memory_space<semaphore_mem>>)
        %dma_wait3A = arith.constant 0 : i32
        %dma_wait3A_35 = tpu.memref_slice %arg10[%add3A_31, %dma_wait3A] : memref<10240x128xf32, #tpu.memory_space<vmem_shared>> -> memref<80x128xf32, #tpu.memory_space<vmem_shared>>
        %dma_wait3A_36 = arith.constant 0 : i32
        %dma_wait3A_37 = tpu.memref_slice %arg10[%add3A_31, %dma_wait3A_36] : memref<10240x128xf32, #tpu.memory_space<vmem_shared>> -> memref<80x128xf32, #tpu.memory_space<vmem_shared>>
        tpu.wait_dma2 semaphore(%run_scoped3A : memref<!tpu.dma_semaphore, #tpu.memory_space<semaphore_mem>>) src(%arg8 : memref<80x128xf32, #tpu.memory_space<vmem>>) dst(%dma_wait3A_37 : memref<80x128xf32, #tpu.memory_space<vmem_shared>>)
        tpu.yield
      }) : () -> ()
    }
    %scan3A_10 = arith.constant 8 : i32
    %barrier3A = arith.constant 0 : index
    tpu.barrier barrier_id(%barrier3A)
    %scan3A_11 = arith.constant 0 : i32
    %scan3A_12 = arith.constant 4 : i32
    %scan3A_13 = arith.addi %scan3A_11, %scan3A_12 : i32
    %scan3A_14 = arith.constant 1 : i32
    scf.for %scan3A_22 = %scan3A_11 to %scan3A_13 step %scan3A_14  : i32 {
      %mul3A_23 = arith.constant 1 : i32
      %mul3A_24 = arith.muli %scan3A_22, %mul3A_23 : i32
      %add3A_25 = arith.constant 0 : i32
      %add3A_26 = arith.addi %add3A_25, %mul3A_24 : i32
      %mul3A_27 = arith.constant 32 : i32
      %mul3A_28 = arith.muli %add3A_26, %mul3A_27 : i32
      %dma_start3A = arith.constant 0 : i32
      %dma_start3A_29 = tpu.memref_slice %arg3[%add3A, %mul3A_28, %dma_start3A] : memref<32x128x80xi32, #tpu.memory_space<hbm>> -> memref<1x32x80xi32, #tpu.memory_space<hbm>>
      %dma_start3A_30 = tpu.memref_squeeze %dma_start3A_29 : memref<1x32x80xi32, #tpu.memory_space<hbm>> -> memref<32x80xi32, #tpu.memory_space<hbm>>
      %dma_start3A_31 = arith.constant 0 : i32
      %dma_start3A_32 = tpu.memref_slice %arg3[%add3A, %mul3A_28, %dma_start3A_31] : memref<32x128x80xi32, #tpu.memory_space<hbm>> -> memref<1x32x80xi32, #tpu.memory_space<hbm>>
      %dma_start3A_33 = tpu.memref_squeeze %dma_start3A_32 : memref<1x32x80xi32, #tpu.memory_space<hbm>> -> memref<32x80xi32, #tpu.memory_space<hbm>>
      tpu.enqueue_dma source(%dma_start3A_33 : memref<32x80xi32, #tpu.memory_space<hbm>>) target(%arg6 : memref<32x80xi32, #tpu.memory_space<vmem>>) target_semaphore(%arg11 : memref<!tpu.dma_semaphore, #tpu.memory_space<semaphore_mem>>)
      %dma_wait3A = arith.constant 0 : i32
      %dma_wait3A_34 = tpu.memref_slice %arg3[%add3A, %mul3A_28, %dma_wait3A] : memref<32x128x80xi32, #tpu.memory_space<hbm>> -> memref<1x32x80xi32, #tpu.memory_space<hbm>>
      %dma_wait3A_35 = tpu.memref_squeeze %dma_wait3A_34 : memref<1x32x80xi32, #tpu.memory_space<hbm>> -> memref<32x80xi32, #tpu.memory_space<hbm>>
      %dma_wait3A_36 = arith.constant 0 : i32
      %dma_wait3A_37 = tpu.memref_slice %arg3[%add3A, %mul3A_28, %dma_wait3A_36] : memref<32x128x80xi32, #tpu.memory_space<hbm>> -> memref<1x32x80xi32, #tpu.memory_space<hbm>>
      %dma_wait3A_38 = tpu.memref_squeeze %dma_wait3A_37 : memref<1x32x80xi32, #tpu.memory_space<hbm>> -> memref<32x80xi32, #tpu.memory_space<hbm>>
      tpu.wait_dma2 semaphore(%arg11 : memref<!tpu.dma_semaphore, #tpu.memory_space<semaphore_mem>>) src(%dma_wait3A_38 : memref<32x80xi32, #tpu.memory_space<hbm>>) dst(%arg6 : memref<32x80xi32, #tpu.memory_space<vmem>>)
      %mul3A_39 = arith.constant 32 : i32
      %mul3A_40 = arith.muli %add3A_26, %mul3A_39 : i32
      %dma_start3A_41 = arith.constant 0 : i32
      %dma_start3A_42 = tpu.memref_slice %arg4[%add3A, %mul3A_40, %dma_start3A_41] : memref<32x128x80xi32, #tpu.memory_space<hbm>> -> memref<1x32x80xi32, #tpu.memory_space<hbm>>
      %dma_start3A_43 = tpu.memref_squeeze %dma_start3A_42 : memref<1x32x80xi32, #tpu.memory_space<hbm>> -> memref<32x80xi32, #tpu.memory_space<hbm>>
      %dma_start3A_44 = arith.constant 0 : i32
      %dma_start3A_45 = tpu.memref_slice %arg4[%add3A, %mul3A_40, %dma_start3A_44] : memref<32x128x80xi32, #tpu.memory_space<hbm>> -> memref<1x32x80xi32, #tpu.memory_space<hbm>>
      %dma_start3A_46 = tpu.memref_squeeze %dma_start3A_45 : memref<1x32x80xi32, #tpu.memory_space<hbm>> -> memref<32x80xi32, #tpu.memory_space<hbm>>
      tpu.enqueue_dma source(%dma_start3A_46 : memref<32x80xi32, #tpu.memory_space<hbm>>) target(%arg7 : memref<32x80xi32, #tpu.memory_space<vmem>>) target_semaphore(%arg11 : memref<!tpu.dma_semaphore, #tpu.memory_space<semaphore_mem>>)
      %dma_wait3A_47 = arith.constant 0 : i32
      %dma_wait3A_48 = tpu.memref_slice %arg4[%add3A, %mul3A_40, %dma_wait3A_47] : memref<32x128x80xi32, #tpu.memory_space<hbm>> -> memref<1x32x80xi32, #tpu.memory_space<hbm>>
      %dma_wait3A_49 = tpu.memref_squeeze %dma_wait3A_48 : memref<1x32x80xi32, #tpu.memory_space<hbm>> -> memref<32x80xi32, #tpu.memory_space<hbm>>
      %dma_wait3A_50 = arith.constant 0 : i32
      %dma_wait3A_51 = tpu.memref_slice %arg4[%add3A, %mul3A_40, %dma_wait3A_50] : memref<32x128x80xi32, #tpu.memory_space<hbm>> -> memref<1x32x80xi32, #tpu.memory_space<hbm>>
      %dma_wait3A_52 = tpu.memref_squeeze %dma_wait3A_51 : memref<1x32x80xi32, #tpu.memory_space<hbm>> -> memref<32x80xi32, #tpu.memory_space<hbm>>
      tpu.wait_dma2 semaphore(%arg11 : memref<!tpu.dma_semaphore, #tpu.memory_space<semaphore_mem>>) src(%dma_wait3A_52 : memref<32x80xi32, #tpu.memory_space<hbm>>) dst(%arg7 : memref<32x80xi32, #tpu.memory_space<vmem>>)
      %dma_start3A_53 = arith.constant 0 : i32
      %dma_start3A_54 = arith.constant 0 : i32
      %dma_start3A_55 = tpu.memref_slice %arg6[%dma_start3A_53, %dma_start3A_54] : memref<32x80xi32, #tpu.memory_space<vmem>> -> memref<1x80xi32, #tpu.memory_space<vmem>>
      %dma_start3A_56 = tpu.memref_squeeze %dma_start3A_55 : memref<1x80xi32, #tpu.memory_space<vmem>> -> memref<80xi32, #tpu.memory_space<vmem>>
      %dma_start3A_57 = arith.constant 0 : i32
      %dma_start3A_58 = arith.constant 0 : i32
      %dma_start3A_59 = tpu.memref_slice %arg2[%dma_start3A_57, %dma_start3A_58] : memref<10000x128xf32, #tpu.memory_space<hbm>> -> memref<10000x128xf32, #tpu.memory_space<hbm>>
      tpu.enqueue_indirect_dma source(%dma_start3A_59 : memref<10000x128xf32, #tpu.memory_space<hbm>>) target(%arg8 : memref<80x128xf32, #tpu.memory_space<vmem>>) offsets(%dma_start3A_56 : memref<80xi32, #tpu.memory_space<vmem>>) semaphore(%arg12 : memref<!tpu.dma_semaphore, #tpu.memory_space<semaphore_mem>>)
      %scan3A_60 = arith.constant 0 : i32
      %scan3A_61 = arith.constant 15 : i32
      %scan3A_62 = arith.addi %scan3A_60, %scan3A_61 : i32
      %scan3A_63 = arith.constant 1 : i32
      scf.for %scan3A_87 = %scan3A_60 to %scan3A_62 step %scan3A_63  : i32 {
        %mul3A_88 = arith.constant 1 : i32
        %mul3A_89 = arith.muli %scan3A_87, %mul3A_88 : i32
        %add3A_90 = arith.constant 0 : i32
        %add3A_91 = arith.addi %add3A_90, %mul3A_89 : i32
        %mul3A_92 = arith.constant 2 : i32
        %mul3A_93 = arith.muli %add3A_91, %mul3A_92 : i32
        %add3A_94 = arith.constant 1 : i32
        %add3A_95 = arith.addi %mul3A_93, %add3A_94 : i32
        %dma_start3A_96 = arith.constant 0 : i32
        %dma_start3A_97 = tpu.memref_slice %arg6[%add3A_95, %dma_start3A_96] : memref<32x80xi32, #tpu.memory_space<vmem>> -> memref<1x80xi32, #tpu.memory_space<vmem>>
        %dma_start3A_98 = tpu.memref_squeeze %dma_start3A_97 : memref<1x80xi32, #tpu.memory_space<vmem>> -> memref<80xi32, #tpu.memory_space<vmem>>
        %dma_start3A_99 = arith.constant 0 : i32
        %dma_start3A_100 = arith.constant 0 : i32
        %dma_start3A_101 = tpu.memref_slice %arg2[%dma_start3A_99, %dma_start3A_100] : memref<10000x128xf32, #tpu.memory_space<hbm>> -> memref<10000x128xf32, #tpu.memory_space<hbm>>
        tpu.enqueue_indirect_dma source(%dma_start3A_101 : memref<10000x128xf32, #tpu.memory_space<hbm>>) target(%arg9 : memref<80x128xf32, #tpu.memory_space<vmem>>) offsets(%dma_start3A_98 : memref<80xi32, #tpu.memory_space<vmem>>) semaphore(%arg13 : memref<!tpu.dma_semaphore, #tpu.memory_space<semaphore_mem>>)
        %dma_wait3A_102 = arith.constant 0 : i32
        %dma_wait3A_103 = tpu.memref_slice %arg6[%mul3A_93, %dma_wait3A_102] : memref<32x80xi32, #tpu.memory_space<vmem>> -> memref<1x80xi32, #tpu.memory_space<vmem>>
        %dma_wait3A_104 = tpu.memref_squeeze %dma_wait3A_103 : memref<1x80xi32, #tpu.memory_space<vmem>> -> memref<80xi32, #tpu.memory_space<vmem>>
        %dma_wait3A_105 = arith.constant 0 : i32
        %dma_wait3A_106 = arith.constant 0 : i32
        %dma_wait3A_107 = tpu.memref_slice %arg2[%dma_wait3A_105, %dma_wait3A_106] : memref<10000x128xf32, #tpu.memory_space<hbm>> -> memref<10000x128xf32, #tpu.memory_space<hbm>>
        tpu.wait_indirect_dma semaphore(%arg12 : memref<!tpu.dma_semaphore, #tpu.memory_space<semaphore_mem>>) src(%dma_wait3A_107 : memref<10000x128xf32, #tpu.memory_space<hbm>>) dst(%arg8 : memref<80x128xf32, #tpu.memory_space<vmem>>)
        "tpu.region"() ({
          %run_scoped3A_126 = tpu.sem_alloc : memref<!tpu.dma_semaphore, #tpu.memory_space<semaphore_mem>>
          %dma_start3A_127 = arith.constant 0 : i32
          %dma_start3A_128 = tpu.memref_slice %arg7[%mul3A_93, %dma_start3A_127] : memref<32x80xi32, #tpu.memory_space<vmem>> -> memref<1x80xi32, #tpu.memory_space<vmem>>
          %dma_start3A_129 = tpu.memref_squeeze %dma_start3A_128 : memref<1x80xi32, #tpu.memory_space<vmem>> -> memref<80xi32, #tpu.memory_space<vmem>>
          %dma_start3A_130 = arith.constant 0 : i32
          %dma_start3A_131 = arith.constant 0 : i32
          %dma_start3A_132 = tpu.memref_slice %arg10[%dma_start3A_130, %dma_start3A_131] : memref<10240x128xf32, #tpu.memory_space<vmem_shared>> -> memref<10240x128xf32, #tpu.memory_space<vmem_shared>>
          tpu.enqueue_indirect_dma source(%arg8 : memref<80x128xf32, #tpu.memory_space<vmem>>) target(%dma_start3A_132 : memref<10240x128xf32, #tpu.memory_space<vmem_shared>>) offsets(%dma_start3A_129 : memref<80xi32, #tpu.memory_space<vmem>>) semaphore(%run_scoped3A_126 : memref<!tpu.dma_semaphore, #tpu.memory_space<semaphore_mem>>) {add = true}
          %dma_wait3A_133 = arith.constant 0 : i32
          %dma_wait3A_134 = tpu.memref_slice %arg7[%mul3A_93, %dma_wait3A_133] : memref<32x80xi32, #tpu.memory_space<vmem>> -> memref<1x80xi32, #tpu.memory_space<vmem>>
          %dma_wait3A_135 = tpu.memref_squeeze %dma_wait3A_134 : memref<1x80xi32, #tpu.memory_space<vmem>> -> memref<80xi32, #tpu.memory_space<vmem>>
          %dma_wait3A_136 = arith.constant 0 : i32
          %dma_wait3A_137 = arith.constant 0 : i32
          %dma_wait3A_138 = tpu.memref_slice %arg10[%dma_wait3A_136, %dma_wait3A_137] : memref<10240x128xf32, #tpu.memory_space<vmem_shared>> -> memref<10240x128xf32, #tpu.memory_space<vmem_shared>>
          tpu.wait_indirect_dma semaphore(%run_scoped3A_126 : memref<!tpu.dma_semaphore, #tpu.memory_space<semaphore_mem>>) src(%arg8 : memref<80x128xf32, #tpu.memory_space<vmem>>) dst(%dma_wait3A_138 : memref<10240x128xf32, #tpu.memory_space<vmem_shared>>)
          tpu.yield
        }) : () -> ()
        %add3A_108 = arith.constant 2 : i32
        %add3A_109 = arith.addi %mul3A_93, %add3A_108 : i32
        %dma_start3A_110 = arith.constant 0 : i32
        %dma_start3A_111 = tpu.memref_slice %arg6[%add3A_109, %dma_start3A_110] : memref<32x80xi32, #tpu.memory_space<vmem>> -> memref<1x80xi32, #tpu.memory_space<vmem>>
        %dma_start3A_112 = tpu.memref_squeeze %dma_start3A_111 : memref<1x80xi32, #tpu.memory_space<vmem>> -> memref<80xi32, #tpu.memory_space<vmem>>
        %dma_start3A_113 = arith.constant 0 : i32
        %dma_start3A_114 = arith.constant 0 : i32
        %dma_start3A_115 = tpu.memref_slice %arg2[%dma_start3A_113, %dma_start3A_114] : memref<10000x128xf32, #tpu.memory_space<hbm>> -> memref<10000x128xf32, #tpu.memory_space<hbm>>
        tpu.enqueue_indirect_dma source(%dma_start3A_115 : memref<10000x128xf32, #tpu.memory_space<hbm>>) target(%arg8 : memref<80x128xf32, #tpu.memory_space<vmem>>) offsets(%dma_start3A_112 : memref<80xi32, #tpu.memory_space<vmem>>) semaphore(%arg12 : memref<!tpu.dma_semaphore, #tpu.memory_space<semaphore_mem>>)
        %add3A_116 = arith.constant 1 : i32
        %add3A_117 = arith.addi %mul3A_93, %add3A_116 : i32
        %dma_wait3A_118 = arith.constant 0 : i32
        %dma_wait3A_119 = tpu.memref_slice %arg6[%add3A_117, %dma_wait3A_118] : memref<32x80xi32, #tpu.memory_space<vmem>> -> memref<1x80xi32, #tpu.memory_space<vmem>>
        %dma_wait3A_120 = tpu.memref_squeeze %dma_wait3A_119 : memref<1x80xi32, #tpu.memory_space<vmem>> -> memref<80xi32, #tpu.memory_space<vmem>>
        %dma_wait3A_121 = arith.constant 0 : i32
        %dma_wait3A_122 = arith.constant 0 : i32
        %dma_wait3A_123 = tpu.memref_slice %arg2[%dma_wait3A_121, %dma_wait3A_122] : memref<10000x128xf32, #tpu.memory_space<hbm>> -> memref<10000x128xf32, #tpu.memory_space<hbm>>
        tpu.wait_indirect_dma semaphore(%arg13 : memref<!tpu.dma_semaphore, #tpu.memory_space<semaphore_mem>>) src(%dma_wait3A_123 : memref<10000x128xf32, #tpu.memory_space<hbm>>) dst(%arg9 : memref<80x128xf32, #tpu.memory_space<vmem>>)
        %add3A_124 = arith.constant 1 : i32
        %add3A_125 = arith.addi %mul3A_93, %add3A_124 : i32
        "tpu.region"() ({
          %run_scoped3A_126 = tpu.sem_alloc : memref<!tpu.dma_semaphore, #tpu.memory_space<semaphore_mem>>
          %dma_start3A_127 = arith.constant 0 : i32
          %dma_start3A_128 = tpu.memref_slice %arg7[%add3A_125, %dma_start3A_127] : memref<32x80xi32, #tpu.memory_space<vmem>> -> memref<1x80xi32, #tpu.memory_space<vmem>>
          %dma_start3A_129 = tpu.memref_squeeze %dma_start3A_128 : memref<1x80xi32, #tpu.memory_space<vmem>> -> memref<80xi32, #tpu.memory_space<vmem>>
          %dma_start3A_130 = arith.constant 0 : i32
          %dma_start3A_131 = arith.constant 0 : i32
          %dma_start3A_132 = tpu.memref_slice %arg10[%dma_start3A_130, %dma_start3A_131] : memref<10240x128xf32, #tpu.memory_space<vmem_shared>> -> memref<10240x128xf32, #tpu.memory_space<vmem_shared>>
          tpu.enqueue_indirect_dma source(%arg9 : memref<80x128xf32, #tpu.memory_space<vmem>>) target(%dma_start3A_132 : memref<10240x128xf32, #tpu.memory_space<vmem_shared>>) offsets(%dma_start3A_129 : memref<80xi32, #tpu.memory_space<vmem>>) semaphore(%run_scoped3A_126 : memref<!tpu.dma_semaphore, #tpu.memory_space<semaphore_mem>>) {add = true}
          %dma_wait3A_133 = arith.constant 0 : i32
          %dma_wait3A_134 = tpu.memref_slice %arg7[%add3A_125, %dma_wait3A_133] : memref<32x80xi32, #tpu.memory_space<vmem>> -> memref<1x80xi32, #tpu.memory_space<vmem>>
          %dma_wait3A_135 = tpu.memref_squeeze %dma_wait3A_134 : memref<1x80xi32, #tpu.memory_space<vmem>> -> memref<80xi32, #tpu.memory_space<vmem>>
          %dma_wait3A_136 = arith.constant 0 : i32
          %dma_wait3A_137 = arith.constant 0 : i32
          %dma_wait3A_138 = tpu.memref_slice %arg10[%dma_wait3A_136, %dma_wait3A_137] : memref<10240x128xf32, #tpu.memory_space<vmem_shared>> -> memref<10240x128xf32, #tpu.memory_space<vmem_shared>>
          tpu.wait_indirect_dma semaphore(%run_scoped3A_126 : memref<!tpu.dma_semaphore, #tpu.memory_space<semaphore_mem>>) src(%arg9 : memref<80x128xf32, #tpu.memory_space<vmem>>) dst(%dma_wait3A_138 : memref<10240x128xf32, #tpu.memory_space<vmem_shared>>)
          tpu.yield
        }) : () -> ()
      }
      %scan3A_64 = arith.constant 15 : i32
      %dma_start3A_65 = arith.constant 31 : i32
      %dma_start3A_66 = arith.constant 0 : i32
      %dma_start3A_67 = tpu.memref_slice %arg6[%dma_start3A_65, %dma_start3A_66] : memref<32x80xi32, #tpu.memory_space<vmem>> -> memref<1x80xi32, #tpu.memory_space<vmem>>
      %dma_start3A_68 = tpu.memref_squeeze %dma_start3A_67 : memref<1x80xi32, #tpu.memory_space<vmem>> -> memref<80xi32, #tpu.memory_space<vmem>>
      %dma_start3A_69 = arith.constant 0 : i32
      %dma_start3A_70 = arith.constant 0 : i32
      %dma_start3A_71 = tpu.memref_slice %arg2[%dma_start3A_69, %dma_start3A_70] : memref<10000x128xf32, #tpu.memory_space<hbm>> -> memref<10000x128xf32, #tpu.memory_space<hbm>>
      tpu.enqueue_indirect_dma source(%dma_start3A_71 : memref<10000x128xf32, #tpu.memory_space<hbm>>) target(%arg9 : memref<80x128xf32, #tpu.memory_space<vmem>>) offsets(%dma_start3A_68 : memref<80xi32, #tpu.memory_space<vmem>>) semaphore(%arg13 : memref<!tpu.dma_semaphore, #tpu.memory_space<semaphore_mem>>)
      %dma_wait3A_72 = arith.constant 30 : i32
      %dma_wait3A_73 = arith.constant 0 : i32
      %dma_wait3A_74 = tpu.memref_slice %arg6[%dma_wait3A_72, %dma_wait3A_73] : memref<32x80xi32, #tpu.memory_space<vmem>> -> memref<1x80xi32, #tpu.memory_space<vmem>>
      %dma_wait3A_75 = tpu.memref_squeeze %dma_wait3A_74 : memref<1x80xi32, #tpu.memory_space<vmem>> -> memref<80xi32, #tpu.memory_space<vmem>>
      %dma_wait3A_76 = arith.constant 0 : i32
      %dma_wait3A_77 = arith.constant 0 : i32
      %dma_wait3A_78 = tpu.memref_slice %arg2[%dma_wait3A_76, %dma_wait3A_77] : memref<10000x128xf32, #tpu.memory_space<hbm>> -> memref<10000x128xf32, #tpu.memory_space<hbm>>
      tpu.wait_indirect_dma semaphore(%arg12 : memref<!tpu.dma_semaphore, #tpu.memory_space<semaphore_mem>>) src(%dma_wait3A_78 : memref<10000x128xf32, #tpu.memory_space<hbm>>) dst(%arg8 : memref<80x128xf32, #tpu.memory_space<vmem>>)
      %run_scoped3A = arith.constant 30 : i32
      "tpu.region"() ({
        %run_scoped3A_87 = tpu.sem_alloc : memref<!tpu.dma_semaphore, #tpu.memory_space<semaphore_mem>>
        %dma_start3A_88 = arith.constant 0 : i32
        %dma_start3A_89 = tpu.memref_slice %arg7[%run_scoped3A, %dma_start3A_88] : memref<32x80xi32, #tpu.memory_space<vmem>> -> memref<1x80xi32, #tpu.memory_space<vmem>>
        %dma_start3A_90 = tpu.memref_squeeze %dma_start3A_89 : memref<1x80xi32, #tpu.memory_space<vmem>> -> memref<80xi32, #tpu.memory_space<vmem>>
        %dma_start3A_91 = arith.constant 0 : i32
        %dma_start3A_92 = arith.constant 0 : i32
        %dma_start3A_93 = tpu.memref_slice %arg10[%dma_start3A_91, %dma_start3A_92] : memref<10240x128xf32, #tpu.memory_space<vmem_shared>> -> memref<10240x128xf32, #tpu.memory_space<vmem_shared>>
        tpu.enqueue_indirect_dma source(%arg8 : memref<80x128xf32, #tpu.memory_space<vmem>>) target(%dma_start3A_93 : memref<10240x128xf32, #tpu.memory_space<vmem_shared>>) offsets(%dma_start3A_90 : memref<80xi32, #tpu.memory_space<vmem>>) semaphore(%run_scoped3A_87 : memref<!tpu.dma_semaphore, #tpu.memory_space<semaphore_mem>>) {add = true}
        %dma_wait3A_94 = arith.constant 0 : i32
        %dma_wait3A_95 = tpu.memref_slice %arg7[%run_scoped3A, %dma_wait3A_94] : memref<32x80xi32, #tpu.memory_space<vmem>> -> memref<1x80xi32, #tpu.memory_space<vmem>>
        %dma_wait3A_96 = tpu.memref_squeeze %dma_wait3A_95 : memref<1x80xi32, #tpu.memory_space<vmem>> -> memref<80xi32, #tpu.memory_space<vmem>>
        %dma_wait3A_97 = arith.constant 0 : i32
        %dma_wait3A_98 = arith.constant 0 : i32
        %dma_wait3A_99 = tpu.memref_slice %arg10[%dma_wait3A_97, %dma_wait3A_98] : memref<10240x128xf32, #tpu.memory_space<vmem_shared>> -> memref<10240x128xf32, #tpu.memory_space<vmem_shared>>
        tpu.wait_indirect_dma semaphore(%run_scoped3A_87 : memref<!tpu.dma_semaphore, #tpu.memory_space<semaphore_mem>>) src(%arg8 : memref<80x128xf32, #tpu.memory_space<vmem>>) dst(%dma_wait3A_99 : memref<10240x128xf32, #tpu.memory_space<vmem_shared>>)
        tpu.yield
      }) : () -> ()
      %dma_wait3A_79 = arith.constant 31 : i32
      %dma_wait3A_80 = arith.constant 0 : i32
      %dma_wait3A_81 = tpu.memref_slice %arg6[%dma_wait3A_79, %dma_wait3A_80] : memref<32x80xi32, #tpu.memory_space<vmem>> -> memref<1x80xi32, #tpu.memory_space<vmem>>
      %dma_wait3A_82 = tpu.memref_squeeze %dma_wait3A_81 : memref<1x80xi32, #tpu.memory_space<vmem>> -> memref<80xi32, #tpu.memory_space<vmem>>
      %dma_wait3A_83 = arith.constant 0 : i32
      %dma_wait3A_84 = arith.constant 0 : i32
      %dma_wait3A_85 = tpu.memref_slice %arg2[%dma_wait3A_83, %dma_wait3A_84] : memref<10000x128xf32, #tpu.memory_space<hbm>> -> memref<10000x128xf32, #tpu.memory_space<hbm>>
      tpu.wait_indirect_dma semaphore(%arg13 : memref<!tpu.dma_semaphore, #tpu.memory_space<semaphore_mem>>) src(%dma_wait3A_85 : memref<10000x128xf32, #tpu.memory_space<hbm>>) dst(%arg9 : memref<80x128xf32, #tpu.memory_space<vmem>>)
      %run_scoped3A_86 = arith.constant 31 : i32
      "tpu.region"() ({
        %run_scoped3A_87 = tpu.sem_alloc : memref<!tpu.dma_semaphore, #tpu.memory_space<semaphore_mem>>
        %dma_start3A_88 = arith.constant 0 : i32
        %dma_start3A_89 = tpu.memref_slice %arg7[%run_scoped3A_86, %dma_start3A_88] : memref<32x80xi32, #tpu.memory_space<vmem>> -> memref<1x80xi32, #tpu.memory_space<vmem>>
        %dma_start3A_90 = tpu.memref_squeeze %dma_start3A_89 : memref<1x80xi32, #tpu.memory_space<vmem>> -> memref<80xi32, #tpu.memory_space<vmem>>
        %dma_start3A_91 = arith.constant 0 : i32
        %dma_start3A_92 = arith.constant 0 : i32
        %dma_start3A_93 = tpu.memref_slice %arg10[%dma_start3A_91, %dma_start3A_92] : memref<10240x128xf32, #tpu.memory_space<vmem_shared>> -> memref<10240x128xf32, #tpu.memory_space<vmem_shared>>
        tpu.enqueue_indirect_dma source(%arg9 : memref<80x128xf32, #tpu.memory_space<vmem>>) target(%dma_start3A_93 : memref<10240x128xf32, #tpu.memory_space<vmem_shared>>) offsets(%dma_start3A_90 : memref<80xi32, #tpu.memory_space<vmem>>) semaphore(%run_scoped3A_87 : memref<!tpu.dma_semaphore, #tpu.memory_space<semaphore_mem>>) {add = true}
        %dma_wait3A_94 = arith.constant 0 : i32
        %dma_wait3A_95 = tpu.memref_slice %arg7[%run_scoped3A_86, %dma_wait3A_94] : memref<32x80xi32, #tpu.memory_space<vmem>> -> memref<1x80xi32, #tpu.memory_space<vmem>>
        %dma_wait3A_96 = tpu.memref_squeeze %dma_wait3A_95 : memref<1x80xi32, #tpu.memory_space<vmem>> -> memref<80xi32, #tpu.memory_space<vmem>>
        %dma_wait3A_97 = arith.constant 0 : i32
        %dma_wait3A_98 = arith.constant 0 : i32
        %dma_wait3A_99 = tpu.memref_slice %arg10[%dma_wait3A_97, %dma_wait3A_98] : memref<10240x128xf32, #tpu.memory_space<vmem_shared>> -> memref<10240x128xf32, #tpu.memory_space<vmem_shared>>
        tpu.wait_indirect_dma semaphore(%run_scoped3A_87 : memref<!tpu.dma_semaphore, #tpu.memory_space<semaphore_mem>>) src(%arg9 : memref<80x128xf32, #tpu.memory_space<vmem>>) dst(%dma_wait3A_99 : memref<10240x128xf32, #tpu.memory_space<vmem_shared>>)
        tpu.yield
      }) : () -> ()
    }
    %scan3A_15 = arith.constant 4 : i32
    %barrier3A_16 = arith.constant 0 : index
    tpu.barrier barrier_id(%barrier3A_16)
    %scan3A_17 = arith.constant 0 : i32
    %scan3A_18 = arith.constant 8 : i32
    %scan3A_19 = arith.addi %scan3A_17, %scan3A_18 : i32
    %scan3A_20 = arith.constant 1 : i32
    scf.for %scan3A_22 = %scan3A_17 to %scan3A_19 step %scan3A_20  : i32 {
      %mul3A_23 = arith.constant 1 : i32
      %mul3A_24 = arith.muli %scan3A_22, %mul3A_23 : i32
      %add3A_25 = arith.constant 0 : i32
      %add3A_26 = arith.addi %add3A_25, %mul3A_24 : i32
      %mul3A_27 = arith.constant 640 : i32
      %mul3A_28 = arith.muli %arg1, %mul3A_27 : i32
      %mul3A_29 = arith.constant 80 : i32
      %mul3A_30 = arith.muli %add3A_26, %mul3A_29 : i32
      %add3A_31 = arith.addi %mul3A_28, %mul3A_30 : i32
      "tpu.region"() ({
        %run_scoped3A = tpu.sem_alloc : memref<!tpu.dma_semaphore, #tpu.memory_space<semaphore_mem>>
        %dma_start3A = arith.constant 0 : i32
        %dma_start3A_37 = tpu.memref_slice %arg10[%add3A_31, %dma_start3A] : memref<10240x128xf32, #tpu.memory_space<vmem_shared>> -> memref<80x128xf32, #tpu.memory_space<vmem_shared>>
        %dma_start3A_38 = arith.constant 0 : i32
        %dma_start3A_39 = tpu.memref_slice %arg10[%add3A_31, %dma_start3A_38] : memref<10240x128xf32, #tpu.memory_space<vmem_shared>> -> memref<80x128xf32, #tpu.memory_space<vmem_shared>>
        tpu.enqueue_dma source(%dma_start3A_39 : memref<80x128xf32, #tpu.memory_space<vmem_shared>>) target(%arg8 : memref<80x128xf32, #tpu.memory_space<vmem>>) target_semaphore(%run_scoped3A : memref<!tpu.dma_semaphore, #tpu.memory_space<semaphore_mem>>)
        %dma_wait3A = arith.constant 0 : i32
        %dma_wait3A_40 = tpu.memref_slice %arg10[%add3A_31, %dma_wait3A] : memref<10240x128xf32, #tpu.memory_space<vmem_shared>> -> memref<80x128xf32, #tpu.memory_space<vmem_shared>>
        %dma_wait3A_41 = arith.constant 0 : i32
        %dma_wait3A_42 = tpu.memref_slice %arg10[%add3A_31, %dma_wait3A_41] : memref<10240x128xf32, #tpu.memory_space<vmem_shared>> -> memref<80x128xf32, #tpu.memory_space<vmem_shared>>
        tpu.wait_dma2 semaphore(%run_scoped3A : memref<!tpu.dma_semaphore, #tpu.memory_space<semaphore_mem>>) src(%dma_wait3A_42 : memref<80x128xf32, #tpu.memory_space<vmem_shared>>) dst(%arg8 : memref<80x128xf32, #tpu.memory_space<vmem>>)
        tpu.yield
      }) : () -> ()
      %mul3A_32 = arith.constant 640 : i32
      %mul3A_33 = arith.muli %arg1, %mul3A_32 : i32
      %mul3A_34 = arith.constant 80 : i32
      %mul3A_35 = arith.muli %add3A_26, %mul3A_34 : i32
      %add3A_36 = arith.addi %mul3A_33, %mul3A_35 : i32
      "tpu.region"() ({
        %run_scoped3A = tpu.sem_alloc : memref<!tpu.dma_semaphore, #tpu.memory_space<semaphore_mem>>
        %dma_start3A = arith.constant 0 : i32
        %dma_start3A_37 = tpu.memref_slice %arg5[%arg0, %add3A_36, %dma_start3A] : memref<2x10240x128xf32, #tpu.memory_space<hbm>> -> memref<1x80x128xf32, #tpu.memory_space<hbm>>
        %dma_start3A_38 = tpu.memref_squeeze %dma_start3A_37 : memref<1x80x128xf32, #tpu.memory_space<hbm>> -> memref<80x128xf32, #tpu.memory_space<hbm>>
        %dma_start3A_39 = arith.constant 0 : i32
        %dma_start3A_40 = tpu.memref_slice %arg5[%arg0, %add3A_36, %dma_start3A_39] : memref<2x10240x128xf32, #tpu.memory_space<hbm>> -> memref<1x80x128xf32, #tpu.memory_space<hbm>>
        %dma_start3A_41 = tpu.memref_squeeze %dma_start3A_40 : memref<1x80x128xf32, #tpu.memory_space<hbm>> -> memref<80x128xf32, #tpu.memory_space<hbm>>
        tpu.enqueue_dma source(%arg8 : memref<80x128xf32, #tpu.memory_space<vmem>>) target(%dma_start3A_41 : memref<80x128xf32, #tpu.memory_space<hbm>>) target_semaphore(%run_scoped3A : memref<!tpu.dma_semaphore, #tpu.memory_space<semaphore_mem>>)
        %dma_wait3A = arith.constant 0 : i32
        %dma_wait3A_42 = tpu.memref_slice %arg5[%arg0, %add3A_36, %dma_wait3A] : memref<2x10240x128xf32, #tpu.memory_space<hbm>> -> memref<1x80x128xf32, #tpu.memory_space<hbm>>
        %dma_wait3A_43 = tpu.memref_squeeze %dma_wait3A_42 : memref<1x80x128xf32, #tpu.memory_space<hbm>> -> memref<80x128xf32, #tpu.memory_space<hbm>>
        %dma_wait3A_44 = arith.constant 0 : i32
        %dma_wait3A_45 = tpu.memref_slice %arg5[%arg0, %add3A_36, %dma_wait3A_44] : memref<2x10240x128xf32, #tpu.memory_space<hbm>> -> memref<1x80x128xf32, #tpu.memory_space<hbm>>
        %dma_wait3A_46 = tpu.memref_squeeze %dma_wait3A_45 : memref<1x80x128xf32, #tpu.memory_space<hbm>> -> memref<80x128xf32, #tpu.memory_space<hbm>>
        tpu.wait_dma2 semaphore(%run_scoped3A : memref<!tpu.dma_semaphore, #tpu.memory_space<semaphore_mem>>) src(%arg8 : memref<80x128xf32, #tpu.memory_space<vmem>>) dst(%dma_wait3A_46 : memref<80x128xf32, #tpu.memory_space<hbm>>)
        tpu.yield
      }) : () -> ()
    }
    %scan3A_21 = arith.constant 8 : i32
    return
  }
}

module attributes {stable_mosaic.version = 14 : i64} {
  func.func @_t_first_body(%arg0: i32, %arg1: memref<1000x32xf32, #tpu.memory_space<vmem>>, %arg2: memref<1000x32xf32, #tpu.memory_space<vmem>>, %arg3: memref<1000x128xf32, #tpu.memory_space<vmem>>, %arg4: memref<128x128xf32, #tpu.memory_space<vmem>>, %arg5: memref<1000x128xf32, #tpu.memory_space<vmem>>) attributes {dimension_semantics = [#tpu.dimension_semantics<arbitrary>], iteration_bounds = array<i64: 10>, scalar_prefetch = 0 : i64, scratch_operands = 0 : i64, tpu.core_type = #tpu.core_type<tc>, window_params = [{transform_indices = @transform_0, window_bounds = array<i64: 1000, 32>}, {transform_indices = @transform_1, window_bounds = array<i64: 1000, 32>}, {transform_indices = @transform_2, window_bounds = array<i64: 1000, 128>}, {pipeline_mode = #tpu.pipeline_mode<synchronous>, transform_indices = @transform_3, window_bounds = array<i64: 128, 128>}, {transform_indices = @transform_4, window_bounds = array<i64: 1000, 128>}]} {
    %get3A = arith.constant 0 : index
    %get3A_0 = arith.constant 0 : index
    %get3A_1 = vector.load %arg1[%get3A, %get3A_0] : memref<1000x32xf32, #tpu.memory_space<vmem>>, vector<1000x32xf32>
    %reduce_sum3A = arith.constant dense<0.000000e+00> : vector<1000xf32>
    %reduce_sum3A_2 = vector.multi_reduction <add>, %get3A_1, %reduce_sum3A [1] : vector<1000x32xf32> to vector<1000xf32>
    %broadcast_in_dim3A = vector.shape_cast %reduce_sum3A_2 : vector<1000xf32> to vector<1000x1xf32>
    %max3A = arith.constant 1.000000e+00 : f32
    %max3A_3 = vector.broadcast %max3A : f32 to vector<1000x1xf32>
    %max3A_4 = arith.maximumf %broadcast_in_dim3A, %max3A_3 : vector<1000x1xf32>
    %rsqrt3A = math.rsqrt %max3A_4 : vector<1000x1xf32>
    %get3A_5 = arith.constant 0 : index
    %get3A_6 = arith.constant 0 : index
    %get3A_7 = vector.load %arg3[%get3A_5, %get3A_6] : memref<1000x128xf32, #tpu.memory_space<vmem>>, vector<1000x128xf32>
    %mul3A = vector.broadcast %rsqrt3A : vector<1000x1xf32> to vector<1000x128xf32>
    %mul3A_8 = arith.mulf %get3A_7, %mul3A : vector<1000x128xf32>
    %get3A_9 = arith.constant 0 : index
    %get3A_10 = arith.constant 0 : index
    %get3A_11 = vector.load %arg4[%get3A_9, %get3A_10] : memref<128x128xf32, #tpu.memory_space<vmem>>, vector<128x128xf32>
    %dot_general3A = arith.constant dense<0.000000e+00> : vector<1000x128xf32>
    %dot_general3A_12 = tpu.matmul %mul3A_8, %get3A_11, %dot_general3A {dimension_numbers = #tpu.dot_dimension_numbers<[1], [0], [0], [1], [0, 0, 1, 1], [], []>, transpose_lhs_hint = false} : vector<1000x128xf32>, vector<128x128xf32>, vector<1000x128xf32> -> vector<1000x128xf32>
    %swap3A = arith.constant 0 : index
    %swap3A_13 = arith.constant 0 : index
    %swap3A_14 = vector.load %arg5[%swap3A, %swap3A_13] : memref<1000x128xf32, #tpu.memory_space<vmem>>, vector<1000x128xf32>
    tpu.vector_store %arg5[%swap3A, %swap3A_13], %dot_general3A_12 {strides = array<i32>} : memref<1000x128xf32, #tpu.memory_space<vmem>>, vector<1000x128xf32>,
    return
  }
  func.func @transform_0(%arg0: i32) -> (i32, i32) {
    %c0_i32 = arith.constant 0 : i32
    %c0_i32_0 = arith.constant 0 : i32
    return %arg0, %c0_i32 : i32, i32
  }
  func.func @transform_1(%arg0: i32) -> (i32, i32) {
    %c0_i32 = arith.constant 0 : i32
    %c0_i32_0 = arith.constant 0 : i32
    return %arg0, %c0_i32 : i32, i32
  }
  func.func @transform_2(%arg0: i32) -> (i32, i32) {
    %c0_i32 = arith.constant 0 : i32
    %c0_i32_0 = arith.constant 0 : i32
    return %arg0, %c0_i32 : i32, i32
  }
  func.func @transform_3(%arg0: i32) -> (i32, i32) {
    %c0_i32 = arith.constant 0 : i32
    %c0_i32_0 = arith.constant 0 : i32
    %c0_i32_1 = arith.constant 0 : i32
    return %c0_i32, %c0_i32_0 : i32, i32
  }
  func.func @transform_4(%arg0: i32) -> (i32, i32) {
    %c0_i32 = arith.constant 0 : i32
    %c0_i32_0 = arith.constant 0 : i32
    return %arg0, %c0_i32 : i32, i32
  }
}

module attributes {stable_mosaic.version = 14 : i64} {
  func.func @_t_mid_body(%arg0: i32, %arg1: memref<1000x32xf32, #tpu.memory_space<vmem>>, %arg2: memref<1000x32xf32, #tpu.memory_space<vmem>>, %arg3: memref<2x1000x128xf32, #tpu.memory_space<vmem>>, %arg4: memref<1x128xf32, #tpu.memory_space<vmem>>, %arg5: memref<128x128xf32, #tpu.memory_space<vmem>>, %arg6: memref<1000x128xf32, #tpu.memory_space<vmem>>) attributes {dimension_semantics = [#tpu.dimension_semantics<arbitrary>], iteration_bounds = array<i64: 10>, scalar_prefetch = 0 : i64, scratch_operands = 0 : i64, tpu.core_type = #tpu.core_type<tc>, window_params = [{transform_indices = @transform_0, window_bounds = array<i64: 1000, 32>}, {transform_indices = @transform_1, window_bounds = array<i64: 1000, 32>}, {transform_indices = @transform_2, window_bounds = array<i64: 2, 1000, 128>}, {pipeline_mode = #tpu.pipeline_mode<synchronous>, transform_indices = @transform_3, window_bounds = array<i64: 1, 128>}, {pipeline_mode = #tpu.pipeline_mode<synchronous>, transform_indices = @transform_4, window_bounds = array<i64: 128, 128>}, {transform_indices = @transform_5, window_bounds = array<i64: 1000, 128>}]} {
    %get3A = arith.constant 0 : index
    %get3A_0 = arith.constant 0 : index
    %get3A_1 = vector.load %arg1[%get3A, %get3A_0] : memref<1000x32xf32, #tpu.memory_space<vmem>>, vector<1000x32xf32>
    %get3A_2 = arith.constant 0 : index
    %get3A_3 = arith.constant 0 : index
    %get3A_4 = vector.load %arg2[%get3A_2, %get3A_3] : memref<1000x32xf32, #tpu.memory_space<vmem>>, vector<1000x32xf32>
    %reduce_sum3A = arith.constant dense<0.000000e+00> : vector<1000xf32>
    %reduce_sum3A_5 = vector.multi_reduction <add>, %get3A_1, %reduce_sum3A [1] : vector<1000x32xf32> to vector<1000xf32>
    %broadcast_in_dim3A = vector.shape_cast %reduce_sum3A_5 : vector<1000xf32> to vector<1000x1xf32>
    %reduce_sum3A_6 = arith.constant dense<0.000000e+00> : vector<1000xf32>
    %reduce_sum3A_7 = vector.multi_reduction <add>, %get3A_4, %reduce_sum3A_6 [1] : vector<1000x32xf32> to vector<1000xf32>
    %broadcast_in_dim3A_8 = vector.shape_cast %reduce_sum3A_7 : vector<1000xf32> to vector<1000x1xf32>
    %max3A = arith.constant 1.000000e+00 : f32
    %max3A_9 = vector.broadcast %max3A : f32 to vector<1000x1xf32>
    %max3A_10 = arith.maximumf %broadcast_in_dim3A, %max3A_9 : vector<1000x1xf32>
    %rsqrt3A = math.rsqrt %max3A_10 : vector<1000x1xf32>
    %max3A_11 = arith.constant 1.000000e+00 : f32
    %max3A_12 = vector.broadcast %max3A_11 : f32 to vector<1000x1xf32>
    %max3A_13 = arith.maximumf %broadcast_in_dim3A_8, %max3A_12 : vector<1000x1xf32>
    %rsqrt3A_14 = math.rsqrt %max3A_13 : vector<1000x1xf32>
    %get3A_15 = arith.constant 0 : index
    %get3A_16 = arith.constant 0 : index
    %get3A_17 = arith.constant 0 : index
    %get3A_18 = vector.load %arg3[%get3A_15, %get3A_16, %get3A_17] : memref<2x1000x128xf32, #tpu.memory_space<vmem>>, vector<1x1000x128xf32>
    %get3A_19 = vector.shape_cast %get3A_18 : vector<1x1000x128xf32> to vector<1000x128xf32>
    %get3A_20 = arith.constant 1 : index
    %get3A_21 = arith.constant 0 : index
    %get3A_22 = arith.constant 0 : index
    %get3A_23 = vector.load %arg3[%get3A_20, %get3A_21, %get3A_22] : memref<2x1000x128xf32, #tpu.memory_space<vmem>>, vector<1x1000x128xf32>
    %get3A_24 = vector.shape_cast %get3A_23 : vector<1x1000x128xf32> to vector<1000x128xf32>
    %add3A = arith.addf %get3A_19, %get3A_24 : vector<1000x128xf32>
    %mul3A = vector.broadcast %rsqrt3A_14 : vector<1000x1xf32> to vector<1000x128xf32>
    %mul3A_25 = arith.mulf %add3A, %mul3A : vector<1000x128xf32>
    %get3A_26 = arith.constant 0 : index
    %get3A_27 = arith.constant 0 : index
    %get3A_28 = vector.load %arg4[%get3A_26, %get3A_27] : memref<1x128xf32, #tpu.memory_space<vmem>>, vector<1x128xf32>
    %add3A_29 = vector.broadcast %get3A_28 : vector<1x128xf32> to vector<1000x128xf32>
    %add3A_30 = arith.addf %mul3A_25, %add3A_29 : vector<1000x128xf32>
    %max3A_31 = arith.constant 0.000000e+00 : f32
    %max3A_32 = vector.broadcast %max3A_31 : f32 to vector<1000x128xf32>
    %max3A_33 = arith.maximumf %add3A_30, %max3A_32 : vector<1000x128xf32>
    %mul3A_34 = vector.broadcast %rsqrt3A : vector<1000x1xf32> to vector<1000x128xf32>
    %mul3A_35 = arith.mulf %max3A_33, %mul3A_34 : vector<1000x128xf32>
    %get3A_36 = arith.constant 0 : index
    %get3A_37 = arith.constant 0 : index
    %get3A_38 = vector.load %arg5[%get3A_36, %get3A_37] : memref<128x128xf32, #tpu.memory_space<vmem>>, vector<128x128xf32>
    %dot_general3A = arith.constant dense<0.000000e+00> : vector<1000x128xf32>
    %dot_general3A_39 = tpu.matmul %mul3A_35, %get3A_38, %dot_general3A {dimension_numbers = #tpu.dot_dimension_numbers<[1], [0], [0], [1], [0, 0, 1, 1], [], []>, transpose_lhs_hint = false} : vector<1000x128xf32>, vector<128x128xf32>, vector<1000x128xf32> -> vector<1000x128xf32>
    %swap3A = arith.constant 0 : index
    %swap3A_40 = arith.constant 0 : index
    %swap3A_41 = vector.load %arg6[%swap3A, %swap3A_40] : memref<1000x128xf32, #tpu.memory_space<vmem>>, vector<1000x128xf32>
    tpu.vector_store %arg6[%swap3A, %swap3A_40], %dot_general3A_39 {strides = array<i32>} : memref<1000x128xf32, #tpu.memory_space<vmem>>, vector<1000x128xf32>,
    return
  }
  func.func @transform_0(%arg0: i32) -> (i32, i32) {
    %c0_i32 = arith.constant 0 : i32
    %c0_i32_0 = arith.constant 0 : i32
    return %arg0, %c0_i32 : i32, i32
  }
  func.func @transform_1(%arg0: i32) -> (i32, i32) {
    %c0_i32 = arith.constant 0 : i32
    %c0_i32_0 = arith.constant 0 : i32
    return %arg0, %c0_i32 : i32, i32
  }
  func.func @transform_2(%arg0: i32) -> (i32, i32, i32) {
    %c0_i32 = arith.constant 0 : i32
    %c0_i32_0 = arith.constant 0 : i32
    %c0_i32_1 = arith.constant 0 : i32
    return %c0_i32, %arg0, %c0_i32_0 : i32, i32, i32
  }
  func.func @transform_3(%arg0: i32) -> (i32, i32) {
    %c0_i32 = arith.constant 0 : i32
    %c0_i32_0 = arith.constant 0 : i32
    %c0_i32_1 = arith.constant 0 : i32
    return %c0_i32, %c0_i32_0 : i32, i32
  }
  func.func @transform_4(%arg0: i32) -> (i32, i32) {
    %c0_i32 = arith.constant 0 : i32
    %c0_i32_0 = arith.constant 0 : i32
    %c0_i32_1 = arith.constant 0 : i32
    return %c0_i32, %c0_i32_0 : i32, i32
  }
  func.func @transform_5(%arg0: i32) -> (i32, i32) {
    %c0_i32 = arith.constant 0 : i32
    %c0_i32_0 = arith.constant 0 : i32
    return %arg0, %c0_i32 : i32, i32
  }
}

module attributes {stable_mosaic.version = 14 : i64} {
  func.func @_t_final_body(%arg0: i32, %arg1: memref<10000x32xf32, #tpu.memory_space<vmem>>, %arg2: memref<10000x32xf32, #tpu.memory_space<vmem>>, %arg3: memref<2x10000x128xf32, #tpu.memory_space<vmem>>, %arg4: memref<1x128xf32, #tpu.memory_space<vmem>>, %arg5: memref<128x64xf32, #tpu.memory_space<vmem>>, %arg6: memref<1x64xf32, #tpu.memory_space<vmem>>, %arg7: memref<64x40xf32, #tpu.memory_space<vmem>>, %arg8: memref<1x40xf32, #tpu.memory_space<vmem>>, %arg9: memref<1x40xf32, #tpu.memory_space<vmem>>) attributes {dimension_semantics = [#tpu.dimension_semantics<arbitrary>], iteration_bounds = array<i64: 1>, scalar_prefetch = 0 : i64, scratch_operands = 0 : i64, tpu.core_type = #tpu.core_type<tc>, window_params = [{pipeline_mode = #tpu.pipeline_mode<synchronous>, transform_indices = @transform_0, window_bounds = array<i64: 10000, 32>}, {pipeline_mode = #tpu.pipeline_mode<synchronous>, transform_indices = @transform_1, window_bounds = array<i64: 10000, 32>}, {transform_indices = @transform_2, window_bounds = array<i64: 2, 10000, 128>}, {pipeline_mode = #tpu.pipeline_mode<synchronous>, transform_indices = @transform_3, window_bounds = array<i64: 1, 128>}, {pipeline_mode = #tpu.pipeline_mode<synchronous>, transform_indices = @transform_4, window_bounds = array<i64: 128, 64>}, {pipeline_mode = #tpu.pipeline_mode<synchronous>, transform_indices = @transform_5, window_bounds = array<i64: 1, 64>}, {pipeline_mode = #tpu.pipeline_mode<synchronous>, transform_indices = @transform_6, window_bounds = array<i64: 64, 40>}, {pipeline_mode = #tpu.pipeline_mode<synchronous>, transform_indices = @transform_7, window_bounds = array<i64: 1, 40>}, {pipeline_mode = #tpu.pipeline_mode<synchronous>, transform_indices = @transform_8, window_bounds = array<i64: 1, 40>}]} {
    %get3A = arith.constant 0 : index
    %get3A_0 = arith.constant 0 : index
    %get3A_1 = vector.load %arg2[%get3A, %get3A_0] : memref<10000x32xf32, #tpu.memory_space<vmem>>, vector<10000x32xf32>
    %reduce_sum3A = arith.constant dense<0.000000e+00> : vector<10000xf32>
    %reduce_sum3A_2 = vector.multi_reduction <add>, %get3A_1, %reduce_sum3A [1] : vector<10000x32xf32> to vector<10000xf32>
    %broadcast_in_dim3A = vector.shape_cast %reduce_sum3A_2 : vector<10000xf32> to vector<10000x1xf32>
    %max3A = arith.constant 1.000000e+00 : f32
    %max3A_3 = vector.broadcast %max3A : f32 to vector<10000x1xf32>
    %max3A_4 = arith.maximumf %broadcast_in_dim3A, %max3A_3 : vector<10000x1xf32>
    %rsqrt3A = math.rsqrt %max3A_4 : vector<10000x1xf32>
    %get3A_5 = arith.constant 0 : index
    %get3A_6 = arith.constant 0 : index
    %get3A_7 = arith.constant 0 : index
    %get3A_8 = vector.load %arg3[%get3A_5, %get3A_6, %get3A_7] : memref<2x10000x128xf32, #tpu.memory_space<vmem>>, vector<1x10000x128xf32>
    %get3A_9 = vector.shape_cast %get3A_8 : vector<1x10000x128xf32> to vector<10000x128xf32>
    %get3A_10 = arith.constant 1 : index
    %get3A_11 = arith.constant 0 : index
    %get3A_12 = arith.constant 0 : index
    %get3A_13 = vector.load %arg3[%get3A_10, %get3A_11, %get3A_12] : memref<2x10000x128xf32, #tpu.memory_space<vmem>>, vector<1x10000x128xf32>
    %get3A_14 = vector.shape_cast %get3A_13 : vector<1x10000x128xf32> to vector<10000x128xf32>
    %add3A = arith.addf %get3A_9, %get3A_14 : vector<10000x128xf32>
    %mul3A = vector.broadcast %rsqrt3A : vector<10000x1xf32> to vector<10000x128xf32>
    %mul3A_15 = arith.mulf %add3A, %mul3A : vector<10000x128xf32>
    %get3A_16 = arith.constant 0 : index
    %get3A_17 = arith.constant 0 : index
    %get3A_18 = vector.load %arg4[%get3A_16, %get3A_17] : memref<1x128xf32, #tpu.memory_space<vmem>>, vector<1x128xf32>
    %add3A_19 = vector.broadcast %get3A_18 : vector<1x128xf32> to vector<10000x128xf32>
    %add3A_20 = arith.addf %mul3A_15, %add3A_19 : vector<10000x128xf32>
    %max3A_21 = arith.constant 0.000000e+00 : f32
    %max3A_22 = vector.broadcast %max3A_21 : f32 to vector<10000x128xf32>
    %max3A_23 = arith.maximumf %add3A_20, %max3A_22 : vector<10000x128xf32>
    %reduce_sum3A_24 = arith.constant dense<0.000000e+00> : vector<128xf32>
    %reduce_sum3A_25 = vector.multi_reduction <add>, %max3A_23, %reduce_sum3A_24 [0] : vector<10000x128xf32> to vector<128xf32>
    %broadcast_in_dim3A_26 = vector.shape_cast %reduce_sum3A_25 : vector<128xf32> to vector<1x128xf32>
    %div3A = arith.constant 1.000000e+04 : f32
    %div3A_27 = vector.broadcast %div3A : f32 to vector<1x128xf32>
    %div3A_28 = arith.divf %broadcast_in_dim3A_26, %div3A_27 : vector<1x128xf32>
    %get3A_29 = arith.constant 0 : index
    %get3A_30 = arith.constant 0 : index
    %get3A_31 = vector.load %arg5[%get3A_29, %get3A_30] : memref<128x64xf32, #tpu.memory_space<vmem>>, vector<128x64xf32>
    %dot_general3A = arith.constant dense<0.000000e+00> : vector<1x64xf32>
    %dot_general3A_32 = tpu.matmul %div3A_28, %get3A_31, %dot_general3A {dimension_numbers = #tpu.dot_dimension_numbers<[1], [0], [0], [1], [0, 0, 1, 1], [], []>, transpose_lhs_hint = false} : vector<1x128xf32>, vector<128x64xf32>, vector<1x64xf32> -> vector<1x64xf32>
    %get3A_33 = arith.constant 0 : index
    %get3A_34 = arith.constant 0 : index
    %get3A_35 = vector.load %arg6[%get3A_33, %get3A_34] : memref<1x64xf32, #tpu.memory_space<vmem>>, vector<1x64xf32>
    %add3A_36 = arith.addf %dot_general3A_32, %get3A_35 : vector<1x64xf32>
    %max3A_37 = arith.constant 0.000000e+00 : f32
    %max3A_38 = vector.broadcast %max3A_37 : f32 to vector<1x64xf32>
    %max3A_39 = arith.maximumf %add3A_36, %max3A_38 : vector<1x64xf32>
    %get3A_40 = arith.constant 0 : index
    %get3A_41 = arith.constant 0 : index
    %get3A_42 = vector.load %arg7[%get3A_40, %get3A_41] : memref<64x40xf32, #tpu.memory_space<vmem>>, vector<64x40xf32>
    %dot_general3A_43 = arith.constant dense<0.000000e+00> : vector<1x40xf32>
    %dot_general3A_44 = tpu.matmul %max3A_39, %get3A_42, %dot_general3A_43 {dimension_numbers = #tpu.dot_dimension_numbers<[1], [0], [0], [1], [0, 0, 1, 1], [], []>, transpose_lhs_hint = false} : vector<1x64xf32>, vector<64x40xf32>, vector<1x40xf32> -> vector<1x40xf32>
    %get3A_45 = arith.constant 0 : index
    %get3A_46 = arith.constant 0 : index
    %get3A_47 = vector.load %arg8[%get3A_45, %get3A_46] : memref<1x40xf32, #tpu.memory_space<vmem>>, vector<1x40xf32>
    %add3A_48 = arith.addf %dot_general3A_44, %get3A_47 : vector<1x40xf32>
    %swap3A = arith.constant 0 : index
    %swap3A_49 = arith.constant 0 : index
    %swap3A_50 = vector.load %arg9[%swap3A, %swap3A_49] : memref<1x40xf32, #tpu.memory_space<vmem>>, vector<1x40xf32>
    tpu.vector_store %arg9[%swap3A, %swap3A_49], %add3A_48 {strides = array<i32>} : memref<1x40xf32, #tpu.memory_space<vmem>>, vector<1x40xf32>,
    return
  }
  func.func @transform_0(%arg0: i32) -> (i32, i32) {
    %c0_i32 = arith.constant 0 : i32
    %c0_i32_0 = arith.constant 0 : i32
    %c0_i32_1 = arith.constant 0 : i32
    return %c0_i32, %c0_i32_0 : i32, i32
  }
  func.func @transform_1(%arg0: i32) -> (i32, i32) {
    %c0_i32 = arith.constant 0 : i32
    %c0_i32_0 = arith.constant 0 : i32
    %c0_i32_1 = arith.constant 0 : i32
    return %c0_i32, %c0_i32_0 : i32, i32
  }
  func.func @transform_2(%arg0: i32) -> (i32, i32, i32) {
    %c0_i32 = arith.constant 0 : i32
    %c0_i32_0 = arith.constant 0 : i32
    %c0_i32_1 = arith.constant 0 : i32
    %c0_i32_2 = arith.constant 0 : i32
    return %c0_i32, %c0_i32_0, %c0_i32_1 : i32, i32, i32
  }
  func.func @transform_3(%arg0: i32) -> (i32, i32) {
    %c0_i32 = arith.constant 0 : i32
    %c0_i32_0 = arith.constant 0 : i32
    %c0_i32_1 = arith.constant 0 : i32
    return %c0_i32, %c0_i32_0 : i32, i32
  }
  func.func @transform_4(%arg0: i32) -> (i32, i32) {
    %c0_i32 = arith.constant 0 : i32
    %c0_i32_0 = arith.constant 0 : i32
    %c0_i32_1 = arith.constant 0 : i32
    return %c0_i32, %c0_i32_0 : i32, i32
  }
  func.func @transform_5(%arg0: i32) -> (i32, i32) {
    %c0_i32 = arith.constant 0 : i32
    %c0_i32_0 = arith.constant 0 : i32
    %c0_i32_1 = arith.constant 0 : i32
    return %c0_i32, %c0_i32_0 : i32, i32
  }
  func.func @transform_6(%arg0: i32) -> (i32, i32) {
    %c0_i32 = arith.constant 0 : i32
    %c0_i32_0 = arith.constant 0 : i32
    %c0_i32_1 = arith.constant 0 : i32
    return %c0_i32, %c0_i32_0 : i32, i32
  }
  func.func @transform_7(%arg0: i32) -> (i32, i32) {
    %c0_i32 = arith.constant 0 : i32
    %c0_i32_0 = arith.constant 0 : i32
    %c0_i32_1 = arith.constant 0 : i32
    return %c0_i32, %c0_i32_0 : i32, i32
  }
  func.func @transform_8(%arg0: i32) -> (i32, i32) {
    %c0_i32 = arith.constant 0 : i32
    %c0_i32_0 = arith.constant 0 : i32
    %c0_i32_1 = arith.constant 0 : i32
    return %c0_i32, %c0_i32_0 : i32, i32
  }
}

</mosaic_0001>

<sc_bundles>
// kernel: kernel.16.cloned.1.call-start
scs
__scs_entry_jumppad:
0x0: {  	(pc) =	sbr.rel $0x88, $3  }
0x1: {  	(tag) =	ssettag $0x0;
	lr =	simm.s32 $0x1  }
0x2: {  	[smem:$0x3F8F] =	sst lr;
	_ =	strace $0xD0000000  }
0x3: {  	_ = 	snop  }
0x4: {  	_ = 	snop  }
0x5: {  	_ = 	snop  }
0x6: {  	_ = 	snop  }
0x7: {  	_ = 	snop  }
__scs_overlays_trampoline_lowered:
0x8: {  	[smem:$0x3F9E] =	sst s0  }
0x9: {  	[smem:$0x3F9F] =	sst s1  }
0xa: {  	[smem:$0x3FA0] =	sst s2  }
0xb: {  	[smem:$0x3FA1] =	sst s3  }
0xc: {  	[smem:$0x3FA2] =	sst s4  }
0xd: {  	[smem:$0x3FA3] =	sst s5  }
0xe: {  	[smem:$0x3FA4] =	sst s6  }
0xf: {  	[smem:$0x3FA5] =	sst s7  }
0x10: {  	[smem:$0x3FA6] =	sst s8  }
0x11: {  	[smem:$0x3FA7] =	sst s9;
	s0 =	simm.s32 @!p0 $0x0  }
0x12: {  	s1 =	sld [smem:$0x3F8D];
	s0 =	simm.s32 @p0 $0x1  }
0x13: {  	[smem:$0x3FA8] =	sst s0;
	s0 =	simm.s32 @!p1 $0x0  }
0x14: {  	s2 =	sld [smem:$0x3F8C];
	s0 =	simm.s32 @p1 $0x1  }
0x15: {  	[smem:$0x3FA9] =	sst s0;
	s0 =	simm.s32 @!p2 $0x0  }
0x16: {  	s3 =	sld [smem:$0x3FDB];
	s0 =	simm.s32 @p2 $0x1  }
0x17: {  	s4 =	simm.s32 $0x1BF5;
	[smem:$0x3FAB] =	sst s0  }
0x18: {  	s0 =	sld [smem:$0x3F8E];
	_ =	swait.ge [sflag:s4], $0x0  }
0x19: {  	s7 =	sld [smem:$0x3F8F]  }
0x1a: {  	s8 =	sadd.s32 $0xFFFFE003, lr  }
0x1b: {  	s9 =	sadd.s32 $0xFFFFFEF7, lr;
	s5 =	simm.s32 $0xFFFFFFFF;
	p2 =	slt.u32 s8, $0xFFFFF086  }
0x1c: {  	p1 =	slt.u32 s9, $0xF7A;
	s5 =	simm.s32 @!p2 $0x0  }
0x1d: {  	s5 =	simm.s32 @p1 $0x1;
	p0 =	seq.s32 s7, s2  }
0x1e: {  	s7 =	smul.u32 @!p0 $0xF7A, s2;
	p2 =	seq.s32 @!p0 s5, $0x0  }
0x1f: {  	s9 =	smul.u32 $0xF7A, s1;
	s8 =	simm.s32 @!p0 $0x1BF5;
	p2 =	por !p2, p0  }
0x20: {  	[sflag:s8] =	ssyncset.s32 @!p0 $0xFFFFF086;
	s6 =	sadd.s32 @!p0 s3, s7;
	s7 =	simm.s32 @!p0 $0x108  }
0x21: {  	s3 =	sadd.s32 s3, s9;
	s6 =	sadd.s32 @!p0 $0x88, s6;
	s7 =	simm.s32 @p2 $0x1082  }
0x22: {  	[simem:s7], [sflag:s8] =	dma.local @!p0 [hbm:s6], $0xF7A  }
0x23: {  	s9 =	sor.u32 $0xD0000000, s2;
	s6 =	simm.s32 $0x108;
	_ =	swait.ge @!p0 [sflag:s8], $0x0  }
0x24: {  	s3 =	sadd.s32 $0x88, s3;
	s6 =	simm.s32 @!p1 $0x1082;
	[sflag:s4] =	ssyncset.s32 $0xFFFFF086  }
0x25: {  	[simem:s6], [sflag:s4] =	dma.local [hbm:s3], $0xF7A  }
0x26: {  	[smem:$0x3F8F] =	sst s1;
	(tag) =	ssettag s2;
	_ =	strace s9  }
0x27: {  	s1 =	sld [smem:$0x3F9F]  }
0x28: {  	s2 =	sld [smem:$0x3FA0]  }
0x29: {  	s4 =	sld [smem:$0x3FA2]  }
0x2a: {  	p0 =	seq.s32 s5, $0x0;
	s5 =	sld [smem:$0x3FA3]  }
0x2b: {  	s6 =	sld [smem:$0x3FA4]  }
0x2c: {  	s7 =	sld [smem:$0x3FA5]  }
0x2d: {  	s3 =	simm.s32 $0x108;
	s8 =	sld [smem:$0x3FA6]  }
0x2e: {  	s3 =	simm.s32 @!p0 $0x1082;
	s9 =	sld [smem:$0x3FA7]  }
0x2f: {  	lr =	sadd.s32 s0, s3;
	s0 =	sld [smem:$0x3F9E]  }
0x30: {  	s3 =	sld [smem:$0x3FA1]  }
0x31: {  	[smem:$0x3FAA] =	sst s10  }
0x32: {  	s10 =	sld [smem:$0x3FA8];
	_ =	sdelay $0x3  }
0x33: {  	p0 =	seq.s32 s10, $0x1;
	s10 =	sld [smem:$0x3FAA];
	_ =	sdelay $0x3  }
0x34: {  	[smem:$0x3FAA] =	sst s10  }
0x35: {  	s10 =	sld [smem:$0x3FA9];
	_ =	sdelay $0x3  }
0x36: {  	p1 =	seq.s32 s10, $0x1;
	s10 =	sld [smem:$0x3FAA];
	_ =	sdelay $0x3  }
0x37: {  	[smem:$0x3FAA] =	sst s10  }
0x38: {  	s10 =	sld [smem:$0x3FAB]  }
0x39: {  	_ = 	snop;
	(pc) =	sbr.ind lr, $3  }
0x3a: {  	_ = 	snop  }
0x3b: {  	_ = 	snop  }
0x3c: {  	p2 =	seq.s32 s10, $0x1;
	s10 =	sld [smem:$0x3FAA]  }
0x3d: {  	_ =	shalt  }
0x3e: {  	_ =	shalt  }
0x3f: {  	_ =	shalt  }
0x40: {  	_ =	shalt  }
0x41: {  	_ =	shalt  }
0x42: {  	_ =	shalt  }
0x43: {  	_ =	shalt  }
0x44: {  	_ =	shalt  }
0x45: {  	_ =	shalt  }
0x46: {  	_ =	shalt  }
0x47: {  	_ =	shalt  }
0x48: {  	_ =	shalt  }
0x49: {  	_ =	shalt  }
0x4a: {  	_ =	shalt  }
0x4b: {  	_ =	shalt  }
0x4c: {  	_ =	shalt  }
0x4d: {  	_ =	shalt  }
0x4e: {  	_ =	shalt  }
0x4f: {  	_ =	shalt  }
0x50: {  	_ =	shalt  }
0x51: {  	_ =	shalt  }
0x52: {  	_ =	shalt  }
0x53: {  	_ =	shalt  }
0x54: {  	_ =	shalt  }
0x55: {  	_ =	shalt  }
0x56: {  	_ =	shalt  }
0x57: {  	_ =	shalt  }
0x58: {  	_ =	shalt  }
0x59: {  	_ =	shalt  }
0x5a: {  	_ =	shalt  }
0x5b: {  	_ =	shalt  }
0x5c: {  	_ =	shalt  }
0x5d: {  	_ =	shalt  }
0x5e: {  	_ =	shalt  }
0x5f: {  	_ =	shalt  }
0x60: {  	_ =	shalt  }
0x61: {  	_ =	shalt  }
0x62: {  	_ =	shalt  }
0x63: {  	_ =	shalt  }
0x64: {  	_ =	shalt  }
0x65: {  	_ =	shalt  }
0x66: {  	_ =	shalt  }
0x67: {  	_ =	shalt  }
0x68: {  	_ =	shalt  }
0x69: {  	_ =	shalt  }
0x6a: {  	_ =	shalt  }
0x6b: {  	_ =	shalt  }
0x6c: {  	_ =	shalt  }
0x6d: {  	_ =	shalt  }
0x6e: {  	_ =	shalt  }
0x6f: {  	_ =	shalt  }
0x70: {  	_ =	shalt  }
0x71: {  	_ =	shalt  }
0x72: {  	_ =	shalt  }
0x73: {  	_ =	shalt  }
0x74: {  	_ =	shalt  }
0x75: {  	_ =	shalt  }
0x76: {  	_ =	shalt  }
0x77: {  	_ =	shalt  }
0x78: {  	_ =	shalt  }
0x79: {  	_ =	shalt  }
0x7a: {  	_ =	shalt  }
0x7b: {  	_ =	shalt  }
0x7c: {  	_ =	shalt  }
0x7d: {  	_ =	shalt  }
0x7e: {  	_ =	shalt  }
0x7f: {  	_ =	shalt  }
0x80: {  	_ =	shalt  }
0x81: {  	_ =	shalt  }
0x82: {  	_ =	shalt  }
0x83: {  	_ =	shalt  }
0x84: {  	_ =	shalt  }
0x85: {  	_ =	shalt  }
0x86: {  	_ =	shalt  }
0x87: {  	_ =	shalt  }
.Lfunc_end0:
.L_simem_size_0:
called_computation_lowered:
.L_overlay_start_0:
0x88: {  	s2 =	sld [smem:$0x3FD9]  }
0x89: {  	s3 =	sld [smem:$0x3FFE];
	_ =	sdelay $0x1  }
0x8a: {  	s1 =	srdreg.scid  }
0x8b: {  	s0 =	sand.u32 $0x1, s1  }
0x8c: {  	s16 =	sshll.u32 s0, $0xA;
	s2 =	sadd.s32 s3, s2  }
0x8d: {  	s2 =	sadd.s32 s2, s16  }
0x8e: {  	[smem:$0x3FB6] =	sst s2  }
0x8f: {  	_ = 	snop  }
0x90: {  	(tm) =	ssettm $0x1  }
0x91: {  	s17 =	sld [smem:$0x3FFB];
	_ =	sdelay $0x3  }
0x92: {  	_ =	strace s17  }
0x93: {  	s2 =	sld [smem:$0x3FFC];
	_ =	sdelay $0x3  }
0x94: {  	_ =	strace s2  }
0x95: {  	s2 =	sld [smem:$0x3FFD];
	_ =	sdelay $0x3  }
0x96: {  	_ =	strace s2  }
0x97: {  	_ =	strace $0x8FFFFFFF  }
0x98: {  	s18 =	sld [smem:$0x3FDB];
	_ =	sdelay $0x1  }
0x99: {  	s19 =	simm.s32 $_scs_section_size  }
0x9a: {  	s4 =	simm.s32 $_size__tile_overlayer_lowered;
	s5 =	simm.s32 $_tile_overlayer_lowered  }
0x9b: {  	s22 =	simm.s32 $0x1BFF;
	s21 =	sshll.u32 s5, $0x1;
	s2 =	sadd.s32 s19, s18  }
0x9c: {  	s6 =	simm.s32 $0x0;
	s20 =	sshll.u32 s4, $0x1;
	s4 =	sadd.s32 s21, s2  }
0x9d: {  	[timem:s6], [sflag:s22] =	dma.local [hbm:s4], s20  }
0x9e: {  	_ =	swait.ge [sflag:s22], s20  }
0x9f: {  	s3 =	ssub.s32 $0x0, s20;
	[sflag:s22] =	ssyncset.done $0x0  }
0xa0: {  	[sflag:s22] =	ssyncadd.s32 s3;
	_ =	sdelay $0x1  }
0xa1: {  	s23 =	simm.s32 $0x1B8B  }
0xa2: {  	_ =	swait.ge [sflag:s23], $0x1  }
0xa3: {  	[sflag:s23] =	ssyncset.done $0x0  }
0xa4: {  	s25 =	simm.s32 $0x1B8E;
	s24 =	sld [smem:$0x3FFE];
	[sflag:s23] =	ssyncadd.s32 $0xFFFFFFFF  }
0xa5: {  	s26 =	simm.s32 $execute0_lowered;
	[smem:$0x3FD2] =	sst s25  }
0xa6: {  	s4 =	sshll.u32 s26, $0x1;
	_ =	strace $0x80000046;
	[dreg:$0x1] =	wrdreg $0xFFFFFFFF  }
0xa7: {  	s28 =	simm.s32 $_size_execute0_lowered;
	s2 =	sadd.s32 s2, s4;
	[dreg:$0x0] =	wrdreg $0x0  }
0xa8: {  	s4 =	sshll.u32 s28, $0x1;
	[dreg:$0x2] =	wrdreg s2  }
0xa9: {  	[dreg:$0x3] =	wrdreg s4  }
0xaa: {  	[dreg:$0x4] =	wrdreg $0xC0  }
0xab: {  	_ =	task [dreg:s6], $0x5FFFF  }
0xac: {  	[dreg:$0x1] =	wrdreg $0xFFFFFFFF  }
0xad: {  	[dreg:$0x0] =	wrdreg $0x60  }
0xae: {  	[dreg:$0x2] =	wrdreg s24  }
0xaf: {  	[dreg:$0x3] =	wrdreg $0x9  }
0xb0: {  	_ =	task.clear_ibuf [dreg:s6], $0x4FFFF;
	_ =	strace $0x90000046  }
0xb1: {  	s29 =	simm.s32 $0x9;
	_ =	strace $0x80000048  }
0xb2: {  	_ =	swait.ge [sflag:s29], $0x1  }
0xb3: {  	[sflag:s29] =	ssyncadd.s32 $0xFFFFFFFF  }
0xb4: {  	_ =	strace $0x90000048  }
0xb5: {  	_ =	sfence  }
0xb6: {  	s30 =	sld [smem:$0x0];
	_ =	sdelay $0x2  }
0xb7: {  	s31 =	sshll.u32 s1, $0xD;
	s1 =	sshrl.u32 s1, $0x2  }
0xb8: {  	s3 =	sand.u32 $0x4000, s31;
	s1 =	sadd.s32 s1, s30  }
0xb9: {  	s0 =	sor.u32 s3, s0;
	s1 =	sshll.u32 s1, $0x11  }
0xba: {  	s0 =	sor.u32 s1, s0  }
0xbb: {  	s0 =	sadd.s32 $0x8F2B, s0  }
0xbc: {  	[sflag:s0] =	ssyncadd.remote.s32 $0x1  }
0xbd: {  	_ =	sfence.sel $0xFFFF  }
0xbe: {  	[dreg:$0x0] =	wrdreg $0xFFFFFFFF;
	(pc) =	sbr.abs _section_cstart, $3  }
0xbf: {  	[dreg:$0x1] =	wrdreg $0xFFFFFFFF  }
0xc0: {  	_ =	task.clear_ibuf [dreg:s6], $0x2FFFF;
	_ =	strace $0x9FFFFFFF  }
0xc1: {  	(tm) =	ssettm $0x7FFFFFFF  }
tec
execute0_lowered:
.L_overlay_start_1:
0x0: {  	(tag) =	ssettag $0x1  }
0x1: {  	s0 =	srdreg.scid;
	s4 =	rddreg [dreg:$0x0];
	s2 =	simm.s32 $0x0  }
0x2: {  	s8 =	simm.s32 $0x1;
	s9 =	simm.s32 $0x4000;
	s3 =	sand.u32 $0x1, s0  }
0x3: {  	s10 =	simm.s32 $0x8000;
	s0 =	stileid.u32;
	s1 =	sshll.u32 s3, $0x4  }
0x4: {  	s11 =	simm.s32 $0xA780;
	s12 =	simm.s32 $0x80;
	s5 =	sor.u32 s0, s1  }
0x5: {  	s13 =	simm.s32 $0x400;
	[smem:$0x7FF] =	sst s2;
	s6 =	sshrl.u32 s5, $0x3  }
0x6: {  	s7 =	sshll.u32 s0, $0x7;
	s3 =	ssub.s32 $0x2, s3;
	s6 =	smul.u32 $0x13C00, s6  }
0x7: {  	s1 =	rddreg [dreg:$0x1];
	s7 =	sand.u32 $0x380, s7;
	_ =	strace $0x80000047  }
0x8: {  	s30 =	sshrl.u32 s3, $0x1;
	s5 =	sshll.u32 s5, $0xB;
	s6 =	sor.u32 s7, s6  }
0x9: {  	s31 =	ssub.s32 s3, s30;
	s5 =	sadd.s32 s5, s4;
	s6 =	sshrl.u32 s6, $0x3  }
0xa: {  	s3 =	sadd.s32 $0x15000, s5;
	s7 =	smax.u32 s31, $0x1;
	s6 =	sadd.s32 s6, s4  }
0xb: {  	v0 =	vimm.f32 $0.0e+00;
	v1 =	vimm.f32 $1.000000000e+00;
	s4 =	sadd.s32 $0x5000, s5;
	s5 =	sadd.s32 $0x25000, s6;
	s6 =	sadd.s32 $0x2EE00, s6  }
.LBB2_1:
0xc: {  	s14 =	simm.s32 $0x40;
	s15 =	simm.s32 $0x0  }
.LBB2_2:
0xd: {  	p0 =	sne.s32 s14, $0x9C00;
	[tilespmem:s15+$0x8000] =	vst v0;
	s16 =	smov.u32 s14;
	s14 =	sadd.s32 $0x40, s14  }
.Ltmp0:
0xe: {  	[tilespmem:s15+$0xA780] =	vst v0;
	(pc) =	sbr.rel @p0 .LBB2_2-.Ltmp0, $2  }
0xf: {  	_ =	sdelay $0x2  }
0x10: {  	s15 =	sshra.s32 s16, $0x2  }
0x11: {  	[tilespmem:s15+$0x8000] =	vst v0  }
0x12: {  	[tilespmem:s15+$0xA780] =	vst v0;
	s14 =	simm.s32 $0x0  }
0x13: {  	[tilespmem:s14], [sflag:$0x1] =	stream.linear.gather [hbm4b:s3+s14], $0x4000, $0x38;
	[tilespmem:$0xCF00] =	vst v63  }
0x14: {  	_ =	swait.ge [sflag:s8], $0x4000  }
0x15: {  	[sflag:s8] =	ssyncset.done $0x0  }
0x16: {  	[sflag:s8] =	ssyncadd.s32 $0xFFFFC000  }
0x17: {  	[tilespmem:s9], [sflag:$0x1] =	stream.linear.gather [hbm4b:s4+s14], $0x4000, $0x38;
	[tilespmem:$0xCF00] =	vst v63  }
0x18: {  	_ =	swait.ge [sflag:s8], $0x4000  }
0x19: {  	[sflag:s8] =	ssyncset.done $0x0  }
0x1a: {  	[sflag:s8] =	ssyncadd.s32 $0xFFFFC000  }
.LBB2_4:
0x1b: {  	s15 =	sshra.s32 s14, $0x2  }
0x1c: {  	v2 =	vld [tilespmem:s15+$0x0];
	_ =	sdelay $0x7  }
0x1d: {  	[tilespmem:v2+s10+$0x0] =	vst.idx.add.f32.msk $0xffff, v1  }
0x1e: {  	v2 =	vld [tilespmem:s15+$0x4000];
	_ =	sdelay $0x7  }
0x1f: {  	[tilespmem:v2+s11+$0x0] =	vst.idx.add.f32.msk $0xffff, v1  }
0x20: {  	v2 =	vld [tilespmem:s15+$0x10];
	_ =	sdelay $0x7  }
0x21: {  	[tilespmem:v2+s10+$0x0] =	vst.idx.add.f32.msk $0xffff, v1  }
0x22: {  	v2 =	vld [tilespmem:s15+$0x4010];
	_ =	sdelay $0x7  }
0x23: {  	[tilespmem:v2+s11+$0x0] =	vst.idx.add.f32.msk $0xffff, v1  }
0x24: {  	v2 =	vld [tilespmem:s15+$0x20];
	_ =	sdelay $0x7  }
0x25: {  	[tilespmem:v2+s10+$0x0] =	vst.idx.add.f32.msk $0xffff, v1  }
0x26: {  	v2 =	vld [tilespmem:s15+$0x4020];
	_ =	sdelay $0x7  }
0x27: {  	[tilespmem:v2+s11+$0x0] =	vst.idx.add.f32.msk $0xffff, v1  }
0x28: {  	v2 =	vld [tilespmem:s15+$0x30];
	_ =	sdelay $0x7  }
0x29: {  	[tilespmem:v2+s10+$0x0] =	vst.idx.add.f32.msk $0xffff, v1  }
0x2a: {  	v2 =	vld [tilespmem:s15+$0x4030];
	_ =	sdelay $0x7  }
0x2b: {  	[tilespmem:v2+s11+$0x0] =	vst.idx.add.f32.msk $0xffff, v1  }
0x2c: {  	v2 =	vld [tilespmem:s15+$0x40];
	_ =	sdelay $0x7  }
0x2d: {  	[tilespmem:v2+s10+$0x0] =	vst.idx.add.f32.msk $0xffff, v1  }
0x2e: {  	v2 =	vld [tilespmem:s15+$0x4040];
	_ =	sdelay $0x2  }
0x2f: {  	p0 =	sne.s32 s14, $0xF800  }
.Ltmp1:
0x30: {  	_ = 	snop;
	(pc) =	sbr.rel @p0 .LBB2_4-.Ltmp1, $2  }
0x31: {  	_ =	sdelay $0x2  }
0x32: {  	s14 =	sadd.s32 $0x200, s14;
	[tilespmem:v2+s11+$0x0] =	vst.idx.add.f32.msk $0xffff, v1  }
0x33: {  	[hbm4b:s5+s12] =	stream.strided.scatter [tilespmem:s10], [sflag:$0x1], $0x2780, s13, s12, $0x38;
	[tilespmem:$0xCF00] =	vst v63  }
0x34: {  	s2 =	sadd.s32 $0x1, s2;
	_ =	swait.ge [sflag:s8], $0x2780  }
0x35: {  	p0 =	sne.s32 s2, s7;
	[sflag:s8] =	ssyncset.done $0x0  }
.Ltmp2:
0x36: {  	[sflag:s8] =	ssyncadd.s32 $0xFFFFD880;
	(pc) =	sbr.rel @p0 .LBB2_1-.Ltmp2, $4  }
0x37: {  	[hbm4b:s6+s12] =	stream.strided.scatter [tilespmem:s11], [sflag:$0x1], $0x2780, s13, s12, $0x38;
	[tilespmem:$0xCF00] =	vst v63  }
0x38: {  	_ =	swait.ge [sflag:s8], $0x2780  }
0x39: {  	[sflag:s8] =	ssyncset.done $0x0  }
0x3a: {  	[sflag:s8] =	ssyncadd.s32 $0xFFFFD880  }
0x3b: {  	_ =	sfence.sel $0x180000  }
0x3c: {  	[bflag:$0x0] =	sbarrier.arrive $0xFFFF  }
0x3d: {  	p0 =	sne.s32 s0, $0x0;
	_ =	strace $0x90000047  }
0x3e: {  	s0 =	sadd.s32 @!p0 $0x100000, s1;
	[bflag:$0x2] =	sbarrier.arrive $0xFFFF  }
0x3f: {  	[sflag:s0] =	ssyncadd.tile.s32 @!p0 $0x1;
	_ =	shalt  }
.Lfunc_end2:
_tile_overlayer_lowered:
.L_overlay_start_2:
0x40: {  	(tag) =	ssettag $0x2  }
0x41: {  	s0 =	rddreg [dreg:$0x0];
	s2 =	stileid.u32  }
0x42: {  	s1 =	rddreg [dreg:$0x1];
	p0 =	sne.s32 s2, $0x0  }
0x43: {  	s3 =	rddreg [dreg:$0x2];
	[bflag:$0x3] =	sbarrier.arrive $0xFFFF;
	s2 =	simm.s32 @!p0 $0x1C02  }
0x44: {  	[timem:s3], [sflag:s2] =	dma.local @!p0 [hbm:s0], s1  }
0x45: {  	s0 =	simm.s32 @!p0 $0x2  }
0x46: {  	_ =	swait.ge @!p0 [sflag:s0], s1  }
0x47: {  	s1 =	ssub.s32 @!p0 $0x0, s1;
	[sflag:s0] =	ssyncset.done @!p0 $0x0  }
0x48: {  	[sflag:s0] =	ssyncadd.s32 @!p0 s1  }
0x49: {  	[bflag:$0x3] =	sbarrier.arrive $0xFFFF  }
0x4a: {  	_ =	shalt  }

// kernel: kernel.19.cloned.1.call-start
scs
__scs_entry_jumppad:
0x0: {  	(pc) =	sbr.rel $0x88, $3  }
0x1: {  	(tag) =	ssettag $0x0;
	lr =	simm.s32 $0x1  }
0x2: {  	[smem:$0x3F8F] =	sst lr;
	_ =	strace $0xD0000000  }
0x3: {  	_ = 	snop  }
0x4: {  	_ = 	snop  }
0x5: {  	_ = 	snop  }
0x6: {  	_ = 	snop  }
0x7: {  	_ = 	snop  }
__scs_overlays_trampoline_lowered:
0x8: {  	[smem:$0x3F9E] =	sst s0  }
0x9: {  	[smem:$0x3F9F] =	sst s1  }
0xa: {  	[smem:$0x3FA0] =	sst s2  }
0xb: {  	[smem:$0x3FA1] =	sst s3  }
0xc: {  	[smem:$0x3FA2] =	sst s4  }
0xd: {  	[smem:$0x3FA3] =	sst s5  }
0xe: {  	[smem:$0x3FA4] =	sst s6  }
0xf: {  	[smem:$0x3FA5] =	sst s7  }
0x10: {  	[smem:$0x3FA6] =	sst s8  }
0x11: {  	[smem:$0x3FA7] =	sst s9;
	s0 =	simm.s32 @!p0 $0x0  }
0x12: {  	s1 =	sld [smem:$0x3F8D];
	s0 =	simm.s32 @p0 $0x1  }
0x13: {  	[smem:$0x3FA8] =	sst s0;
	s0 =	simm.s32 @!p1 $0x0  }
0x14: {  	s2 =	sld [smem:$0x3F8C];
	s0 =	simm.s32 @p1 $0x1  }
0x15: {  	[smem:$0x3FA9] =	sst s0;
	s0 =	simm.s32 @!p2 $0x0  }
0x16: {  	s3 =	sld [smem:$0x3FDB];
	s0 =	simm.s32 @p2 $0x1  }
0x17: {  	s4 =	simm.s32 $0x1BF5;
	[smem:$0x3FAB] =	sst s0  }
0x18: {  	s0 =	sld [smem:$0x3F8E];
	_ =	swait.ge [sflag:s4], $0x0  }
0x19: {  	s7 =	sld [smem:$0x3F8F]  }
0x1a: {  	s8 =	sadd.s32 $0xFFFFE003, lr  }
0x1b: {  	s9 =	sadd.s32 $0xFFFFFEF7, lr;
	s5 =	simm.s32 $0xFFFFFFFF;
	p2 =	slt.u32 s8, $0xFFFFF086  }
0x1c: {  	p1 =	slt.u32 s9, $0xF7A;
	s5 =	simm.s32 @!p2 $0x0  }
0x1d: {  	s5 =	simm.s32 @p1 $0x1;
	p0 =	seq.s32 s7, s2  }
0x1e: {  	s7 =	smul.u32 @!p0 $0xF7A, s2;
	p2 =	seq.s32 @!p0 s5, $0x0  }
0x1f: {  	s9 =	smul.u32 $0xF7A, s1;
	s8 =	simm.s32 @!p0 $0x1BF5;
	p2 =	por !p2, p0  }
0x20: {  	[sflag:s8] =	ssyncset.s32 @!p0 $0xFFFFF086;
	s6 =	sadd.s32 @!p0 s3, s7;
	s7 =	simm.s32 @!p0 $0x108  }
0x21: {  	s3 =	sadd.s32 s3, s9;
	s6 =	sadd.s32 @!p0 $0x88, s6;
	s7 =	simm.s32 @p2 $0x1082  }
0x22: {  	[simem:s7], [sflag:s8] =	dma.local @!p0 [hbm:s6], $0xF7A  }
0x23: {  	s9 =	sor.u32 $0xD0000000, s2;
	s6 =	simm.s32 $0x108;
	_ =	swait.ge @!p0 [sflag:s8], $0x0  }
0x24: {  	s3 =	sadd.s32 $0x88, s3;
	s6 =	simm.s32 @!p1 $0x1082;
	[sflag:s4] =	ssyncset.s32 $0xFFFFF086  }
0x25: {  	[simem:s6], [sflag:s4] =	dma.local [hbm:s3], $0xF7A  }
0x26: {  	[smem:$0x3F8F] =	sst s1;
	(tag) =	ssettag s2;
	_ =	strace s9  }
0x27: {  	s1 =	sld [smem:$0x3F9F]  }
0x28: {  	s2 =	sld [smem:$0x3FA0]  }
0x29: {  	s4 =	sld [smem:$0x3FA2]  }
0x2a: {  	p0 =	seq.s32 s5, $0x0;
	s5 =	sld [smem:$0x3FA3]  }
0x2b: {  	s6 =	sld [smem:$0x3FA4]  }
0x2c: {  	s7 =	sld [smem:$0x3FA5]  }
0x2d: {  	s3 =	simm.s32 $0x108;
	s8 =	sld [smem:$0x3FA6]  }
0x2e: {  	s3 =	simm.s32 @!p0 $0x1082;
	s9 =	sld [smem:$0x3FA7]  }
0x2f: {  	lr =	sadd.s32 s0, s3;
	s0 =	sld [smem:$0x3F9E]  }
0x30: {  	s3 =	sld [smem:$0x3FA1]  }
0x31: {  	[smem:$0x3FAA] =	sst s10  }
0x32: {  	s10 =	sld [smem:$0x3FA8];
	_ =	sdelay $0x3  }
0x33: {  	p0 =	seq.s32 s10, $0x1;
	s10 =	sld [smem:$0x3FAA];
	_ =	sdelay $0x3  }
0x34: {  	[smem:$0x3FAA] =	sst s10  }
0x35: {  	s10 =	sld [smem:$0x3FA9];
	_ =	sdelay $0x3  }
0x36: {  	p1 =	seq.s32 s10, $0x1;
	s10 =	sld [smem:$0x3FAA];
	_ =	sdelay $0x3  }
0x37: {  	[smem:$0x3FAA] =	sst s10  }
0x38: {  	s10 =	sld [smem:$0x3FAB]  }
0x39: {  	_ = 	snop;
	(pc) =	sbr.ind lr, $3  }
0x3a: {  	_ = 	snop  }
0x3b: {  	_ = 	snop  }
0x3c: {  	p2 =	seq.s32 s10, $0x1;
	s10 =	sld [smem:$0x3FAA]  }
0x3d: {  	_ =	shalt  }
0x3e: {  	_ =	shalt  }
0x3f: {  	_ =	shalt  }
0x40: {  	_ =	shalt  }
0x41: {  	_ =	shalt  }
0x42: {  	_ =	shalt  }
0x43: {  	_ =	shalt  }
0x44: {  	_ =	shalt  }
0x45: {  	_ =	shalt  }
0x46: {  	_ =	shalt  }
0x47: {  	_ =	shalt  }
0x48: {  	_ =	shalt  }
0x49: {  	_ =	shalt  }
0x4a: {  	_ =	shalt  }
0x4b: {  	_ =	shalt  }
0x4c: {  	_ =	shalt  }
0x4d: {  	_ =	shalt  }
0x4e: {  	_ =	shalt  }
0x4f: {  	_ =	shalt  }
0x50: {  	_ =	shalt  }
0x51: {  	_ =	shalt  }
0x52: {  	_ =	shalt  }
0x53: {  	_ =	shalt  }
0x54: {  	_ =	shalt  }
0x55: {  	_ =	shalt  }
0x56: {  	_ =	shalt  }
0x57: {  	_ =	shalt  }
0x58: {  	_ =	shalt  }
0x59: {  	_ =	shalt  }
0x5a: {  	_ =	shalt  }
0x5b: {  	_ =	shalt  }
0x5c: {  	_ =	shalt  }
0x5d: {  	_ =	shalt  }
0x5e: {  	_ =	shalt  }
0x5f: {  	_ =	shalt  }
0x60: {  	_ =	shalt  }
0x61: {  	_ =	shalt  }
0x62: {  	_ =	shalt  }
0x63: {  	_ =	shalt  }
0x64: {  	_ =	shalt  }
0x65: {  	_ =	shalt  }
0x66: {  	_ =	shalt  }
0x67: {  	_ =	shalt  }
0x68: {  	_ =	shalt  }
0x69: {  	_ =	shalt  }
0x6a: {  	_ =	shalt  }
0x6b: {  	_ =	shalt  }
0x6c: {  	_ =	shalt  }
0x6d: {  	_ =	shalt  }
0x6e: {  	_ =	shalt  }
0x6f: {  	_ =	shalt  }
0x70: {  	_ =	shalt  }
0x71: {  	_ =	shalt  }
0x72: {  	_ =	shalt  }
0x73: {  	_ =	shalt  }
0x74: {  	_ =	shalt  }
0x75: {  	_ =	shalt  }
0x76: {  	_ =	shalt  }
0x77: {  	_ =	shalt  }
0x78: {  	_ =	shalt  }
0x79: {  	_ =	shalt  }
0x7a: {  	_ =	shalt  }
0x7b: {  	_ =	shalt  }
0x7c: {  	_ =	shalt  }
0x7d: {  	_ =	shalt  }
0x7e: {  	_ =	shalt  }
0x7f: {  	_ =	shalt  }
0x80: {  	_ =	shalt  }
0x81: {  	_ =	shalt  }
0x82: {  	_ =	shalt  }
0x83: {  	_ =	shalt  }
0x84: {  	_ =	shalt  }
0x85: {  	_ =	shalt  }
0x86: {  	_ =	shalt  }
0x87: {  	_ =	shalt  }
.Lfunc_end0:
.L_simem_size_0:
called_computation.1_lowered:
.L_overlay_start_0:
0x88: {  	s2 =	sld [smem:$0x3FD9]  }
0x89: {  	s3 =	sld [smem:$0x3FFE];
	_ =	sdelay $0x1  }
0x8a: {  	s1 =	srdreg.scid  }
0x8b: {  	s0 =	sand.u32 $0x1, s1  }
0x8c: {  	s16 =	sshll.u32 s0, $0xA;
	s2 =	sadd.s32 s3, s2  }
0x8d: {  	s2 =	sadd.s32 s2, s16  }
0x8e: {  	[smem:$0x3FB6] =	sst s2  }
0x8f: {  	_ = 	snop  }
0x90: {  	(tm) =	ssettm $0x1  }
0x91: {  	s17 =	sld [smem:$0x3FFB];
	_ =	sdelay $0x3  }
0x92: {  	_ =	strace s17  }
0x93: {  	s2 =	sld [smem:$0x3FFC];
	_ =	sdelay $0x3  }
0x94: {  	_ =	strace s2  }
0x95: {  	s2 =	sld [smem:$0x3FFD];
	_ =	sdelay $0x3  }
0x96: {  	_ =	strace s2  }
0x97: {  	_ =	strace $0x8FFFFFFF  }
0x98: {  	s18 =	sld [smem:$0x3FDB];
	_ =	sdelay $0x1  }
0x99: {  	s19 =	simm.s32 $_scs_section_size  }
0x9a: {  	s4 =	simm.s32 $_size__tile_overlayer_lowered;
	s5 =	simm.s32 $_tile_overlayer_lowered  }
0x9b: {  	s22 =	simm.s32 $0x1BFF;
	s21 =	sshll.u32 s5, $0x1;
	s2 =	sadd.s32 s19, s18  }
0x9c: {  	s6 =	simm.s32 $0x0;
	s20 =	sshll.u32 s4, $0x1;
	s4 =	sadd.s32 s21, s2  }
0x9d: {  	[timem:s6], [sflag:s22] =	dma.local [hbm:s4], s20  }
0x9e: {  	_ =	swait.ge [sflag:s22], s20  }
0x9f: {  	s3 =	ssub.s32 $0x0, s20;
	[sflag:s22] =	ssyncset.done $0x0  }
0xa0: {  	[sflag:s22] =	ssyncadd.s32 s3;
	_ =	sdelay $0x1  }
0xa1: {  	s23 =	simm.s32 $0x1B8B  }
0xa2: {  	_ =	swait.ge [sflag:s23], $0x1  }
0xa3: {  	[sflag:s23] =	ssyncset.done $0x0  }
0xa4: {  	s25 =	simm.s32 $0x1B8E;
	s24 =	sld [smem:$0x3FFE];
	[sflag:s23] =	ssyncadd.s32 $0xFFFFFFFF  }
0xa5: {  	s26 =	simm.s32 $execute0_lowered;
	[smem:$0x3FD2] =	sst s25  }
0xa6: {  	s4 =	sshll.u32 s26, $0x1;
	_ =	strace $0x80000049;
	[dreg:$0x1] =	wrdreg $0xFFFFFFFF  }
0xa7: {  	s28 =	simm.s32 $_size_execute0_lowered;
	s2 =	sadd.s32 s2, s4;
	[dreg:$0x0] =	wrdreg $0x0  }
0xa8: {  	s4 =	sshll.u32 s28, $0x1;
	[dreg:$0x2] =	wrdreg s2  }
0xa9: {  	[dreg:$0x3] =	wrdreg s4  }
0xaa: {  	[dreg:$0x4] =	wrdreg $0xC0  }
0xab: {  	_ =	task [dreg:s6], $0x5FFFF  }
0xac: {  	[dreg:$0x1] =	wrdreg $0xFFFFFFFF  }
0xad: {  	[dreg:$0x0] =	wrdreg $0x60  }
0xae: {  	[dreg:$0x2] =	wrdreg s24  }
0xaf: {  	[dreg:$0x3] =	wrdreg $0x70000  }
0xb0: {  	[dreg:$0x4] =	wrdreg $0x9  }
0xb1: {  	_ =	task.clear_ibuf [dreg:s6], $0x5FFFF;
	_ =	strace $0x90000049  }
0xb2: {  	s29 =	simm.s32 $0x9;
	_ =	strace $0x8000004B  }
0xb3: {  	_ =	swait.ge [sflag:s29], $0x1  }
0xb4: {  	[sflag:s29] =	ssyncadd.s32 $0xFFFFFFFF  }
0xb5: {  	_ =	strace $0x9000004B  }
0xb6: {  	_ =	sfence  }
0xb7: {  	s30 =	sld [smem:$0x0];
	_ =	sdelay $0x2  }
0xb8: {  	s31 =	sshll.u32 s1, $0xD;
	s1 =	sshrl.u32 s1, $0x2  }
0xb9: {  	s3 =	sand.u32 $0x4000, s31;
	s1 =	sadd.s32 s1, s30  }
0xba: {  	s0 =	sor.u32 s3, s0;
	s1 =	sshll.u32 s1, $0x11  }
0xbb: {  	s0 =	sor.u32 s1, s0  }
0xbc: {  	s0 =	sadd.s32 $0x8F2B, s0  }
0xbd: {  	[sflag:s0] =	ssyncadd.remote.s32 $0x1  }
0xbe: {  	_ =	sfence.sel $0xFFFF  }
0xbf: {  	[dreg:$0x0] =	wrdreg $0xFFFFFFFF;
	(pc) =	sbr.abs _section_cstart, $3  }
0xc0: {  	[dreg:$0x1] =	wrdreg $0xFFFFFFFF  }
0xc1: {  	_ =	task.clear_ibuf [dreg:s6], $0x2FFFF;
	_ =	strace $0x9FFFFFFF  }
0xc2: {  	(tm) =	ssettm $0x7FFFFFFF  }
0xc3: {  	_ =	shalt  }
tec
execute0_lowered:
.L_overlay_start_1:
0x0: {  	(tag) =	ssettag $0x1  }
0x1: {  	s0 =	rddreg [dreg:$0x0]  }
0x2: {  	s1 =	rddreg [dreg:$0x1];
	s2 =	simm.s32 $0x0;
	s3 =	srdreg.scid  }
0x3: {  	s11 =	stileid.u32;
	s28 =	simm.s32 $0x1;
	s29 =	simm.s32 $0x1000  }
0x4: {  	s30 =	simm.s32 $0x50;
	s31 =	simm.s32 $0x4800;
	[smem:$0x7FF] =	sst s2  }
0x5: {  	s4 =	sadd.s32 $0x25000, s0;
	s3 =	sand.u32 $0x1, s3;
	s5 =	sadd.s32 $0x15000, s0  }
0x6: {  	s6 =	sadd.s32 $0x5000, s0;
	s9 =	smul.u32 $0x50000, s11;
	s0 =	sadd.s32 $0x4C200, s0  }
0x7: {  	s26 =	sshll.u32 s11, $0xB;
	s16 =	smul.u32 $0x14000, s11;
	_ =	strace $0x8000004A  }
0x8: {  	s7 =	ssub.s32 $0x2, s3;
	s25 =	sshll.u32 s3, $0xF;
	s3 =	smul.u32 $0x140000, s3  }
0x9: {  	s8 =	sshrl.u32 s7, $0x1;
	s9 =	sshrl.u32 s9, $0x2;
	s13 =	sor.u32 $0x2800, s16  }
0xa: {  	s17 =	sadd.s32 $0x5000, s16;
	s18 =	sadd.s32 $0x7800, s16;
	s19 =	sadd.s32 $0xA000, s16  }
0xb: {  	s20 =	sadd.s32 $0xC800, s16;
	s21 =	sadd.s32 $0xF000, s16;
	s10 =	ssub.s32 s7, s8  }
0xc: {  	s7 =	sor.u32 s26, s25;
	s8 =	sadd.s32 s9, s1;
	s23 =	sadd.s32 s13, s1  }
0xd: {  	s24 =	sadd.s32 s17, s1;
	s22 =	sadd.s32 s18, s1;
	s25 =	sadd.s32 s19, s1  }
0xe: {  	s14 =	sadd.s32 s20, s1;
	s15 =	sadd.s32 s21, s1;
	s9 =	sadd.s32 s3, s13  }
0xf: {  	s17 =	sadd.s32 s3, s17;
	s18 =	sadd.s32 s3, s18;
	s19 =	sadd.s32 s3, s19  }
0x10: {  	s20 =	sadd.s32 s3, s20;
	s21 =	sadd.s32 s3, s21;
	[dreg:$0x4] =	wrdreg s22  }
0x11: {  	s12 =	smax.u32 s10, $0x1;
	[dreg:$0x5] =	wrdreg s25;
	s22 =	sadd.s32 s3, s16  }
0x12: {  	s16 =	sadd.s32 $0x11800, s16;
	s9 =	sshrl.u32 s9, $0x3;
	s11 =	sshrl.u32 s17, $0x3  }
0x13: {  	s13 =	sshrl.u32 s19, $0x3;
	s25 =	sshrl.u32 s21, $0x3;
	[dreg:$0x3] =	wrdreg s12  }
0x14: {  	s22 =	sshrl.u32 s22, $0x3;
	s3 =	sadd.s32 s3, s16;
	s9 =	sadd.s32 s0, s9  }
0x15: {  	s16 =	sadd.s32 s16, s1;
	s19 =	sadd.s32 s0, s13;
	[dreg:$0x7] =	wrdreg s9  }
0x16: {  	s12 =	sshrl.u32 s18, $0x3;
	s26 =	sadd.s32 s0, s22;
	[dreg:$0xa] =	wrdreg s19  }
0x17: {  	s18 =	simm.s32 $0x1F80;
	s9 =	sadd.s32 s0, s11;
	[dreg:$0x6] =	wrdreg s26  }
0x18: {  	s17 =	sadd.s32 s0, s12;
	s22 =	sshrl.u32 s20, $0x3;
	[dreg:$0x8] =	wrdreg s9  }
0x19: {  	s3 =	sshrl.u32 s3, $0x3;
	[dreg:$0x9] =	wrdreg s17;
	s9 =	sadd.s32 s0, s22  }
0x1a: {  	s19 =	simm.s32 $0x0;
	s26 =	sadd.s32 s0, s25;
	[dreg:$0xb] =	wrdreg s9  }
0x1b: {  	s0 =	sadd.s32 s0, s3;
	s25 =	simm.s32 $0x2000;
	[dreg:$0xc] =	wrdreg s26  }
0x1c: {  	s3 =	simm.s32 $0x3;
	s17 =	simm.s32 $0x1F00;
	[dreg:$0xd] =	wrdreg s0  }
0x1d: {  	v0 =	vimm.f32 $0.0e+00;
	s26 =	simm.s32 $0x4;
	s0 =	simm.s32 $0x2;
	s9 =	simm.s32 $0xF80  }
.LBB2_1:
0x1e: {  	s20 =	simm.s32 $0x70;
	s21 =	simm.s32 $0x3C0  }
.LBB2_2:
0x1f: {  	p0 =	sne.s32 s21, $0x9FC0;
	[tilespmem:s20+$0x2000] =	vst v0  }
0x20: {  	[tilespmem:s20+$0x1F90] =	vst v0  }
0x21: {  	[tilespmem:s20+$0x1FA0] =	vst v0  }
.Ltmp0:
0x22: {  	[tilespmem:s20+$0x1FB0] =	vst v0;
	(pc) =	sbr.rel @p0 .LBB2_2-.Ltmp0, $4  }
0x23: {  	[tilespmem:s20+$0x1FC0] =	vst v0  }
0x24: {  	[tilespmem:s20+$0x1FD0] =	vst v0  }
0x25: {  	[tilespmem:s20+$0x1FE0] =	vst v0  }
0x26: {  	[tilespmem:s20+$0x1FF0] =	vst v0;
	s20 =	sshra.s32 s21, $0x2;
	s21 =	sadd.s32 $0x200, s21  }
0x27: {  	[tilespmem:s20+$0x2000] =	vst v0  }
0x28: {  	[tilespmem:s20+$0x1F90] =	vst v0  }
0x29: {  	[tilespmem:s20+$0x1FA0] =	vst v0  }
0x2a: {  	[tilespmem:s20+$0x1FB0] =	vst v0  }
0x2b: {  	[tilespmem:s20+$0x1FC0] =	vst v0  }
0x2c: {  	[tilespmem:s20+$0x1FD0] =	vst v0  }
0x2d: {  	[tilespmem:s20+$0x1FE0] =	vst v0  }
0x2e: {  	[tilespmem:s20+$0x1FF0] =	vst v0  }
0x2f: {  	[spmem:s8] =	stream.linear.scatter [tilespmem:s25], [sflag:$0x4], $0x2800, $0x38;
	[tilespmem:$0x1B000] =	vst v63  }
0x30: {  	_ =	swait.ge [sflag:s26], $0x2800  }
0x31: {  	[sflag:s26] =	ssyncset.done $0x0  }
0x32: {  	[sflag:s26] =	ssyncadd.s32 $0xFFFFD800  }
0x33: {  	[spmem:s23] =	stream.linear.scatter [tilespmem:s25], [sflag:$0x4], $0x2800, $0x38;
	[tilespmem:$0x1B000] =	vst v63  }
0x34: {  	_ =	swait.ge [sflag:s26], $0x2800  }
0x35: {  	[sflag:s26] =	ssyncset.done $0x0  }
0x36: {  	[sflag:s26] =	ssyncadd.s32 $0xFFFFD800  }
0x37: {  	[spmem:s24] =	stream.linear.scatter [tilespmem:s25], [sflag:$0x4], $0x2800, $0x38;
	[tilespmem:$0x1B000] =	vst v63  }
0x38: {  	_ =	swait.ge [sflag:s26], $0x2800  }
0x39: {  	[sflag:s26] =	ssyncset.done $0x0  }
0x3a: {  	s12 =	smov.u32 s23;
	s23 =	rddreg [dreg:$0x4];
	[sflag:s26] =	ssyncadd.s32 $0xFFFFD800  }
0x3b: {  	[spmem:s23] =	stream.linear.scatter [tilespmem:s25], [sflag:$0x4], $0x2800, $0x38;
	[tilespmem:$0x1B000] =	vst v63  }
0x3c: {  	_ =	swait.ge [sflag:s26], $0x2800  }
0x3d: {  	[sflag:s26] =	ssyncset.done $0x0  }
0x3e: {  	s13 =	smov.u32 s24;
	s24 =	rddreg [dreg:$0x5];
	[sflag:s26] =	ssyncadd.s32 $0xFFFFD800  }
0x3f: {  	[spmem:s24] =	stream.linear.scatter [tilespmem:s25], [sflag:$0x4], $0x2800, $0x38;
	[tilespmem:$0x1B000] =	vst v63  }
0x40: {  	_ =	swait.ge [sflag:s26], $0x2800  }
0x41: {  	[sflag:s26] =	ssyncset.done $0x0  }
0x42: {  	[sflag:s26] =	ssyncadd.s32 $0xFFFFD800  }
0x43: {  	[spmem:s14] =	stream.linear.scatter [tilespmem:s25], [sflag:$0x4], $0x2800, $0x38;
	[tilespmem:$0x1B000] =	vst v63  }
0x44: {  	_ =	swait.ge [sflag:s26], $0x2800  }
0x45: {  	[sflag:s26] =	ssyncset.done $0x0  }
0x46: {  	[sflag:s26] =	ssyncadd.s32 $0xFFFFD800  }
0x47: {  	[spmem:s15] =	stream.linear.scatter [tilespmem:s25], [sflag:$0x4], $0x2800, $0x38;
	[tilespmem:$0x1B000] =	vst v63  }
0x48: {  	_ =	swait.ge [sflag:s26], $0x2800  }
0x49: {  	[sflag:s26] =	ssyncset.done $0x0  }
0x4a: {  	[sflag:s26] =	ssyncadd.s32 $0xFFFFD800  }
0x4b: {  	[spmem:s16] =	stream.linear.scatter [tilespmem:s25], [sflag:$0x4], $0x2800, $0x38;
	[tilespmem:$0x1B000] =	vst v63  }
0x4c: {  	_ =	swait.ge [sflag:s26], $0x2800  }
0x4d: {  	[sflag:s26] =	ssyncset.done $0x0  }
0x4e: {  	s11 =	smov.u32 s8;
	[sflag:s26] =	ssyncadd.s32 $0xFFFFD800  }
0x4f: {  	s20 =	simm.s32 $0x0;
	s21 =	simm.s32 $0x0;
	[bflag:$0x0] =	sbarrier.arrive $0xFFFF  }
.LBB2_4:
0x50: {  	s22 =	sshll.u32 s21, $0x9  }
0x51: {  	s22 =	sadd.s32 s7, s22  }
0x52: {  	s23 =	sadd.s32 s5, s22  }
0x53: {  	[tilespmem:s20], [sflag:$0x1] =	stream.linear.gather [hbm4b:s23+s20], $0x1000, $0x38;
	[tilespmem:$0x1B000] =	vst v63  }
0x54: {  	_ =	swait.ge [sflag:s28], $0x1000  }
0x55: {  	[sflag:s28] =	ssyncset.done $0x0  }
0x56: {  	s22 =	sadd.s32 s6, s22;
	[sflag:s28] =	ssyncadd.s32 $0xFFFFF000  }
0x57: {  	[tilespmem:s29], [sflag:$0x1] =	stream.linear.gather [hbm4b:s22+s20], $0x1000, $0x38;
	[tilespmem:$0x1B000] =	vst v63  }
0x58: {  	_ =	swait.ge [sflag:s28], $0x1000  }
0x59: {  	[sflag:s28] =	ssyncset.done $0x0  }
0x5a: {  	[sflag:s28] =	ssyncadd.s32 $0xFFFFF000  }
0x5b: {  	[tilespmem:s25], [sflag:$0x2] =	stream.indirect.gather [hbm4b:s4+s30], $0x80, s20, s30, $0xb8;
	[tilespmem:$0x1B000] =	vst v63  }
0x5c: {  	s8 =	simm.s32 $0x80  }
0x5d: {  	[tilespmem:s31], [sflag:$0x3] =	stream.indirect.gather [hbm4b:s4+s30], $0x80, s8, s30, $0xb8;
	[tilespmem:$0x1B000] =	vst v63  }
0x5e: {  	_ =	swait.ge [sflag:s0], $0x2800  }
0x5f: {  	[sflag:s0] =	ssyncset.done $0x0  }
0x60: {  	s10 =	simm.s32 $0x1000;
	[sflag:s0] =	ssyncadd.s32 $0xFFFFD800  }
0x61: {  	[spmem:s1] =	stream.indirect.scatter.add.f32 [tilespmem:s25], [sflag:$0x4], $0x80, s10, s30, $0xb8;
	[tilespmem:$0x1B000] =	vst v63  }
0x62: {  	_ =	swait.ge [sflag:s26], $0x2800  }
0x63: {  	[sflag:s26] =	ssyncset.done $0x0  }
0x64: {  	s23 =	simm.s32 $0x100;
	[sflag:s26] =	ssyncadd.s32 $0xFFFFD800  }
0x65: {  	[tilespmem:s25], [sflag:$0x2] =	stream.indirect.gather [hbm4b:s4+s30], $0x80, s23, s30, $0xb8;
	[tilespmem:$0x1B000] =	vst v63  }
0x66: {  	_ =	swait.ge [sflag:s3], $0x2800  }
0x67: {  	[sflag:s3] =	ssyncset.done $0x0  }
0x68: {  	s24 =	simm.s32 $0x1080;
	[sflag:s3] =	ssyncadd.s32 $0xFFFFD800  }
0x69: {  	[spmem:s1] =	stream.indirect.scatter.add.f32 [tilespmem:s31], [sflag:$0x4], $0x80, s24, s30, $0xb8;
	[tilespmem:$0x1B000] =	vst v63  }
0x6a: {  	_ =	swait.ge [sflag:s26], $0x2800  }
0x6b: {  	s22 =	simm.s32 $0x100;
	s23 =	simm.s32 $0x800;
	[sflag:s26] =	ssyncset.done $0x0  }
.LBB2_5:
0x6c: {  	s24 =	sadd.s32 $0x80, s22  }
0x6d: {  	[sflag:s26] =	ssyncadd.s32 $0xFFFFD800;
	s8 =	smov.u32 s23;
	s10 =	sadd.s32 $0x400, s23  }
0x6e: {  	[tilespmem:s31], [sflag:$0x3] =	stream.indirect.gather [hbm4b:s4+s30], $0x80, s24, s30, $0xb8;
	[tilespmem:$0x1B000] =	vst v63  }
0x6f: {  	p0 =	sne.s32 s23, $0x3800;
	_ =	swait.ge [sflag:s0], $0x2800  }
0x70: {  	[sflag:s0] =	ssyncset.done $0x0  }
0x71: {  	s23 =	sadd.s32 $0x1000, s22;
	[sflag:s0] =	ssyncadd.s32 $0xFFFFD800  }
0x72: {  	[spmem:s1] =	stream.indirect.scatter.add.f32 [tilespmem:s25], [sflag:$0x4], $0x80, s23, s30, $0xb8;
	[tilespmem:$0x1B000] =	vst v63  }
0x73: {  	_ =	swait.ge [sflag:s26], $0x2800  }
0x74: {  	[sflag:s26] =	ssyncset.done $0x0  }
0x75: {  	s23 =	sadd.s32 $0x100, s22;
	[sflag:s26] =	ssyncadd.s32 $0xFFFFD800  }
0x76: {  	[tilespmem:s25], [sflag:$0x2] =	stream.indirect.gather [hbm4b:s4+s30], $0x80, s23, s30, $0xb8;
	[tilespmem:$0x1B000] =	vst v63  }
0x77: {  	_ =	swait.ge [sflag:s3], $0x2800  }
.Ltmp1:
0x78: {  	[sflag:s3] =	ssyncset.done $0x0;
	(pc) =	sbr.rel @p0 .LBB2_5-.Ltmp1, $4  }
0x79: {  	s22 =	sadd.s32 $0x1080, s22;
	[sflag:s3] =	ssyncadd.s32 $0xFFFFD800  }
0x7a: {  	[spmem:s1] =	stream.indirect.scatter.add.f32 [tilespmem:s31], [sflag:$0x4], $0x80, s22, s30, $0xb8;
	[tilespmem:$0x1B000] =	vst v63  }
0x7b: {  	_ =	swait.ge [sflag:s26], $0x2800  }
0x7c: {  	s23 =	smov.u32 s10;
	s22 =	sshra.s32 s8, $0x2;
	[sflag:s26] =	ssyncset.done $0x0  }
0x7d: {  	s8 =	sadd.s32 $0x80, s22;
	[sflag:s26] =	ssyncadd.s32 $0xFFFFD800  }
0x7e: {  	[tilespmem:s31], [sflag:$0x3] =	stream.indirect.gather [hbm4b:s4+s30], $0x80, s8, s30, $0xb8;
	[tilespmem:$0x1B000] =	vst v63  }
0x7f: {  	_ =	swait.ge [sflag:s0], $0x2800  }
0x80: {  	[sflag:s0] =	ssyncset.done $0x0  }
0x81: {  	s10 =	sadd.s32 $0x1000, s22;
	[sflag:s0] =	ssyncadd.s32 $0xFFFFD800  }
0x82: {  	[spmem:s1] =	stream.indirect.scatter.add.f32 [tilespmem:s25], [sflag:$0x4], $0x80, s10, s30, $0xb8;
	[tilespmem:$0x1B000] =	vst v63  }
0x83: {  	_ =	swait.ge [sflag:s26], $0x2800  }
0x84: {  	[sflag:s26] =	ssyncset.done $0x0  }
0x85: {  	s23 =	sadd.s32 $0x100, s22;
	[sflag:s26] =	ssyncadd.s32 $0xFFFFD800  }
0x86: {  	[tilespmem:s25], [sflag:$0x2] =	stream.indirect.gather [hbm4b:s4+s30], $0x80, s23, s30, $0xb8;
	[tilespmem:$0x1B000] =	vst v63  }
0x87: {  	_ =	swait.ge [sflag:s3], $0x2800  }
0x88: {  	[sflag:s3] =	ssyncset.done $0x0  }
0x89: {  	s24 =	sadd.s32 $0x1080, s22;
	[sflag:s3] =	ssyncadd.s32 $0xFFFFD800  }
0x8a: {  	[spmem:s1] =	stream.indirect.scatter.add.f32 [tilespmem:s31], [sflag:$0x4], $0x80, s24, s30, $0xb8;
	[tilespmem:$0x1B000] =	vst v63  }
0x8b: {  	_ =	swait.ge [sflag:s26], $0x2800  }
0x8c: {  	[sflag:s26] =	ssyncset.done $0x0  }
0x8d: {  	[sflag:s26] =	ssyncadd.s32 $0xFFFFD800  }
0x8e: {  	[tilespmem:s31], [sflag:$0x3] =	stream.indirect.gather [hbm4b:s4+s30], $0x80, s9, s30, $0xb8;
	[tilespmem:$0x1B000] =	vst v63  }
0x8f: {  	_ =	swait.ge [sflag:s0], $0x2800  }
0x90: {  	[sflag:s0] =	ssyncset.done $0x0  }
0x91: {  	[sflag:s0] =	ssyncadd.s32 $0xFFFFD800  }
0x92: {  	[spmem:s1] =	stream.indirect.scatter.add.f32 [tilespmem:s25], [sflag:$0x4], $0x80, s17, s30, $0xb8;
	[tilespmem:$0x1B000] =	vst v63  }
0x93: {  	_ =	swait.ge [sflag:s26], $0x2800  }
0x94: {  	[sflag:s26] =	ssyncset.done $0x0  }
0x95: {  	[sflag:s26] =	ssyncadd.s32 $0xFFFFD800  }
0x96: {  	s21 =	sadd.s32 $0x1, s21;
	_ =	swait.ge [sflag:s3], $0x2800  }
0x97: {  	p0 =	sne.s32 s21, $0x4;
	[sflag:s3] =	ssyncset.done $0x0  }
.Ltmp2:
0x98: {  	[sflag:s3] =	ssyncadd.s32 $0xFFFFD800;
	(pc) =	sbr.rel @p0 .LBB2_4-.Ltmp2, $4  }
0x99: {  	[spmem:s1] =	stream.indirect.scatter.add.f32 [tilespmem:s31], [sflag:$0x4], $0x80, s18, s30, $0xb8;
	[tilespmem:$0x1B000] =	vst v63  }
0x9a: {  	_ =	swait.ge [sflag:s26], $0x2800  }
0x9b: {  	[sflag:s26] =	ssyncset.done $0x0  }
0x9c: {  	[sflag:s26] =	ssyncadd.s32 $0xFFFFD800  }
0x9d: {  	[bflag:$0x0] =	sbarrier.arrive $0xFFFF  }
0x9e: {  	[tilespmem:s25], [sflag:$0x4] =	stream.linear.gather [spmem:s11], $0x2800, $0x38;
	[tilespmem:$0x1B000] =	vst v63  }
0x9f: {  	_ =	swait.ge [sflag:s26], $0x2800  }
0xa0: {  	[sflag:s26] =	ssyncset.done $0x0  }
0xa1: {  	s10 =	rddreg [dreg:$0x6];
	[sflag:s26] =	ssyncadd.s32 $0xFFFFD800  }
0xa2: {  	[hbm4b:s10+s2] =	stream.linear.scatter [tilespmem:s25], [sflag:$0x4], $0x2800, $0x38;
	[tilespmem:$0x1B000] =	vst v63  }
0xa3: {  	_ =	swait.ge [sflag:s26], $0x2800  }
0xa4: {  	[sflag:s26] =	ssyncset.done $0x0  }
0xa5: {  	[sflag:s26] =	ssyncadd.s32 $0xFFFFD800  }
0xa6: {  	[tilespmem:s25], [sflag:$0x4] =	stream.linear.gather [spmem:s12], $0x2800, $0x38;
	[tilespmem:$0x1B000] =	vst v63  }
0xa7: {  	_ =	swait.ge [sflag:s26], $0x2800  }
0xa8: {  	[sflag:s26] =	ssyncset.done $0x0  }
0xa9: {  	s23 =	smov.u32 s12;
	s12 =	rddreg [dreg:$0x7];
	[sflag:s26] =	ssyncadd.s32 $0xFFFFD800  }
0xaa: {  	[hbm4b:s12+s2] =	stream.linear.scatter [tilespmem:s25], [sflag:$0x4], $0x2800, $0x38;
	[tilespmem:$0x1B000] =	vst v63  }
0xab: {  	_ =	swait.ge [sflag:s26], $0x2800  }
0xac: {  	[sflag:s26] =	ssyncset.done $0x0  }
0xad: {  	[sflag:s26] =	ssyncadd.s32 $0xFFFFD800  }
0xae: {  	[tilespmem:s25], [sflag:$0x4] =	stream.linear.gather [spmem:s13], $0x2800, $0x38;
	[tilespmem:$0x1B000] =	vst v63  }
0xaf: {  	_ =	swait.ge [sflag:s26], $0x2800  }
0xb0: {  	[sflag:s26] =	ssyncset.done $0x0  }
0xb1: {  	s20 =	rddreg [dreg:$0x8];
	[sflag:s26] =	ssyncadd.s32 $0xFFFFD800  }
0xb2: {  	[hbm4b:s20+s2] =	stream.linear.scatter [tilespmem:s25], [sflag:$0x4], $0x2800, $0x38;
	[tilespmem:$0x1B000] =	vst v63  }
0xb3: {  	_ =	swait.ge [sflag:s26], $0x2800  }
0xb4: {  	[sflag:s26] =	ssyncset.done $0x0  }
0xb5: {  	s21 =	rddreg [dreg:$0x4];
	[sflag:s26] =	ssyncadd.s32 $0xFFFFD800  }
0xb6: {  	[tilespmem:s25], [sflag:$0x4] =	stream.linear.gather [spmem:s21], $0x2800, $0x38;
	[tilespmem:$0x1B000] =	vst v63  }
0xb7: {  	_ =	swait.ge [sflag:s26], $0x2800  }
0xb8: {  	[sflag:s26] =	ssyncset.done $0x0  }
0xb9: {  	s22 =	rddreg [dreg:$0x9];
	[sflag:s26] =	ssyncadd.s32 $0xFFFFD800  }
0xba: {  	[hbm4b:s22+s2] =	stream.linear.scatter [tilespmem:s25], [sflag:$0x4], $0x2800, $0x38;
	[tilespmem:$0x1B000] =	vst v63  }
0xbb: {  	_ =	swait.ge [sflag:s26], $0x2800  }
0xbc: {  	[sflag:s26] =	ssyncset.done $0x0  }
0xbd: {  	s8 =	smov.u32 s11;
	s11 =	rddreg [dreg:$0x5];
	[sflag:s26] =	ssyncadd.s32 $0xFFFFD800  }
0xbe: {  	[tilespmem:s25], [sflag:$0x4] =	stream.linear.gather [spmem:s11], $0x2800, $0x38;
	[tilespmem:$0x1B000] =	vst v63  }
0xbf: {  	_ =	swait.ge [sflag:s26], $0x2800  }
0xc0: {  	[sflag:s26] =	ssyncset.done $0x0  }
0xc1: {  	s12 =	rddreg [dreg:$0xa];
	[sflag:s26] =	ssyncadd.s32 $0xFFFFD800  }
0xc2: {  	[hbm4b:s12+s2] =	stream.linear.scatter [tilespmem:s25], [sflag:$0x4], $0x2800, $0x38;
	[tilespmem:$0x1B000] =	vst v63  }
0xc3: {  	_ =	swait.ge [sflag:s26], $0x2800  }
0xc4: {  	[sflag:s26] =	ssyncset.done $0x0  }
0xc5: {  	[sflag:s26] =	ssyncadd.s32 $0xFFFFD800  }
0xc6: {  	[tilespmem:s25], [sflag:$0x4] =	stream.linear.gather [spmem:s14], $0x2800, $0x38;
	[tilespmem:$0x1B000] =	vst v63  }
0xc7: {  	_ =	swait.ge [sflag:s26], $0x2800  }
0xc8: {  	[sflag:s26] =	ssyncset.done $0x0  }
0xc9: {  	s24 =	smov.u32 s13;
	s13 =	rddreg [dreg:$0xb];
	[sflag:s26] =	ssyncadd.s32 $0xFFFFD800  }
0xca: {  	[hbm4b:s13+s2] =	stream.linear.scatter [tilespmem:s25], [sflag:$0x4], $0x2800, $0x38;
	[tilespmem:$0x1B000] =	vst v63  }
0xcb: {  	_ =	swait.ge [sflag:s26], $0x2800  }
0xcc: {  	[sflag:s26] =	ssyncset.done $0x0  }
0xcd: {  	[sflag:s26] =	ssyncadd.s32 $0xFFFFD800  }
0xce: {  	[tilespmem:s25], [sflag:$0x4] =	stream.linear.gather [spmem:s15], $0x2800, $0x38;
	[tilespmem:$0x1B000] =	vst v63  }
0xcf: {  	_ =	swait.ge [sflag:s26], $0x2800  }
0xd0: {  	[sflag:s26] =	ssyncset.done $0x0  }
0xd1: {  	s20 =	rddreg [dreg:$0xc];
	[sflag:s26] =	ssyncadd.s32 $0xFFFFD800  }
0xd2: {  	[hbm4b:s20+s2] =	stream.linear.scatter [tilespmem:s25], [sflag:$0x4], $0x2800, $0x38;
	[tilespmem:$0x1B000] =	vst v63  }
0xd3: {  	_ =	swait.ge [sflag:s26], $0x2800  }
0xd4: {  	[sflag:s26] =	ssyncset.done $0x0  }
0xd5: {  	[sflag:s26] =	ssyncadd.s32 $0xFFFFD800  }
0xd6: {  	[tilespmem:s25], [sflag:$0x4] =	stream.linear.gather [spmem:s16], $0x2800, $0x38;
	[tilespmem:$0x1B000] =	vst v63  }
0xd7: {  	_ =	swait.ge [sflag:s26], $0x2800  }
0xd8: {  	[sflag:s26] =	ssyncset.done $0x0  }
0xd9: {  	s21 =	rddreg [dreg:$0xd];
	[sflag:s26] =	ssyncadd.s32 $0xFFFFD800  }
0xda: {  	[hbm4b:s21+s2] =	stream.linear.scatter [tilespmem:s25], [sflag:$0x4], $0x2800, $0x38;
	[tilespmem:$0x1B000] =	vst v63  }
0xdb: {  	_ =	swait.ge [sflag:s26], $0x2800  }
0xdc: {  	s19 =	sadd.s32 $0x1, s19;
	s22 =	rddreg [dreg:$0x3]  }
0xdd: {  	p0 =	sne.s32 s19, s22  }
.Ltmp3:
0xde: {  	_ = 	snop;
	(pc) =	sbr.rel @p0 .LBB2_1-.Ltmp3, $3  }
0xdf: {  	_ =	sdelay $0x1  }
0xe0: {  	[sflag:s26] =	ssyncset.done $0x0  }
0xe1: {  	[sflag:s26] =	ssyncadd.s32 $0xFFFFD800  }
0xe2: {  	_ =	sfence.sel $0x180000  }
0xe3: {  	[bflag:$0x0] =	sbarrier.arrive $0xFFFF  }
0xe4: {  	_ =	strace $0x9000004A  }
0xe5: {  	s0 =	stileid.u32;
	[bflag:$0x2] =	sbarrier.arrive $0xFFFF  }
0xe6: {  	p0 =	sne.s32 s0, $0x0;
	s0 =	rddreg [dreg:$0x2]  }
0xe7: {  	s0 =	sadd.s32 @!p0 $0x100000, s0  }
0xe8: {  	[sflag:s0] =	ssyncadd.tile.s32 @!p0 $0x1;
	_ =	shalt  }
.Lfunc_end2:
_tile_overlayer_lowered:
.L_overlay_start_2:
0xe9: {  	(tag) =	ssettag $0x2  }
0xea: {  	s0 =	rddreg [dreg:$0x0];
	s2 =	stileid.u32  }
0xeb: {  	s1 =	rddreg [dreg:$0x1];
	p0 =	sne.s32 s2, $0x0  }
0xec: {  	s3 =	rddreg [dreg:$0x2];
	[bflag:$0x3] =	sbarrier.arrive $0xFFFF;
	s2 =	simm.s32 @!p0 $0x1C04  }
0xed: {  	[timem:s3], [sflag:s2] =	dma.local @!p0 [hbm:s0], s1  }
0xee: {  	s0 =	simm.s32 @!p0 $0x4  }
0xef: {  	_ =	swait.ge @!p0 [sflag:s0], s1  }
0xf0: {  	s1 =	ssub.s32 @!p0 $0x0, s1;
	[sflag:s0] =	ssyncset.done @!p0 $0x0  }
0xf1: {  	[sflag:s0] =	ssyncadd.s32 @!p0 s1  }
0xf2: {  	[bflag:$0x3] =	sbarrier.arrive $0xFFFF  }
0xf3: {  	_ =	shalt  }

// kernel: kernel.22.cloned.1.call-start
scs
__scs_entry_jumppad:
0x0: {  	(pc) =	sbr.rel $0x88, $3  }
0x1: {  	(tag) =	ssettag $0x0;
	lr =	simm.s32 $0x1  }
0x2: {  	[smem:$0x3F8F] =	sst lr;
	_ =	strace $0xD0000000  }
0x3: {  	_ = 	snop  }
0x4: {  	_ = 	snop  }
0x5: {  	_ = 	snop  }
0x6: {  	_ = 	snop  }
0x7: {  	_ = 	snop  }
__scs_overlays_trampoline_lowered:
0x8: {  	[smem:$0x3F9E] =	sst s0  }
0x9: {  	[smem:$0x3F9F] =	sst s1  }
0xa: {  	[smem:$0x3FA0] =	sst s2  }
0xb: {  	[smem:$0x3FA1] =	sst s3  }
0xc: {  	[smem:$0x3FA2] =	sst s4  }
0xd: {  	[smem:$0x3FA3] =	sst s5  }
0xe: {  	[smem:$0x3FA4] =	sst s6  }
0xf: {  	[smem:$0x3FA5] =	sst s7  }
0x10: {  	[smem:$0x3FA6] =	sst s8  }
0x11: {  	[smem:$0x3FA7] =	sst s9;
	s0 =	simm.s32 @!p0 $0x0  }
0x12: {  	s1 =	sld [smem:$0x3F8D];
	s0 =	simm.s32 @p0 $0x1  }
0x13: {  	[smem:$0x3FA8] =	sst s0;
	s0 =	simm.s32 @!p1 $0x0  }
0x14: {  	s2 =	sld [smem:$0x3F8C];
	s0 =	simm.s32 @p1 $0x1  }
0x15: {  	[smem:$0x3FA9] =	sst s0;
	s0 =	simm.s32 @!p2 $0x0  }
0x16: {  	s3 =	sld [smem:$0x3FDB];
	s0 =	simm.s32 @p2 $0x1  }
0x17: {  	s4 =	simm.s32 $0x1BF5;
	[smem:$0x3FAB] =	sst s0  }
0x18: {  	s0 =	sld [smem:$0x3F8E];
	_ =	swait.ge [sflag:s4], $0x0  }
0x19: {  	s7 =	sld [smem:$0x3F8F]  }
0x1a: {  	s8 =	sadd.s32 $0xFFFFE003, lr  }
0x1b: {  	s9 =	sadd.s32 $0xFFFFFEF7, lr;
	s5 =	simm.s32 $0xFFFFFFFF;
	p2 =	slt.u32 s8, $0xFFFFF086  }
0x1c: {  	p1 =	slt.u32 s9, $0xF7A;
	s5 =	simm.s32 @!p2 $0x0  }
0x1d: {  	s5 =	simm.s32 @p1 $0x1;
	p0 =	seq.s32 s7, s2  }
0x1e: {  	s7 =	smul.u32 @!p0 $0xF7A, s2;
	p2 =	seq.s32 @!p0 s5, $0x0  }
0x1f: {  	s9 =	smul.u32 $0xF7A, s1;
	s8 =	simm.s32 @!p0 $0x1BF5;
	p2 =	por !p2, p0  }
0x20: {  	[sflag:s8] =	ssyncset.s32 @!p0 $0xFFFFF086;
	s6 =	sadd.s32 @!p0 s3, s7;
	s7 =	simm.s32 @!p0 $0x108  }
0x21: {  	s3 =	sadd.s32 s3, s9;
	s6 =	sadd.s32 @!p0 $0x88, s6;
	s7 =	simm.s32 @p2 $0x1082  }
0x22: {  	[simem:s7], [sflag:s8] =	dma.local @!p0 [hbm:s6], $0xF7A  }
0x23: {  	s9 =	sor.u32 $0xD0000000, s2;
	s6 =	simm.s32 $0x108;
	_ =	swait.ge @!p0 [sflag:s8], $0x0  }
0x24: {  	s3 =	sadd.s32 $0x88, s3;
	s6 =	simm.s32 @!p1 $0x1082;
	[sflag:s4] =	ssyncset.s32 $0xFFFFF086  }
0x25: {  	[simem:s6], [sflag:s4] =	dma.local [hbm:s3], $0xF7A  }
0x26: {  	[smem:$0x3F8F] =	sst s1;
	(tag) =	ssettag s2;
	_ =	strace s9  }
0x27: {  	s1 =	sld [smem:$0x3F9F]  }
0x28: {  	s2 =	sld [smem:$0x3FA0]  }
0x29: {  	s4 =	sld [smem:$0x3FA2]  }
0x2a: {  	p0 =	seq.s32 s5, $0x0;
	s5 =	sld [smem:$0x3FA3]  }
0x2b: {  	s6 =	sld [smem:$0x3FA4]  }
0x2c: {  	s7 =	sld [smem:$0x3FA5]  }
0x2d: {  	s3 =	simm.s32 $0x108;
	s8 =	sld [smem:$0x3FA6]  }
0x2e: {  	s3 =	simm.s32 @!p0 $0x1082;
	s9 =	sld [smem:$0x3FA7]  }
0x2f: {  	lr =	sadd.s32 s0, s3;
	s0 =	sld [smem:$0x3F9E]  }
0x30: {  	s3 =	sld [smem:$0x3FA1]  }
0x31: {  	[smem:$0x3FAA] =	sst s10  }
0x32: {  	s10 =	sld [smem:$0x3FA8];
	_ =	sdelay $0x3  }
0x33: {  	p0 =	seq.s32 s10, $0x1;
	s10 =	sld [smem:$0x3FAA];
	_ =	sdelay $0x3  }
0x34: {  	[smem:$0x3FAA] =	sst s10  }
0x35: {  	s10 =	sld [smem:$0x3FA9];
	_ =	sdelay $0x3  }
0x36: {  	p1 =	seq.s32 s10, $0x1;
	s10 =	sld [smem:$0x3FAA];
	_ =	sdelay $0x3  }
0x37: {  	[smem:$0x3FAA] =	sst s10  }
0x38: {  	s10 =	sld [smem:$0x3FAB]  }
0x39: {  	_ = 	snop;
	(pc) =	sbr.ind lr, $3  }
0x3a: {  	_ = 	snop  }
0x3b: {  	_ = 	snop  }
0x3c: {  	p2 =	seq.s32 s10, $0x1;
	s10 =	sld [smem:$0x3FAA]  }
0x3d: {  	_ =	shalt  }
0x3e: {  	_ =	shalt  }
0x3f: {  	_ =	shalt  }
0x40: {  	_ =	shalt  }
0x41: {  	_ =	shalt  }
0x42: {  	_ =	shalt  }
0x43: {  	_ =	shalt  }
0x44: {  	_ =	shalt  }
0x45: {  	_ =	shalt  }
0x46: {  	_ =	shalt  }
0x47: {  	_ =	shalt  }
0x48: {  	_ =	shalt  }
0x49: {  	_ =	shalt  }
0x4a: {  	_ =	shalt  }
0x4b: {  	_ =	shalt  }
0x4c: {  	_ =	shalt  }
0x4d: {  	_ =	shalt  }
0x4e: {  	_ =	shalt  }
0x4f: {  	_ =	shalt  }
0x50: {  	_ =	shalt  }
0x51: {  	_ =	shalt  }
0x52: {  	_ =	shalt  }
0x53: {  	_ =	shalt  }
0x54: {  	_ =	shalt  }
0x55: {  	_ =	shalt  }
0x56: {  	_ =	shalt  }
0x57: {  	_ =	shalt  }
0x58: {  	_ =	shalt  }
0x59: {  	_ =	shalt  }
0x5a: {  	_ =	shalt  }
0x5b: {  	_ =	shalt  }
0x5c: {  	_ =	shalt  }
0x5d: {  	_ =	shalt  }
0x5e: {  	_ =	shalt  }
0x5f: {  	_ =	shalt  }
0x60: {  	_ =	shalt  }
0x61: {  	_ =	shalt  }
0x62: {  	_ =	shalt  }
0x63: {  	_ =	shalt  }
0x64: {  	_ =	shalt  }
0x65: {  	_ =	shalt  }
0x66: {  	_ =	shalt  }
0x67: {  	_ =	shalt  }
0x68: {  	_ =	shalt  }
0x69: {  	_ =	shalt  }
0x6a: {  	_ =	shalt  }
0x6b: {  	_ =	shalt  }
0x6c: {  	_ =	shalt  }
0x6d: {  	_ =	shalt  }
0x6e: {  	_ =	shalt  }
0x6f: {  	_ =	shalt  }
0x70: {  	_ =	shalt  }
0x71: {  	_ =	shalt  }
0x72: {  	_ =	shalt  }
0x73: {  	_ =	shalt  }
0x74: {  	_ =	shalt  }
0x75: {  	_ =	shalt  }
0x76: {  	_ =	shalt  }
0x77: {  	_ =	shalt  }
0x78: {  	_ =	shalt  }
0x79: {  	_ =	shalt  }
0x7a: {  	_ =	shalt  }
0x7b: {  	_ =	shalt  }
0x7c: {  	_ =	shalt  }
0x7d: {  	_ =	shalt  }
0x7e: {  	_ =	shalt  }
0x7f: {  	_ =	shalt  }
0x80: {  	_ =	shalt  }
0x81: {  	_ =	shalt  }
0x82: {  	_ =	shalt  }
0x83: {  	_ =	shalt  }
0x84: {  	_ =	shalt  }
0x85: {  	_ =	shalt  }
0x86: {  	_ =	shalt  }
0x87: {  	_ =	shalt  }
.Lfunc_end0:
.L_simem_size_0:
called_computation.2_lowered:
.L_overlay_start_0:
0x88: {  	s2 =	sld [smem:$0x3FD9]  }
0x89: {  	s3 =	sld [smem:$0x3FFE];
	_ =	sdelay $0x1  }
0x8a: {  	s1 =	srdreg.scid  }
0x8b: {  	s0 =	sand.u32 $0x1, s1  }
0x8c: {  	s16 =	sshll.u32 s0, $0xA;
	s2 =	sadd.s32 s3, s2  }
0x8d: {  	s2 =	sadd.s32 s2, s16  }
0x8e: {  	[smem:$0x3FB6] =	sst s2  }
0x8f: {  	_ = 	snop  }
0x90: {  	(tm) =	ssettm $0x1  }
0x91: {  	s17 =	sld [smem:$0x3FFB];
	_ =	sdelay $0x3  }
0x92: {  	_ =	strace s17  }
0x93: {  	s2 =	sld [smem:$0x3FFC];
	_ =	sdelay $0x3  }
0x94: {  	_ =	strace s2  }
0x95: {  	s2 =	sld [smem:$0x3FFD];
	_ =	sdelay $0x3  }
0x96: {  	_ =	strace s2  }
0x97: {  	_ =	strace $0x8FFFFFFF  }
0x98: {  	s18 =	sld [smem:$0x3FDB];
	_ =	sdelay $0x1  }
0x99: {  	s19 =	simm.s32 $_scs_section_size  }
0x9a: {  	s4 =	simm.s32 $_size__tile_overlayer_lowered;
	s5 =	simm.s32 $_tile_overlayer_lowered  }
0x9b: {  	s22 =	simm.s32 $0x1BFF;
	s21 =	sshll.u32 s5, $0x1;
	s2 =	sadd.s32 s19, s18  }
0x9c: {  	s6 =	simm.s32 $0x0;
	s20 =	sshll.u32 s4, $0x1;
	s4 =	sadd.s32 s21, s2  }
0x9d: {  	[timem:s6], [sflag:s22] =	dma.local [hbm:s4], s20  }
0x9e: {  	_ =	swait.ge [sflag:s22], s20  }
0x9f: {  	s3 =	ssub.s32 $0x0, s20;
	[sflag:s22] =	ssyncset.done $0x0  }
0xa0: {  	[sflag:s22] =	ssyncadd.s32 s3;
	_ =	sdelay $0x1  }
0xa1: {  	s23 =	simm.s32 $0x1B8B  }
0xa2: {  	_ =	swait.ge [sflag:s23], $0x1  }
0xa3: {  	[sflag:s23] =	ssyncset.done $0x0  }
0xa4: {  	s25 =	simm.s32 $0x1B8E;
	s24 =	sld [smem:$0x3FFE];
	[sflag:s23] =	ssyncadd.s32 $0xFFFFFFFF  }
0xa5: {  	s26 =	simm.s32 $execute0_lowered;
	[smem:$0x3FD2] =	sst s25  }
0xa6: {  	s4 =	sshll.u32 s26, $0x1;
	_ =	strace $0x8000004C;
	[dreg:$0x1] =	wrdreg $0xFFFFFFFF  }
0xa7: {  	s28 =	simm.s32 $_size_execute0_lowered;
	s2 =	sadd.s32 s2, s4;
	[dreg:$0x0] =	wrdreg $0x0  }
0xa8: {  	s4 =	sshll.u32 s28, $0x1;
	[dreg:$0x2] =	wrdreg s2  }
0xa9: {  	[dreg:$0x3] =	wrdreg s4  }
0xaa: {  	[dreg:$0x4] =	wrdreg $0xC0  }
0xab: {  	_ =	task [dreg:s6], $0x5FFFF  }
0xac: {  	[dreg:$0x1] =	wrdreg $0xFFFFFFFF  }
0xad: {  	[dreg:$0x0] =	wrdreg $0x60  }
0xae: {  	[dreg:$0x2] =	wrdreg s24  }
0xaf: {  	[dreg:$0x3] =	wrdreg $0x70000  }
0xb0: {  	[dreg:$0x4] =	wrdreg $0x9  }
0xb1: {  	_ =	task.clear_ibuf [dreg:s6], $0x5FFFF;
	_ =	strace $0x9000004C  }
0xb2: {  	s29 =	simm.s32 $0x9;
	_ =	strace $0x8000004E  }
0xb3: {  	_ =	swait.ge [sflag:s29], $0x1  }
0xb4: {  	[sflag:s29] =	ssyncadd.s32 $0xFFFFFFFF  }
0xb5: {  	_ =	strace $0x9000004E  }
0xb6: {  	_ =	sfence  }
0xb7: {  	s30 =	sld [smem:$0x0];
	_ =	sdelay $0x2  }
0xb8: {  	s31 =	sshll.u32 s1, $0xD;
	s1 =	sshrl.u32 s1, $0x2  }
0xb9: {  	s3 =	sand.u32 $0x4000, s31;
	s1 =	sadd.s32 s1, s30  }
0xba: {  	s0 =	sor.u32 s3, s0;
	s1 =	sshll.u32 s1, $0x11  }
0xbb: {  	s0 =	sor.u32 s1, s0  }
0xbc: {  	s0 =	sadd.s32 $0x8F2B, s0  }
0xbd: {  	[sflag:s0] =	ssyncadd.remote.s32 $0x1  }
0xbe: {  	_ =	sfence.sel $0xFFFF  }
0xbf: {  	[dreg:$0x0] =	wrdreg $0xFFFFFFFF;
	(pc) =	sbr.abs _section_cstart, $3  }
0xc0: {  	[dreg:$0x1] =	wrdreg $0xFFFFFFFF  }
0xc1: {  	_ =	task.clear_ibuf [dreg:s6], $0x2FFFF;
	_ =	strace $0x9FFFFFFF  }
0xc2: {  	(tm) =	ssettm $0x7FFFFFFF  }
0xc3: {  	_ =	shalt  }
tec
execute0_lowered:
.L_overlay_start_1:
0x0: {  	(tag) =	ssettag $0x1  }
0x1: {  	s0 =	rddreg [dreg:$0x0]  }
0x2: {  	s1 =	rddreg [dreg:$0x1];
	s2 =	simm.s32 $0x0;
	s3 =	srdreg.scid  }
0x3: {  	s11 =	stileid.u32;
	s28 =	simm.s32 $0x1;
	s29 =	simm.s32 $0x1000  }
0x4: {  	s30 =	simm.s32 $0x50;
	s31 =	simm.s32 $0x4800;
	[smem:$0x7FF] =	sst s2  }
0x5: {  	s4 =	sadd.s32 $0x25000, s0;
	s3 =	sand.u32 $0x1, s3;
	s5 =	sadd.s32 $0x15000, s0  }
0x6: {  	s6 =	sadd.s32 $0x5000, s0;
	s9 =	smul.u32 $0x50000, s11;
	s0 =	sadd.s32 $0x4C200, s0  }
0x7: {  	s26 =	sshll.u32 s11, $0xB;
	s16 =	smul.u32 $0x14000, s11;
	_ =	strace $0x8000004D  }
0x8: {  	s7 =	ssub.s32 $0x2, s3;
	s25 =	sshll.u32 s3, $0xF;
	s3 =	smul.u32 $0x140000, s3  }
0x9: {  	s8 =	sshrl.u32 s7, $0x1;
	s9 =	sshrl.u32 s9, $0x2;
	s13 =	sor.u32 $0x2800, s16  }
0xa: {  	s17 =	sadd.s32 $0x5000, s16;
	s18 =	sadd.s32 $0x7800, s16;
	s19 =	sadd.s32 $0xA000, s16  }
0xb: {  	s20 =	sadd.s32 $0xC800, s16;
	s21 =	sadd.s32 $0xF000, s16;
	s10 =	ssub.s32 s7, s8  }
0xc: {  	s7 =	sor.u32 s26, s25;
	s8 =	sadd.s32 s9, s1;
	s23 =	sadd.s32 s13, s1  }
0xd: {  	s24 =	sadd.s32 s17, s1;
	s22 =	sadd.s32 s18, s1;
	s25 =	sadd.s32 s19, s1  }
0xe: {  	s14 =	sadd.s32 s20, s1;
	s15 =	sadd.s32 s21, s1;
	s9 =	sadd.s32 s3, s13  }
0xf: {  	s17 =	sadd.s32 s3, s17;
	s18 =	sadd.s32 s3, s18;
	s19 =	sadd.s32 s3, s19  }
0x10: {  	s20 =	sadd.s32 s3, s20;
	s21 =	sadd.s32 s3, s21;
	[dreg:$0x4] =	wrdreg s22  }
0x11: {  	s12 =	smax.u32 s10, $0x1;
	[dreg:$0x5] =	wrdreg s25;
	s22 =	sadd.s32 s3, s16  }
0x12: {  	s16 =	sadd.s32 $0x11800, s16;
	s9 =	sshrl.u32 s9, $0x3;
	s11 =	sshrl.u32 s17, $0x3  }
0x13: {  	s13 =	sshrl.u32 s19, $0x3;
	s25 =	sshrl.u32 s21, $0x3;
	[dreg:$0x3] =	wrdreg s12  }
0x14: {  	s22 =	sshrl.u32 s22, $0x3;
	s3 =	sadd.s32 s3, s16;
	s9 =	sadd.s32 s0, s9  }
0x15: {  	s16 =	sadd.s32 s16, s1;
	s19 =	sadd.s32 s0, s13;
	[dreg:$0x7] =	wrdreg s9  }
0x16: {  	s12 =	sshrl.u32 s18, $0x3;
	s26 =	sadd.s32 s0, s22;
	[dreg:$0xa] =	wrdreg s19  }
0x17: {  	s18 =	simm.s32 $0x1F80;
	s9 =	sadd.s32 s0, s11;
	[dreg:$0x6] =	wrdreg s26  }
0x18: {  	s17 =	sadd.s32 s0, s12;
	s22 =	sshrl.u32 s20, $0x3;
	[dreg:$0x8] =	wrdreg s9  }
0x19: {  	s3 =	sshrl.u32 s3, $0x3;
	[dreg:$0x9] =	wrdreg s17;
	s9 =	sadd.s32 s0, s22  }
0x1a: {  	s19 =	simm.s32 $0x0;
	s26 =	sadd.s32 s0, s25;
	[dreg:$0xb] =	wrdreg s9  }
0x1b: {  	s0 =	sadd.s32 s0, s3;
	s25 =	simm.s32 $0x2000;
	[dreg:$0xc] =	wrdreg s26  }
0x1c: {  	s3 =	simm.s32 $0x3;
	s17 =	simm.s32 $0x1F00;
	[dreg:$0xd] =	wrdreg s0  }
0x1d: {  	v0 =	vimm.f32 $0.0e+00;
	s26 =	simm.s32 $0x4;
	s0 =	simm.s32 $0x2;
	s9 =	simm.s32 $0xF80  }
.LBB2_1:
0x1e: {  	s20 =	simm.s32 $0x70;
	s21 =	simm.s32 $0x3C0  }
.LBB2_2:
0x1f: {  	p0 =	sne.s32 s21, $0x9FC0;
	[tilespmem:s20+$0x2000] =	vst v0  }
0x20: {  	[tilespmem:s20+$0x1F90] =	vst v0  }
0x21: {  	[tilespmem:s20+$0x1FA0] =	vst v0  }
.Ltmp0:
0x22: {  	[tilespmem:s20+$0x1FB0] =	vst v0;
	(pc) =	sbr.rel @p0 .LBB2_2-.Ltmp0, $4  }
0x23: {  	[tilespmem:s20+$0x1FC0] =	vst v0  }
0x24: {  	[tilespmem:s20+$0x1FD0] =	vst v0  }
0x25: {  	[tilespmem:s20+$0x1FE0] =	vst v0  }
0x26: {  	[tilespmem:s20+$0x1FF0] =	vst v0;
	s20 =	sshra.s32 s21, $0x2;
	s21 =	sadd.s32 $0x200, s21  }
0x27: {  	[tilespmem:s20+$0x2000] =	vst v0  }
0x28: {  	[tilespmem:s20+$0x1F90] =	vst v0  }
0x29: {  	[tilespmem:s20+$0x1FA0] =	vst v0  }
0x2a: {  	[tilespmem:s20+$0x1FB0] =	vst v0  }
0x2b: {  	[tilespmem:s20+$0x1FC0] =	vst v0  }
0x2c: {  	[tilespmem:s20+$0x1FD0] =	vst v0  }
0x2d: {  	[tilespmem:s20+$0x1FE0] =	vst v0  }
0x2e: {  	[tilespmem:s20+$0x1FF0] =	vst v0  }
0x2f: {  	[spmem:s8] =	stream.linear.scatter [tilespmem:s25], [sflag:$0x4], $0x2800, $0x38;
	[tilespmem:$0x1B000] =	vst v63  }
0x30: {  	_ =	swait.ge [sflag:s26], $0x2800  }
0x31: {  	[sflag:s26] =	ssyncset.done $0x0  }
0x32: {  	[sflag:s26] =	ssyncadd.s32 $0xFFFFD800  }
0x33: {  	[spmem:s23] =	stream.linear.scatter [tilespmem:s25], [sflag:$0x4], $0x2800, $0x38;
	[tilespmem:$0x1B000] =	vst v63  }
0x34: {  	_ =	swait.ge [sflag:s26], $0x2800  }
0x35: {  	[sflag:s26] =	ssyncset.done $0x0  }
0x36: {  	[sflag:s26] =	ssyncadd.s32 $0xFFFFD800  }
0x37: {  	[spmem:s24] =	stream.linear.scatter [tilespmem:s25], [sflag:$0x4], $0x2800, $0x38;
	[tilespmem:$0x1B000] =	vst v63  }
0x38: {  	_ =	swait.ge [sflag:s26], $0x2800  }
0x39: {  	[sflag:s26] =	ssyncset.done $0x0  }
0x3a: {  	s12 =	smov.u32 s23;
	s23 =	rddreg [dreg:$0x4];
	[sflag:s26] =	ssyncadd.s32 $0xFFFFD800  }
0x3b: {  	[spmem:s23] =	stream.linear.scatter [tilespmem:s25], [sflag:$0x4], $0x2800, $0x38;
	[tilespmem:$0x1B000] =	vst v63  }
0x3c: {  	_ =	swait.ge [sflag:s26], $0x2800  }
0x3d: {  	[sflag:s26] =	ssyncset.done $0x0  }
0x3e: {  	s13 =	smov.u32 s24;
	s24 =	rddreg [dreg:$0x5];
	[sflag:s26] =	ssyncadd.s32 $0xFFFFD800  }
0x3f: {  	[spmem:s24] =	stream.linear.scatter [tilespmem:s25], [sflag:$0x4], $0x2800, $0x38;
	[tilespmem:$0x1B000] =	vst v63  }
0x40: {  	_ =	swait.ge [sflag:s26], $0x2800  }
0x41: {  	[sflag:s26] =	ssyncset.done $0x0  }
0x42: {  	[sflag:s26] =	ssyncadd.s32 $0xFFFFD800  }
0x43: {  	[spmem:s14] =	stream.linear.scatter [tilespmem:s25], [sflag:$0x4], $0x2800, $0x38;
	[tilespmem:$0x1B000] =	vst v63  }
0x44: {  	_ =	swait.ge [sflag:s26], $0x2800  }
0x45: {  	[sflag:s26] =	ssyncset.done $0x0  }
0x46: {  	[sflag:s26] =	ssyncadd.s32 $0xFFFFD800  }
0x47: {  	[spmem:s15] =	stream.linear.scatter [tilespmem:s25], [sflag:$0x4], $0x2800, $0x38;
	[tilespmem:$0x1B000] =	vst v63  }
0x48: {  	_ =	swait.ge [sflag:s26], $0x2800  }
0x49: {  	[sflag:s26] =	ssyncset.done $0x0  }
0x4a: {  	[sflag:s26] =	ssyncadd.s32 $0xFFFFD800  }
0x4b: {  	[spmem:s16] =	stream.linear.scatter [tilespmem:s25], [sflag:$0x4], $0x2800, $0x38;
	[tilespmem:$0x1B000] =	vst v63  }
0x4c: {  	_ =	swait.ge [sflag:s26], $0x2800  }
0x4d: {  	[sflag:s26] =	ssyncset.done $0x0  }
0x4e: {  	s11 =	smov.u32 s8;
	[sflag:s26] =	ssyncadd.s32 $0xFFFFD800  }
0x4f: {  	s20 =	simm.s32 $0x0;
	s21 =	simm.s32 $0x0;
	[bflag:$0x0] =	sbarrier.arrive $0xFFFF  }
.LBB2_4:
0x50: {  	s22 =	sshll.u32 s21, $0x9  }
0x51: {  	s22 =	sadd.s32 s7, s22  }
0x52: {  	s23 =	sadd.s32 s5, s22  }
0x53: {  	[tilespmem:s20], [sflag:$0x1] =	stream.linear.gather [hbm4b:s23+s20], $0x1000, $0x38;
	[tilespmem:$0x1B000] =	vst v63  }
0x54: {  	_ =	swait.ge [sflag:s28], $0x1000  }
0x55: {  	[sflag:s28] =	ssyncset.done $0x0  }
0x56: {  	s22 =	sadd.s32 s6, s22;
	[sflag:s28] =	ssyncadd.s32 $0xFFFFF000  }
0x57: {  	[tilespmem:s29], [sflag:$0x1] =	stream.linear.gather [hbm4b:s22+s20], $0x1000, $0x38;
	[tilespmem:$0x1B000] =	vst v63  }
0x58: {  	_ =	swait.ge [sflag:s28], $0x1000  }
0x59: {  	[sflag:s28] =	ssyncset.done $0x0  }
0x5a: {  	[sflag:s28] =	ssyncadd.s32 $0xFFFFF000  }
0x5b: {  	[tilespmem:s25], [sflag:$0x2] =	stream.indirect.gather [hbm4b:s4+s30], $0x80, s20, s30, $0xb8;
	[tilespmem:$0x1B000] =	vst v63  }
0x5c: {  	s8 =	simm.s32 $0x80  }
0x5d: {  	[tilespmem:s31], [sflag:$0x3] =	stream.indirect.gather [hbm4b:s4+s30], $0x80, s8, s30, $0xb8;
	[tilespmem:$0x1B000] =	vst v63  }
0x5e: {  	_ =	swait.ge [sflag:s0], $0x2800  }
0x5f: {  	[sflag:s0] =	ssyncset.done $0x0  }
0x60: {  	s10 =	simm.s32 $0x1000;
	[sflag:s0] =	ssyncadd.s32 $0xFFFFD800  }
0x61: {  	[spmem:s1] =	stream.indirect.scatter.add.f32 [tilespmem:s25], [sflag:$0x4], $0x80, s10, s30, $0xb8;
	[tilespmem:$0x1B000] =	vst v63  }
0x62: {  	_ =	swait.ge [sflag:s26], $0x2800  }
0x63: {  	[sflag:s26] =	ssyncset.done $0x0  }
0x64: {  	s23 =	simm.s32 $0x100;
	[sflag:s26] =	ssyncadd.s32 $0xFFFFD800  }
0x65: {  	[tilespmem:s25], [sflag:$0x2] =	stream.indirect.gather [hbm4b:s4+s30], $0x80, s23, s30, $0xb8;
	[tilespmem:$0x1B000] =	vst v63  }
0x66: {  	_ =	swait.ge [sflag:s3], $0x2800  }
0x67: {  	[sflag:s3] =	ssyncset.done $0x0  }
0x68: {  	s24 =	simm.s32 $0x1080;
	[sflag:s3] =	ssyncadd.s32 $0xFFFFD800  }
0x69: {  	[spmem:s1] =	stream.indirect.scatter.add.f32 [tilespmem:s31], [sflag:$0x4], $0x80, s24, s30, $0xb8;
	[tilespmem:$0x1B000] =	vst v63  }
0x6a: {  	_ =	swait.ge [sflag:s26], $0x2800  }
0x6b: {  	s22 =	simm.s32 $0x100;
	s23 =	simm.s32 $0x800;
	[sflag:s26] =	ssyncset.done $0x0  }
.LBB2_5:
0x6c: {  	s24 =	sadd.s32 $0x80, s22  }
0x6d: {  	[sflag:s26] =	ssyncadd.s32 $0xFFFFD800;
	s8 =	smov.u32 s23;
	s10 =	sadd.s32 $0x400, s23  }
0x6e: {  	[tilespmem:s31], [sflag:$0x3] =	stream.indirect.gather [hbm4b:s4+s30], $0x80, s24, s30, $0xb8;
	[tilespmem:$0x1B000] =	vst v63  }
0x6f: {  	p0 =	sne.s32 s23, $0x3800;
	_ =	swait.ge [sflag:s0], $0x2800  }
0x70: {  	[sflag:s0] =	ssyncset.done $0x0  }
0x71: {  	s23 =	sadd.s32 $0x1000, s22;
	[sflag:s0] =	ssyncadd.s32 $0xFFFFD800  }
0x72: {  	[spmem:s1] =	stream.indirect.scatter.add.f32 [tilespmem:s25], [sflag:$0x4], $0x80, s23, s30, $0xb8;
	[tilespmem:$0x1B000] =	vst v63  }
0x73: {  	_ =	swait.ge [sflag:s26], $0x2800  }
0x74: {  	[sflag:s26] =	ssyncset.done $0x0  }
0x75: {  	s23 =	sadd.s32 $0x100, s22;
	[sflag:s26] =	ssyncadd.s32 $0xFFFFD800  }
0x76: {  	[tilespmem:s25], [sflag:$0x2] =	stream.indirect.gather [hbm4b:s4+s30], $0x80, s23, s30, $0xb8;
	[tilespmem:$0x1B000] =	vst v63  }
0x77: {  	_ =	swait.ge [sflag:s3], $0x2800  }
.Ltmp1:
0x78: {  	[sflag:s3] =	ssyncset.done $0x0;
	(pc) =	sbr.rel @p0 .LBB2_5-.Ltmp1, $4  }
0x79: {  	s22 =	sadd.s32 $0x1080, s22;
	[sflag:s3] =	ssyncadd.s32 $0xFFFFD800  }
0x7a: {  	[spmem:s1] =	stream.indirect.scatter.add.f32 [tilespmem:s31], [sflag:$0x4], $0x80, s22, s30, $0xb8;
	[tilespmem:$0x1B000] =	vst v63  }
0x7b: {  	_ =	swait.ge [sflag:s26], $0x2800  }
0x7c: {  	s23 =	smov.u32 s10;
	s22 =	sshra.s32 s8, $0x2;
	[sflag:s26] =	ssyncset.done $0x0  }
0x7d: {  	s8 =	sadd.s32 $0x80, s22;
	[sflag:s26] =	ssyncadd.s32 $0xFFFFD800  }
0x7e: {  	[tilespmem:s31], [sflag:$0x3] =	stream.indirect.gather [hbm4b:s4+s30], $0x80, s8, s30, $0xb8;
	[tilespmem:$0x1B000] =	vst v63  }
0x7f: {  	_ =	swait.ge [sflag:s0], $0x2800  }
0x80: {  	[sflag:s0] =	ssyncset.done $0x0  }
0x81: {  	s10 =	sadd.s32 $0x1000, s22;
	[sflag:s0] =	ssyncadd.s32 $0xFFFFD800  }
0x82: {  	[spmem:s1] =	stream.indirect.scatter.add.f32 [tilespmem:s25], [sflag:$0x4], $0x80, s10, s30, $0xb8;
	[tilespmem:$0x1B000] =	vst v63  }
0x83: {  	_ =	swait.ge [sflag:s26], $0x2800  }
0x84: {  	[sflag:s26] =	ssyncset.done $0x0  }
0x85: {  	s23 =	sadd.s32 $0x100, s22;
	[sflag:s26] =	ssyncadd.s32 $0xFFFFD800  }
0x86: {  	[tilespmem:s25], [sflag:$0x2] =	stream.indirect.gather [hbm4b:s4+s30], $0x80, s23, s30, $0xb8;
	[tilespmem:$0x1B000] =	vst v63  }
0x87: {  	_ =	swait.ge [sflag:s3], $0x2800  }
0x88: {  	[sflag:s3] =	ssyncset.done $0x0  }
0x89: {  	s24 =	sadd.s32 $0x1080, s22;
	[sflag:s3] =	ssyncadd.s32 $0xFFFFD800  }
0x8a: {  	[spmem:s1] =	stream.indirect.scatter.add.f32 [tilespmem:s31], [sflag:$0x4], $0x80, s24, s30, $0xb8;
	[tilespmem:$0x1B000] =	vst v63  }
0x8b: {  	_ =	swait.ge [sflag:s26], $0x2800  }
0x8c: {  	[sflag:s26] =	ssyncset.done $0x0  }
0x8d: {  	[sflag:s26] =	ssyncadd.s32 $0xFFFFD800  }
0x8e: {  	[tilespmem:s31], [sflag:$0x3] =	stream.indirect.gather [hbm4b:s4+s30], $0x80, s9, s30, $0xb8;
	[tilespmem:$0x1B000] =	vst v63  }
0x8f: {  	_ =	swait.ge [sflag:s0], $0x2800  }
0x90: {  	[sflag:s0] =	ssyncset.done $0x0  }
0x91: {  	[sflag:s0] =	ssyncadd.s32 $0xFFFFD800  }
0x92: {  	[spmem:s1] =	stream.indirect.scatter.add.f32 [tilespmem:s25], [sflag:$0x4], $0x80, s17, s30, $0xb8;
	[tilespmem:$0x1B000] =	vst v63  }
0x93: {  	_ =	swait.ge [sflag:s26], $0x2800  }
0x94: {  	[sflag:s26] =	ssyncset.done $0x0  }
0x95: {  	[sflag:s26] =	ssyncadd.s32 $0xFFFFD800  }
0x96: {  	s21 =	sadd.s32 $0x1, s21;
	_ =	swait.ge [sflag:s3], $0x2800  }
0x97: {  	p0 =	sne.s32 s21, $0x4;
	[sflag:s3] =	ssyncset.done $0x0  }
.Ltmp2:
0x98: {  	[sflag:s3] =	ssyncadd.s32 $0xFFFFD800;
	(pc) =	sbr.rel @p0 .LBB2_4-.Ltmp2, $4  }
0x99: {  	[spmem:s1] =	stream.indirect.scatter.add.f32 [tilespmem:s31], [sflag:$0x4], $0x80, s18, s30, $0xb8;
	[tilespmem:$0x1B000] =	vst v63  }
0x9a: {  	_ =	swait.ge [sflag:s26], $0x2800  }
0x9b: {  	[sflag:s26] =	ssyncset.done $0x0  }
0x9c: {  	[sflag:s26] =	ssyncadd.s32 $0xFFFFD800  }
0x9d: {  	[bflag:$0x0] =	sbarrier.arrive $0xFFFF  }
0x9e: {  	[tilespmem:s25], [sflag:$0x4] =	stream.linear.gather [spmem:s11], $0x2800, $0x38;
	[tilespmem:$0x1B000] =	vst v63  }
0x9f: {  	_ =	swait.ge [sflag:s26], $0x2800  }
0xa0: {  	[sflag:s26] =	ssyncset.done $0x0  }
0xa1: {  	s10 =	rddreg [dreg:$0x6];
	[sflag:s26] =	ssyncadd.s32 $0xFFFFD800  }
0xa2: {  	[hbm4b:s10+s2] =	stream.linear.scatter [tilespmem:s25], [sflag:$0x4], $0x2800, $0x38;
	[tilespmem:$0x1B000] =	vst v63  }
0xa3: {  	_ =	swait.ge [sflag:s26], $0x2800  }
0xa4: {  	[sflag:s26] =	ssyncset.done $0x0  }
0xa5: {  	[sflag:s26] =	ssyncadd.s32 $0xFFFFD800  }
0xa6: {  	[tilespmem:s25], [sflag:$0x4] =	stream.linear.gather [spmem:s12], $0x2800, $0x38;
	[tilespmem:$0x1B000] =	vst v63  }
0xa7: {  	_ =	swait.ge [sflag:s26], $0x2800  }
0xa8: {  	[sflag:s26] =	ssyncset.done $0x0  }
0xa9: {  	s23 =	smov.u32 s12;
	s12 =	rddreg [dreg:$0x7];
	[sflag:s26] =	ssyncadd.s32 $0xFFFFD800  }
0xaa: {  	[hbm4b:s12+s2] =	stream.linear.scatter [tilespmem:s25], [sflag:$0x4], $0x2800, $0x38;
	[tilespmem:$0x1B000] =	vst v63  }
0xab: {  	_ =	swait.ge [sflag:s26], $0x2800  }
0xac: {  	[sflag:s26] =	ssyncset.done $0x0  }
0xad: {  	[sflag:s26] =	ssyncadd.s32 $0xFFFFD800  }
0xae: {  	[tilespmem:s25], [sflag:$0x4] =	stream.linear.gather [spmem:s13], $0x2800, $0x38;
	[tilespmem:$0x1B000] =	vst v63  }
0xaf: {  	_ =	swait.ge [sflag:s26], $0x2800  }
0xb0: {  	[sflag:s26] =	ssyncset.done $0x0  }
0xb1: {  	s20 =	rddreg [dreg:$0x8];
	[sflag:s26] =	ssyncadd.s32 $0xFFFFD800  }
0xb2: {  	[hbm4b:s20+s2] =	stream.linear.scatter [tilespmem:s25], [sflag:$0x4], $0x2800, $0x38;
	[tilespmem:$0x1B000] =	vst v63  }
0xb3: {  	_ =	swait.ge [sflag:s26], $0x2800  }
0xb4: {  	[sflag:s26] =	ssyncset.done $0x0  }
0xb5: {  	s21 =	rddreg [dreg:$0x4];
	[sflag:s26] =	ssyncadd.s32 $0xFFFFD800  }
0xb6: {  	[tilespmem:s25], [sflag:$0x4] =	stream.linear.gather [spmem:s21], $0x2800, $0x38;
	[tilespmem:$0x1B000] =	vst v63  }
0xb7: {  	_ =	swait.ge [sflag:s26], $0x2800  }
0xb8: {  	[sflag:s26] =	ssyncset.done $0x0  }
0xb9: {  	s22 =	rddreg [dreg:$0x9];
	[sflag:s26] =	ssyncadd.s32 $0xFFFFD800  }
0xba: {  	[hbm4b:s22+s2] =	stream.linear.scatter [tilespmem:s25], [sflag:$0x4], $0x2800, $0x38;
	[tilespmem:$0x1B000] =	vst v63  }
0xbb: {  	_ =	swait.ge [sflag:s26], $0x2800  }
0xbc: {  	[sflag:s26] =	ssyncset.done $0x0  }
0xbd: {  	s8 =	smov.u32 s11;
	s11 =	rddreg [dreg:$0x5];
	[sflag:s26] =	ssyncadd.s32 $0xFFFFD800  }
0xbe: {  	[tilespmem:s25], [sflag:$0x4] =	stream.linear.gather [spmem:s11], $0x2800, $0x38;
	[tilespmem:$0x1B000] =	vst v63  }
0xbf: {  	_ =	swait.ge [sflag:s26], $0x2800  }
0xc0: {  	[sflag:s26] =	ssyncset.done $0x0  }
0xc1: {  	s12 =	rddreg [dreg:$0xa];
	[sflag:s26] =	ssyncadd.s32 $0xFFFFD800  }
0xc2: {  	[hbm4b:s12+s2] =	stream.linear.scatter [tilespmem:s25], [sflag:$0x4], $0x2800, $0x38;
	[tilespmem:$0x1B000] =	vst v63  }
0xc3: {  	_ =	swait.ge [sflag:s26], $0x2800  }
0xc4: {  	[sflag:s26] =	ssyncset.done $0x0  }
0xc5: {  	[sflag:s26] =	ssyncadd.s32 $0xFFFFD800  }
0xc6: {  	[tilespmem:s25], [sflag:$0x4] =	stream.linear.gather [spmem:s14], $0x2800, $0x38;
	[tilespmem:$0x1B000] =	vst v63  }
0xc7: {  	_ =	swait.ge [sflag:s26], $0x2800  }
0xc8: {  	[sflag:s26] =	ssyncset.done $0x0  }
0xc9: {  	s24 =	smov.u32 s13;
	s13 =	rddreg [dreg:$0xb];
	[sflag:s26] =	ssyncadd.s32 $0xFFFFD800  }
0xca: {  	[hbm4b:s13+s2] =	stream.linear.scatter [tilespmem:s25], [sflag:$0x4], $0x2800, $0x38;
	[tilespmem:$0x1B000] =	vst v63  }
0xcb: {  	_ =	swait.ge [sflag:s26], $0x2800  }
0xcc: {  	[sflag:s26] =	ssyncset.done $0x0  }
0xcd: {  	[sflag:s26] =	ssyncadd.s32 $0xFFFFD800  }
0xce: {  	[tilespmem:s25], [sflag:$0x4] =	stream.linear.gather [spmem:s15], $0x2800, $0x38;
	[tilespmem:$0x1B000] =	vst v63  }
0xcf: {  	_ =	swait.ge [sflag:s26], $0x2800  }
0xd0: {  	[sflag:s26] =	ssyncset.done $0x0  }
0xd1: {  	s20 =	rddreg [dreg:$0xc];
	[sflag:s26] =	ssyncadd.s32 $0xFFFFD800  }
0xd2: {  	[hbm4b:s20+s2] =	stream.linear.scatter [tilespmem:s25], [sflag:$0x4], $0x2800, $0x38;
	[tilespmem:$0x1B000] =	vst v63  }
0xd3: {  	_ =	swait.ge [sflag:s26], $0x2800  }
0xd4: {  	[sflag:s26] =	ssyncset.done $0x0  }
0xd5: {  	[sflag:s26] =	ssyncadd.s32 $0xFFFFD800  }
0xd6: {  	[tilespmem:s25], [sflag:$0x4] =	stream.linear.gather [spmem:s16], $0x2800, $0x38;
	[tilespmem:$0x1B000] =	vst v63  }
0xd7: {  	_ =	swait.ge [sflag:s26], $0x2800  }
0xd8: {  	[sflag:s26] =	ssyncset.done $0x0  }
0xd9: {  	s21 =	rddreg [dreg:$0xd];
	[sflag:s26] =	ssyncadd.s32 $0xFFFFD800  }
0xda: {  	[hbm4b:s21+s2] =	stream.linear.scatter [tilespmem:s25], [sflag:$0x4], $0x2800, $0x38;
	[tilespmem:$0x1B000] =	vst v63  }
0xdb: {  	_ =	swait.ge [sflag:s26], $0x2800  }
0xdc: {  	s19 =	sadd.s32 $0x1, s19;
	s22 =	rddreg [dreg:$0x3]  }
0xdd: {  	p0 =	sne.s32 s19, s22  }
.Ltmp3:
0xde: {  	_ = 	snop;
	(pc) =	sbr.rel @p0 .LBB2_1-.Ltmp3, $3  }
0xdf: {  	_ =	sdelay $0x1  }
0xe0: {  	[sflag:s26] =	ssyncset.done $0x0  }
0xe1: {  	[sflag:s26] =	ssyncadd.s32 $0xFFFFD800  }
0xe2: {  	_ =	sfence.sel $0x180000  }
0xe3: {  	[bflag:$0x0] =	sbarrier.arrive $0xFFFF  }
0xe4: {  	_ =	strace $0x9000004D  }
0xe5: {  	s0 =	stileid.u32;
	[bflag:$0x2] =	sbarrier.arrive $0xFFFF  }
0xe6: {  	p0 =	sne.s32 s0, $0x0;
	s0 =	rddreg [dreg:$0x2]  }
0xe7: {  	s0 =	sadd.s32 @!p0 $0x100000, s0  }
0xe8: {  	[sflag:s0] =	ssyncadd.tile.s32 @!p0 $0x1;
	_ =	shalt  }
.Lfunc_end2:
_tile_overlayer_lowered:
.L_overlay_start_2:
0xe9: {  	(tag) =	ssettag $0x2  }
0xea: {  	s0 =	rddreg [dreg:$0x0];
	s2 =	stileid.u32  }
0xeb: {  	s1 =	rddreg [dreg:$0x1];
	p0 =	sne.s32 s2, $0x0  }
0xec: {  	s3 =	rddreg [dreg:$0x2];
	[bflag:$0x3] =	sbarrier.arrive $0xFFFF;
	s2 =	simm.s32 @!p0 $0x1C04  }
0xed: {  	[timem:s3], [sflag:s2] =	dma.local @!p0 [hbm:s0], s1  }
0xee: {  	s0 =	simm.s32 @!p0 $0x4  }
0xef: {  	_ =	swait.ge @!p0 [sflag:s0], s1  }
0xf0: {  	s1 =	ssub.s32 @!p0 $0x0, s1;
	[sflag:s0] =	ssyncset.done @!p0 $0x0  }
0xf1: {  	[sflag:s0] =	ssyncadd.s32 @!p0 s1  }
0xf2: {  	[bflag:$0x3] =	sbarrier.arrive $0xFFFF  }
0xf3: {  	_ =	shalt  }

// kernel: kernel.25.cloned.1.call-start
scs
__scs_entry_jumppad:
0x0: {  	(pc) =	sbr.rel $0x88, $3  }
0x1: {  	(tag) =	ssettag $0x0;
	lr =	simm.s32 $0x1  }
0x2: {  	[smem:$0x3F8F] =	sst lr;
	_ =	strace $0xD0000000  }
0x3: {  	_ = 	snop  }
0x4: {  	_ = 	snop  }
0x5: {  	_ = 	snop  }
0x6: {  	_ = 	snop  }
0x7: {  	_ = 	snop  }
__scs_overlays_trampoline_lowered:
0x8: {  	[smem:$0x3F9E] =	sst s0  }
0x9: {  	[smem:$0x3F9F] =	sst s1  }
0xa: {  	[smem:$0x3FA0] =	sst s2  }
0xb: {  	[smem:$0x3FA1] =	sst s3  }
0xc: {  	[smem:$0x3FA2] =	sst s4  }
0xd: {  	[smem:$0x3FA3] =	sst s5  }
0xe: {  	[smem:$0x3FA4] =	sst s6  }
0xf: {  	[smem:$0x3FA5] =	sst s7  }
0x10: {  	[smem:$0x3FA6] =	sst s8  }
0x11: {  	[smem:$0x3FA7] =	sst s9;
	s0 =	simm.s32 @!p0 $0x0  }
0x12: {  	s1 =	sld [smem:$0x3F8D];
	s0 =	simm.s32 @p0 $0x1  }
0x13: {  	[smem:$0x3FA8] =	sst s0;
	s0 =	simm.s32 @!p1 $0x0  }
0x14: {  	s2 =	sld [smem:$0x3F8C];
	s0 =	simm.s32 @p1 $0x1  }
0x15: {  	[smem:$0x3FA9] =	sst s0;
	s0 =	simm.s32 @!p2 $0x0  }
0x16: {  	s3 =	sld [smem:$0x3FDB];
	s0 =	simm.s32 @p2 $0x1  }
0x17: {  	s4 =	simm.s32 $0x1BF5;
	[smem:$0x3FAB] =	sst s0  }
0x18: {  	s0 =	sld [smem:$0x3F8E];
	_ =	swait.ge [sflag:s4], $0x0  }
0x19: {  	s7 =	sld [smem:$0x3F8F]  }
0x1a: {  	s8 =	sadd.s32 $0xFFFFE003, lr  }
0x1b: {  	s9 =	sadd.s32 $0xFFFFFEF7, lr;
	s5 =	simm.s32 $0xFFFFFFFF;
	p2 =	slt.u32 s8, $0xFFFFF086  }
0x1c: {  	p1 =	slt.u32 s9, $0xF7A;
	s5 =	simm.s32 @!p2 $0x0  }
0x1d: {  	s5 =	simm.s32 @p1 $0x1;
	p0 =	seq.s32 s7, s2  }
0x1e: {  	s7 =	smul.u32 @!p0 $0xF7A, s2;
	p2 =	seq.s32 @!p0 s5, $0x0  }
0x1f: {  	s9 =	smul.u32 $0xF7A, s1;
	s8 =	simm.s32 @!p0 $0x1BF5;
	p2 =	por !p2, p0  }
0x20: {  	[sflag:s8] =	ssyncset.s32 @!p0 $0xFFFFF086;
	s6 =	sadd.s32 @!p0 s3, s7;
	s7 =	simm.s32 @!p0 $0x108  }
0x21: {  	s3 =	sadd.s32 s3, s9;
	s6 =	sadd.s32 @!p0 $0x88, s6;
	s7 =	simm.s32 @p2 $0x1082  }
0x22: {  	[simem:s7], [sflag:s8] =	dma.local @!p0 [hbm:s6], $0xF7A  }
0x23: {  	s9 =	sor.u32 $0xD0000000, s2;
	s6 =	simm.s32 $0x108;
	_ =	swait.ge @!p0 [sflag:s8], $0x0  }
0x24: {  	s3 =	sadd.s32 $0x88, s3;
	s6 =	simm.s32 @!p1 $0x1082;
	[sflag:s4] =	ssyncset.s32 $0xFFFFF086  }
0x25: {  	[simem:s6], [sflag:s4] =	dma.local [hbm:s3], $0xF7A  }
0x26: {  	[smem:$0x3F8F] =	sst s1;
	(tag) =	ssettag s2;
	_ =	strace s9  }
0x27: {  	s1 =	sld [smem:$0x3F9F]  }
0x28: {  	s2 =	sld [smem:$0x3FA0]  }
0x29: {  	s4 =	sld [smem:$0x3FA2]  }
0x2a: {  	p0 =	seq.s32 s5, $0x0;
	s5 =	sld [smem:$0x3FA3]  }
0x2b: {  	s6 =	sld [smem:$0x3FA4]  }
0x2c: {  	s7 =	sld [smem:$0x3FA5]  }
0x2d: {  	s3 =	simm.s32 $0x108;
	s8 =	sld [smem:$0x3FA6]  }
0x2e: {  	s3 =	simm.s32 @!p0 $0x1082;
	s9 =	sld [smem:$0x3FA7]  }
0x2f: {  	lr =	sadd.s32 s0, s3;
	s0 =	sld [smem:$0x3F9E]  }
0x30: {  	s3 =	sld [smem:$0x3FA1]  }
0x31: {  	[smem:$0x3FAA] =	sst s10  }
0x32: {  	s10 =	sld [smem:$0x3FA8];
	_ =	sdelay $0x3  }
0x33: {  	p0 =	seq.s32 s10, $0x1;
	s10 =	sld [smem:$0x3FAA];
	_ =	sdelay $0x3  }
0x34: {  	[smem:$0x3FAA] =	sst s10  }
0x35: {  	s10 =	sld [smem:$0x3FA9];
	_ =	sdelay $0x3  }
0x36: {  	p1 =	seq.s32 s10, $0x1;
	s10 =	sld [smem:$0x3FAA];
	_ =	sdelay $0x3  }
0x37: {  	[smem:$0x3FAA] =	sst s10  }
0x38: {  	s10 =	sld [smem:$0x3FAB]  }
0x39: {  	_ = 	snop;
	(pc) =	sbr.ind lr, $3  }
0x3a: {  	_ = 	snop  }
0x3b: {  	_ = 	snop  }
0x3c: {  	p2 =	seq.s32 s10, $0x1;
	s10 =	sld [smem:$0x3FAA]  }
0x3d: {  	_ =	shalt  }
0x3e: {  	_ =	shalt  }
0x3f: {  	_ =	shalt  }
0x40: {  	_ =	shalt  }
0x41: {  	_ =	shalt  }
0x42: {  	_ =	shalt  }
0x43: {  	_ =	shalt  }
0x44: {  	_ =	shalt  }
0x45: {  	_ =	shalt  }
0x46: {  	_ =	shalt  }
0x47: {  	_ =	shalt  }
0x48: {  	_ =	shalt  }
0x49: {  	_ =	shalt  }
0x4a: {  	_ =	shalt  }
0x4b: {  	_ =	shalt  }
0x4c: {  	_ =	shalt  }
0x4d: {  	_ =	shalt  }
0x4e: {  	_ =	shalt  }
0x4f: {  	_ =	shalt  }
0x50: {  	_ =	shalt  }
0x51: {  	_ =	shalt  }
0x52: {  	_ =	shalt  }
0x53: {  	_ =	shalt  }
0x54: {  	_ =	shalt  }
0x55: {  	_ =	shalt  }
0x56: {  	_ =	shalt  }
0x57: {  	_ =	shalt  }
0x58: {  	_ =	shalt  }
0x59: {  	_ =	shalt  }
0x5a: {  	_ =	shalt  }
0x5b: {  	_ =	shalt  }
0x5c: {  	_ =	shalt  }
0x5d: {  	_ =	shalt  }
0x5e: {  	_ =	shalt  }
0x5f: {  	_ =	shalt  }
0x60: {  	_ =	shalt  }
0x61: {  	_ =	shalt  }
0x62: {  	_ =	shalt  }
0x63: {  	_ =	shalt  }
0x64: {  	_ =	shalt  }
0x65: {  	_ =	shalt  }
0x66: {  	_ =	shalt  }
0x67: {  	_ =	shalt  }
0x68: {  	_ =	shalt  }
0x69: {  	_ =	shalt  }
0x6a: {  	_ =	shalt  }
0x6b: {  	_ =	shalt  }
0x6c: {  	_ =	shalt  }
0x6d: {  	_ =	shalt  }
0x6e: {  	_ =	shalt  }
0x6f: {  	_ =	shalt  }
0x70: {  	_ =	shalt  }
0x71: {  	_ =	shalt  }
0x72: {  	_ =	shalt  }
0x73: {  	_ =	shalt  }
0x74: {  	_ =	shalt  }
0x75: {  	_ =	shalt  }
0x76: {  	_ =	shalt  }
0x77: {  	_ =	shalt  }
0x78: {  	_ =	shalt  }
0x79: {  	_ =	shalt  }
0x7a: {  	_ =	shalt  }
0x7b: {  	_ =	shalt  }
0x7c: {  	_ =	shalt  }
0x7d: {  	_ =	shalt  }
0x7e: {  	_ =	shalt  }
0x7f: {  	_ =	shalt  }
0x80: {  	_ =	shalt  }
0x81: {  	_ =	shalt  }
0x82: {  	_ =	shalt  }
0x83: {  	_ =	shalt  }
0x84: {  	_ =	shalt  }
0x85: {  	_ =	shalt  }
0x86: {  	_ =	shalt  }
0x87: {  	_ =	shalt  }
.Lfunc_end0:
.L_simem_size_0:
called_computation.3_lowered:
.L_overlay_start_0:
0x88: {  	s2 =	sld [smem:$0x3FD9]  }
0x89: {  	s3 =	sld [smem:$0x3FFE];
	_ =	sdelay $0x1  }
0x8a: {  	s1 =	srdreg.scid  }
0x8b: {  	s0 =	sand.u32 $0x1, s1  }
0x8c: {  	s16 =	sshll.u32 s0, $0xA;
	s2 =	sadd.s32 s3, s2  }
0x8d: {  	s2 =	sadd.s32 s2, s16  }
0x8e: {  	[smem:$0x3FB6] =	sst s2  }
0x8f: {  	_ = 	snop  }
0x90: {  	(tm) =	ssettm $0x1  }
0x91: {  	s17 =	sld [smem:$0x3FFB];
	_ =	sdelay $0x3  }
0x92: {  	_ =	strace s17  }
0x93: {  	s2 =	sld [smem:$0x3FFC];
	_ =	sdelay $0x3  }
0x94: {  	_ =	strace s2  }
0x95: {  	s2 =	sld [smem:$0x3FFD];
	_ =	sdelay $0x3  }
0x96: {  	_ =	strace s2  }
0x97: {  	_ =	strace $0x8FFFFFFF  }
0x98: {  	s18 =	sld [smem:$0x3FDB];
	_ =	sdelay $0x1  }
0x99: {  	s19 =	simm.s32 $_scs_section_size  }
0x9a: {  	s4 =	simm.s32 $_size__tile_overlayer_lowered;
	s5 =	simm.s32 $_tile_overlayer_lowered  }
0x9b: {  	s22 =	simm.s32 $0x1BFF;
	s21 =	sshll.u32 s5, $0x1;
	s2 =	sadd.s32 s19, s18  }
0x9c: {  	s6 =	simm.s32 $0x0;
	s20 =	sshll.u32 s4, $0x1;
	s4 =	sadd.s32 s21, s2  }
0x9d: {  	[timem:s6], [sflag:s22] =	dma.local [hbm:s4], s20  }
0x9e: {  	_ =	swait.ge [sflag:s22], s20  }
0x9f: {  	s3 =	ssub.s32 $0x0, s20;
	[sflag:s22] =	ssyncset.done $0x0  }
0xa0: {  	[sflag:s22] =	ssyncadd.s32 s3;
	_ =	sdelay $0x1  }
0xa1: {  	s23 =	simm.s32 $0x1B8B  }
0xa2: {  	_ =	swait.ge [sflag:s23], $0x1  }
0xa3: {  	[sflag:s23] =	ssyncset.done $0x0  }
0xa4: {  	s25 =	simm.s32 $0x1B8E;
	s24 =	sld [smem:$0x3FFE];
	[sflag:s23] =	ssyncadd.s32 $0xFFFFFFFF  }
0xa5: {  	s26 =	simm.s32 $execute0_lowered;
	[smem:$0x3FD2] =	sst s25  }
0xa6: {  	s4 =	sshll.u32 s26, $0x1;
	_ =	strace $0x8000004F;
	[dreg:$0x1] =	wrdreg $0xFFFFFFFF  }
0xa7: {  	s28 =	simm.s32 $_size_execute0_lowered;
	s2 =	sadd.s32 s2, s4;
	[dreg:$0x0] =	wrdreg $0x0  }
0xa8: {  	s4 =	sshll.u32 s28, $0x1;
	[dreg:$0x2] =	wrdreg s2  }
0xa9: {  	[dreg:$0x3] =	wrdreg s4  }
0xaa: {  	[dreg:$0x4] =	wrdreg $0xC0  }
0xab: {  	_ =	task [dreg:s6], $0x5FFFF  }
0xac: {  	[dreg:$0x1] =	wrdreg $0xFFFFFFFF  }
0xad: {  	[dreg:$0x0] =	wrdreg $0x60  }
0xae: {  	[dreg:$0x2] =	wrdreg s24  }
0xaf: {  	[dreg:$0x3] =	wrdreg $0x70000  }
0xb0: {  	[dreg:$0x4] =	wrdreg $0x9  }
0xb1: {  	_ =	task.clear_ibuf [dreg:s6], $0x5FFFF;
	_ =	strace $0x9000004F  }
0xb2: {  	s29 =	simm.s32 $0x9;
	_ =	strace $0x80000051  }
0xb3: {  	_ =	swait.ge [sflag:s29], $0x1  }
0xb4: {  	[sflag:s29] =	ssyncadd.s32 $0xFFFFFFFF  }
0xb5: {  	_ =	strace $0x90000051  }
0xb6: {  	_ =	sfence  }
0xb7: {  	s30 =	sld [smem:$0x0];
	_ =	sdelay $0x2  }
0xb8: {  	s31 =	sshll.u32 s1, $0xD;
	s1 =	sshrl.u32 s1, $0x2  }
0xb9: {  	s3 =	sand.u32 $0x4000, s31;
	s1 =	sadd.s32 s1, s30  }
0xba: {  	s0 =	sor.u32 s3, s0;
	s1 =	sshll.u32 s1, $0x11  }
0xbb: {  	s0 =	sor.u32 s1, s0  }
0xbc: {  	s0 =	sadd.s32 $0x8F2B, s0  }
0xbd: {  	[sflag:s0] =	ssyncadd.remote.s32 $0x1  }
0xbe: {  	_ =	sfence.sel $0xFFFF  }
0xbf: {  	[dreg:$0x0] =	wrdreg $0xFFFFFFFF;
	(pc) =	sbr.abs _section_cstart, $3  }
0xc0: {  	[dreg:$0x1] =	wrdreg $0xFFFFFFFF  }
0xc1: {  	_ =	task.clear_ibuf [dreg:s6], $0x2FFFF;
	_ =	strace $0x9FFFFFFF  }
0xc2: {  	(tm) =	ssettm $0x7FFFFFFF  }
0xc3: {  	_ =	shalt  }
tec
execute0_lowered:
.L_overlay_start_1:
0x0: {  	(tag) =	ssettag $0x1  }
0x1: {  	s0 =	rddreg [dreg:$0x0]  }
0x2: {  	s1 =	rddreg [dreg:$0x1];
	s2 =	simm.s32 $0x0;
	s3 =	srdreg.scid  }
0x3: {  	s11 =	stileid.u32;
	s28 =	simm.s32 $0x1;
	s29 =	simm.s32 $0x1000  }
0x4: {  	s30 =	simm.s32 $0x50;
	s31 =	simm.s32 $0x4800;
	[smem:$0x7FF] =	sst s2  }
0x5: {  	s4 =	sadd.s32 $0x25000, s0;
	s3 =	sand.u32 $0x1, s3;
	s5 =	sadd.s32 $0x15000, s0  }
0x6: {  	s6 =	sadd.s32 $0x5000, s0;
	s9 =	smul.u32 $0x50000, s11;
	s0 =	sadd.s32 $0x4C200, s0  }
0x7: {  	s26 =	sshll.u32 s11, $0xB;
	s16 =	smul.u32 $0x14000, s11;
	_ =	strace $0x80000050  }
0x8: {  	s7 =	ssub.s32 $0x2, s3;
	s25 =	sshll.u32 s3, $0xF;
	s3 =	smul.u32 $0x140000, s3  }
0x9: {  	s8 =	sshrl.u32 s7, $0x1;
	s9 =	sshrl.u32 s9, $0x2;
	s13 =	sor.u32 $0x2800, s16  }
0xa: {  	s17 =	sadd.s32 $0x5000, s16;
	s18 =	sadd.s32 $0x7800, s16;
	s19 =	sadd.s32 $0xA000, s16  }
0xb: {  	s20 =	sadd.s32 $0xC800, s16;
	s21 =	sadd.s32 $0xF000, s16;
	s10 =	ssub.s32 s7, s8  }
0xc: {  	s7 =	sor.u32 s26, s25;
	s8 =	sadd.s32 s9, s1;
	s23 =	sadd.s32 s13, s1  }
0xd: {  	s24 =	sadd.s32 s17, s1;
	s22 =	sadd.s32 s18, s1;
	s25 =	sadd.s32 s19, s1  }
0xe: {  	s14 =	sadd.s32 s20, s1;
	s15 =	sadd.s32 s21, s1;
	s9 =	sadd.s32 s3, s13  }
0xf: {  	s17 =	sadd.s32 s3, s17;
	s18 =	sadd.s32 s3, s18;
	s19 =	sadd.s32 s3, s19  }
0x10: {  	s20 =	sadd.s32 s3, s20;
	s21 =	sadd.s32 s3, s21;
	[dreg:$0x4] =	wrdreg s22  }
0x11: {  	s12 =	smax.u32 s10, $0x1;
	[dreg:$0x5] =	wrdreg s25;
	s22 =	sadd.s32 s3, s16  }
0x12: {  	s16 =	sadd.s32 $0x11800, s16;
	s9 =	sshrl.u32 s9, $0x3;
	s11 =	sshrl.u32 s17, $0x3  }
0x13: {  	s13 =	sshrl.u32 s19, $0x3;
	s25 =	sshrl.u32 s21, $0x3;
	[dreg:$0x3] =	wrdreg s12  }
0x14: {  	s22 =	sshrl.u32 s22, $0x3;
	s3 =	sadd.s32 s3, s16;
	s9 =	sadd.s32 s0, s9  }
0x15: {  	s16 =	sadd.s32 s16, s1;
	s19 =	sadd.s32 s0, s13;
	[dreg:$0x7] =	wrdreg s9  }
0x16: {  	s12 =	sshrl.u32 s18, $0x3;
	s26 =	sadd.s32 s0, s22;
	[dreg:$0xa] =	wrdreg s19  }
0x17: {  	s18 =	simm.s32 $0x1F80;
	s9 =	sadd.s32 s0, s11;
	[dreg:$0x6] =	wrdreg s26  }
0x18: {  	s17 =	sadd.s32 s0, s12;
	s22 =	sshrl.u32 s20, $0x3;
	[dreg:$0x8] =	wrdreg s9  }
0x19: {  	s3 =	sshrl.u32 s3, $0x3;
	[dreg:$0x9] =	wrdreg s17;
	s9 =	sadd.s32 s0, s22  }
0x1a: {  	s19 =	simm.s32 $0x0;
	s26 =	sadd.s32 s0, s25;
	[dreg:$0xb] =	wrdreg s9  }
0x1b: {  	s0 =	sadd.s32 s0, s3;
	s25 =	simm.s32 $0x2000;
	[dreg:$0xc] =	wrdreg s26  }
0x1c: {  	s3 =	simm.s32 $0x3;
	s17 =	simm.s32 $0x1F00;
	[dreg:$0xd] =	wrdreg s0  }
0x1d: {  	v0 =	vimm.f32 $0.0e+00;
	s26 =	simm.s32 $0x4;
	s0 =	simm.s32 $0x2;
	s9 =	simm.s32 $0xF80  }
.LBB2_1:
0x1e: {  	s20 =	simm.s32 $0x70;
	s21 =	simm.s32 $0x3C0  }
.LBB2_2:
0x1f: {  	p0 =	sne.s32 s21, $0x9FC0;
	[tilespmem:s20+$0x2000] =	vst v0  }
0x20: {  	[tilespmem:s20+$0x1F90] =	vst v0  }
0x21: {  	[tilespmem:s20+$0x1FA0] =	vst v0  }
.Ltmp0:
0x22: {  	[tilespmem:s20+$0x1FB0] =	vst v0;
	(pc) =	sbr.rel @p0 .LBB2_2-.Ltmp0, $4  }
0x23: {  	[tilespmem:s20+$0x1FC0] =	vst v0  }
0x24: {  	[tilespmem:s20+$0x1FD0] =	vst v0  }
0x25: {  	[tilespmem:s20+$0x1FE0] =	vst v0  }
0x26: {  	[tilespmem:s20+$0x1FF0] =	vst v0;
	s20 =	sshra.s32 s21, $0x2;
	s21 =	sadd.s32 $0x200, s21  }
0x27: {  	[tilespmem:s20+$0x2000] =	vst v0  }
0x28: {  	[tilespmem:s20+$0x1F90] =	vst v0  }
0x29: {  	[tilespmem:s20+$0x1FA0] =	vst v0  }
0x2a: {  	[tilespmem:s20+$0x1FB0] =	vst v0  }
0x2b: {  	[tilespmem:s20+$0x1FC0] =	vst v0  }
0x2c: {  	[tilespmem:s20+$0x1FD0] =	vst v0  }
0x2d: {  	[tilespmem:s20+$0x1FE0] =	vst v0  }
0x2e: {  	[tilespmem:s20+$0x1FF0] =	vst v0  }
0x2f: {  	[spmem:s8] =	stream.linear.scatter [tilespmem:s25], [sflag:$0x4], $0x2800, $0x38;
	[tilespmem:$0x1B000] =	vst v63  }
0x30: {  	_ =	swait.ge [sflag:s26], $0x2800  }
0x31: {  	[sflag:s26] =	ssyncset.done $0x0  }
0x32: {  	[sflag:s26] =	ssyncadd.s32 $0xFFFFD800  }
0x33: {  	[spmem:s23] =	stream.linear.scatter [tilespmem:s25], [sflag:$0x4], $0x2800, $0x38;
	[tilespmem:$0x1B000] =	vst v63  }
0x34: {  	_ =	swait.ge [sflag:s26], $0x2800  }
0x35: {  	[sflag:s26] =	ssyncset.done $0x0  }
0x36: {  	[sflag:s26] =	ssyncadd.s32 $0xFFFFD800  }
0x37: {  	[spmem:s24] =	stream.linear.scatter [tilespmem:s25], [sflag:$0x4], $0x2800, $0x38;
	[tilespmem:$0x1B000] =	vst v63  }
0x38: {  	_ =	swait.ge [sflag:s26], $0x2800  }
0x39: {  	[sflag:s26] =	ssyncset.done $0x0  }
0x3a: {  	s12 =	smov.u32 s23;
	s23 =	rddreg [dreg:$0x4];
	[sflag:s26] =	ssyncadd.s32 $0xFFFFD800  }
0x3b: {  	[spmem:s23] =	stream.linear.scatter [tilespmem:s25], [sflag:$0x4], $0x2800, $0x38;
	[tilespmem:$0x1B000] =	vst v63  }
0x3c: {  	_ =	swait.ge [sflag:s26], $0x2800  }
0x3d: {  	[sflag:s26] =	ssyncset.done $0x0  }
0x3e: {  	s13 =	smov.u32 s24;
	s24 =	rddreg [dreg:$0x5];
	[sflag:s26] =	ssyncadd.s32 $0xFFFFD800  }
0x3f: {  	[spmem:s24] =	stream.linear.scatter [tilespmem:s25], [sflag:$0x4], $0x2800, $0x38;
	[tilespmem:$0x1B000] =	vst v63  }
0x40: {  	_ =	swait.ge [sflag:s26], $0x2800  }
0x41: {  	[sflag:s26] =	ssyncset.done $0x0  }
0x42: {  	[sflag:s26] =	ssyncadd.s32 $0xFFFFD800  }
0x43: {  	[spmem:s14] =	stream.linear.scatter [tilespmem:s25], [sflag:$0x4], $0x2800, $0x38;
	[tilespmem:$0x1B000] =	vst v63  }
0x44: {  	_ =	swait.ge [sflag:s26], $0x2800  }
0x45: {  	[sflag:s26] =	ssyncset.done $0x0  }
0x46: {  	[sflag:s26] =	ssyncadd.s32 $0xFFFFD800  }
0x47: {  	[spmem:s15] =	stream.linear.scatter [tilespmem:s25], [sflag:$0x4], $0x2800, $0x38;
	[tilespmem:$0x1B000] =	vst v63  }
0x48: {  	_ =	swait.ge [sflag:s26], $0x2800  }
0x49: {  	[sflag:s26] =	ssyncset.done $0x0  }
0x4a: {  	[sflag:s26] =	ssyncadd.s32 $0xFFFFD800  }
0x4b: {  	[spmem:s16] =	stream.linear.scatter [tilespmem:s25], [sflag:$0x4], $0x2800, $0x38;
	[tilespmem:$0x1B000] =	vst v63  }
0x4c: {  	_ =	swait.ge [sflag:s26], $0x2800  }
0x4d: {  	[sflag:s26] =	ssyncset.done $0x0  }
0x4e: {  	s11 =	smov.u32 s8;
	[sflag:s26] =	ssyncadd.s32 $0xFFFFD800  }
0x4f: {  	s20 =	simm.s32 $0x0;
	s21 =	simm.s32 $0x0;
	[bflag:$0x0] =	sbarrier.arrive $0xFFFF  }
.LBB2_4:
0x50: {  	s22 =	sshll.u32 s21, $0x9  }
0x51: {  	s22 =	sadd.s32 s7, s22  }
0x52: {  	s23 =	sadd.s32 s5, s22  }
0x53: {  	[tilespmem:s20], [sflag:$0x1] =	stream.linear.gather [hbm4b:s23+s20], $0x1000, $0x38;
	[tilespmem:$0x1B000] =	vst v63  }
0x54: {  	_ =	swait.ge [sflag:s28], $0x1000  }
0x55: {  	[sflag:s28] =	ssyncset.done $0x0  }
0x56: {  	s22 =	sadd.s32 s6, s22;
	[sflag:s28] =	ssyncadd.s32 $0xFFFFF000  }
0x57: {  	[tilespmem:s29], [sflag:$0x1] =	stream.linear.gather [hbm4b:s22+s20], $0x1000, $0x38;
	[tilespmem:$0x1B000] =	vst v63  }
0x58: {  	_ =	swait.ge [sflag:s28], $0x1000  }
0x59: {  	[sflag:s28] =	ssyncset.done $0x0  }
0x5a: {  	[sflag:s28] =	ssyncadd.s32 $0xFFFFF000  }
0x5b: {  	[tilespmem:s25], [sflag:$0x2] =	stream.indirect.gather [hbm4b:s4+s30], $0x80, s20, s30, $0xb8;
	[tilespmem:$0x1B000] =	vst v63  }
0x5c: {  	s8 =	simm.s32 $0x80  }
0x5d: {  	[tilespmem:s31], [sflag:$0x3] =	stream.indirect.gather [hbm4b:s4+s30], $0x80, s8, s30, $0xb8;
	[tilespmem:$0x1B000] =	vst v63  }
0x5e: {  	_ =	swait.ge [sflag:s0], $0x2800  }
0x5f: {  	[sflag:s0] =	ssyncset.done $0x0  }
0x60: {  	s10 =	simm.s32 $0x1000;
	[sflag:s0] =	ssyncadd.s32 $0xFFFFD800  }
0x61: {  	[spmem:s1] =	stream.indirect.scatter.add.f32 [tilespmem:s25], [sflag:$0x4], $0x80, s10, s30, $0xb8;
	[tilespmem:$0x1B000] =	vst v63  }
0x62: {  	_ =	swait.ge [sflag:s26], $0x2800  }
0x63: {  	[sflag:s26] =	ssyncset.done $0x0  }
0x64: {  	s23 =	simm.s32 $0x100;
	[sflag:s26] =	ssyncadd.s32 $0xFFFFD800  }
0x65: {  	[tilespmem:s25], [sflag:$0x2] =	stream.indirect.gather [hbm4b:s4+s30], $0x80, s23, s30, $0xb8;
	[tilespmem:$0x1B000] =	vst v63  }
0x66: {  	_ =	swait.ge [sflag:s3], $0x2800  }
0x67: {  	[sflag:s3] =	ssyncset.done $0x0  }
0x68: {  	s24 =	simm.s32 $0x1080;
	[sflag:s3] =	ssyncadd.s32 $0xFFFFD800  }
0x69: {  	[spmem:s1] =	stream.indirect.scatter.add.f32 [tilespmem:s31], [sflag:$0x4], $0x80, s24, s30, $0xb8;
	[tilespmem:$0x1B000] =	vst v63  }
0x6a: {  	_ =	swait.ge [sflag:s26], $0x2800  }
0x6b: {  	s22 =	simm.s32 $0x100;
	s23 =	simm.s32 $0x800;
	[sflag:s26] =	ssyncset.done $0x0  }
.LBB2_5:
0x6c: {  	s24 =	sadd.s32 $0x80, s22  }
0x6d: {  	[sflag:s26] =	ssyncadd.s32 $0xFFFFD800;
	s8 =	smov.u32 s23;
	s10 =	sadd.s32 $0x400, s23  }
0x6e: {  	[tilespmem:s31], [sflag:$0x3] =	stream.indirect.gather [hbm4b:s4+s30], $0x80, s24, s30, $0xb8;
	[tilespmem:$0x1B000] =	vst v63  }
0x6f: {  	p0 =	sne.s32 s23, $0x3800;
	_ =	swait.ge [sflag:s0], $0x2800  }
0x70: {  	[sflag:s0] =	ssyncset.done $0x0  }
0x71: {  	s23 =	sadd.s32 $0x1000, s22;
	[sflag:s0] =	ssyncadd.s32 $0xFFFFD800  }
0x72: {  	[spmem:s1] =	stream.indirect.scatter.add.f32 [tilespmem:s25], [sflag:$0x4], $0x80, s23, s30, $0xb8;
	[tilespmem:$0x1B000] =	vst v63  }
0x73: {  	_ =	swait.ge [sflag:s26], $0x2800  }
0x74: {  	[sflag:s26] =	ssyncset.done $0x0  }
0x75: {  	s23 =	sadd.s32 $0x100, s22;
	[sflag:s26] =	ssyncadd.s32 $0xFFFFD800  }
0x76: {  	[tilespmem:s25], [sflag:$0x2] =	stream.indirect.gather [hbm4b:s4+s30], $0x80, s23, s30, $0xb8;
	[tilespmem:$0x1B000] =	vst v63  }
0x77: {  	_ =	swait.ge [sflag:s3], $0x2800  }
.Ltmp1:
0x78: {  	[sflag:s3] =	ssyncset.done $0x0;
	(pc) =	sbr.rel @p0 .LBB2_5-.Ltmp1, $4  }
0x79: {  	s22 =	sadd.s32 $0x1080, s22;
	[sflag:s3] =	ssyncadd.s32 $0xFFFFD800  }
0x7a: {  	[spmem:s1] =	stream.indirect.scatter.add.f32 [tilespmem:s31], [sflag:$0x4], $0x80, s22, s30, $0xb8;
	[tilespmem:$0x1B000] =	vst v63  }
0x7b: {  	_ =	swait.ge [sflag:s26], $0x2800  }
0x7c: {  	s23 =	smov.u32 s10;
	s22 =	sshra.s32 s8, $0x2;
	[sflag:s26] =	ssyncset.done $0x0  }
0x7d: {  	s8 =	sadd.s32 $0x80, s22;
	[sflag:s26] =	ssyncadd.s32 $0xFFFFD800  }
0x7e: {  	[tilespmem:s31], [sflag:$0x3] =	stream.indirect.gather [hbm4b:s4+s30], $0x80, s8, s30, $0xb8;
	[tilespmem:$0x1B000] =	vst v63  }
0x7f: {  	_ =	swait.ge [sflag:s0], $0x2800  }
0x80: {  	[sflag:s0] =	ssyncset.done $0x0  }
0x81: {  	s10 =	sadd.s32 $0x1000, s22;
	[sflag:s0] =	ssyncadd.s32 $0xFFFFD800  }
0x82: {  	[spmem:s1] =	stream.indirect.scatter.add.f32 [tilespmem:s25], [sflag:$0x4], $0x80, s10, s30, $0xb8;
	[tilespmem:$0x1B000] =	vst v63  }
0x83: {  	_ =	swait.ge [sflag:s26], $0x2800  }
0x84: {  	[sflag:s26] =	ssyncset.done $0x0  }
0x85: {  	s23 =	sadd.s32 $0x100, s22;
	[sflag:s26] =	ssyncadd.s32 $0xFFFFD800  }
0x86: {  	[tilespmem:s25], [sflag:$0x2] =	stream.indirect.gather [hbm4b:s4+s30], $0x80, s23, s30, $0xb8;
	[tilespmem:$0x1B000] =	vst v63  }
0x87: {  	_ =	swait.ge [sflag:s3], $0x2800  }
0x88: {  	[sflag:s3] =	ssyncset.done $0x0  }
0x89: {  	s24 =	sadd.s32 $0x1080, s22;
	[sflag:s3] =	ssyncadd.s32 $0xFFFFD800  }
0x8a: {  	[spmem:s1] =	stream.indirect.scatter.add.f32 [tilespmem:s31], [sflag:$0x4], $0x80, s24, s30, $0xb8;
	[tilespmem:$0x1B000] =	vst v63  }
0x8b: {  	_ =	swait.ge [sflag:s26], $0x2800  }
0x8c: {  	[sflag:s26] =	ssyncset.done $0x0  }
0x8d: {  	[sflag:s26] =	ssyncadd.s32 $0xFFFFD800  }
0x8e: {  	[tilespmem:s31], [sflag:$0x3] =	stream.indirect.gather [hbm4b:s4+s30], $0x80, s9, s30, $0xb8;
	[tilespmem:$0x1B000] =	vst v63  }
0x8f: {  	_ =	swait.ge [sflag:s0], $0x2800  }
0x90: {  	[sflag:s0] =	ssyncset.done $0x0  }
0x91: {  	[sflag:s0] =	ssyncadd.s32 $0xFFFFD800  }
0x92: {  	[spmem:s1] =	stream.indirect.scatter.add.f32 [tilespmem:s25], [sflag:$0x4], $0x80, s17, s30, $0xb8;
	[tilespmem:$0x1B000] =	vst v63  }
0x93: {  	_ =	swait.ge [sflag:s26], $0x2800  }
0x94: {  	[sflag:s26] =	ssyncset.done $0x0  }
0x95: {  	[sflag:s26] =	ssyncadd.s32 $0xFFFFD800  }
0x96: {  	s21 =	sadd.s32 $0x1, s21;
	_ =	swait.ge [sflag:s3], $0x2800  }
0x97: {  	p0 =	sne.s32 s21, $0x4;
	[sflag:s3] =	ssyncset.done $0x0  }
.Ltmp2:
0x98: {  	[sflag:s3] =	ssyncadd.s32 $0xFFFFD800;
	(pc) =	sbr.rel @p0 .LBB2_4-.Ltmp2, $4  }
0x99: {  	[spmem:s1] =	stream.indirect.scatter.add.f32 [tilespmem:s31], [sflag:$0x4], $0x80, s18, s30, $0xb8;
	[tilespmem:$0x1B000] =	vst v63  }
0x9a: {  	_ =	swait.ge [sflag:s26], $0x2800  }
0x9b: {  	[sflag:s26] =	ssyncset.done $0x0  }
0x9c: {  	[sflag:s26] =	ssyncadd.s32 $0xFFFFD800  }
0x9d: {  	[bflag:$0x0] =	sbarrier.arrive $0xFFFF  }
0x9e: {  	[tilespmem:s25], [sflag:$0x4] =	stream.linear.gather [spmem:s11], $0x2800, $0x38;
	[tilespmem:$0x1B000] =	vst v63  }
0x9f: {  	_ =	swait.ge [sflag:s26], $0x2800  }
0xa0: {  	[sflag:s26] =	ssyncset.done $0x0  }
0xa1: {  	s10 =	rddreg [dreg:$0x6];
	[sflag:s26] =	ssyncadd.s32 $0xFFFFD800  }
0xa2: {  	[hbm4b:s10+s2] =	stream.linear.scatter [tilespmem:s25], [sflag:$0x4], $0x2800, $0x38;
	[tilespmem:$0x1B000] =	vst v63  }
0xa3: {  	_ =	swait.ge [sflag:s26], $0x2800  }
0xa4: {  	[sflag:s26] =	ssyncset.done $0x0  }
0xa5: {  	[sflag:s26] =	ssyncadd.s32 $0xFFFFD800  }
0xa6: {  	[tilespmem:s25], [sflag:$0x4] =	stream.linear.gather [spmem:s12], $0x2800, $0x38;
	[tilespmem:$0x1B000] =	vst v63  }
0xa7: {  	_ =	swait.ge [sflag:s26], $0x2800  }
0xa8: {  	[sflag:s26] =	ssyncset.done $0x0  }
0xa9: {  	s23 =	smov.u32 s12;
	s12 =	rddreg [dreg:$0x7];
	[sflag:s26] =	ssyncadd.s32 $0xFFFFD800  }
0xaa: {  	[hbm4b:s12+s2] =	stream.linear.scatter [tilespmem:s25], [sflag:$0x4], $0x2800, $0x38;
	[tilespmem:$0x1B000] =	vst v63  }
0xab: {  	_ =	swait.ge [sflag:s26], $0x2800  }
0xac: {  	[sflag:s26] =	ssyncset.done $0x0  }
0xad: {  	[sflag:s26] =	ssyncadd.s32 $0xFFFFD800  }
0xae: {  	[tilespmem:s25], [sflag:$0x4] =	stream.linear.gather [spmem:s13], $0x2800, $0x38;
	[tilespmem:$0x1B000] =	vst v63  }
0xaf: {  	_ =	swait.ge [sflag:s26], $0x2800  }
0xb0: {  	[sflag:s26] =	ssyncset.done $0x0  }
0xb1: {  	s20 =	rddreg [dreg:$0x8];
	[sflag:s26] =	ssyncadd.s32 $0xFFFFD800  }
0xb2: {  	[hbm4b:s20+s2] =	stream.linear.scatter [tilespmem:s25], [sflag:$0x4], $0x2800, $0x38;
	[tilespmem:$0x1B000] =	vst v63  }
0xb3: {  	_ =	swait.ge [sflag:s26], $0x2800  }
0xb4: {  	[sflag:s26] =	ssyncset.done $0x0  }
0xb5: {  	s21 =	rddreg [dreg:$0x4];
	[sflag:s26] =	ssyncadd.s32 $0xFFFFD800  }
0xb6: {  	[tilespmem:s25], [sflag:$0x4] =	stream.linear.gather [spmem:s21], $0x2800, $0x38;
	[tilespmem:$0x1B000] =	vst v63  }
0xb7: {  	_ =	swait.ge [sflag:s26], $0x2800  }
0xb8: {  	[sflag:s26] =	ssyncset.done $0x0  }
0xb9: {  	s22 =	rddreg [dreg:$0x9];
	[sflag:s26] =	ssyncadd.s32 $0xFFFFD800  }
0xba: {  	[hbm4b:s22+s2] =	stream.linear.scatter [tilespmem:s25], [sflag:$0x4], $0x2800, $0x38;
	[tilespmem:$0x1B000] =	vst v63  }
0xbb: {  	_ =	swait.ge [sflag:s26], $0x2800  }
0xbc: {  	[sflag:s26] =	ssyncset.done $0x0  }
0xbd: {  	s8 =	smov.u32 s11;
	s11 =	rddreg [dreg:$0x5];
	[sflag:s26] =	ssyncadd.s32 $0xFFFFD800  }
0xbe: {  	[tilespmem:s25], [sflag:$0x4] =	stream.linear.gather [spmem:s11], $0x2800, $0x38;
	[tilespmem:$0x1B000] =	vst v63  }
0xbf: {  	_ =	swait.ge [sflag:s26], $0x2800  }
0xc0: {  	[sflag:s26] =	ssyncset.done $0x0  }
0xc1: {  	s12 =	rddreg [dreg:$0xa];
	[sflag:s26] =	ssyncadd.s32 $0xFFFFD800  }
0xc2: {  	[hbm4b:s12+s2] =	stream.linear.scatter [tilespmem:s25], [sflag:$0x4], $0x2800, $0x38;
	[tilespmem:$0x1B000] =	vst v63  }
0xc3: {  	_ =	swait.ge [sflag:s26], $0x2800  }
0xc4: {  	[sflag:s26] =	ssyncset.done $0x0  }
0xc5: {  	[sflag:s26] =	ssyncadd.s32 $0xFFFFD800  }
0xc6: {  	[tilespmem:s25], [sflag:$0x4] =	stream.linear.gather [spmem:s14], $0x2800, $0x38;
	[tilespmem:$0x1B000] =	vst v63  }
0xc7: {  	_ =	swait.ge [sflag:s26], $0x2800  }
0xc8: {  	[sflag:s26] =	ssyncset.done $0x0  }
0xc9: {  	s24 =	smov.u32 s13;
	s13 =	rddreg [dreg:$0xb];
	[sflag:s26] =	ssyncadd.s32 $0xFFFFD800  }
0xca: {  	[hbm4b:s13+s2] =	stream.linear.scatter [tilespmem:s25], [sflag:$0x4], $0x2800, $0x38;
	[tilespmem:$0x1B000] =	vst v63  }
0xcb: {  	_ =	swait.ge [sflag:s26], $0x2800  }
0xcc: {  	[sflag:s26] =	ssyncset.done $0x0  }
0xcd: {  	[sflag:s26] =	ssyncadd.s32 $0xFFFFD800  }
0xce: {  	[tilespmem:s25], [sflag:$0x4] =	stream.linear.gather [spmem:s15], $0x2800, $0x38;
	[tilespmem:$0x1B000] =	vst v63  }
0xcf: {  	_ =	swait.ge [sflag:s26], $0x2800  }
0xd0: {  	[sflag:s26] =	ssyncset.done $0x0  }
0xd1: {  	s20 =	rddreg [dreg:$0xc];
	[sflag:s26] =	ssyncadd.s32 $0xFFFFD800  }
0xd2: {  	[hbm4b:s20+s2] =	stream.linear.scatter [tilespmem:s25], [sflag:$0x4], $0x2800, $0x38;
	[tilespmem:$0x1B000] =	vst v63  }
0xd3: {  	_ =	swait.ge [sflag:s26], $0x2800  }
0xd4: {  	[sflag:s26] =	ssyncset.done $0x0  }
0xd5: {  	[sflag:s26] =	ssyncadd.s32 $0xFFFFD800  }
0xd6: {  	[tilespmem:s25], [sflag:$0x4] =	stream.linear.gather [spmem:s16], $0x2800, $0x38;
	[tilespmem:$0x1B000] =	vst v63  }
0xd7: {  	_ =	swait.ge [sflag:s26], $0x2800  }
0xd8: {  	[sflag:s26] =	ssyncset.done $0x0  }
0xd9: {  	s21 =	rddreg [dreg:$0xd];
	[sflag:s26] =	ssyncadd.s32 $0xFFFFD800  }
0xda: {  	[hbm4b:s21+s2] =	stream.linear.scatter [tilespmem:s25], [sflag:$0x4], $0x2800, $0x38;
	[tilespmem:$0x1B000] =	vst v63  }
0xdb: {  	_ =	swait.ge [sflag:s26], $0x2800  }
0xdc: {  	s19 =	sadd.s32 $0x1, s19;
	s22 =	rddreg [dreg:$0x3]  }
0xdd: {  	p0 =	sne.s32 s19, s22  }
.Ltmp3:
0xde: {  	_ = 	snop;
	(pc) =	sbr.rel @p0 .LBB2_1-.Ltmp3, $3  }
0xdf: {  	_ =	sdelay $0x1  }
0xe0: {  	[sflag:s26] =	ssyncset.done $0x0  }
0xe1: {  	[sflag:s26] =	ssyncadd.s32 $0xFFFFD800  }
0xe2: {  	_ =	sfence.sel $0x180000  }
0xe3: {  	[bflag:$0x0] =	sbarrier.arrive $0xFFFF  }
0xe4: {  	_ =	strace $0x90000050  }
0xe5: {  	s0 =	stileid.u32;
	[bflag:$0x2] =	sbarrier.arrive $0xFFFF  }
0xe6: {  	p0 =	sne.s32 s0, $0x0;
	s0 =	rddreg [dreg:$0x2]  }
0xe7: {  	s0 =	sadd.s32 @!p0 $0x100000, s0  }
0xe8: {  	[sflag:s0] =	ssyncadd.tile.s32 @!p0 $0x1;
	_ =	shalt  }
.Lfunc_end2:
_tile_overlayer_lowered:
.L_overlay_start_2:
0xe9: {  	(tag) =	ssettag $0x2  }
0xea: {  	s0 =	rddreg [dreg:$0x0];
	s2 =	stileid.u32  }
0xeb: {  	s1 =	rddreg [dreg:$0x1];
	p0 =	sne.s32 s2, $0x0  }
0xec: {  	s3 =	rddreg [dreg:$0x2];
	[bflag:$0x3] =	sbarrier.arrive $0xFFFF;
	s2 =	simm.s32 @!p0 $0x1C04  }
0xed: {  	[timem:s3], [sflag:s2] =	dma.local @!p0 [hbm:s0], s1  }
0xee: {  	s0 =	simm.s32 @!p0 $0x4  }
0xef: {  	_ =	swait.ge @!p0 [sflag:s0], s1  }
0xf0: {  	s1 =	ssub.s32 @!p0 $0x0, s1;
	[sflag:s0] =	ssyncset.done @!p0 $0x0  }
0xf1: {  	[sflag:s0] =	ssyncadd.s32 @!p0 s1  }
0xf2: {  	[bflag:$0x3] =	sbarrier.arrive $0xFFFF  }
0xf3: {  	_ =	shalt  }

// kernel: kernel.28.cloned.1.call-start
scs
__scs_entry_jumppad:
0x0: {  	(pc) =	sbr.rel $0x88, $3  }
0x1: {  	(tag) =	ssettag $0x0;
	lr =	simm.s32 $0x1  }
0x2: {  	[smem:$0x3F8F] =	sst lr;
	_ =	strace $0xD0000000  }
0x3: {  	_ = 	snop  }
0x4: {  	_ = 	snop  }
0x5: {  	_ = 	snop  }
0x6: {  	_ = 	snop  }
0x7: {  	_ = 	snop  }
__scs_overlays_trampoline_lowered:
0x8: {  	[smem:$0x3F9E] =	sst s0  }
0x9: {  	[smem:$0x3F9F] =	sst s1  }
0xa: {  	[smem:$0x3FA0] =	sst s2  }
0xb: {  	[smem:$0x3FA1] =	sst s3  }
0xc: {  	[smem:$0x3FA2] =	sst s4  }
0xd: {  	[smem:$0x3FA3] =	sst s5  }
0xe: {  	[smem:$0x3FA4] =	sst s6  }
0xf: {  	[smem:$0x3FA5] =	sst s7  }
0x10: {  	[smem:$0x3FA6] =	sst s8  }
0x11: {  	[smem:$0x3FA7] =	sst s9;
	s0 =	simm.s32 @!p0 $0x0  }
0x12: {  	s1 =	sld [smem:$0x3F8D];
	s0 =	simm.s32 @p0 $0x1  }
0x13: {  	[smem:$0x3FA8] =	sst s0;
	s0 =	simm.s32 @!p1 $0x0  }
0x14: {  	s2 =	sld [smem:$0x3F8C];
	s0 =	simm.s32 @p1 $0x1  }
0x15: {  	[smem:$0x3FA9] =	sst s0;
	s0 =	simm.s32 @!p2 $0x0  }
0x16: {  	s3 =	sld [smem:$0x3FDB];
	s0 =	simm.s32 @p2 $0x1  }
0x17: {  	s4 =	simm.s32 $0x1BF5;
	[smem:$0x3FAB] =	sst s0  }
0x18: {  	s0 =	sld [smem:$0x3F8E];
	_ =	swait.ge [sflag:s4], $0x0  }
0x19: {  	s7 =	sld [smem:$0x3F8F]  }
0x1a: {  	s8 =	sadd.s32 $0xFFFFE003, lr  }
0x1b: {  	s9 =	sadd.s32 $0xFFFFFEF7, lr;
	s5 =	simm.s32 $0xFFFFFFFF;
	p2 =	slt.u32 s8, $0xFFFFF086  }
0x1c: {  	p1 =	slt.u32 s9, $0xF7A;
	s5 =	simm.s32 @!p2 $0x0  }
0x1d: {  	s5 =	simm.s32 @p1 $0x1;
	p0 =	seq.s32 s7, s2  }
0x1e: {  	s7 =	smul.u32 @!p0 $0xF7A, s2;
	p2 =	seq.s32 @!p0 s5, $0x0  }
0x1f: {  	s9 =	smul.u32 $0xF7A, s1;
	s8 =	simm.s32 @!p0 $0x1BF5;
	p2 =	por !p2, p0  }
0x20: {  	[sflag:s8] =	ssyncset.s32 @!p0 $0xFFFFF086;
	s6 =	sadd.s32 @!p0 s3, s7;
	s7 =	simm.s32 @!p0 $0x108  }
0x21: {  	s3 =	sadd.s32 s3, s9;
	s6 =	sadd.s32 @!p0 $0x88, s6;
	s7 =	simm.s32 @p2 $0x1082  }
0x22: {  	[simem:s7], [sflag:s8] =	dma.local @!p0 [hbm:s6], $0xF7A  }
0x23: {  	s9 =	sor.u32 $0xD0000000, s2;
	s6 =	simm.s32 $0x108;
	_ =	swait.ge @!p0 [sflag:s8], $0x0  }
0x24: {  	s3 =	sadd.s32 $0x88, s3;
	s6 =	simm.s32 @!p1 $0x1082;
	[sflag:s4] =	ssyncset.s32 $0xFFFFF086  }
0x25: {  	[simem:s6], [sflag:s4] =	dma.local [hbm:s3], $0xF7A  }
0x26: {  	[smem:$0x3F8F] =	sst s1;
	(tag) =	ssettag s2;
	_ =	strace s9  }
0x27: {  	s1 =	sld [smem:$0x3F9F]  }
0x28: {  	s2 =	sld [smem:$0x3FA0]  }
0x29: {  	s4 =	sld [smem:$0x3FA2]  }
0x2a: {  	p0 =	seq.s32 s5, $0x0;
	s5 =	sld [smem:$0x3FA3]  }
0x2b: {  	s6 =	sld [smem:$0x3FA4]  }
0x2c: {  	s7 =	sld [smem:$0x3FA5]  }
0x2d: {  	s3 =	simm.s32 $0x108;
	s8 =	sld [smem:$0x3FA6]  }
0x2e: {  	s3 =	simm.s32 @!p0 $0x1082;
	s9 =	sld [smem:$0x3FA7]  }
0x2f: {  	lr =	sadd.s32 s0, s3;
	s0 =	sld [smem:$0x3F9E]  }
0x30: {  	s3 =	sld [smem:$0x3FA1]  }
0x31: {  	[smem:$0x3FAA] =	sst s10  }
0x32: {  	s10 =	sld [smem:$0x3FA8];
	_ =	sdelay $0x3  }
0x33: {  	p0 =	seq.s32 s10, $0x1;
	s10 =	sld [smem:$0x3FAA];
	_ =	sdelay $0x3  }
0x34: {  	[smem:$0x3FAA] =	sst s10  }
0x35: {  	s10 =	sld [smem:$0x3FA9];
	_ =	sdelay $0x3  }
0x36: {  	p1 =	seq.s32 s10, $0x1;
	s10 =	sld [smem:$0x3FAA];
	_ =	sdelay $0x3  }
0x37: {  	[smem:$0x3FAA] =	sst s10  }
0x38: {  	s10 =	sld [smem:$0x3FAB]  }
0x39: {  	_ = 	snop;
	(pc) =	sbr.ind lr, $3  }
0x3a: {  	_ = 	snop  }
0x3b: {  	_ = 	snop  }
0x3c: {  	p2 =	seq.s32 s10, $0x1;
	s10 =	sld [smem:$0x3FAA]  }
0x3d: {  	_ =	shalt  }
0x3e: {  	_ =	shalt  }
0x3f: {  	_ =	shalt  }
0x40: {  	_ =	shalt  }
0x41: {  	_ =	shalt  }
0x42: {  	_ =	shalt  }
0x43: {  	_ =	shalt  }
0x44: {  	_ =	shalt  }
0x45: {  	_ =	shalt  }
0x46: {  	_ =	shalt  }
0x47: {  	_ =	shalt  }
0x48: {  	_ =	shalt  }
0x49: {  	_ =	shalt  }
0x4a: {  	_ =	shalt  }
0x4b: {  	_ =	shalt  }
0x4c: {  	_ =	shalt  }
0x4d: {  	_ =	shalt  }
0x4e: {  	_ =	shalt  }
0x4f: {  	_ =	shalt  }
0x50: {  	_ =	shalt  }
0x51: {  	_ =	shalt  }
0x52: {  	_ =	shalt  }
0x53: {  	_ =	shalt  }
0x54: {  	_ =	shalt  }
0x55: {  	_ =	shalt  }
0x56: {  	_ =	shalt  }
0x57: {  	_ =	shalt  }
0x58: {  	_ =	shalt  }
0x59: {  	_ =	shalt  }
0x5a: {  	_ =	shalt  }
0x5b: {  	_ =	shalt  }
0x5c: {  	_ =	shalt  }
0x5d: {  	_ =	shalt  }
0x5e: {  	_ =	shalt  }
0x5f: {  	_ =	shalt  }
0x60: {  	_ =	shalt  }
0x61: {  	_ =	shalt  }
0x62: {  	_ =	shalt  }
0x63: {  	_ =	shalt  }
0x64: {  	_ =	shalt  }
0x65: {  	_ =	shalt  }
0x66: {  	_ =	shalt  }
0x67: {  	_ =	shalt  }
0x68: {  	_ =	shalt  }
0x69: {  	_ =	shalt  }
0x6a: {  	_ =	shalt  }
0x6b: {  	_ =	shalt  }
0x6c: {  	_ =	shalt  }
0x6d: {  	_ =	shalt  }
0x6e: {  	_ =	shalt  }
0x6f: {  	_ =	shalt  }
0x70: {  	_ =	shalt  }
0x71: {  	_ =	shalt  }
0x72: {  	_ =	shalt  }
0x73: {  	_ =	shalt  }
0x74: {  	_ =	shalt  }
0x75: {  	_ =	shalt  }
0x76: {  	_ =	shalt  }
0x77: {  	_ =	shalt  }
0x78: {  	_ =	shalt  }
0x79: {  	_ =	shalt  }
0x7a: {  	_ =	shalt  }
0x7b: {  	_ =	shalt  }
0x7c: {  	_ =	shalt  }
0x7d: {  	_ =	shalt  }
0x7e: {  	_ =	shalt  }
0x7f: {  	_ =	shalt  }
0x80: {  	_ =	shalt  }
0x81: {  	_ =	shalt  }
0x82: {  	_ =	shalt  }
0x83: {  	_ =	shalt  }
0x84: {  	_ =	shalt  }
0x85: {  	_ =	shalt  }
0x86: {  	_ =	shalt  }
0x87: {  	_ =	shalt  }
.Lfunc_end0:
.L_simem_size_0:
called_computation.4_lowered:
.L_overlay_start_0:
0x88: {  	s2 =	sld [smem:$0x3FD9]  }
0x89: {  	s3 =	sld [smem:$0x3FFE];
	_ =	sdelay $0x1  }
0x8a: {  	s1 =	srdreg.scid  }
0x8b: {  	s0 =	sand.u32 $0x1, s1  }
0x8c: {  	s16 =	sshll.u32 s0, $0xA;
	s2 =	sadd.s32 s3, s2  }
0x8d: {  	s2 =	sadd.s32 s2, s16  }
0x8e: {  	[smem:$0x3FB6] =	sst s2  }
0x8f: {  	_ = 	snop  }
0x90: {  	(tm) =	ssettm $0x1  }
0x91: {  	s17 =	sld [smem:$0x3FFB];
	_ =	sdelay $0x3  }
0x92: {  	_ =	strace s17  }
0x93: {  	s2 =	sld [smem:$0x3FFC];
	_ =	sdelay $0x3  }
0x94: {  	_ =	strace s2  }
0x95: {  	s2 =	sld [smem:$0x3FFD];
	_ =	sdelay $0x3  }
0x96: {  	_ =	strace s2  }
0x97: {  	_ =	strace $0x8FFFFFFF  }
0x98: {  	s18 =	sld [smem:$0x3FDB];
	_ =	sdelay $0x1  }
0x99: {  	s19 =	simm.s32 $_scs_section_size  }
0x9a: {  	s4 =	simm.s32 $_size__tile_overlayer_lowered;
	s5 =	simm.s32 $_tile_overlayer_lowered  }
0x9b: {  	s22 =	simm.s32 $0x1BFF;
	s21 =	sshll.u32 s5, $0x1;
	s2 =	sadd.s32 s19, s18  }
0x9c: {  	s6 =	simm.s32 $0x0;
	s20 =	sshll.u32 s4, $0x1;
	s4 =	sadd.s32 s21, s2  }
0x9d: {  	[timem:s6], [sflag:s22] =	dma.local [hbm:s4], s20  }
0x9e: {  	_ =	swait.ge [sflag:s22], s20  }
0x9f: {  	s3 =	ssub.s32 $0x0, s20;
	[sflag:s22] =	ssyncset.done $0x0  }
0xa0: {  	[sflag:s22] =	ssyncadd.s32 s3;
	_ =	sdelay $0x1  }
0xa1: {  	s23 =	simm.s32 $0x1B8B  }
0xa2: {  	_ =	swait.ge [sflag:s23], $0x1  }
0xa3: {  	[sflag:s23] =	ssyncset.done $0x0  }
0xa4: {  	s25 =	simm.s32 $0x1B8E;
	s24 =	sld [smem:$0x3FFE];
	[sflag:s23] =	ssyncadd.s32 $0xFFFFFFFF  }
0xa5: {  	s26 =	simm.s32 $execute0_lowered;
	[smem:$0x3FD2] =	sst s25  }
0xa6: {  	s4 =	sshll.u32 s26, $0x1;
	_ =	strace $0x80000052;
	[dreg:$0x1] =	wrdreg $0xFFFFFFFF  }
0xa7: {  	s28 =	simm.s32 $_size_execute0_lowered;
	s2 =	sadd.s32 s2, s4;
	[dreg:$0x0] =	wrdreg $0x0  }
0xa8: {  	s4 =	sshll.u32 s28, $0x1;
	[dreg:$0x2] =	wrdreg s2  }
0xa9: {  	[dreg:$0x3] =	wrdreg s4  }
0xaa: {  	[dreg:$0x4] =	wrdreg $0xC0  }
0xab: {  	_ =	task [dreg:s6], $0x5FFFF  }
0xac: {  	[dreg:$0x1] =	wrdreg $0xFFFFFFFF  }
0xad: {  	[dreg:$0x0] =	wrdreg $0x60  }
0xae: {  	[dreg:$0x2] =	wrdreg s24  }
0xaf: {  	[dreg:$0x3] =	wrdreg $0x70000  }
0xb0: {  	[dreg:$0x4] =	wrdreg $0x9  }
0xb1: {  	_ =	task.clear_ibuf [dreg:s6], $0x5FFFF;
	_ =	strace $0x90000052  }
0xb2: {  	s29 =	simm.s32 $0x9;
	_ =	strace $0x80000054  }
0xb3: {  	_ =	swait.ge [sflag:s29], $0x1  }
0xb4: {  	[sflag:s29] =	ssyncadd.s32 $0xFFFFFFFF  }
0xb5: {  	_ =	strace $0x90000054  }
0xb6: {  	_ =	sfence  }
0xb7: {  	s30 =	sld [smem:$0x0];
	_ =	sdelay $0x2  }
0xb8: {  	s31 =	sshll.u32 s1, $0xD;
	s1 =	sshrl.u32 s1, $0x2  }
0xb9: {  	s3 =	sand.u32 $0x4000, s31;
	s1 =	sadd.s32 s1, s30  }
0xba: {  	s0 =	sor.u32 s3, s0;
	s1 =	sshll.u32 s1, $0x11  }
0xbb: {  	s0 =	sor.u32 s1, s0  }
0xbc: {  	s0 =	sadd.s32 $0x8F2B, s0  }
0xbd: {  	[sflag:s0] =	ssyncadd.remote.s32 $0x1  }
0xbe: {  	_ =	sfence.sel $0xFFFF  }
0xbf: {  	[dreg:$0x0] =	wrdreg $0xFFFFFFFF;
	(pc) =	sbr.abs _section_cstart, $3  }
0xc0: {  	[dreg:$0x1] =	wrdreg $0xFFFFFFFF  }
0xc1: {  	_ =	task.clear_ibuf [dreg:s6], $0x2FFFF;
	_ =	strace $0x9FFFFFFF  }
0xc2: {  	(tm) =	ssettm $0x7FFFFFFF  }
0xc3: {  	_ =	shalt  }
tec
execute0_lowered:
.L_overlay_start_1:
0x0: {  	(tag) =	ssettag $0x1  }
0x1: {  	s0 =	rddreg [dreg:$0x0]  }
0x2: {  	s1 =	rddreg [dreg:$0x1];
	s2 =	simm.s32 $0x0;
	s3 =	srdreg.scid  }
0x3: {  	s11 =	stileid.u32;
	s28 =	simm.s32 $0x1;
	s29 =	simm.s32 $0x1000  }
0x4: {  	s30 =	simm.s32 $0x50;
	s31 =	simm.s32 $0x4800;
	[smem:$0x7FF] =	sst s2  }
0x5: {  	s4 =	sadd.s32 $0x25000, s0;
	s3 =	sand.u32 $0x1, s3;
	s5 =	sadd.s32 $0x15000, s0  }
0x6: {  	s6 =	sadd.s32 $0x5000, s0;
	s9 =	smul.u32 $0x50000, s11;
	s0 =	sadd.s32 $0x4C200, s0  }
0x7: {  	s26 =	sshll.u32 s11, $0xB;
	s16 =	smul.u32 $0x14000, s11;
	_ =	strace $0x80000053  }
0x8: {  	s7 =	ssub.s32 $0x2, s3;
	s25 =	sshll.u32 s3, $0xF;
	s3 =	smul.u32 $0x140000, s3  }
0x9: {  	s8 =	sshrl.u32 s7, $0x1;
	s9 =	sshrl.u32 s9, $0x2;
	s13 =	sor.u32 $0x2800, s16  }
0xa: {  	s17 =	sadd.s32 $0x5000, s16;
	s18 =	sadd.s32 $0x7800, s16;
	s19 =	sadd.s32 $0xA000, s16  }
0xb: {  	s20 =	sadd.s32 $0xC800, s16;
	s21 =	sadd.s32 $0xF000, s16;
	s10 =	ssub.s32 s7, s8  }
0xc: {  	s7 =	sor.u32 s26, s25;
	s8 =	sadd.s32 s9, s1;
	s23 =	sadd.s32 s13, s1  }
0xd: {  	s24 =	sadd.s32 s17, s1;
	s22 =	sadd.s32 s18, s1;
	s25 =	sadd.s32 s19, s1  }
0xe: {  	s14 =	sadd.s32 s20, s1;
	s15 =	sadd.s32 s21, s1;
	s9 =	sadd.s32 s3, s13  }
0xf: {  	s17 =	sadd.s32 s3, s17;
	s18 =	sadd.s32 s3, s18;
	s19 =	sadd.s32 s3, s19  }
0x10: {  	s20 =	sadd.s32 s3, s20;
	s21 =	sadd.s32 s3, s21;
	[dreg:$0x4] =	wrdreg s22  }
0x11: {  	s12 =	smax.u32 s10, $0x1;
	[dreg:$0x5] =	wrdreg s25;
	s22 =	sadd.s32 s3, s16  }
0x12: {  	s16 =	sadd.s32 $0x11800, s16;
	s9 =	sshrl.u32 s9, $0x3;
	s11 =	sshrl.u32 s17, $0x3  }
0x13: {  	s13 =	sshrl.u32 s19, $0x3;
	s25 =	sshrl.u32 s21, $0x3;
	[dreg:$0x3] =	wrdreg s12  }
0x14: {  	s22 =	sshrl.u32 s22, $0x3;
	s3 =	sadd.s32 s3, s16;
	s9 =	sadd.s32 s0, s9  }
0x15: {  	s16 =	sadd.s32 s16, s1;
	s19 =	sadd.s32 s0, s13;
	[dreg:$0x7] =	wrdreg s9  }
0x16: {  	s12 =	sshrl.u32 s18, $0x3;
	s26 =	sadd.s32 s0, s22;
	[dreg:$0xa] =	wrdreg s19  }
0x17: {  	s18 =	simm.s32 $0x1F80;
	s9 =	sadd.s32 s0, s11;
	[dreg:$0x6] =	wrdreg s26  }
0x18: {  	s17 =	sadd.s32 s0, s12;
	s22 =	sshrl.u32 s20, $0x3;
	[dreg:$0x8] =	wrdreg s9  }
0x19: {  	s3 =	sshrl.u32 s3, $0x3;
	[dreg:$0x9] =	wrdreg s17;
	s9 =	sadd.s32 s0, s22  }
0x1a: {  	s19 =	simm.s32 $0x0;
	s26 =	sadd.s32 s0, s25;
	[dreg:$0xb] =	wrdreg s9  }
0x1b: {  	s0 =	sadd.s32 s0, s3;
	s25 =	simm.s32 $0x2000;
	[dreg:$0xc] =	wrdreg s26  }
0x1c: {  	s3 =	simm.s32 $0x3;
	s17 =	simm.s32 $0x1F00;
	[dreg:$0xd] =	wrdreg s0  }
0x1d: {  	v0 =	vimm.f32 $0.0e+00;
	s26 =	simm.s32 $0x4;
	s0 =	simm.s32 $0x2;
	s9 =	simm.s32 $0xF80  }
.LBB2_1:
0x1e: {  	s20 =	simm.s32 $0x70;
	s21 =	simm.s32 $0x3C0  }
.LBB2_2:
0x1f: {  	p0 =	sne.s32 s21, $0x9FC0;
	[tilespmem:s20+$0x2000] =	vst v0  }
0x20: {  	[tilespmem:s20+$0x1F90] =	vst v0  }
0x21: {  	[tilespmem:s20+$0x1FA0] =	vst v0  }
.Ltmp0:
0x22: {  	[tilespmem:s20+$0x1FB0] =	vst v0;
	(pc) =	sbr.rel @p0 .LBB2_2-.Ltmp0, $4  }
0x23: {  	[tilespmem:s20+$0x1FC0] =	vst v0  }
0x24: {  	[tilespmem:s20+$0x1FD0] =	vst v0  }
0x25: {  	[tilespmem:s20+$0x1FE0] =	vst v0  }
0x26: {  	[tilespmem:s20+$0x1FF0] =	vst v0;
	s20 =	sshra.s32 s21, $0x2;
	s21 =	sadd.s32 $0x200, s21  }
0x27: {  	[tilespmem:s20+$0x2000] =	vst v0  }
0x28: {  	[tilespmem:s20+$0x1F90] =	vst v0  }
0x29: {  	[tilespmem:s20+$0x1FA0] =	vst v0  }
0x2a: {  	[tilespmem:s20+$0x1FB0] =	vst v0  }
0x2b: {  	[tilespmem:s20+$0x1FC0] =	vst v0  }
0x2c: {  	[tilespmem:s20+$0x1FD0] =	vst v0  }
0x2d: {  	[tilespmem:s20+$0x1FE0] =	vst v0  }
0x2e: {  	[tilespmem:s20+$0x1FF0] =	vst v0  }
0x2f: {  	[spmem:s8] =	stream.linear.scatter [tilespmem:s25], [sflag:$0x4], $0x2800, $0x38;
	[tilespmem:$0x1B000] =	vst v63  }
0x30: {  	_ =	swait.ge [sflag:s26], $0x2800  }
0x31: {  	[sflag:s26] =	ssyncset.done $0x0  }
0x32: {  	[sflag:s26] =	ssyncadd.s32 $0xFFFFD800  }
0x33: {  	[spmem:s23] =	stream.linear.scatter [tilespmem:s25], [sflag:$0x4], $0x2800, $0x38;
	[tilespmem:$0x1B000] =	vst v63  }
0x34: {  	_ =	swait.ge [sflag:s26], $0x2800  }
0x35: {  	[sflag:s26] =	ssyncset.done $0x0  }
0x36: {  	[sflag:s26] =	ssyncadd.s32 $0xFFFFD800  }
0x37: {  	[spmem:s24] =	stream.linear.scatter [tilespmem:s25], [sflag:$0x4], $0x2800, $0x38;
	[tilespmem:$0x1B000] =	vst v63  }
0x38: {  	_ =	swait.ge [sflag:s26], $0x2800  }
0x39: {  	[sflag:s26] =	ssyncset.done $0x0  }
0x3a: {  	s12 =	smov.u32 s23;
	s23 =	rddreg [dreg:$0x4];
	[sflag:s26] =	ssyncadd.s32 $0xFFFFD800  }
0x3b: {  	[spmem:s23] =	stream.linear.scatter [tilespmem:s25], [sflag:$0x4], $0x2800, $0x38;
	[tilespmem:$0x1B000] =	vst v63  }
0x3c: {  	_ =	swait.ge [sflag:s26], $0x2800  }
0x3d: {  	[sflag:s26] =	ssyncset.done $0x0  }
0x3e: {  	s13 =	smov.u32 s24;
	s24 =	rddreg [dreg:$0x5];
	[sflag:s26] =	ssyncadd.s32 $0xFFFFD800  }
0x3f: {  	[spmem:s24] =	stream.linear.scatter [tilespmem:s25], [sflag:$0x4], $0x2800, $0x38;
	[tilespmem:$0x1B000] =	vst v63  }
0x40: {  	_ =	swait.ge [sflag:s26], $0x2800  }
0x41: {  	[sflag:s26] =	ssyncset.done $0x0  }
0x42: {  	[sflag:s26] =	ssyncadd.s32 $0xFFFFD800  }
0x43: {  	[spmem:s14] =	stream.linear.scatter [tilespmem:s25], [sflag:$0x4], $0x2800, $0x38;
	[tilespmem:$0x1B000] =	vst v63  }
0x44: {  	_ =	swait.ge [sflag:s26], $0x2800  }
0x45: {  	[sflag:s26] =	ssyncset.done $0x0  }
0x46: {  	[sflag:s26] =	ssyncadd.s32 $0xFFFFD800  }
0x47: {  	[spmem:s15] =	stream.linear.scatter [tilespmem:s25], [sflag:$0x4], $0x2800, $0x38;
	[tilespmem:$0x1B000] =	vst v63  }
0x48: {  	_ =	swait.ge [sflag:s26], $0x2800  }
0x49: {  	[sflag:s26] =	ssyncset.done $0x0  }
0x4a: {  	[sflag:s26] =	ssyncadd.s32 $0xFFFFD800  }
0x4b: {  	[spmem:s16] =	stream.linear.scatter [tilespmem:s25], [sflag:$0x4], $0x2800, $0x38;
	[tilespmem:$0x1B000] =	vst v63  }
0x4c: {  	_ =	swait.ge [sflag:s26], $0x2800  }
0x4d: {  	[sflag:s26] =	ssyncset.done $0x0  }
0x4e: {  	s11 =	smov.u32 s8;
	[sflag:s26] =	ssyncadd.s32 $0xFFFFD800  }
0x4f: {  	s20 =	simm.s32 $0x0;
	s21 =	simm.s32 $0x0;
	[bflag:$0x0] =	sbarrier.arrive $0xFFFF  }
.LBB2_4:
0x50: {  	s22 =	sshll.u32 s21, $0x9  }
0x51: {  	s22 =	sadd.s32 s7, s22  }
0x52: {  	s23 =	sadd.s32 s5, s22  }
0x53: {  	[tilespmem:s20], [sflag:$0x1] =	stream.linear.gather [hbm4b:s23+s20], $0x1000, $0x38;
	[tilespmem:$0x1B000] =	vst v63  }
0x54: {  	_ =	swait.ge [sflag:s28], $0x1000  }
0x55: {  	[sflag:s28] =	ssyncset.done $0x0  }
0x56: {  	s22 =	sadd.s32 s6, s22;
	[sflag:s28] =	ssyncadd.s32 $0xFFFFF000  }
0x57: {  	[tilespmem:s29], [sflag:$0x1] =	stream.linear.gather [hbm4b:s22+s20], $0x1000, $0x38;
	[tilespmem:$0x1B000] =	vst v63  }
0x58: {  	_ =	swait.ge [sflag:s28], $0x1000  }
0x59: {  	[sflag:s28] =	ssyncset.done $0x0  }
0x5a: {  	[sflag:s28] =	ssyncadd.s32 $0xFFFFF000  }
0x5b: {  	[tilespmem:s25], [sflag:$0x2] =	stream.indirect.gather [hbm4b:s4+s30], $0x80, s20, s30, $0xb8;
	[tilespmem:$0x1B000] =	vst v63  }
0x5c: {  	s8 =	simm.s32 $0x80  }
0x5d: {  	[tilespmem:s31], [sflag:$0x3] =	stream.indirect.gather [hbm4b:s4+s30], $0x80, s8, s30, $0xb8;
	[tilespmem:$0x1B000] =	vst v63  }
0x5e: {  	_ =	swait.ge [sflag:s0], $0x2800  }
0x5f: {  	[sflag:s0] =	ssyncset.done $0x0  }
0x60: {  	s10 =	simm.s32 $0x1000;
	[sflag:s0] =	ssyncadd.s32 $0xFFFFD800  }
0x61: {  	[spmem:s1] =	stream.indirect.scatter.add.f32 [tilespmem:s25], [sflag:$0x4], $0x80, s10, s30, $0xb8;
	[tilespmem:$0x1B000] =	vst v63  }
0x62: {  	_ =	swait.ge [sflag:s26], $0x2800  }
0x63: {  	[sflag:s26] =	ssyncset.done $0x0  }
0x64: {  	s23 =	simm.s32 $0x100;
	[sflag:s26] =	ssyncadd.s32 $0xFFFFD800  }
0x65: {  	[tilespmem:s25], [sflag:$0x2] =	stream.indirect.gather [hbm4b:s4+s30], $0x80, s23, s30, $0xb8;
	[tilespmem:$0x1B000] =	vst v63  }
0x66: {  	_ =	swait.ge [sflag:s3], $0x2800  }
0x67: {  	[sflag:s3] =	ssyncset.done $0x0  }
0x68: {  	s24 =	simm.s32 $0x1080;
	[sflag:s3] =	ssyncadd.s32 $0xFFFFD800  }
0x69: {  	[spmem:s1] =	stream.indirect.scatter.add.f32 [tilespmem:s31], [sflag:$0x4], $0x80, s24, s30, $0xb8;
	[tilespmem:$0x1B000] =	vst v63  }
0x6a: {  	_ =	swait.ge [sflag:s26], $0x2800  }
0x6b: {  	s22 =	simm.s32 $0x100;
	s23 =	simm.s32 $0x800;
	[sflag:s26] =	ssyncset.done $0x0  }
.LBB2_5:
0x6c: {  	s24 =	sadd.s32 $0x80, s22  }
0x6d: {  	[sflag:s26] =	ssyncadd.s32 $0xFFFFD800;
	s8 =	smov.u32 s23;
	s10 =	sadd.s32 $0x400, s23  }
0x6e: {  	[tilespmem:s31], [sflag:$0x3] =	stream.indirect.gather [hbm4b:s4+s30], $0x80, s24, s30, $0xb8;
	[tilespmem:$0x1B000] =	vst v63  }
0x6f: {  	p0 =	sne.s32 s23, $0x3800;
	_ =	swait.ge [sflag:s0], $0x2800  }
0x70: {  	[sflag:s0] =	ssyncset.done $0x0  }
0x71: {  	s23 =	sadd.s32 $0x1000, s22;
	[sflag:s0] =	ssyncadd.s32 $0xFFFFD800  }
0x72: {  	[spmem:s1] =	stream.indirect.scatter.add.f32 [tilespmem:s25], [sflag:$0x4], $0x80, s23, s30, $0xb8;
	[tilespmem:$0x1B000] =	vst v63  }
0x73: {  	_ =	swait.ge [sflag:s26], $0x2800  }
0x74: {  	[sflag:s26] =	ssyncset.done $0x0  }
0x75: {  	s23 =	sadd.s32 $0x100, s22;
	[sflag:s26] =	ssyncadd.s32 $0xFFFFD800  }
0x76: {  	[tilespmem:s25], [sflag:$0x2] =	stream.indirect.gather [hbm4b:s4+s30], $0x80, s23, s30, $0xb8;
	[tilespmem:$0x1B000] =	vst v63  }
0x77: {  	_ =	swait.ge [sflag:s3], $0x2800  }
.Ltmp1:
0x78: {  	[sflag:s3] =	ssyncset.done $0x0;
	(pc) =	sbr.rel @p0 .LBB2_5-.Ltmp1, $4  }
0x79: {  	s22 =	sadd.s32 $0x1080, s22;
	[sflag:s3] =	ssyncadd.s32 $0xFFFFD800  }
0x7a: {  	[spmem:s1] =	stream.indirect.scatter.add.f32 [tilespmem:s31], [sflag:$0x4], $0x80, s22, s30, $0xb8;
	[tilespmem:$0x1B000] =	vst v63  }
0x7b: {  	_ =	swait.ge [sflag:s26], $0x2800  }
0x7c: {  	s23 =	smov.u32 s10;
	s22 =	sshra.s32 s8, $0x2;
	[sflag:s26] =	ssyncset.done $0x0  }
0x7d: {  	s8 =	sadd.s32 $0x80, s22;
	[sflag:s26] =	ssyncadd.s32 $0xFFFFD800  }
0x7e: {  	[tilespmem:s31], [sflag:$0x3] =	stream.indirect.gather [hbm4b:s4+s30], $0x80, s8, s30, $0xb8;
	[tilespmem:$0x1B000] =	vst v63  }
0x7f: {  	_ =	swait.ge [sflag:s0], $0x2800  }
0x80: {  	[sflag:s0] =	ssyncset.done $0x0  }
0x81: {  	s10 =	sadd.s32 $0x1000, s22;
	[sflag:s0] =	ssyncadd.s32 $0xFFFFD800  }
0x82: {  	[spmem:s1] =	stream.indirect.scatter.add.f32 [tilespmem:s25], [sflag:$0x4], $0x80, s10, s30, $0xb8;
	[tilespmem:$0x1B000] =	vst v63  }
0x83: {  	_ =	swait.ge [sflag:s26], $0x2800  }
0x84: {  	[sflag:s26] =	ssyncset.done $0x0  }
0x85: {  	s23 =	sadd.s32 $0x100, s22;
	[sflag:s26] =	ssyncadd.s32 $0xFFFFD800  }
0x86: {  	[tilespmem:s25], [sflag:$0x2] =	stream.indirect.gather [hbm4b:s4+s30], $0x80, s23, s30, $0xb8;
	[tilespmem:$0x1B000] =	vst v63  }
0x87: {  	_ =	swait.ge [sflag:s3], $0x2800  }
0x88: {  	[sflag:s3] =	ssyncset.done $0x0  }
0x89: {  	s24 =	sadd.s32 $0x1080, s22;
	[sflag:s3] =	ssyncadd.s32 $0xFFFFD800  }
0x8a: {  	[spmem:s1] =	stream.indirect.scatter.add.f32 [tilespmem:s31], [sflag:$0x4], $0x80, s24, s30, $0xb8;
	[tilespmem:$0x1B000] =	vst v63  }
0x8b: {  	_ =	swait.ge [sflag:s26], $0x2800  }
0x8c: {  	[sflag:s26] =	ssyncset.done $0x0  }
0x8d: {  	[sflag:s26] =	ssyncadd.s32 $0xFFFFD800  }
0x8e: {  	[tilespmem:s31], [sflag:$0x3] =	stream.indirect.gather [hbm4b:s4+s30], $0x80, s9, s30, $0xb8;
	[tilespmem:$0x1B000] =	vst v63  }
0x8f: {  	_ =	swait.ge [sflag:s0], $0x2800  }
0x90: {  	[sflag:s0] =	ssyncset.done $0x0  }
0x91: {  	[sflag:s0] =	ssyncadd.s32 $0xFFFFD800  }
0x92: {  	[spmem:s1] =	stream.indirect.scatter.add.f32 [tilespmem:s25], [sflag:$0x4], $0x80, s17, s30, $0xb8;
	[tilespmem:$0x1B000] =	vst v63  }
0x93: {  	_ =	swait.ge [sflag:s26], $0x2800  }
0x94: {  	[sflag:s26] =	ssyncset.done $0x0  }
0x95: {  	[sflag:s26] =	ssyncadd.s32 $0xFFFFD800  }
0x96: {  	s21 =	sadd.s32 $0x1, s21;
	_ =	swait.ge [sflag:s3], $0x2800  }
0x97: {  	p0 =	sne.s32 s21, $0x4;
	[sflag:s3] =	ssyncset.done $0x0  }
.Ltmp2:
0x98: {  	[sflag:s3] =	ssyncadd.s32 $0xFFFFD800;
	(pc) =	sbr.rel @p0 .LBB2_4-.Ltmp2, $4  }
0x99: {  	[spmem:s1] =	stream.indirect.scatter.add.f32 [tilespmem:s31], [sflag:$0x4], $0x80, s18, s30, $0xb8;
	[tilespmem:$0x1B000] =	vst v63  }
0x9a: {  	_ =	swait.ge [sflag:s26], $0x2800  }
0x9b: {  	[sflag:s26] =	ssyncset.done $0x0  }
0x9c: {  	[sflag:s26] =	ssyncadd.s32 $0xFFFFD800  }
0x9d: {  	[bflag:$0x0] =	sbarrier.arrive $0xFFFF  }
0x9e: {  	[tilespmem:s25], [sflag:$0x4] =	stream.linear.gather [spmem:s11], $0x2800, $0x38;
	[tilespmem:$0x1B000] =	vst v63  }
0x9f: {  	_ =	swait.ge [sflag:s26], $0x2800  }
0xa0: {  	[sflag:s26] =	ssyncset.done $0x0  }
0xa1: {  	s10 =	rddreg [dreg:$0x6];
	[sflag:s26] =	ssyncadd.s32 $0xFFFFD800  }
0xa2: {  	[hbm4b:s10+s2] =	stream.linear.scatter [tilespmem:s25], [sflag:$0x4], $0x2800, $0x38;
	[tilespmem:$0x1B000] =	vst v63  }
0xa3: {  	_ =	swait.ge [sflag:s26], $0x2800  }
0xa4: {  	[sflag:s26] =	ssyncset.done $0x0  }
0xa5: {  	[sflag:s26] =	ssyncadd.s32 $0xFFFFD800  }
0xa6: {  	[tilespmem:s25], [sflag:$0x4] =	stream.linear.gather [spmem:s12], $0x2800, $0x38;
	[tilespmem:$0x1B000] =	vst v63  }
0xa7: {  	_ =	swait.ge [sflag:s26], $0x2800  }
0xa8: {  	[sflag:s26] =	ssyncset.done $0x0  }
0xa9: {  	s23 =	smov.u32 s12;
	s12 =	rddreg [dreg:$0x7];
	[sflag:s26] =	ssyncadd.s32 $0xFFFFD800  }
0xaa: {  	[hbm4b:s12+s2] =	stream.linear.scatter [tilespmem:s25], [sflag:$0x4], $0x2800, $0x38;
	[tilespmem:$0x1B000] =	vst v63  }
0xab: {  	_ =	swait.ge [sflag:s26], $0x2800  }
0xac: {  	[sflag:s26] =	ssyncset.done $0x0  }
0xad: {  	[sflag:s26] =	ssyncadd.s32 $0xFFFFD800  }
0xae: {  	[tilespmem:s25], [sflag:$0x4] =	stream.linear.gather [spmem:s13], $0x2800, $0x38;
	[tilespmem:$0x1B000] =	vst v63  }
0xaf: {  	_ =	swait.ge [sflag:s26], $0x2800  }
0xb0: {  	[sflag:s26] =	ssyncset.done $0x0  }
0xb1: {  	s20 =	rddreg [dreg:$0x8];
	[sflag:s26] =	ssyncadd.s32 $0xFFFFD800  }
0xb2: {  	[hbm4b:s20+s2] =	stream.linear.scatter [tilespmem:s25], [sflag:$0x4], $0x2800, $0x38;
	[tilespmem:$0x1B000] =	vst v63  }
0xb3: {  	_ =	swait.ge [sflag:s26], $0x2800  }
0xb4: {  	[sflag:s26] =	ssyncset.done $0x0  }
0xb5: {  	s21 =	rddreg [dreg:$0x4];
	[sflag:s26] =	ssyncadd.s32 $0xFFFFD800  }
0xb6: {  	[tilespmem:s25], [sflag:$0x4] =	stream.linear.gather [spmem:s21], $0x2800, $0x38;
	[tilespmem:$0x1B000] =	vst v63  }
0xb7: {  	_ =	swait.ge [sflag:s26], $0x2800  }
0xb8: {  	[sflag:s26] =	ssyncset.done $0x0  }
0xb9: {  	s22 =	rddreg [dreg:$0x9];
	[sflag:s26] =	ssyncadd.s32 $0xFFFFD800  }
0xba: {  	[hbm4b:s22+s2] =	stream.linear.scatter [tilespmem:s25], [sflag:$0x4], $0x2800, $0x38;
	[tilespmem:$0x1B000] =	vst v63  }
0xbb: {  	_ =	swait.ge [sflag:s26], $0x2800  }
0xbc: {  	[sflag:s26] =	ssyncset.done $0x0  }
0xbd: {  	s8 =	smov.u32 s11;
	s11 =	rddreg [dreg:$0x5];
	[sflag:s26] =	ssyncadd.s32 $0xFFFFD800  }
0xbe: {  	[tilespmem:s25], [sflag:$0x4] =	stream.linear.gather [spmem:s11], $0x2800, $0x38;
	[tilespmem:$0x1B000] =	vst v63  }
0xbf: {  	_ =	swait.ge [sflag:s26], $0x2800  }
0xc0: {  	[sflag:s26] =	ssyncset.done $0x0  }
0xc1: {  	s12 =	rddreg [dreg:$0xa];
	[sflag:s26] =	ssyncadd.s32 $0xFFFFD800  }
0xc2: {  	[hbm4b:s12+s2] =	stream.linear.scatter [tilespmem:s25], [sflag:$0x4], $0x2800, $0x38;
	[tilespmem:$0x1B000] =	vst v63  }
0xc3: {  	_ =	swait.ge [sflag:s26], $0x2800  }
0xc4: {  	[sflag:s26] =	ssyncset.done $0x0  }
0xc5: {  	[sflag:s26] =	ssyncadd.s32 $0xFFFFD800  }
0xc6: {  	[tilespmem:s25], [sflag:$0x4] =	stream.linear.gather [spmem:s14], $0x2800, $0x38;
	[tilespmem:$0x1B000] =	vst v63  }
0xc7: {  	_ =	swait.ge [sflag:s26], $0x2800  }
0xc8: {  	[sflag:s26] =	ssyncset.done $0x0  }
0xc9: {  	s24 =	smov.u32 s13;
	s13 =	rddreg [dreg:$0xb];
	[sflag:s26] =	ssyncadd.s32 $0xFFFFD800  }
0xca: {  	[hbm4b:s13+s2] =	stream.linear.scatter [tilespmem:s25], [sflag:$0x4], $0x2800, $0x38;
	[tilespmem:$0x1B000] =	vst v63  }
0xcb: {  	_ =	swait.ge [sflag:s26], $0x2800  }
0xcc: {  	[sflag:s26] =	ssyncset.done $0x0  }
0xcd: {  	[sflag:s26] =	ssyncadd.s32 $0xFFFFD800  }
0xce: {  	[tilespmem:s25], [sflag:$0x4] =	stream.linear.gather [spmem:s15], $0x2800, $0x38;
	[tilespmem:$0x1B000] =	vst v63  }
0xcf: {  	_ =	swait.ge [sflag:s26], $0x2800  }
0xd0: {  	[sflag:s26] =	ssyncset.done $0x0  }
0xd1: {  	s20 =	rddreg [dreg:$0xc];
	[sflag:s26] =	ssyncadd.s32 $0xFFFFD800  }
0xd2: {  	[hbm4b:s20+s2] =	stream.linear.scatter [tilespmem:s25], [sflag:$0x4], $0x2800, $0x38;
	[tilespmem:$0x1B000] =	vst v63  }
0xd3: {  	_ =	swait.ge [sflag:s26], $0x2800  }
0xd4: {  	[sflag:s26] =	ssyncset.done $0x0  }
0xd5: {  	[sflag:s26] =	ssyncadd.s32 $0xFFFFD800  }
0xd6: {  	[tilespmem:s25], [sflag:$0x4] =	stream.linear.gather [spmem:s16], $0x2800, $0x38;
	[tilespmem:$0x1B000] =	vst v63  }
0xd7: {  	_ =	swait.ge [sflag:s26], $0x2800  }
0xd8: {  	[sflag:s26] =	ssyncset.done $0x0  }
0xd9: {  	s21 =	rddreg [dreg:$0xd];
	[sflag:s26] =	ssyncadd.s32 $0xFFFFD800  }
0xda: {  	[hbm4b:s21+s2] =	stream.linear.scatter [tilespmem:s25], [sflag:$0x4], $0x2800, $0x38;
	[tilespmem:$0x1B000] =	vst v63  }
0xdb: {  	_ =	swait.ge [sflag:s26], $0x2800  }
0xdc: {  	s19 =	sadd.s32 $0x1, s19;
	s22 =	rddreg [dreg:$0x3]  }
0xdd: {  	p0 =	sne.s32 s19, s22  }
.Ltmp3:
0xde: {  	_ = 	snop;
	(pc) =	sbr.rel @p0 .LBB2_1-.Ltmp3, $3  }
0xdf: {  	_ =	sdelay $0x1  }
0xe0: {  	[sflag:s26] =	ssyncset.done $0x0  }
0xe1: {  	[sflag:s26] =	ssyncadd.s32 $0xFFFFD800  }
0xe2: {  	_ =	sfence.sel $0x180000  }
0xe3: {  	[bflag:$0x0] =	sbarrier.arrive $0xFFFF  }
0xe4: {  	_ =	strace $0x90000053  }
0xe5: {  	s0 =	stileid.u32;
	[bflag:$0x2] =	sbarrier.arrive $0xFFFF  }
0xe6: {  	p0 =	sne.s32 s0, $0x0;
	s0 =	rddreg [dreg:$0x2]  }
0xe7: {  	s0 =	sadd.s32 @!p0 $0x100000, s0  }
0xe8: {  	[sflag:s0] =	ssyncadd.tile.s32 @!p0 $0x1;
	_ =	shalt  }
.Lfunc_end2:
_tile_overlayer_lowered:
.L_overlay_start_2:
0xe9: {  	(tag) =	ssettag $0x2  }
0xea: {  	s0 =	rddreg [dreg:$0x0];
	s2 =	stileid.u32  }
0xeb: {  	s1 =	rddreg [dreg:$0x1];
	p0 =	sne.s32 s2, $0x0  }
0xec: {  	s3 =	rddreg [dreg:$0x2];
	[bflag:$0x3] =	sbarrier.arrive $0xFFFF;
	s2 =	simm.s32 @!p0 $0x1C04  }
0xed: {  	[timem:s3], [sflag:s2] =	dma.local @!p0 [hbm:s0], s1  }
0xee: {  	s0 =	simm.s32 @!p0 $0x4  }
0xef: {  	_ =	swait.ge @!p0 [sflag:s0], s1  }
0xf0: {  	s1 =	ssub.s32 @!p0 $0x0, s1;
	[sflag:s0] =	ssyncset.done @!p0 $0x0  }
0xf1: {  	[sflag:s0] =	ssyncadd.s32 @!p0 s1  }
0xf2: {  	[bflag:$0x3] =	sbarrier.arrive $0xFFFF  }
0xf3: {  	_ =	shalt  }

// kernel: kernel.31.cloned.1.call-start
scs
__scs_entry_jumppad:
0x0: {  	(pc) =	sbr.rel $0x88, $3  }
0x1: {  	(tag) =	ssettag $0x0;
	lr =	simm.s32 $0x1  }
0x2: {  	[smem:$0x3F8F] =	sst lr;
	_ =	strace $0xD0000000  }
0x3: {  	_ = 	snop  }
0x4: {  	_ = 	snop  }
0x5: {  	_ = 	snop  }
0x6: {  	_ = 	snop  }
0x7: {  	_ = 	snop  }
__scs_overlays_trampoline_lowered:
0x8: {  	[smem:$0x3F9E] =	sst s0  }
0x9: {  	[smem:$0x3F9F] =	sst s1  }
0xa: {  	[smem:$0x3FA0] =	sst s2  }
0xb: {  	[smem:$0x3FA1] =	sst s3  }
0xc: {  	[smem:$0x3FA2] =	sst s4  }
0xd: {  	[smem:$0x3FA3] =	sst s5  }
0xe: {  	[smem:$0x3FA4] =	sst s6  }
0xf: {  	[smem:$0x3FA5] =	sst s7  }
0x10: {  	[smem:$0x3FA6] =	sst s8  }
0x11: {  	[smem:$0x3FA7] =	sst s9;
	s0 =	simm.s32 @!p0 $0x0  }
0x12: {  	s1 =	sld [smem:$0x3F8D];
	s0 =	simm.s32 @p0 $0x1  }
0x13: {  	[smem:$0x3FA8] =	sst s0;
	s0 =	simm.s32 @!p1 $0x0  }
0x14: {  	s2 =	sld [smem:$0x3F8C];
	s0 =	simm.s32 @p1 $0x1  }
0x15: {  	[smem:$0x3FA9] =	sst s0;
	s0 =	simm.s32 @!p2 $0x0  }
0x16: {  	s3 =	sld [smem:$0x3FDB];
	s0 =	simm.s32 @p2 $0x1  }
0x17: {  	s4 =	simm.s32 $0x1BF5;
	[smem:$0x3FAB] =	sst s0  }
0x18: {  	s0 =	sld [smem:$0x3F8E];
	_ =	swait.ge [sflag:s4], $0x0  }
0x19: {  	s7 =	sld [smem:$0x3F8F]  }
0x1a: {  	s8 =	sadd.s32 $0xFFFFE003, lr  }
0x1b: {  	s9 =	sadd.s32 $0xFFFFFEF7, lr;
	s5 =	simm.s32 $0xFFFFFFFF;
	p2 =	slt.u32 s8, $0xFFFFF086  }
0x1c: {  	p1 =	slt.u32 s9, $0xF7A;
	s5 =	simm.s32 @!p2 $0x0  }
0x1d: {  	s5 =	simm.s32 @p1 $0x1;
	p0 =	seq.s32 s7, s2  }
0x1e: {  	s7 =	smul.u32 @!p0 $0xF7A, s2;
	p2 =	seq.s32 @!p0 s5, $0x0  }
0x1f: {  	s9 =	smul.u32 $0xF7A, s1;
	s8 =	simm.s32 @!p0 $0x1BF5;
	p2 =	por !p2, p0  }
0x20: {  	[sflag:s8] =	ssyncset.s32 @!p0 $0xFFFFF086;
	s6 =	sadd.s32 @!p0 s3, s7;
	s7 =	simm.s32 @!p0 $0x108  }
0x21: {  	s3 =	sadd.s32 s3, s9;
	s6 =	sadd.s32 @!p0 $0x88, s6;
	s7 =	simm.s32 @p2 $0x1082  }
0x22: {  	[simem:s7], [sflag:s8] =	dma.local @!p0 [hbm:s6], $0xF7A  }
0x23: {  	s9 =	sor.u32 $0xD0000000, s2;
	s6 =	simm.s32 $0x108;
	_ =	swait.ge @!p0 [sflag:s8], $0x0  }
0x24: {  	s3 =	sadd.s32 $0x88, s3;
	s6 =	simm.s32 @!p1 $0x1082;
	[sflag:s4] =	ssyncset.s32 $0xFFFFF086  }
0x25: {  	[simem:s6], [sflag:s4] =	dma.local [hbm:s3], $0xF7A  }
0x26: {  	[smem:$0x3F8F] =	sst s1;
	(tag) =	ssettag s2;
	_ =	strace s9  }
0x27: {  	s1 =	sld [smem:$0x3F9F]  }
0x28: {  	s2 =	sld [smem:$0x3FA0]  }
0x29: {  	s4 =	sld [smem:$0x3FA2]  }
0x2a: {  	p0 =	seq.s32 s5, $0x0;
	s5 =	sld [smem:$0x3FA3]  }
0x2b: {  	s6 =	sld [smem:$0x3FA4]  }
0x2c: {  	s7 =	sld [smem:$0x3FA5]  }
0x2d: {  	s3 =	simm.s32 $0x108;
	s8 =	sld [smem:$0x3FA6]  }
0x2e: {  	s3 =	simm.s32 @!p0 $0x1082;
	s9 =	sld [smem:$0x3FA7]  }
0x2f: {  	lr =	sadd.s32 s0, s3;
	s0 =	sld [smem:$0x3F9E]  }
0x30: {  	s3 =	sld [smem:$0x3FA1]  }
0x31: {  	[smem:$0x3FAA] =	sst s10  }
0x32: {  	s10 =	sld [smem:$0x3FA8];
	_ =	sdelay $0x3  }
0x33: {  	p0 =	seq.s32 s10, $0x1;
	s10 =	sld [smem:$0x3FAA];
	_ =	sdelay $0x3  }
0x34: {  	[smem:$0x3FAA] =	sst s10  }
0x35: {  	s10 =	sld [smem:$0x3FA9];
	_ =	sdelay $0x3  }
0x36: {  	p1 =	seq.s32 s10, $0x1;
	s10 =	sld [smem:$0x3FAA];
	_ =	sdelay $0x3  }
0x37: {  	[smem:$0x3FAA] =	sst s10  }
0x38: {  	s10 =	sld [smem:$0x3FAB]  }
0x39: {  	_ = 	snop;
	(pc) =	sbr.ind lr, $3  }
0x3a: {  	_ = 	snop  }
0x3b: {  	_ = 	snop  }
0x3c: {  	p2 =	seq.s32 s10, $0x1;
	s10 =	sld [smem:$0x3FAA]  }
0x3d: {  	_ =	shalt  }
0x3e: {  	_ =	shalt  }
0x3f: {  	_ =	shalt  }
0x40: {  	_ =	shalt  }
0x41: {  	_ =	shalt  }
0x42: {  	_ =	shalt  }
0x43: {  	_ =	shalt  }
0x44: {  	_ =	shalt  }
0x45: {  	_ =	shalt  }
0x46: {  	_ =	shalt  }
0x47: {  	_ =	shalt  }
0x48: {  	_ =	shalt  }
0x49: {  	_ =	shalt  }
0x4a: {  	_ =	shalt  }
0x4b: {  	_ =	shalt  }
0x4c: {  	_ =	shalt  }
0x4d: {  	_ =	shalt  }
0x4e: {  	_ =	shalt  }
0x4f: {  	_ =	shalt  }
0x50: {  	_ =	shalt  }
0x51: {  	_ =	shalt  }
0x52: {  	_ =	shalt  }
0x53: {  	_ =	shalt  }
0x54: {  	_ =	shalt  }
0x55: {  	_ =	shalt  }
0x56: {  	_ =	shalt  }
0x57: {  	_ =	shalt  }
0x58: {  	_ =	shalt  }
0x59: {  	_ =	shalt  }
0x5a: {  	_ =	shalt  }
0x5b: {  	_ =	shalt  }
0x5c: {  	_ =	shalt  }
0x5d: {  	_ =	shalt  }
0x5e: {  	_ =	shalt  }
0x5f: {  	_ =	shalt  }
0x60: {  	_ =	shalt  }
0x61: {  	_ =	shalt  }
0x62: {  	_ =	shalt  }
0x63: {  	_ =	shalt  }
0x64: {  	_ =	shalt  }
0x65: {  	_ =	shalt  }
0x66: {  	_ =	shalt  }
0x67: {  	_ =	shalt  }
0x68: {  	_ =	shalt  }
0x69: {  	_ =	shalt  }
0x6a: {  	_ =	shalt  }
0x6b: {  	_ =	shalt  }
0x6c: {  	_ =	shalt  }
0x6d: {  	_ =	shalt  }
0x6e: {  	_ =	shalt  }
0x6f: {  	_ =	shalt  }
0x70: {  	_ =	shalt  }
0x71: {  	_ =	shalt  }
0x72: {  	_ =	shalt  }
0x73: {  	_ =	shalt  }
0x74: {  	_ =	shalt  }
0x75: {  	_ =	shalt  }
0x76: {  	_ =	shalt  }
0x77: {  	_ =	shalt  }
0x78: {  	_ =	shalt  }
0x79: {  	_ =	shalt  }
0x7a: {  	_ =	shalt  }
0x7b: {  	_ =	shalt  }
0x7c: {  	_ =	shalt  }
0x7d: {  	_ =	shalt  }
0x7e: {  	_ =	shalt  }
0x7f: {  	_ =	shalt  }
0x80: {  	_ =	shalt  }
0x81: {  	_ =	shalt  }
0x82: {  	_ =	shalt  }
0x83: {  	_ =	shalt  }
0x84: {  	_ =	shalt  }
0x85: {  	_ =	shalt  }
0x86: {  	_ =	shalt  }
0x87: {  	_ =	shalt  }
.Lfunc_end0:
.L_simem_size_0:
called_computation.5_lowered:
.L_overlay_start_0:
0x88: {  	s2 =	sld [smem:$0x3FD9]  }
0x89: {  	s3 =	sld [smem:$0x3FFE];
	_ =	sdelay $0x1  }
0x8a: {  	s1 =	srdreg.scid  }
0x8b: {  	s0 =	sand.u32 $0x1, s1  }
0x8c: {  	s16 =	sshll.u32 s0, $0xA;
	s2 =	sadd.s32 s3, s2  }
0x8d: {  	s2 =	sadd.s32 s2, s16  }
0x8e: {  	[smem:$0x3FB6] =	sst s2  }
0x8f: {  	_ = 	snop  }
0x90: {  	(tm) =	ssettm $0x1  }
0x91: {  	s17 =	sld [smem:$0x3FFB];
	_ =	sdelay $0x3  }
0x92: {  	_ =	strace s17  }
0x93: {  	s2 =	sld [smem:$0x3FFC];
	_ =	sdelay $0x3  }
0x94: {  	_ =	strace s2  }
0x95: {  	s2 =	sld [smem:$0x3FFD];
	_ =	sdelay $0x3  }
0x96: {  	_ =	strace s2  }
0x97: {  	_ =	strace $0x8FFFFFFF  }
0x98: {  	s18 =	sld [smem:$0x3FDB];
	_ =	sdelay $0x1  }
0x99: {  	s19 =	simm.s32 $_scs_section_size  }
0x9a: {  	s4 =	simm.s32 $_size__tile_overlayer_lowered;
	s5 =	simm.s32 $_tile_overlayer_lowered  }
0x9b: {  	s22 =	simm.s32 $0x1BFF;
	s21 =	sshll.u32 s5, $0x1;
	s2 =	sadd.s32 s19, s18  }
0x9c: {  	s6 =	simm.s32 $0x0;
	s20 =	sshll.u32 s4, $0x1;
	s4 =	sadd.s32 s21, s2  }
0x9d: {  	[timem:s6], [sflag:s22] =	dma.local [hbm:s4], s20  }
0x9e: {  	_ =	swait.ge [sflag:s22], s20  }
0x9f: {  	s3 =	ssub.s32 $0x0, s20;
	[sflag:s22] =	ssyncset.done $0x0  }
0xa0: {  	[sflag:s22] =	ssyncadd.s32 s3;
	_ =	sdelay $0x1  }
0xa1: {  	s23 =	simm.s32 $0x1B8B  }
0xa2: {  	_ =	swait.ge [sflag:s23], $0x1  }
0xa3: {  	[sflag:s23] =	ssyncset.done $0x0  }
0xa4: {  	s25 =	simm.s32 $0x1B8E;
	s24 =	sld [smem:$0x3FFE];
	[sflag:s23] =	ssyncadd.s32 $0xFFFFFFFF  }
0xa5: {  	s26 =	simm.s32 $execute0_lowered;
	[smem:$0x3FD2] =	sst s25  }
0xa6: {  	s4 =	sshll.u32 s26, $0x1;
	_ =	strace $0x80000055;
	[dreg:$0x1] =	wrdreg $0xFFFFFFFF  }
0xa7: {  	s28 =	simm.s32 $_size_execute0_lowered;
	s2 =	sadd.s32 s2, s4;
	[dreg:$0x0] =	wrdreg $0x0  }
0xa8: {  	s4 =	sshll.u32 s28, $0x1;
	[dreg:$0x2] =	wrdreg s2  }
0xa9: {  	[dreg:$0x3] =	wrdreg s4  }
0xaa: {  	[dreg:$0x4] =	wrdreg $0xC0  }
0xab: {  	_ =	task [dreg:s6], $0x5FFFF  }
0xac: {  	[dreg:$0x1] =	wrdreg $0xFFFFFFFF  }
0xad: {  	[dreg:$0x0] =	wrdreg $0x60  }
0xae: {  	[dreg:$0x2] =	wrdreg s24  }
0xaf: {  	[dreg:$0x3] =	wrdreg $0x70000  }
0xb0: {  	[dreg:$0x4] =	wrdreg $0x9  }
0xb1: {  	_ =	task.clear_ibuf [dreg:s6], $0x5FFFF;
	_ =	strace $0x90000055  }
0xb2: {  	s29 =	simm.s32 $0x9;
	_ =	strace $0x80000057  }
0xb3: {  	_ =	swait.ge [sflag:s29], $0x1  }
0xb4: {  	[sflag:s29] =	ssyncadd.s32 $0xFFFFFFFF  }
0xb5: {  	_ =	strace $0x90000057  }
0xb6: {  	_ =	sfence  }
0xb7: {  	s30 =	sld [smem:$0x0];
	_ =	sdelay $0x2  }
0xb8: {  	s31 =	sshll.u32 s1, $0xD;
	s1 =	sshrl.u32 s1, $0x2  }
0xb9: {  	s3 =	sand.u32 $0x4000, s31;
	s1 =	sadd.s32 s1, s30  }
0xba: {  	s0 =	sor.u32 s3, s0;
	s1 =	sshll.u32 s1, $0x11  }
0xbb: {  	s0 =	sor.u32 s1, s0  }
0xbc: {  	s0 =	sadd.s32 $0x8F2B, s0  }
0xbd: {  	[sflag:s0] =	ssyncadd.remote.s32 $0x1  }
0xbe: {  	_ =	sfence.sel $0xFFFF  }
0xbf: {  	[dreg:$0x0] =	wrdreg $0xFFFFFFFF;
	(pc) =	sbr.abs _section_cstart, $3  }
0xc0: {  	[dreg:$0x1] =	wrdreg $0xFFFFFFFF  }
0xc1: {  	_ =	task.clear_ibuf [dreg:s6], $0x2FFFF;
	_ =	strace $0x9FFFFFFF  }
0xc2: {  	(tm) =	ssettm $0x7FFFFFFF  }
0xc3: {  	_ =	shalt  }
tec
execute0_lowered:
.L_overlay_start_1:
0x0: {  	(tag) =	ssettag $0x1  }
0x1: {  	s0 =	rddreg [dreg:$0x0]  }
0x2: {  	s1 =	rddreg [dreg:$0x1];
	s2 =	simm.s32 $0x0;
	s3 =	srdreg.scid  }
0x3: {  	s11 =	stileid.u32;
	s28 =	simm.s32 $0x1;
	s29 =	simm.s32 $0x1000  }
0x4: {  	s30 =	simm.s32 $0x50;
	s31 =	simm.s32 $0x4800;
	[smem:$0x7FF] =	sst s2  }
0x5: {  	s4 =	sadd.s32 $0x25000, s0;
	s3 =	sand.u32 $0x1, s3;
	s5 =	sadd.s32 $0x15000, s0  }
0x6: {  	s6 =	sadd.s32 $0x5000, s0;
	s9 =	smul.u32 $0x50000, s11;
	s0 =	sadd.s32 $0x4C200, s0  }
0x7: {  	s26 =	sshll.u32 s11, $0xB;
	s16 =	smul.u32 $0x14000, s11;
	_ =	strace $0x80000056  }
0x8: {  	s7 =	ssub.s32 $0x2, s3;
	s25 =	sshll.u32 s3, $0xF;
	s3 =	smul.u32 $0x140000, s3  }
0x9: {  	s8 =	sshrl.u32 s7, $0x1;
	s9 =	sshrl.u32 s9, $0x2;
	s13 =	sor.u32 $0x2800, s16  }
0xa: {  	s17 =	sadd.s32 $0x5000, s16;
	s18 =	sadd.s32 $0x7800, s16;
	s19 =	sadd.s32 $0xA000, s16  }
0xb: {  	s20 =	sadd.s32 $0xC800, s16;
	s21 =	sadd.s32 $0xF000, s16;
	s10 =	ssub.s32 s7, s8  }
0xc: {  	s7 =	sor.u32 s26, s25;
	s8 =	sadd.s32 s9, s1;
	s23 =	sadd.s32 s13, s1  }
0xd: {  	s24 =	sadd.s32 s17, s1;
	s22 =	sadd.s32 s18, s1;
	s25 =	sadd.s32 s19, s1  }
0xe: {  	s14 =	sadd.s32 s20, s1;
	s15 =	sadd.s32 s21, s1;
	s9 =	sadd.s32 s3, s13  }
0xf: {  	s17 =	sadd.s32 s3, s17;
	s18 =	sadd.s32 s3, s18;
	s19 =	sadd.s32 s3, s19  }
0x10: {  	s20 =	sadd.s32 s3, s20;
	s21 =	sadd.s32 s3, s21;
	[dreg:$0x4] =	wrdreg s22  }
0x11: {  	s12 =	smax.u32 s10, $0x1;
	[dreg:$0x5] =	wrdreg s25;
	s22 =	sadd.s32 s3, s16  }
0x12: {  	s16 =	sadd.s32 $0x11800, s16;
	s9 =	sshrl.u32 s9, $0x3;
	s11 =	sshrl.u32 s17, $0x3  }
0x13: {  	s13 =	sshrl.u32 s19, $0x3;
	s25 =	sshrl.u32 s21, $0x3;
	[dreg:$0x3] =	wrdreg s12  }
0x14: {  	s22 =	sshrl.u32 s22, $0x3;
	s3 =	sadd.s32 s3, s16;
	s9 =	sadd.s32 s0, s9  }
0x15: {  	s16 =	sadd.s32 s16, s1;
	s19 =	sadd.s32 s0, s13;
	[dreg:$0x7] =	wrdreg s9  }
0x16: {  	s12 =	sshrl.u32 s18, $0x3;
	s26 =	sadd.s32 s0, s22;
	[dreg:$0xa] =	wrdreg s19  }
0x17: {  	s18 =	simm.s32 $0x1F80;
	s9 =	sadd.s32 s0, s11;
	[dreg:$0x6] =	wrdreg s26  }
0x18: {  	s17 =	sadd.s32 s0, s12;
	s22 =	sshrl.u32 s20, $0x3;
	[dreg:$0x8] =	wrdreg s9  }
0x19: {  	s3 =	sshrl.u32 s3, $0x3;
	[dreg:$0x9] =	wrdreg s17;
	s9 =	sadd.s32 s0, s22  }
0x1a: {  	s19 =	simm.s32 $0x0;
	s26 =	sadd.s32 s0, s25;
	[dreg:$0xb] =	wrdreg s9  }
0x1b: {  	s0 =	sadd.s32 s0, s3;
	s25 =	simm.s32 $0x2000;
	[dreg:$0xc] =	wrdreg s26  }
0x1c: {  	s3 =	simm.s32 $0x3;
	s17 =	simm.s32 $0x1F00;
	[dreg:$0xd] =	wrdreg s0  }
0x1d: {  	v0 =	vimm.f32 $0.0e+00;
	s26 =	simm.s32 $0x4;
	s0 =	simm.s32 $0x2;
	s9 =	simm.s32 $0xF80  }
.LBB2_1:
0x1e: {  	s20 =	simm.s32 $0x70;
	s21 =	simm.s32 $0x3C0  }
.LBB2_2:
0x1f: {  	p0 =	sne.s32 s21, $0x9FC0;
	[tilespmem:s20+$0x2000] =	vst v0  }
0x20: {  	[tilespmem:s20+$0x1F90] =	vst v0  }
0x21: {  	[tilespmem:s20+$0x1FA0] =	vst v0  }
.Ltmp0:
0x22: {  	[tilespmem:s20+$0x1FB0] =	vst v0;
	(pc) =	sbr.rel @p0 .LBB2_2-.Ltmp0, $4  }
0x23: {  	[tilespmem:s20+$0x1FC0] =	vst v0  }
0x24: {  	[tilespmem:s20+$0x1FD0] =	vst v0  }
0x25: {  	[tilespmem:s20+$0x1FE0] =	vst v0  }
0x26: {  	[tilespmem:s20+$0x1FF0] =	vst v0;
	s20 =	sshra.s32 s21, $0x2;
	s21 =	sadd.s32 $0x200, s21  }
0x27: {  	[tilespmem:s20+$0x2000] =	vst v0  }
0x28: {  	[tilespmem:s20+$0x1F90] =	vst v0  }
0x29: {  	[tilespmem:s20+$0x1FA0] =	vst v0  }
0x2a: {  	[tilespmem:s20+$0x1FB0] =	vst v0  }
0x2b: {  	[tilespmem:s20+$0x1FC0] =	vst v0  }
0x2c: {  	[tilespmem:s20+$0x1FD0] =	vst v0  }
0x2d: {  	[tilespmem:s20+$0x1FE0] =	vst v0  }
0x2e: {  	[tilespmem:s20+$0x1FF0] =	vst v0  }
0x2f: {  	[spmem:s8] =	stream.linear.scatter [tilespmem:s25], [sflag:$0x4], $0x2800, $0x38;
	[tilespmem:$0x1B000] =	vst v63  }
0x30: {  	_ =	swait.ge [sflag:s26], $0x2800  }
0x31: {  	[sflag:s26] =	ssyncset.done $0x0  }
0x32: {  	[sflag:s26] =	ssyncadd.s32 $0xFFFFD800  }
0x33: {  	[spmem:s23] =	stream.linear.scatter [tilespmem:s25], [sflag:$0x4], $0x2800, $0x38;
	[tilespmem:$0x1B000] =	vst v63  }
0x34: {  	_ =	swait.ge [sflag:s26], $0x2800  }
0x35: {  	[sflag:s26] =	ssyncset.done $0x0  }
0x36: {  	[sflag:s26] =	ssyncadd.s32 $0xFFFFD800  }
0x37: {  	[spmem:s24] =	stream.linear.scatter [tilespmem:s25], [sflag:$0x4], $0x2800, $0x38;
	[tilespmem:$0x1B000] =	vst v63  }
0x38: {  	_ =	swait.ge [sflag:s26], $0x2800  }
0x39: {  	[sflag:s26] =	ssyncset.done $0x0  }
0x3a: {  	s12 =	smov.u32 s23;
	s23 =	rddreg [dreg:$0x4];
	[sflag:s26] =	ssyncadd.s32 $0xFFFFD800  }
0x3b: {  	[spmem:s23] =	stream.linear.scatter [tilespmem:s25], [sflag:$0x4], $0x2800, $0x38;
	[tilespmem:$0x1B000] =	vst v63  }
0x3c: {  	_ =	swait.ge [sflag:s26], $0x2800  }
0x3d: {  	[sflag:s26] =	ssyncset.done $0x0  }
0x3e: {  	s13 =	smov.u32 s24;
	s24 =	rddreg [dreg:$0x5];
	[sflag:s26] =	ssyncadd.s32 $0xFFFFD800  }
0x3f: {  	[spmem:s24] =	stream.linear.scatter [tilespmem:s25], [sflag:$0x4], $0x2800, $0x38;
	[tilespmem:$0x1B000] =	vst v63  }
0x40: {  	_ =	swait.ge [sflag:s26], $0x2800  }
0x41: {  	[sflag:s26] =	ssyncset.done $0x0  }
0x42: {  	[sflag:s26] =	ssyncadd.s32 $0xFFFFD800  }
0x43: {  	[spmem:s14] =	stream.linear.scatter [tilespmem:s25], [sflag:$0x4], $0x2800, $0x38;
	[tilespmem:$0x1B000] =	vst v63  }
0x44: {  	_ =	swait.ge [sflag:s26], $0x2800  }
0x45: {  	[sflag:s26] =	ssyncset.done $0x0  }
0x46: {  	[sflag:s26] =	ssyncadd.s32 $0xFFFFD800  }
0x47: {  	[spmem:s15] =	stream.linear.scatter [tilespmem:s25], [sflag:$0x4], $0x2800, $0x38;
	[tilespmem:$0x1B000] =	vst v63  }
0x48: {  	_ =	swait.ge [sflag:s26], $0x2800  }
0x49: {  	[sflag:s26] =	ssyncset.done $0x0  }
0x4a: {  	[sflag:s26] =	ssyncadd.s32 $0xFFFFD800  }
0x4b: {  	[spmem:s16] =	stream.linear.scatter [tilespmem:s25], [sflag:$0x4], $0x2800, $0x38;
	[tilespmem:$0x1B000] =	vst v63  }
0x4c: {  	_ =	swait.ge [sflag:s26], $0x2800  }
0x4d: {  	[sflag:s26] =	ssyncset.done $0x0  }
0x4e: {  	s11 =	smov.u32 s8;
	[sflag:s26] =	ssyncadd.s32 $0xFFFFD800  }
0x4f: {  	s20 =	simm.s32 $0x0;
	s21 =	simm.s32 $0x0;
	[bflag:$0x0] =	sbarrier.arrive $0xFFFF  }
.LBB2_4:
0x50: {  	s22 =	sshll.u32 s21, $0x9  }
0x51: {  	s22 =	sadd.s32 s7, s22  }
0x52: {  	s23 =	sadd.s32 s5, s22  }
0x53: {  	[tilespmem:s20], [sflag:$0x1] =	stream.linear.gather [hbm4b:s23+s20], $0x1000, $0x38;
	[tilespmem:$0x1B000] =	vst v63  }
0x54: {  	_ =	swait.ge [sflag:s28], $0x1000  }
0x55: {  	[sflag:s28] =	ssyncset.done $0x0  }
0x56: {  	s22 =	sadd.s32 s6, s22;
	[sflag:s28] =	ssyncadd.s32 $0xFFFFF000  }
0x57: {  	[tilespmem:s29], [sflag:$0x1] =	stream.linear.gather [hbm4b:s22+s20], $0x1000, $0x38;
	[tilespmem:$0x1B000] =	vst v63  }
0x58: {  	_ =	swait.ge [sflag:s28], $0x1000  }
0x59: {  	[sflag:s28] =	ssyncset.done $0x0  }
0x5a: {  	[sflag:s28] =	ssyncadd.s32 $0xFFFFF000  }
0x5b: {  	[tilespmem:s25], [sflag:$0x2] =	stream.indirect.gather [hbm4b:s4+s30], $0x80, s20, s30, $0xb8;
	[tilespmem:$0x1B000] =	vst v63  }
0x5c: {  	s8 =	simm.s32 $0x80  }
0x5d: {  	[tilespmem:s31], [sflag:$0x3] =	stream.indirect.gather [hbm4b:s4+s30], $0x80, s8, s30, $0xb8;
	[tilespmem:$0x1B000] =	vst v63  }
0x5e: {  	_ =	swait.ge [sflag:s0], $0x2800  }
0x5f: {  	[sflag:s0] =	ssyncset.done $0x0  }
0x60: {  	s10 =	simm.s32 $0x1000;
	[sflag:s0] =	ssyncadd.s32 $0xFFFFD800  }
0x61: {  	[spmem:s1] =	stream.indirect.scatter.add.f32 [tilespmem:s25], [sflag:$0x4], $0x80, s10, s30, $0xb8;
	[tilespmem:$0x1B000] =	vst v63  }
0x62: {  	_ =	swait.ge [sflag:s26], $0x2800  }
0x63: {  	[sflag:s26] =	ssyncset.done $0x0  }
0x64: {  	s23 =	simm.s32 $0x100;
	[sflag:s26] =	ssyncadd.s32 $0xFFFFD800  }
0x65: {  	[tilespmem:s25], [sflag:$0x2] =	stream.indirect.gather [hbm4b:s4+s30], $0x80, s23, s30, $0xb8;
	[tilespmem:$0x1B000] =	vst v63  }
0x66: {  	_ =	swait.ge [sflag:s3], $0x2800  }
0x67: {  	[sflag:s3] =	ssyncset.done $0x0  }
0x68: {  	s24 =	simm.s32 $0x1080;
	[sflag:s3] =	ssyncadd.s32 $0xFFFFD800  }
0x69: {  	[spmem:s1] =	stream.indirect.scatter.add.f32 [tilespmem:s31], [sflag:$0x4], $0x80, s24, s30, $0xb8;
	[tilespmem:$0x1B000] =	vst v63  }
0x6a: {  	_ =	swait.ge [sflag:s26], $0x2800  }
0x6b: {  	s22 =	simm.s32 $0x100;
	s23 =	simm.s32 $0x800;
	[sflag:s26] =	ssyncset.done $0x0  }
.LBB2_5:
0x6c: {  	s24 =	sadd.s32 $0x80, s22  }
0x6d: {  	[sflag:s26] =	ssyncadd.s32 $0xFFFFD800;
	s8 =	smov.u32 s23;
	s10 =	sadd.s32 $0x400, s23  }
0x6e: {  	[tilespmem:s31], [sflag:$0x3] =	stream.indirect.gather [hbm4b:s4+s30], $0x80, s24, s30, $0xb8;
	[tilespmem:$0x1B000] =	vst v63  }
0x6f: {  	p0 =	sne.s32 s23, $0x3800;
	_ =	swait.ge [sflag:s0], $0x2800  }
0x70: {  	[sflag:s0] =	ssyncset.done $0x0  }
0x71: {  	s23 =	sadd.s32 $0x1000, s22;
	[sflag:s0] =	ssyncadd.s32 $0xFFFFD800  }
0x72: {  	[spmem:s1] =	stream.indirect.scatter.add.f32 [tilespmem:s25], [sflag:$0x4], $0x80, s23, s30, $0xb8;
	[tilespmem:$0x1B000] =	vst v63  }
0x73: {  	_ =	swait.ge [sflag:s26], $0x2800  }
0x74: {  	[sflag:s26] =	ssyncset.done $0x0  }
0x75: {  	s23 =	sadd.s32 $0x100, s22;
	[sflag:s26] =	ssyncadd.s32 $0xFFFFD800  }
0x76: {  	[tilespmem:s25], [sflag:$0x2] =	stream.indirect.gather [hbm4b:s4+s30], $0x80, s23, s30, $0xb8;
	[tilespmem:$0x1B000] =	vst v63  }
0x77: {  	_ =	swait.ge [sflag:s3], $0x2800  }
.Ltmp1:
0x78: {  	[sflag:s3] =	ssyncset.done $0x0;
	(pc) =	sbr.rel @p0 .LBB2_5-.Ltmp1, $4  }
0x79: {  	s22 =	sadd.s32 $0x1080, s22;
	[sflag:s3] =	ssyncadd.s32 $0xFFFFD800  }
0x7a: {  	[spmem:s1] =	stream.indirect.scatter.add.f32 [tilespmem:s31], [sflag:$0x4], $0x80, s22, s30, $0xb8;
	[tilespmem:$0x1B000] =	vst v63  }
0x7b: {  	_ =	swait.ge [sflag:s26], $0x2800  }
0x7c: {  	s23 =	smov.u32 s10;
	s22 =	sshra.s32 s8, $0x2;
	[sflag:s26] =	ssyncset.done $0x0  }
0x7d: {  	s8 =	sadd.s32 $0x80, s22;
	[sflag:s26] =	ssyncadd.s32 $0xFFFFD800  }
0x7e: {  	[tilespmem:s31], [sflag:$0x3] =	stream.indirect.gather [hbm4b:s4+s30], $0x80, s8, s30, $0xb8;
	[tilespmem:$0x1B000] =	vst v63  }
0x7f: {  	_ =	swait.ge [sflag:s0], $0x2800  }
0x80: {  	[sflag:s0] =	ssyncset.done $0x0  }
0x81: {  	s10 =	sadd.s32 $0x1000, s22;
	[sflag:s0] =	ssyncadd.s32 $0xFFFFD800  }
0x82: {  	[spmem:s1] =	stream.indirect.scatter.add.f32 [tilespmem:s25], [sflag:$0x4], $0x80, s10, s30, $0xb8;
	[tilespmem:$0x1B000] =	vst v63  }
0x83: {  	_ =	swait.ge [sflag:s26], $0x2800  }
0x84: {  	[sflag:s26] =	ssyncset.done $0x0  }
0x85: {  	s23 =	sadd.s32 $0x100, s22;
	[sflag:s26] =	ssyncadd.s32 $0xFFFFD800  }
0x86: {  	[tilespmem:s25], [sflag:$0x2] =	stream.indirect.gather [hbm4b:s4+s30], $0x80, s23, s30, $0xb8;
	[tilespmem:$0x1B000] =	vst v63  }
0x87: {  	_ =	swait.ge [sflag:s3], $0x2800  }
0x88: {  	[sflag:s3] =	ssyncset.done $0x0  }
0x89: {  	s24 =	sadd.s32 $0x1080, s22;
	[sflag:s3] =	ssyncadd.s32 $0xFFFFD800  }
0x8a: {  	[spmem:s1] =	stream.indirect.scatter.add.f32 [tilespmem:s31], [sflag:$0x4], $0x80, s24, s30, $0xb8;
	[tilespmem:$0x1B000] =	vst v63  }
0x8b: {  	_ =	swait.ge [sflag:s26], $0x2800  }
0x8c: {  	[sflag:s26] =	ssyncset.done $0x0  }
0x8d: {  	[sflag:s26] =	ssyncadd.s32 $0xFFFFD800  }
0x8e: {  	[tilespmem:s31], [sflag:$0x3] =	stream.indirect.gather [hbm4b:s4+s30], $0x80, s9, s30, $0xb8;
	[tilespmem:$0x1B000] =	vst v63  }
0x8f: {  	_ =	swait.ge [sflag:s0], $0x2800  }
0x90: {  	[sflag:s0] =	ssyncset.done $0x0  }
0x91: {  	[sflag:s0] =	ssyncadd.s32 $0xFFFFD800  }
0x92: {  	[spmem:s1] =	stream.indirect.scatter.add.f32 [tilespmem:s25], [sflag:$0x4], $0x80, s17, s30, $0xb8;
	[tilespmem:$0x1B000] =	vst v63  }
0x93: {  	_ =	swait.ge [sflag:s26], $0x2800  }
0x94: {  	[sflag:s26] =	ssyncset.done $0x0  }
0x95: {  	[sflag:s26] =	ssyncadd.s32 $0xFFFFD800  }
0x96: {  	s21 =	sadd.s32 $0x1, s21;
	_ =	swait.ge [sflag:s3], $0x2800  }
0x97: {  	p0 =	sne.s32 s21, $0x4;
	[sflag:s3] =	ssyncset.done $0x0  }
.Ltmp2:
0x98: {  	[sflag:s3] =	ssyncadd.s32 $0xFFFFD800;
	(pc) =	sbr.rel @p0 .LBB2_4-.Ltmp2, $4  }
0x99: {  	[spmem:s1] =	stream.indirect.scatter.add.f32 [tilespmem:s31], [sflag:$0x4], $0x80, s18, s30, $0xb8;
	[tilespmem:$0x1B000] =	vst v63  }
0x9a: {  	_ =	swait.ge [sflag:s26], $0x2800  }
0x9b: {  	[sflag:s26] =	ssyncset.done $0x0  }
0x9c: {  	[sflag:s26] =	ssyncadd.s32 $0xFFFFD800  }
0x9d: {  	[bflag:$0x0] =	sbarrier.arrive $0xFFFF  }
0x9e: {  	[tilespmem:s25], [sflag:$0x4] =	stream.linear.gather [spmem:s11], $0x2800, $0x38;
	[tilespmem:$0x1B000] =	vst v63  }
0x9f: {  	_ =	swait.ge [sflag:s26], $0x2800  }
0xa0: {  	[sflag:s26] =	ssyncset.done $0x0  }
0xa1: {  	s10 =	rddreg [dreg:$0x6];
	[sflag:s26] =	ssyncadd.s32 $0xFFFFD800  }
0xa2: {  	[hbm4b:s10+s2] =	stream.linear.scatter [tilespmem:s25], [sflag:$0x4], $0x2800, $0x38;
	[tilespmem:$0x1B000] =	vst v63  }
0xa3: {  	_ =	swait.ge [sflag:s26], $0x2800  }
0xa4: {  	[sflag:s26] =	ssyncset.done $0x0  }
0xa5: {  	[sflag:s26] =	ssyncadd.s32 $0xFFFFD800  }
0xa6: {  	[tilespmem:s25], [sflag:$0x4] =	stream.linear.gather [spmem:s12], $0x2800, $0x38;
	[tilespmem:$0x1B000] =	vst v63  }
0xa7: {  	_ =	swait.ge [sflag:s26], $0x2800  }
0xa8: {  	[sflag:s26] =	ssyncset.done $0x0  }
0xa9: {  	s23 =	smov.u32 s12;
	s12 =	rddreg [dreg:$0x7];
	[sflag:s26] =	ssyncadd.s32 $0xFFFFD800  }
0xaa: {  	[hbm4b:s12+s2] =	stream.linear.scatter [tilespmem:s25], [sflag:$0x4], $0x2800, $0x38;
	[tilespmem:$0x1B000] =	vst v63  }
0xab: {  	_ =	swait.ge [sflag:s26], $0x2800  }
0xac: {  	[sflag:s26] =	ssyncset.done $0x0  }
0xad: {  	[sflag:s26] =	ssyncadd.s32 $0xFFFFD800  }
0xae: {  	[tilespmem:s25], [sflag:$0x4] =	stream.linear.gather [spmem:s13], $0x2800, $0x38;
	[tilespmem:$0x1B000] =	vst v63  }
0xaf: {  	_ =	swait.ge [sflag:s26], $0x2800  }
0xb0: {  	[sflag:s26] =	ssyncset.done $0x0  }
0xb1: {  	s20 =	rddreg [dreg:$0x8];
	[sflag:s26] =	ssyncadd.s32 $0xFFFFD800  }
0xb2: {  	[hbm4b:s20+s2] =	stream.linear.scatter [tilespmem:s25], [sflag:$0x4], $0x2800, $0x38;
	[tilespmem:$0x1B000] =	vst v63  }
0xb3: {  	_ =	swait.ge [sflag:s26], $0x2800  }
0xb4: {  	[sflag:s26] =	ssyncset.done $0x0  }
0xb5: {  	s21 =	rddreg [dreg:$0x4];
	[sflag:s26] =	ssyncadd.s32 $0xFFFFD800  }
0xb6: {  	[tilespmem:s25], [sflag:$0x4] =	stream.linear.gather [spmem:s21], $0x2800, $0x38;
	[tilespmem:$0x1B000] =	vst v63  }
0xb7: {  	_ =	swait.ge [sflag:s26], $0x2800  }
0xb8: {  	[sflag:s26] =	ssyncset.done $0x0  }
0xb9: {  	s22 =	rddreg [dreg:$0x9];
	[sflag:s26] =	ssyncadd.s32 $0xFFFFD800  }
0xba: {  	[hbm4b:s22+s2] =	stream.linear.scatter [tilespmem:s25], [sflag:$0x4], $0x2800, $0x38;
	[tilespmem:$0x1B000] =	vst v63  }
0xbb: {  	_ =	swait.ge [sflag:s26], $0x2800  }
0xbc: {  	[sflag:s26] =	ssyncset.done $0x0  }
0xbd: {  	s8 =	smov.u32 s11;
	s11 =	rddreg [dreg:$0x5];
	[sflag:s26] =	ssyncadd.s32 $0xFFFFD800  }
0xbe: {  	[tilespmem:s25], [sflag:$0x4] =	stream.linear.gather [spmem:s11], $0x2800, $0x38;
	[tilespmem:$0x1B000] =	vst v63  }
0xbf: {  	_ =	swait.ge [sflag:s26], $0x2800  }
0xc0: {  	[sflag:s26] =	ssyncset.done $0x0  }
0xc1: {  	s12 =	rddreg [dreg:$0xa];
	[sflag:s26] =	ssyncadd.s32 $0xFFFFD800  }
0xc2: {  	[hbm4b:s12+s2] =	stream.linear.scatter [tilespmem:s25], [sflag:$0x4], $0x2800, $0x38;
	[tilespmem:$0x1B000] =	vst v63  }
0xc3: {  	_ =	swait.ge [sflag:s26], $0x2800  }
0xc4: {  	[sflag:s26] =	ssyncset.done $0x0  }
0xc5: {  	[sflag:s26] =	ssyncadd.s32 $0xFFFFD800  }
0xc6: {  	[tilespmem:s25], [sflag:$0x4] =	stream.linear.gather [spmem:s14], $0x2800, $0x38;
	[tilespmem:$0x1B000] =	vst v63  }
0xc7: {  	_ =	swait.ge [sflag:s26], $0x2800  }
0xc8: {  	[sflag:s26] =	ssyncset.done $0x0  }
0xc9: {  	s24 =	smov.u32 s13;
	s13 =	rddreg [dreg:$0xb];
	[sflag:s26] =	ssyncadd.s32 $0xFFFFD800  }
0xca: {  	[hbm4b:s13+s2] =	stream.linear.scatter [tilespmem:s25], [sflag:$0x4], $0x2800, $0x38;
	[tilespmem:$0x1B000] =	vst v63  }
0xcb: {  	_ =	swait.ge [sflag:s26], $0x2800  }
0xcc: {  	[sflag:s26] =	ssyncset.done $0x0  }
0xcd: {  	[sflag:s26] =	ssyncadd.s32 $0xFFFFD800  }
0xce: {  	[tilespmem:s25], [sflag:$0x4] =	stream.linear.gather [spmem:s15], $0x2800, $0x38;
	[tilespmem:$0x1B000] =	vst v63  }
0xcf: {  	_ =	swait.ge [sflag:s26], $0x2800  }
0xd0: {  	[sflag:s26] =	ssyncset.done $0x0  }
0xd1: {  	s20 =	rddreg [dreg:$0xc];
	[sflag:s26] =	ssyncadd.s32 $0xFFFFD800  }
0xd2: {  	[hbm4b:s20+s2] =	stream.linear.scatter [tilespmem:s25], [sflag:$0x4], $0x2800, $0x38;
	[tilespmem:$0x1B000] =	vst v63  }
0xd3: {  	_ =	swait.ge [sflag:s26], $0x2800  }
0xd4: {  	[sflag:s26] =	ssyncset.done $0x0  }
0xd5: {  	[sflag:s26] =	ssyncadd.s32 $0xFFFFD800  }
0xd6: {  	[tilespmem:s25], [sflag:$0x4] =	stream.linear.gather [spmem:s16], $0x2800, $0x38;
	[tilespmem:$0x1B000] =	vst v63  }
0xd7: {  	_ =	swait.ge [sflag:s26], $0x2800  }
0xd8: {  	[sflag:s26] =	ssyncset.done $0x0  }
0xd9: {  	s21 =	rddreg [dreg:$0xd];
	[sflag:s26] =	ssyncadd.s32 $0xFFFFD800  }
0xda: {  	[hbm4b:s21+s2] =	stream.linear.scatter [tilespmem:s25], [sflag:$0x4], $0x2800, $0x38;
	[tilespmem:$0x1B000] =	vst v63  }
0xdb: {  	_ =	swait.ge [sflag:s26], $0x2800  }
0xdc: {  	s19 =	sadd.s32 $0x1, s19;
	s22 =	rddreg [dreg:$0x3]  }
0xdd: {  	p0 =	sne.s32 s19, s22  }
.Ltmp3:
0xde: {  	_ = 	snop;
	(pc) =	sbr.rel @p0 .LBB2_1-.Ltmp3, $3  }
0xdf: {  	_ =	sdelay $0x1  }
0xe0: {  	[sflag:s26] =	ssyncset.done $0x0  }
0xe1: {  	[sflag:s26] =	ssyncadd.s32 $0xFFFFD800  }
0xe2: {  	_ =	sfence.sel $0x180000  }
0xe3: {  	[bflag:$0x0] =	sbarrier.arrive $0xFFFF  }
0xe4: {  	_ =	strace $0x90000056  }
0xe5: {  	s0 =	stileid.u32;
	[bflag:$0x2] =	sbarrier.arrive $0xFFFF  }
0xe6: {  	p0 =	sne.s32 s0, $0x0;
	s0 =	rddreg [dreg:$0x2]  }
0xe7: {  	s0 =	sadd.s32 @!p0 $0x100000, s0  }
0xe8: {  	[sflag:s0] =	ssyncadd.tile.s32 @!p0 $0x1;
	_ =	shalt  }
.Lfunc_end2:
_tile_overlayer_lowered:
.L_overlay_start_2:
0xe9: {  	(tag) =	ssettag $0x2  }
0xea: {  	s0 =	rddreg [dreg:$0x0];
	s2 =	stileid.u32  }
0xeb: {  	s1 =	rddreg [dreg:$0x1];
	p0 =	sne.s32 s2, $0x0  }
0xec: {  	s3 =	rddreg [dreg:$0x2];
	[bflag:$0x3] =	sbarrier.arrive $0xFFFF;
	s2 =	simm.s32 @!p0 $0x1C04  }
0xed: {  	[timem:s3], [sflag:s2] =	dma.local @!p0 [hbm:s0], s1  }
0xee: {  	s0 =	simm.s32 @!p0 $0x4  }
0xef: {  	_ =	swait.ge @!p0 [sflag:s0], s1  }
0xf0: {  	s1 =	ssub.s32 @!p0 $0x0, s1;
	[sflag:s0] =	ssyncset.done @!p0 $0x0  }
0xf1: {  	[sflag:s0] =	ssyncadd.s32 @!p0 s1  }
0xf2: {  	[bflag:$0x3] =	sbarrier.arrive $0xFFFF  }
0xf3: {  	_ =	shalt  }

// kernel: kernel.34.cloned.1.call-start
scs
__scs_entry_jumppad:
0x0: {  	(pc) =	sbr.rel $0x88, $3  }
0x1: {  	(tag) =	ssettag $0x0;
	lr =	simm.s32 $0x1  }
0x2: {  	[smem:$0x3F8F] =	sst lr;
	_ =	strace $0xD0000000  }
0x3: {  	_ = 	snop  }
0x4: {  	_ = 	snop  }
0x5: {  	_ = 	snop  }
0x6: {  	_ = 	snop  }
0x7: {  	_ = 	snop  }
__scs_overlays_trampoline_lowered:
0x8: {  	[smem:$0x3F9E] =	sst s0  }
0x9: {  	[smem:$0x3F9F] =	sst s1  }
0xa: {  	[smem:$0x3FA0] =	sst s2  }
0xb: {  	[smem:$0x3FA1] =	sst s3  }
0xc: {  	[smem:$0x3FA2] =	sst s4  }
0xd: {  	[smem:$0x3FA3] =	sst s5  }
0xe: {  	[smem:$0x3FA4] =	sst s6  }
0xf: {  	[smem:$0x3FA5] =	sst s7  }
0x10: {  	[smem:$0x3FA6] =	sst s8  }
0x11: {  	[smem:$0x3FA7] =	sst s9;
	s0 =	simm.s32 @!p0 $0x0  }
0x12: {  	s1 =	sld [smem:$0x3F8D];
	s0 =	simm.s32 @p0 $0x1  }
0x13: {  	[smem:$0x3FA8] =	sst s0;
	s0 =	simm.s32 @!p1 $0x0  }
0x14: {  	s2 =	sld [smem:$0x3F8C];
	s0 =	simm.s32 @p1 $0x1  }
0x15: {  	[smem:$0x3FA9] =	sst s0;
	s0 =	simm.s32 @!p2 $0x0  }
0x16: {  	s3 =	sld [smem:$0x3FDB];
	s0 =	simm.s32 @p2 $0x1  }
0x17: {  	s4 =	simm.s32 $0x1BF5;
	[smem:$0x3FAB] =	sst s0  }
0x18: {  	s0 =	sld [smem:$0x3F8E];
	_ =	swait.ge [sflag:s4], $0x0  }
0x19: {  	s7 =	sld [smem:$0x3F8F]  }
0x1a: {  	s8 =	sadd.s32 $0xFFFFE003, lr  }
0x1b: {  	s9 =	sadd.s32 $0xFFFFFEF7, lr;
	s5 =	simm.s32 $0xFFFFFFFF;
	p2 =	slt.u32 s8, $0xFFFFF086  }
0x1c: {  	p1 =	slt.u32 s9, $0xF7A;
	s5 =	simm.s32 @!p2 $0x0  }
0x1d: {  	s5 =	simm.s32 @p1 $0x1;
	p0 =	seq.s32 s7, s2  }
0x1e: {  	s7 =	smul.u32 @!p0 $0xF7A, s2;
	p2 =	seq.s32 @!p0 s5, $0x0  }
0x1f: {  	s9 =	smul.u32 $0xF7A, s1;
	s8 =	simm.s32 @!p0 $0x1BF5;
	p2 =	por !p2, p0  }
0x20: {  	[sflag:s8] =	ssyncset.s32 @!p0 $0xFFFFF086;
	s6 =	sadd.s32 @!p0 s3, s7;
	s7 =	simm.s32 @!p0 $0x108  }
0x21: {  	s3 =	sadd.s32 s3, s9;
	s6 =	sadd.s32 @!p0 $0x88, s6;
	s7 =	simm.s32 @p2 $0x1082  }
0x22: {  	[simem:s7], [sflag:s8] =	dma.local @!p0 [hbm:s6], $0xF7A  }
0x23: {  	s9 =	sor.u32 $0xD0000000, s2;
	s6 =	simm.s32 $0x108;
	_ =	swait.ge @!p0 [sflag:s8], $0x0  }
0x24: {  	s3 =	sadd.s32 $0x88, s3;
	s6 =	simm.s32 @!p1 $0x1082;
	[sflag:s4] =	ssyncset.s32 $0xFFFFF086  }
0x25: {  	[simem:s6], [sflag:s4] =	dma.local [hbm:s3], $0xF7A  }
0x26: {  	[smem:$0x3F8F] =	sst s1;
	(tag) =	ssettag s2;
	_ =	strace s9  }
0x27: {  	s1 =	sld [smem:$0x3F9F]  }
0x28: {  	s2 =	sld [smem:$0x3FA0]  }
0x29: {  	s4 =	sld [smem:$0x3FA2]  }
0x2a: {  	p0 =	seq.s32 s5, $0x0;
	s5 =	sld [smem:$0x3FA3]  }
0x2b: {  	s6 =	sld [smem:$0x3FA4]  }
0x2c: {  	s7 =	sld [smem:$0x3FA5]  }
0x2d: {  	s3 =	simm.s32 $0x108;
	s8 =	sld [smem:$0x3FA6]  }
0x2e: {  	s3 =	simm.s32 @!p0 $0x1082;
	s9 =	sld [smem:$0x3FA7]  }
0x2f: {  	lr =	sadd.s32 s0, s3;
	s0 =	sld [smem:$0x3F9E]  }
0x30: {  	s3 =	sld [smem:$0x3FA1]  }
0x31: {  	[smem:$0x3FAA] =	sst s10  }
0x32: {  	s10 =	sld [smem:$0x3FA8];
	_ =	sdelay $0x3  }
0x33: {  	p0 =	seq.s32 s10, $0x1;
	s10 =	sld [smem:$0x3FAA];
	_ =	sdelay $0x3  }
0x34: {  	[smem:$0x3FAA] =	sst s10  }
0x35: {  	s10 =	sld [smem:$0x3FA9];
	_ =	sdelay $0x3  }
0x36: {  	p1 =	seq.s32 s10, $0x1;
	s10 =	sld [smem:$0x3FAA];
	_ =	sdelay $0x3  }
0x37: {  	[smem:$0x3FAA] =	sst s10  }
0x38: {  	s10 =	sld [smem:$0x3FAB]  }
0x39: {  	_ = 	snop;
	(pc) =	sbr.ind lr, $3  }
0x3a: {  	_ = 	snop  }
0x3b: {  	_ = 	snop  }
0x3c: {  	p2 =	seq.s32 s10, $0x1;
	s10 =	sld [smem:$0x3FAA]  }
0x3d: {  	_ =	shalt  }
0x3e: {  	_ =	shalt  }
0x3f: {  	_ =	shalt  }
0x40: {  	_ =	shalt  }
0x41: {  	_ =	shalt  }
0x42: {  	_ =	shalt  }
0x43: {  	_ =	shalt  }
0x44: {  	_ =	shalt  }
0x45: {  	_ =	shalt  }
0x46: {  	_ =	shalt  }
0x47: {  	_ =	shalt  }
0x48: {  	_ =	shalt  }
0x49: {  	_ =	shalt  }
0x4a: {  	_ =	shalt  }
0x4b: {  	_ =	shalt  }
0x4c: {  	_ =	shalt  }
0x4d: {  	_ =	shalt  }
0x4e: {  	_ =	shalt  }
0x4f: {  	_ =	shalt  }
0x50: {  	_ =	shalt  }
0x51: {  	_ =	shalt  }
0x52: {  	_ =	shalt  }
0x53: {  	_ =	shalt  }
0x54: {  	_ =	shalt  }
0x55: {  	_ =	shalt  }
0x56: {  	_ =	shalt  }
0x57: {  	_ =	shalt  }
0x58: {  	_ =	shalt  }
0x59: {  	_ =	shalt  }
0x5a: {  	_ =	shalt  }
0x5b: {  	_ =	shalt  }
0x5c: {  	_ =	shalt  }
0x5d: {  	_ =	shalt  }
0x5e: {  	_ =	shalt  }
0x5f: {  	_ =	shalt  }
0x60: {  	_ =	shalt  }
0x61: {  	_ =	shalt  }
0x62: {  	_ =	shalt  }
0x63: {  	_ =	shalt  }
0x64: {  	_ =	shalt  }
0x65: {  	_ =	shalt  }
0x66: {  	_ =	shalt  }
0x67: {  	_ =	shalt  }
0x68: {  	_ =	shalt  }
0x69: {  	_ =	shalt  }
0x6a: {  	_ =	shalt  }
0x6b: {  	_ =	shalt  }
0x6c: {  	_ =	shalt  }
0x6d: {  	_ =	shalt  }
0x6e: {  	_ =	shalt  }
0x6f: {  	_ =	shalt  }
0x70: {  	_ =	shalt  }
0x71: {  	_ =	shalt  }
0x72: {  	_ =	shalt  }
0x73: {  	_ =	shalt  }
0x74: {  	_ =	shalt  }
0x75: {  	_ =	shalt  }
0x76: {  	_ =	shalt  }
0x77: {  	_ =	shalt  }
0x78: {  	_ =	shalt  }
0x79: {  	_ =	shalt  }
0x7a: {  	_ =	shalt  }
0x7b: {  	_ =	shalt  }
0x7c: {  	_ =	shalt  }
0x7d: {  	_ =	shalt  }
0x7e: {  	_ =	shalt  }
0x7f: {  	_ =	shalt  }
0x80: {  	_ =	shalt  }
0x81: {  	_ =	shalt  }
0x82: {  	_ =	shalt  }
0x83: {  	_ =	shalt  }
0x84: {  	_ =	shalt  }
0x85: {  	_ =	shalt  }
0x86: {  	_ =	shalt  }
0x87: {  	_ =	shalt  }
.Lfunc_end0:
.L_simem_size_0:
called_computation.6_lowered:
.L_overlay_start_0:
0x88: {  	s2 =	sld [smem:$0x3FD9]  }
0x89: {  	s3 =	sld [smem:$0x3FFE];
	_ =	sdelay $0x1  }
0x8a: {  	s1 =	srdreg.scid  }
0x8b: {  	s0 =	sand.u32 $0x1, s1  }
0x8c: {  	s16 =	sshll.u32 s0, $0xA;
	s2 =	sadd.s32 s3, s2  }
0x8d: {  	s2 =	sadd.s32 s2, s16  }
0x8e: {  	[smem:$0x3FB6] =	sst s2  }
0x8f: {  	_ = 	snop  }
0x90: {  	(tm) =	ssettm $0x1  }
0x91: {  	s17 =	sld [smem:$0x3FFB];
	_ =	sdelay $0x3  }
0x92: {  	_ =	strace s17  }
0x93: {  	s2 =	sld [smem:$0x3FFC];
	_ =	sdelay $0x3  }
0x94: {  	_ =	strace s2  }
0x95: {  	s2 =	sld [smem:$0x3FFD];
	_ =	sdelay $0x3  }
0x96: {  	_ =	strace s2  }
0x97: {  	_ =	strace $0x8FFFFFFF  }
0x98: {  	s18 =	sld [smem:$0x3FDB];
	_ =	sdelay $0x1  }
0x99: {  	s19 =	simm.s32 $_scs_section_size  }
0x9a: {  	s4 =	simm.s32 $_size__tile_overlayer_lowered;
	s5 =	simm.s32 $_tile_overlayer_lowered  }
0x9b: {  	s22 =	simm.s32 $0x1BFF;
	s21 =	sshll.u32 s5, $0x1;
	s2 =	sadd.s32 s19, s18  }
0x9c: {  	s6 =	simm.s32 $0x0;
	s20 =	sshll.u32 s4, $0x1;
	s4 =	sadd.s32 s21, s2  }
0x9d: {  	[timem:s6], [sflag:s22] =	dma.local [hbm:s4], s20  }
0x9e: {  	_ =	swait.ge [sflag:s22], s20  }
0x9f: {  	s3 =	ssub.s32 $0x0, s20;
	[sflag:s22] =	ssyncset.done $0x0  }
0xa0: {  	[sflag:s22] =	ssyncadd.s32 s3;
	_ =	sdelay $0x1  }
0xa1: {  	s23 =	simm.s32 $0x1B8B  }
0xa2: {  	_ =	swait.ge [sflag:s23], $0x1  }
0xa3: {  	[sflag:s23] =	ssyncset.done $0x0  }
0xa4: {  	s25 =	simm.s32 $0x1B8E;
	s24 =	sld [smem:$0x3FFE];
	[sflag:s23] =	ssyncadd.s32 $0xFFFFFFFF  }
0xa5: {  	s26 =	simm.s32 $execute0_lowered;
	[smem:$0x3FD2] =	sst s25  }
0xa6: {  	s4 =	sshll.u32 s26, $0x1;
	_ =	strace $0x80000058;
	[dreg:$0x1] =	wrdreg $0xFFFFFFFF  }
0xa7: {  	s28 =	simm.s32 $_size_execute0_lowered;
	s2 =	sadd.s32 s2, s4;
	[dreg:$0x0] =	wrdreg $0x0  }
0xa8: {  	s4 =	sshll.u32 s28, $0x1;
	[dreg:$0x2] =	wrdreg s2  }
0xa9: {  	[dreg:$0x3] =	wrdreg s4  }
0xaa: {  	[dreg:$0x4] =	wrdreg $0xC0  }
0xab: {  	_ =	task [dreg:s6], $0x5FFFF  }
0xac: {  	[dreg:$0x1] =	wrdreg $0xFFFFFFFF  }
0xad: {  	[dreg:$0x0] =	wrdreg $0x60  }
0xae: {  	[dreg:$0x2] =	wrdreg s24  }
0xaf: {  	[dreg:$0x3] =	wrdreg $0x70000  }
0xb0: {  	[dreg:$0x4] =	wrdreg $0x9  }
0xb1: {  	_ =	task.clear_ibuf [dreg:s6], $0x5FFFF;
	_ =	strace $0x90000058  }
0xb2: {  	s29 =	simm.s32 $0x9;
	_ =	strace $0x8000005A  }
0xb3: {  	_ =	swait.ge [sflag:s29], $0x1  }
0xb4: {  	[sflag:s29] =	ssyncadd.s32 $0xFFFFFFFF  }
0xb5: {  	_ =	strace $0x9000005A  }
0xb6: {  	_ =	sfence  }
0xb7: {  	s30 =	sld [smem:$0x0];
	_ =	sdelay $0x2  }
0xb8: {  	s31 =	sshll.u32 s1, $0xD;
	s1 =	sshrl.u32 s1, $0x2  }
0xb9: {  	s3 =	sand.u32 $0x4000, s31;
	s1 =	sadd.s32 s1, s30  }
0xba: {  	s0 =	sor.u32 s3, s0;
	s1 =	sshll.u32 s1, $0x11  }
0xbb: {  	s0 =	sor.u32 s1, s0  }
0xbc: {  	s0 =	sadd.s32 $0x8F2B, s0  }
0xbd: {  	[sflag:s0] =	ssyncadd.remote.s32 $0x1  }
0xbe: {  	_ =	sfence.sel $0xFFFF  }
0xbf: {  	[dreg:$0x0] =	wrdreg $0xFFFFFFFF;
	(pc) =	sbr.abs _section_cstart, $3  }
0xc0: {  	[dreg:$0x1] =	wrdreg $0xFFFFFFFF  }
0xc1: {  	_ =	task.clear_ibuf [dreg:s6], $0x2FFFF;
	_ =	strace $0x9FFFFFFF  }
0xc2: {  	(tm) =	ssettm $0x7FFFFFFF  }
0xc3: {  	_ =	shalt  }
tec
execute0_lowered:
.L_overlay_start_1:
0x0: {  	(tag) =	ssettag $0x1  }
0x1: {  	s0 =	rddreg [dreg:$0x0]  }
0x2: {  	s1 =	rddreg [dreg:$0x1];
	s2 =	simm.s32 $0x0;
	s3 =	srdreg.scid  }
0x3: {  	s11 =	stileid.u32;
	s28 =	simm.s32 $0x1;
	s29 =	simm.s32 $0x1000  }
0x4: {  	s30 =	simm.s32 $0x50;
	s31 =	simm.s32 $0x4800;
	[smem:$0x7FF] =	sst s2  }
0x5: {  	s4 =	sadd.s32 $0x25000, s0;
	s3 =	sand.u32 $0x1, s3;
	s5 =	sadd.s32 $0x15000, s0  }
0x6: {  	s6 =	sadd.s32 $0x5000, s0;
	s9 =	smul.u32 $0x50000, s11;
	s0 =	sadd.s32 $0x4C200, s0  }
0x7: {  	s26 =	sshll.u32 s11, $0xB;
	s16 =	smul.u32 $0x14000, s11;
	_ =	strace $0x80000059  }
0x8: {  	s7 =	ssub.s32 $0x2, s3;
	s25 =	sshll.u32 s3, $0xF;
	s3 =	smul.u32 $0x140000, s3  }
0x9: {  	s8 =	sshrl.u32 s7, $0x1;
	s9 =	sshrl.u32 s9, $0x2;
	s13 =	sor.u32 $0x2800, s16  }
0xa: {  	s17 =	sadd.s32 $0x5000, s16;
	s18 =	sadd.s32 $0x7800, s16;
	s19 =	sadd.s32 $0xA000, s16  }
0xb: {  	s20 =	sadd.s32 $0xC800, s16;
	s21 =	sadd.s32 $0xF000, s16;
	s10 =	ssub.s32 s7, s8  }
0xc: {  	s7 =	sor.u32 s26, s25;
	s8 =	sadd.s32 s9, s1;
	s23 =	sadd.s32 s13, s1  }
0xd: {  	s24 =	sadd.s32 s17, s1;
	s22 =	sadd.s32 s18, s1;
	s25 =	sadd.s32 s19, s1  }
0xe: {  	s14 =	sadd.s32 s20, s1;
	s15 =	sadd.s32 s21, s1;
	s9 =	sadd.s32 s3, s13  }
0xf: {  	s17 =	sadd.s32 s3, s17;
	s18 =	sadd.s32 s3, s18;
	s19 =	sadd.s32 s3, s19  }
0x10: {  	s20 =	sadd.s32 s3, s20;
	s21 =	sadd.s32 s3, s21;
	[dreg:$0x4] =	wrdreg s22  }
0x11: {  	s12 =	smax.u32 s10, $0x1;
	[dreg:$0x5] =	wrdreg s25;
	s22 =	sadd.s32 s3, s16  }
0x12: {  	s16 =	sadd.s32 $0x11800, s16;
	s9 =	sshrl.u32 s9, $0x3;
	s11 =	sshrl.u32 s17, $0x3  }
0x13: {  	s13 =	sshrl.u32 s19, $0x3;
	s25 =	sshrl.u32 s21, $0x3;
	[dreg:$0x3] =	wrdreg s12  }
0x14: {  	s22 =	sshrl.u32 s22, $0x3;
	s3 =	sadd.s32 s3, s16;
	s9 =	sadd.s32 s0, s9  }
0x15: {  	s16 =	sadd.s32 s16, s1;
	s19 =	sadd.s32 s0, s13;
	[dreg:$0x7] =	wrdreg s9  }
0x16: {  	s12 =	sshrl.u32 s18, $0x3;
	s26 =	sadd.s32 s0, s22;
	[dreg:$0xa] =	wrdreg s19  }
0x17: {  	s18 =	simm.s32 $0x1F80;
	s9 =	sadd.s32 s0, s11;
	[dreg:$0x6] =	wrdreg s26  }
0x18: {  	s17 =	sadd.s32 s0, s12;
	s22 =	sshrl.u32 s20, $0x3;
	[dreg:$0x8] =	wrdreg s9  }
0x19: {  	s3 =	sshrl.u32 s3, $0x3;
	[dreg:$0x9] =	wrdreg s17;
	s9 =	sadd.s32 s0, s22  }
0x1a: {  	s19 =	simm.s32 $0x0;
	s26 =	sadd.s32 s0, s25;
	[dreg:$0xb] =	wrdreg s9  }
0x1b: {  	s0 =	sadd.s32 s0, s3;
	s25 =	simm.s32 $0x2000;
	[dreg:$0xc] =	wrdreg s26  }
0x1c: {  	s3 =	simm.s32 $0x3;
	s17 =	simm.s32 $0x1F00;
	[dreg:$0xd] =	wrdreg s0  }
0x1d: {  	v0 =	vimm.f32 $0.0e+00;
	s26 =	simm.s32 $0x4;
	s0 =	simm.s32 $0x2;
	s9 =	simm.s32 $0xF80  }
.LBB2_1:
0x1e: {  	s20 =	simm.s32 $0x70;
	s21 =	simm.s32 $0x3C0  }
.LBB2_2:
0x1f: {  	p0 =	sne.s32 s21, $0x9FC0;
	[tilespmem:s20+$0x2000] =	vst v0  }
0x20: {  	[tilespmem:s20+$0x1F90] =	vst v0  }
0x21: {  	[tilespmem:s20+$0x1FA0] =	vst v0  }
.Ltmp0:
0x22: {  	[tilespmem:s20+$0x1FB0] =	vst v0;
	(pc) =	sbr.rel @p0 .LBB2_2-.Ltmp0, $4  }
0x23: {  	[tilespmem:s20+$0x1FC0] =	vst v0  }
0x24: {  	[tilespmem:s20+$0x1FD0] =	vst v0  }
0x25: {  	[tilespmem:s20+$0x1FE0] =	vst v0  }
0x26: {  	[tilespmem:s20+$0x1FF0] =	vst v0;
	s20 =	sshra.s32 s21, $0x2;
	s21 =	sadd.s32 $0x200, s21  }
0x27: {  	[tilespmem:s20+$0x2000] =	vst v0  }
0x28: {  	[tilespmem:s20+$0x1F90] =	vst v0  }
0x29: {  	[tilespmem:s20+$0x1FA0] =	vst v0  }
0x2a: {  	[tilespmem:s20+$0x1FB0] =	vst v0  }
0x2b: {  	[tilespmem:s20+$0x1FC0] =	vst v0  }
0x2c: {  	[tilespmem:s20+$0x1FD0] =	vst v0  }
0x2d: {  	[tilespmem:s20+$0x1FE0] =	vst v0  }
0x2e: {  	[tilespmem:s20+$0x1FF0] =	vst v0  }
0x2f: {  	[spmem:s8] =	stream.linear.scatter [tilespmem:s25], [sflag:$0x4], $0x2800, $0x38;
	[tilespmem:$0x1B000] =	vst v63  }
0x30: {  	_ =	swait.ge [sflag:s26], $0x2800  }
0x31: {  	[sflag:s26] =	ssyncset.done $0x0  }
0x32: {  	[sflag:s26] =	ssyncadd.s32 $0xFFFFD800  }
0x33: {  	[spmem:s23] =	stream.linear.scatter [tilespmem:s25], [sflag:$0x4], $0x2800, $0x38;
	[tilespmem:$0x1B000] =	vst v63  }
0x34: {  	_ =	swait.ge [sflag:s26], $0x2800  }
0x35: {  	[sflag:s26] =	ssyncset.done $0x0  }
0x36: {  	[sflag:s26] =	ssyncadd.s32 $0xFFFFD800  }
0x37: {  	[spmem:s24] =	stream.linear.scatter [tilespmem:s25], [sflag:$0x4], $0x2800, $0x38;
	[tilespmem:$0x1B000] =	vst v63  }
0x38: {  	_ =	swait.ge [sflag:s26], $0x2800  }
0x39: {  	[sflag:s26] =	ssyncset.done $0x0  }
0x3a: {  	s12 =	smov.u32 s23;
	s23 =	rddreg [dreg:$0x4];
	[sflag:s26] =	ssyncadd.s32 $0xFFFFD800  }
0x3b: {  	[spmem:s23] =	stream.linear.scatter [tilespmem:s25], [sflag:$0x4], $0x2800, $0x38;
	[tilespmem:$0x1B000] =	vst v63  }
0x3c: {  	_ =	swait.ge [sflag:s26], $0x2800  }
0x3d: {  	[sflag:s26] =	ssyncset.done $0x0  }
0x3e: {  	s13 =	smov.u32 s24;
	s24 =	rddreg [dreg:$0x5];
	[sflag:s26] =	ssyncadd.s32 $0xFFFFD800  }
0x3f: {  	[spmem:s24] =	stream.linear.scatter [tilespmem:s25], [sflag:$0x4], $0x2800, $0x38;
	[tilespmem:$0x1B000] =	vst v63  }
0x40: {  	_ =	swait.ge [sflag:s26], $0x2800  }
0x41: {  	[sflag:s26] =	ssyncset.done $0x0  }
0x42: {  	[sflag:s26] =	ssyncadd.s32 $0xFFFFD800  }
0x43: {  	[spmem:s14] =	stream.linear.scatter [tilespmem:s25], [sflag:$0x4], $0x2800, $0x38;
	[tilespmem:$0x1B000] =	vst v63  }
0x44: {  	_ =	swait.ge [sflag:s26], $0x2800  }
0x45: {  	[sflag:s26] =	ssyncset.done $0x0  }
0x46: {  	[sflag:s26] =	ssyncadd.s32 $0xFFFFD800  }
0x47: {  	[spmem:s15] =	stream.linear.scatter [tilespmem:s25], [sflag:$0x4], $0x2800, $0x38;
	[tilespmem:$0x1B000] =	vst v63  }
0x48: {  	_ =	swait.ge [sflag:s26], $0x2800  }
0x49: {  	[sflag:s26] =	ssyncset.done $0x0  }
0x4a: {  	[sflag:s26] =	ssyncadd.s32 $0xFFFFD800  }
0x4b: {  	[spmem:s16] =	stream.linear.scatter [tilespmem:s25], [sflag:$0x4], $0x2800, $0x38;
	[tilespmem:$0x1B000] =	vst v63  }
0x4c: {  	_ =	swait.ge [sflag:s26], $0x2800  }
0x4d: {  	[sflag:s26] =	ssyncset.done $0x0  }
0x4e: {  	s11 =	smov.u32 s8;
	[sflag:s26] =	ssyncadd.s32 $0xFFFFD800  }
0x4f: {  	s20 =	simm.s32 $0x0;
	s21 =	simm.s32 $0x0;
	[bflag:$0x0] =	sbarrier.arrive $0xFFFF  }
.LBB2_4:
0x50: {  	s22 =	sshll.u32 s21, $0x9  }
0x51: {  	s22 =	sadd.s32 s7, s22  }
0x52: {  	s23 =	sadd.s32 s5, s22  }
0x53: {  	[tilespmem:s20], [sflag:$0x1] =	stream.linear.gather [hbm4b:s23+s20], $0x1000, $0x38;
	[tilespmem:$0x1B000] =	vst v63  }
0x54: {  	_ =	swait.ge [sflag:s28], $0x1000  }
0x55: {  	[sflag:s28] =	ssyncset.done $0x0  }
0x56: {  	s22 =	sadd.s32 s6, s22;
	[sflag:s28] =	ssyncadd.s32 $0xFFFFF000  }
0x57: {  	[tilespmem:s29], [sflag:$0x1] =	stream.linear.gather [hbm4b:s22+s20], $0x1000, $0x38;
	[tilespmem:$0x1B000] =	vst v63  }
0x58: {  	_ =	swait.ge [sflag:s28], $0x1000  }
0x59: {  	[sflag:s28] =	ssyncset.done $0x0  }
0x5a: {  	[sflag:s28] =	ssyncadd.s32 $0xFFFFF000  }
0x5b: {  	[tilespmem:s25], [sflag:$0x2] =	stream.indirect.gather [hbm4b:s4+s30], $0x80, s20, s30, $0xb8;
	[tilespmem:$0x1B000] =	vst v63  }
0x5c: {  	s8 =	simm.s32 $0x80  }
0x5d: {  	[tilespmem:s31], [sflag:$0x3] =	stream.indirect.gather [hbm4b:s4+s30], $0x80, s8, s30, $0xb8;
	[tilespmem:$0x1B000] =	vst v63  }
0x5e: {  	_ =	swait.ge [sflag:s0], $0x2800  }
0x5f: {  	[sflag:s0] =	ssyncset.done $0x0  }
0x60: {  	s10 =	simm.s32 $0x1000;
	[sflag:s0] =	ssyncadd.s32 $0xFFFFD800  }
0x61: {  	[spmem:s1] =	stream.indirect.scatter.add.f32 [tilespmem:s25], [sflag:$0x4], $0x80, s10, s30, $0xb8;
	[tilespmem:$0x1B000] =	vst v63  }
0x62: {  	_ =	swait.ge [sflag:s26], $0x2800  }
0x63: {  	[sflag:s26] =	ssyncset.done $0x0  }
0x64: {  	s23 =	simm.s32 $0x100;
	[sflag:s26] =	ssyncadd.s32 $0xFFFFD800  }
0x65: {  	[tilespmem:s25], [sflag:$0x2] =	stream.indirect.gather [hbm4b:s4+s30], $0x80, s23, s30, $0xb8;
	[tilespmem:$0x1B000] =	vst v63  }
0x66: {  	_ =	swait.ge [sflag:s3], $0x2800  }
0x67: {  	[sflag:s3] =	ssyncset.done $0x0  }
0x68: {  	s24 =	simm.s32 $0x1080;
	[sflag:s3] =	ssyncadd.s32 $0xFFFFD800  }
0x69: {  	[spmem:s1] =	stream.indirect.scatter.add.f32 [tilespmem:s31], [sflag:$0x4], $0x80, s24, s30, $0xb8;
	[tilespmem:$0x1B000] =	vst v63  }
0x6a: {  	_ =	swait.ge [sflag:s26], $0x2800  }
0x6b: {  	s22 =	simm.s32 $0x100;
	s23 =	simm.s32 $0x800;
	[sflag:s26] =	ssyncset.done $0x0  }
.LBB2_5:
0x6c: {  	s24 =	sadd.s32 $0x80, s22  }
0x6d: {  	[sflag:s26] =	ssyncadd.s32 $0xFFFFD800;
	s8 =	smov.u32 s23;
	s10 =	sadd.s32 $0x400, s23  }
0x6e: {  	[tilespmem:s31], [sflag:$0x3] =	stream.indirect.gather [hbm4b:s4+s30], $0x80, s24, s30, $0xb8;
	[tilespmem:$0x1B000] =	vst v63  }
0x6f: {  	p0 =	sne.s32 s23, $0x3800;
	_ =	swait.ge [sflag:s0], $0x2800  }
0x70: {  	[sflag:s0] =	ssyncset.done $0x0  }
0x71: {  	s23 =	sadd.s32 $0x1000, s22;
	[sflag:s0] =	ssyncadd.s32 $0xFFFFD800  }
0x72: {  	[spmem:s1] =	stream.indirect.scatter.add.f32 [tilespmem:s25], [sflag:$0x4], $0x80, s23, s30, $0xb8;
	[tilespmem:$0x1B000] =	vst v63  }
0x73: {  	_ =	swait.ge [sflag:s26], $0x2800  }
0x74: {  	[sflag:s26] =	ssyncset.done $0x0  }
0x75: {  	s23 =	sadd.s32 $0x100, s22;
	[sflag:s26] =	ssyncadd.s32 $0xFFFFD800  }
0x76: {  	[tilespmem:s25], [sflag:$0x2] =	stream.indirect.gather [hbm4b:s4+s30], $0x80, s23, s30, $0xb8;
	[tilespmem:$0x1B000] =	vst v63  }
0x77: {  	_ =	swait.ge [sflag:s3], $0x2800  }
.Ltmp1:
0x78: {  	[sflag:s3] =	ssyncset.done $0x0;
	(pc) =	sbr.rel @p0 .LBB2_5-.Ltmp1, $4  }
0x79: {  	s22 =	sadd.s32 $0x1080, s22;
	[sflag:s3] =	ssyncadd.s32 $0xFFFFD800  }
0x7a: {  	[spmem:s1] =	stream.indirect.scatter.add.f32 [tilespmem:s31], [sflag:$0x4], $0x80, s22, s30, $0xb8;
	[tilespmem:$0x1B000] =	vst v63  }
0x7b: {  	_ =	swait.ge [sflag:s26], $0x2800  }
0x7c: {  	s23 =	smov.u32 s10;
	s22 =	sshra.s32 s8, $0x2;
	[sflag:s26] =	ssyncset.done $0x0  }
0x7d: {  	s8 =	sadd.s32 $0x80, s22;
	[sflag:s26] =	ssyncadd.s32 $0xFFFFD800  }
0x7e: {  	[tilespmem:s31], [sflag:$0x3] =	stream.indirect.gather [hbm4b:s4+s30], $0x80, s8, s30, $0xb8;
	[tilespmem:$0x1B000] =	vst v63  }
0x7f: {  	_ =	swait.ge [sflag:s0], $0x2800  }
0x80: {  	[sflag:s0] =	ssyncset.done $0x0  }
0x81: {  	s10 =	sadd.s32 $0x1000, s22;
	[sflag:s0] =	ssyncadd.s32 $0xFFFFD800  }
0x82: {  	[spmem:s1] =	stream.indirect.scatter.add.f32 [tilespmem:s25], [sflag:$0x4], $0x80, s10, s30, $0xb8;
	[tilespmem:$0x1B000] =	vst v63  }
0x83: {  	_ =	swait.ge [sflag:s26], $0x2800  }
0x84: {  	[sflag:s26] =	ssyncset.done $0x0  }
0x85: {  	s23 =	sadd.s32 $0x100, s22;
	[sflag:s26] =	ssyncadd.s32 $0xFFFFD800  }
0x86: {  	[tilespmem:s25], [sflag:$0x2] =	stream.indirect.gather [hbm4b:s4+s30], $0x80, s23, s30, $0xb8;
	[tilespmem:$0x1B000] =	vst v63  }
0x87: {  	_ =	swait.ge [sflag:s3], $0x2800  }
0x88: {  	[sflag:s3] =	ssyncset.done $0x0  }
0x89: {  	s24 =	sadd.s32 $0x1080, s22;
	[sflag:s3] =	ssyncadd.s32 $0xFFFFD800  }
0x8a: {  	[spmem:s1] =	stream.indirect.scatter.add.f32 [tilespmem:s31], [sflag:$0x4], $0x80, s24, s30, $0xb8;
	[tilespmem:$0x1B000] =	vst v63  }
0x8b: {  	_ =	swait.ge [sflag:s26], $0x2800  }
0x8c: {  	[sflag:s26] =	ssyncset.done $0x0  }
0x8d: {  	[sflag:s26] =	ssyncadd.s32 $0xFFFFD800  }
0x8e: {  	[tilespmem:s31], [sflag:$0x3] =	stream.indirect.gather [hbm4b:s4+s30], $0x80, s9, s30, $0xb8;
	[tilespmem:$0x1B000] =	vst v63  }
0x8f: {  	_ =	swait.ge [sflag:s0], $0x2800  }
0x90: {  	[sflag:s0] =	ssyncset.done $0x0  }
0x91: {  	[sflag:s0] =	ssyncadd.s32 $0xFFFFD800  }
0x92: {  	[spmem:s1] =	stream.indirect.scatter.add.f32 [tilespmem:s25], [sflag:$0x4], $0x80, s17, s30, $0xb8;
	[tilespmem:$0x1B000] =	vst v63  }
0x93: {  	_ =	swait.ge [sflag:s26], $0x2800  }
0x94: {  	[sflag:s26] =	ssyncset.done $0x0  }
0x95: {  	[sflag:s26] =	ssyncadd.s32 $0xFFFFD800  }
0x96: {  	s21 =	sadd.s32 $0x1, s21;
	_ =	swait.ge [sflag:s3], $0x2800  }
0x97: {  	p0 =	sne.s32 s21, $0x4;
	[sflag:s3] =	ssyncset.done $0x0  }
.Ltmp2:
0x98: {  	[sflag:s3] =	ssyncadd.s32 $0xFFFFD800;
	(pc) =	sbr.rel @p0 .LBB2_4-.Ltmp2, $4  }
0x99: {  	[spmem:s1] =	stream.indirect.scatter.add.f32 [tilespmem:s31], [sflag:$0x4], $0x80, s18, s30, $0xb8;
	[tilespmem:$0x1B000] =	vst v63  }
0x9a: {  	_ =	swait.ge [sflag:s26], $0x2800  }
0x9b: {  	[sflag:s26] =	ssyncset.done $0x0  }
0x9c: {  	[sflag:s26] =	ssyncadd.s32 $0xFFFFD800  }
0x9d: {  	[bflag:$0x0] =	sbarrier.arrive $0xFFFF  }
0x9e: {  	[tilespmem:s25], [sflag:$0x4] =	stream.linear.gather [spmem:s11], $0x2800, $0x38;
	[tilespmem:$0x1B000] =	vst v63  }
0x9f: {  	_ =	swait.ge [sflag:s26], $0x2800  }
0xa0: {  	[sflag:s26] =	ssyncset.done $0x0  }
0xa1: {  	s10 =	rddreg [dreg:$0x6];
	[sflag:s26] =	ssyncadd.s32 $0xFFFFD800  }
0xa2: {  	[hbm4b:s10+s2] =	stream.linear.scatter [tilespmem:s25], [sflag:$0x4], $0x2800, $0x38;
	[tilespmem:$0x1B000] =	vst v63  }
0xa3: {  	_ =	swait.ge [sflag:s26], $0x2800  }
0xa4: {  	[sflag:s26] =	ssyncset.done $0x0  }
0xa5: {  	[sflag:s26] =	ssyncadd.s32 $0xFFFFD800  }
0xa6: {  	[tilespmem:s25], [sflag:$0x4] =	stream.linear.gather [spmem:s12], $0x2800, $0x38;
	[tilespmem:$0x1B000] =	vst v63  }
0xa7: {  	_ =	swait.ge [sflag:s26], $0x2800  }
0xa8: {  	[sflag:s26] =	ssyncset.done $0x0  }
0xa9: {  	s23 =	smov.u32 s12;
	s12 =	rddreg [dreg:$0x7];
	[sflag:s26] =	ssyncadd.s32 $0xFFFFD800  }
0xaa: {  	[hbm4b:s12+s2] =	stream.linear.scatter [tilespmem:s25], [sflag:$0x4], $0x2800, $0x38;
	[tilespmem:$0x1B000] =	vst v63  }
0xab: {  	_ =	swait.ge [sflag:s26], $0x2800  }
0xac: {  	[sflag:s26] =	ssyncset.done $0x0  }
0xad: {  	[sflag:s26] =	ssyncadd.s32 $0xFFFFD800  }
0xae: {  	[tilespmem:s25], [sflag:$0x4] =	stream.linear.gather [spmem:s13], $0x2800, $0x38;
	[tilespmem:$0x1B000] =	vst v63  }
0xaf: {  	_ =	swait.ge [sflag:s26], $0x2800  }
0xb0: {  	[sflag:s26] =	ssyncset.done $0x0  }
0xb1: {  	s20 =	rddreg [dreg:$0x8];
	[sflag:s26] =	ssyncadd.s32 $0xFFFFD800  }
0xb2: {  	[hbm4b:s20+s2] =	stream.linear.scatter [tilespmem:s25], [sflag:$0x4], $0x2800, $0x38;
	[tilespmem:$0x1B000] =	vst v63  }
0xb3: {  	_ =	swait.ge [sflag:s26], $0x2800  }
0xb4: {  	[sflag:s26] =	ssyncset.done $0x0  }
0xb5: {  	s21 =	rddreg [dreg:$0x4];
	[sflag:s26] =	ssyncadd.s32 $0xFFFFD800  }
0xb6: {  	[tilespmem:s25], [sflag:$0x4] =	stream.linear.gather [spmem:s21], $0x2800, $0x38;
	[tilespmem:$0x1B000] =	vst v63  }
0xb7: {  	_ =	swait.ge [sflag:s26], $0x2800  }
0xb8: {  	[sflag:s26] =	ssyncset.done $0x0  }
0xb9: {  	s22 =	rddreg [dreg:$0x9];
	[sflag:s26] =	ssyncadd.s32 $0xFFFFD800  }
0xba: {  	[hbm4b:s22+s2] =	stream.linear.scatter [tilespmem:s25], [sflag:$0x4], $0x2800, $0x38;
	[tilespmem:$0x1B000] =	vst v63  }
0xbb: {  	_ =	swait.ge [sflag:s26], $0x2800  }
0xbc: {  	[sflag:s26] =	ssyncset.done $0x0  }
0xbd: {  	s8 =	smov.u32 s11;
	s11 =	rddreg [dreg:$0x5];
	[sflag:s26] =	ssyncadd.s32 $0xFFFFD800  }
0xbe: {  	[tilespmem:s25], [sflag:$0x4] =	stream.linear.gather [spmem:s11], $0x2800, $0x38;
	[tilespmem:$0x1B000] =	vst v63  }
0xbf: {  	_ =	swait.ge [sflag:s26], $0x2800  }
0xc0: {  	[sflag:s26] =	ssyncset.done $0x0  }
0xc1: {  	s12 =	rddreg [dreg:$0xa];
	[sflag:s26] =	ssyncadd.s32 $0xFFFFD800  }
0xc2: {  	[hbm4b:s12+s2] =	stream.linear.scatter [tilespmem:s25], [sflag:$0x4], $0x2800, $0x38;
	[tilespmem:$0x1B000] =	vst v63  }
0xc3: {  	_ =	swait.ge [sflag:s26], $0x2800  }
0xc4: {  	[sflag:s26] =	ssyncset.done $0x0  }
0xc5: {  	[sflag:s26] =	ssyncadd.s32 $0xFFFFD800  }
0xc6: {  	[tilespmem:s25], [sflag:$0x4] =	stream.linear.gather [spmem:s14], $0x2800, $0x38;
	[tilespmem:$0x1B000] =	vst v63  }
0xc7: {  	_ =	swait.ge [sflag:s26], $0x2800  }
0xc8: {  	[sflag:s26] =	ssyncset.done $0x0  }
0xc9: {  	s24 =	smov.u32 s13;
	s13 =	rddreg [dreg:$0xb];
	[sflag:s26] =	ssyncadd.s32 $0xFFFFD800  }
0xca: {  	[hbm4b:s13+s2] =	stream.linear.scatter [tilespmem:s25], [sflag:$0x4], $0x2800, $0x38;
	[tilespmem:$0x1B000] =	vst v63  }
0xcb: {  	_ =	swait.ge [sflag:s26], $0x2800  }
0xcc: {  	[sflag:s26] =	ssyncset.done $0x0  }
0xcd: {  	[sflag:s26] =	ssyncadd.s32 $0xFFFFD800  }
0xce: {  	[tilespmem:s25], [sflag:$0x4] =	stream.linear.gather [spmem:s15], $0x2800, $0x38;
	[tilespmem:$0x1B000] =	vst v63  }
0xcf: {  	_ =	swait.ge [sflag:s26], $0x2800  }
0xd0: {  	[sflag:s26] =	ssyncset.done $0x0  }
0xd1: {  	s20 =	rddreg [dreg:$0xc];
	[sflag:s26] =	ssyncadd.s32 $0xFFFFD800  }
0xd2: {  	[hbm4b:s20+s2] =	stream.linear.scatter [tilespmem:s25], [sflag:$0x4], $0x2800, $0x38;
	[tilespmem:$0x1B000] =	vst v63  }
0xd3: {  	_ =	swait.ge [sflag:s26], $0x2800  }
0xd4: {  	[sflag:s26] =	ssyncset.done $0x0  }
0xd5: {  	[sflag:s26] =	ssyncadd.s32 $0xFFFFD800  }
0xd6: {  	[tilespmem:s25], [sflag:$0x4] =	stream.linear.gather [spmem:s16], $0x2800, $0x38;
	[tilespmem:$0x1B000] =	vst v63  }
0xd7: {  	_ =	swait.ge [sflag:s26], $0x2800  }
0xd8: {  	[sflag:s26] =	ssyncset.done $0x0  }
0xd9: {  	s21 =	rddreg [dreg:$0xd];
	[sflag:s26] =	ssyncadd.s32 $0xFFFFD800  }
0xda: {  	[hbm4b:s21+s2] =	stream.linear.scatter [tilespmem:s25], [sflag:$0x4], $0x2800, $0x38;
	[tilespmem:$0x1B000] =	vst v63  }
0xdb: {  	_ =	swait.ge [sflag:s26], $0x2800  }
0xdc: {  	s19 =	sadd.s32 $0x1, s19;
	s22 =	rddreg [dreg:$0x3]  }
0xdd: {  	p0 =	sne.s32 s19, s22  }
.Ltmp3:
0xde: {  	_ = 	snop;
	(pc) =	sbr.rel @p0 .LBB2_1-.Ltmp3, $3  }
0xdf: {  	_ =	sdelay $0x1  }
0xe0: {  	[sflag:s26] =	ssyncset.done $0x0  }
0xe1: {  	[sflag:s26] =	ssyncadd.s32 $0xFFFFD800  }
0xe2: {  	_ =	sfence.sel $0x180000  }
0xe3: {  	[bflag:$0x0] =	sbarrier.arrive $0xFFFF  }
0xe4: {  	_ =	strace $0x90000059  }
0xe5: {  	s0 =	stileid.u32;
	[bflag:$0x2] =	sbarrier.arrive $0xFFFF  }
0xe6: {  	p0 =	sne.s32 s0, $0x0;
	s0 =	rddreg [dreg:$0x2]  }
0xe7: {  	s0 =	sadd.s32 @!p0 $0x100000, s0  }
0xe8: {  	[sflag:s0] =	ssyncadd.tile.s32 @!p0 $0x1;
	_ =	shalt  }
.Lfunc_end2:
_tile_overlayer_lowered:
.L_overlay_start_2:
0xe9: {  	(tag) =	ssettag $0x2  }
0xea: {  	s0 =	rddreg [dreg:$0x0];
	s2 =	stileid.u32  }
0xeb: {  	s1 =	rddreg [dreg:$0x1];
	p0 =	sne.s32 s2, $0x0  }
0xec: {  	s3 =	rddreg [dreg:$0x2];
	[bflag:$0x3] =	sbarrier.arrive $0xFFFF;
	s2 =	simm.s32 @!p0 $0x1C04  }
0xed: {  	[timem:s3], [sflag:s2] =	dma.local @!p0 [hbm:s0], s1  }
0xee: {  	s0 =	simm.s32 @!p0 $0x4  }
0xef: {  	_ =	swait.ge @!p0 [sflag:s0], s1  }
0xf0: {  	s1 =	ssub.s32 @!p0 $0x0, s1;
	[sflag:s0] =	ssyncset.done @!p0 $0x0  }
0xf1: {  	[sflag:s0] =	ssyncadd.s32 @!p0 s1  }
0xf2: {  	[bflag:$0x3] =	sbarrier.arrive $0xFFFF  }
0xf3: {  	_ =	shalt  }

</sc_bundles>
